<compile_context>
chip_gen: v7x
topology: tpu7x:2x2x1
jax: 0.10.2.dev20260603
libtpu: 0.0.44.dev20260713+nightly
codegen_flags: <defaults>
</compile_context>

<pallas_src>
import jax
import jax.numpy as jnp
from jax import lax
from jax.experimental import pallas as pl
from jax.experimental.pallas import tpu as pltpu
from jax.experimental.pallas import tpu_sc as plsc

N = 10000
E = 320000
MIN_CLIP = -5.0
MAX_CLIP = 3.0

NC = 2
NS = 16
K = 128
NI = 8
FH = 128
NPO = 10240
SROWS = NPO // NS
NBA = 13
NBB = 7
NB_CH12 = 20


def _pipeline(srcs, dsts, table, acc, s, src_t, dst_t, rows0, rows1,
              gsem0, gsem1, nb):
    def block(sb):
        pltpu.sync_copy(srcs.at[s, sb], src_t)
        pltpu.sync_copy(dsts.at[s, sb], dst_t)
        pltpu.async_copy(table.at[src_t.at[0]], rows0, gsem0)
        for j in range(NI // 2):
            i0 = 2 * j
            i1 = i0 + 1
            pltpu.make_async_copy(table.at[src_t.at[i0]], rows0, gsem0).wait()
            pltpu.async_copy(table.at[src_t.at[i1]], rows1, gsem1)
            pltpu.sync_copy(rows0, acc.at[dst_t.at[i0]], add=True)
            pltpu.make_async_copy(table.at[src_t.at[i1]], rows1, gsem1).wait()
            if i1 + 1 < NI:
                pltpu.async_copy(table.at[src_t.at[i1 + 1]], rows0, gsem0)
            pltpu.sync_copy(rows1, acc.at[dst_t.at[i1]], add=True)

    pl.loop(0, nb)(block)


def _seg_sum_l0_body(srcsA, dstsA, srcsB, dstsB, table, zeros, out, src_t,
                     dst_t, rows0, rows1, acc, gsem0, gsem1):
    c = lax.axis_index("c")
    s = lax.axis_index("s")
    pltpu.sync_copy(zeros.at[pl.ds(s * SROWS, SROWS)],
                    acc.at[pl.ds(s * SROWS, SROWS)])
    plsc.subcore_barrier()

    @pl.when(c == 0)
    def _():
        _pipeline(srcsA, dstsA, table, acc, s, src_t, dst_t, rows0, rows1,
                  gsem0, gsem1, NBA)

    @pl.when(c == 1)
    def _():
        _pipeline(srcsB, dstsB, table, acc, s, src_t, dst_t, rows0, rows1,
                  gsem0, gsem1, NBB)

    plsc.subcore_barrier()
    pltpu.sync_copy(acc.at[pl.ds(s * SROWS, SROWS)],
                    out.at[pl.ds(c * NPO + s * SROWS, SROWS)])


def _seg_sum_12_body(srcs, dsts, table, zeros, out, src_t, dst_t,
                     rows0, rows1, acc, gsem0, gsem1):
    c = lax.axis_index("c")
    s = lax.axis_index("s")
    pltpu.sync_copy(zeros.at[pl.ds(s * SROWS, SROWS)],
                    acc.at[pl.ds(s * SROWS, SROWS)])
    plsc.subcore_barrier()
    _pipeline(srcs.at[c], dsts.at[c], table, acc, s, src_t, dst_t, rows0,
              rows1, gsem0, gsem1, NB_CH12)
    plsc.subcore_barrier()
    pltpu.sync_copy(acc.at[pl.ds(s * SROWS, SROWS)],
                    out.at[pl.ds(c * NPO + s * SROWS, SROWS)])


def _make_mesh():
    return plsc.VectorSubcoreMesh(core_axis_name="c", subcore_axis_name="s",
                                  num_cores=NC, num_subcores=NS)


def _scratch_types():
    return [
        pltpu.VMEM((NI, K), jnp.int32),
        pltpu.VMEM((NI, K), jnp.int32),
        pltpu.VMEM((K, FH), jnp.float32),
        pltpu.VMEM((K, FH), jnp.float32),
        pltpu.VMEM_SHARED((NPO, FH), jnp.float32),
        pltpu.SemaphoreType.DMA,
        pltpu.SemaphoreType.DMA,
    ]


def _make_seg_sum_l0():
    return pl.kernel(
        _seg_sum_l0_body,
        out_type=jax.ShapeDtypeStruct((2 * NPO, FH), jnp.float32),
        mesh=_make_mesh(),
        scratch_types=_scratch_types(),
        name="sc_segsum_l0",
    )


def _make_seg_sum_12():
    return pl.kernel(
        _seg_sum_12_body,
        out_type=jax.ShapeDtypeStruct((2 * NPO, FH), jnp.float32),
        mesh=_make_mesh(),
        scratch_types=_scratch_types(),
        name="sc_segsum_12",
    )


BN = 80
NB = N // BN
MOFF = NPO // BN
HOFF = N // BN


def _first_body(m0, m1, h, wn, ws, b, out):
    msg = m0[...] + m1[...]
    z = jnp.dot(msg, wn[...], preferred_element_type=jnp.float32)
    z += jnp.dot(h[...], ws[...], preferred_element_type=jnp.float32)
    z += b[...]
    z = jnp.maximum(z, 0.0)
    out[0] = z[:, :128]
    out[1] = z[:, 128:]


def _make_first():
    return pl.pallas_call(
        _first_body,
        grid=(NB,),
        in_specs=[
            pl.BlockSpec((BN, 128), lambda i: (i, 0)),
            pl.BlockSpec((BN, 128), lambda i: (MOFF + i, 0)),
            pl.BlockSpec((BN, 128), lambda i: (i, 0)),
            pl.BlockSpec((128, 256), lambda i: (0, 0)),
            pl.BlockSpec((128, 256), lambda i: (0, 0)),
            pl.BlockSpec((1, 256), lambda i: (0, 0)),
        ],
        out_specs=pl.BlockSpec((2, BN, 128), lambda i: (0, i, 0)),
        out_shape=jax.ShapeDtypeStruct((2, N, 128), jnp.float32),
    )


def _halved_in_specs():
    return [
        pl.BlockSpec((BN, 128), lambda i: (i, 0)),
        pl.BlockSpec((BN, 128), lambda i: (MOFF + i, 0)),
        pl.BlockSpec((BN, 128), lambda i: (i, 0)),
        pl.BlockSpec((BN, 128), lambda i: (HOFF + i, 0)),
        pl.BlockSpec((256, 256), lambda i: (0, 0)),
        pl.BlockSpec((256, 256), lambda i: (0, 0)),
        pl.BlockSpec((1, 256), lambda i: (0, 0)),
    ]


def _mid_body(m0, m1, h0, h1, wn, ws, b, out):
    z = jnp.dot(m0[...], wn[:128, :], preferred_element_type=jnp.float32)
    z += jnp.dot(m1[...], wn[128:, :], preferred_element_type=jnp.float32)
    z += jnp.dot(h0[...], ws[:128, :], preferred_element_type=jnp.float32)
    z += jnp.dot(h1[...], ws[128:, :], preferred_element_type=jnp.float32)
    z += b[...]
    z = jnp.maximum(z, 0.0)
    out[0] = z[:, :128]
    out[1] = z[:, 128:]


def _make_mid():
    return pl.pallas_call(
        _mid_body,
        grid=(NB,),
        in_specs=_halved_in_specs(),
        out_specs=pl.BlockSpec((2, BN, 128), lambda i: (0, i, 0)),
        out_shape=jax.ShapeDtypeStruct((2, N, 128), jnp.float32),
    )


def _final_body(m0, m1, h0, h1, wn, ws, b, mean, std):
    z = jnp.dot(m0[...], wn[:128, :], preferred_element_type=jnp.float32)
    z += jnp.dot(m1[...], wn[128:, :], preferred_element_type=jnp.float32)
    z += jnp.dot(h0[...], ws[:128, :], preferred_element_type=jnp.float32)
    z += jnp.dot(h1[...], ws[128:, :], preferred_element_type=jnp.float32)
    z += b[...]
    mean[...] = z[:, :128]
    std[...] = jnp.clip(z[:, 128:], MIN_CLIP, MAX_CLIP)


def _make_final():
    return pl.pallas_call(
        _final_body,
        grid=(NB,),
        in_specs=_halved_in_specs(),
        out_specs=[pl.BlockSpec((BN, 128), lambda i: (i, 0)),
                   pl.BlockSpec((BN, 128), lambda i: (i, 0))],
        out_shape=[jax.ShapeDtypeStruct((N, 128), jnp.float32),
                   jax.ShapeDtypeStruct((N, 128), jnp.float32)],
    )


def kernel(node_features, edge_index, W_nbr_0, W_self_0, b_0, W_nbr_1,
           W_self_1, b_1, W_nbr_2, W_self_2, b_2):
    src = edge_index[0]
    dst = edge_index[1]

    ea = NS * NBA * NI * K
    eb = NS * NBB * NI * K
    srcA = src[:ea].reshape(NS, NBA, NI, K)
    dstA = dst[:ea].reshape(NS, NBA, NI, K)
    srcB = jnp.concatenate(
        [src[ea:], jnp.zeros((ea + eb - E,), jnp.int32)]).reshape(
            NS, NBB, NI, K)
    dstB = jnp.concatenate(
        [dst[ea:], jnp.full((ea + eb - E,), N, jnp.int32)]).reshape(
            NS, NBB, NI, K)

    ep = NS * NB_CH12 * NI * K
    srcp = jnp.concatenate([src, jnp.zeros((ep - E,), jnp.int32)])
    dstp = jnp.concatenate([dst, jnp.full((ep - E,), N, jnp.int32)])
    srcs12 = jnp.stack([srcp, srcp + N]).reshape(NC, NS, NB_CH12, NI, K)
    dsts12 = jnp.stack([dstp, dstp]).reshape(NC, NS, NB_CH12, NI, K)

    zeros = jnp.zeros((NPO, FH), jnp.float32)

    segsum12 = _make_seg_sum_12()
    mcat = _make_seg_sum_l0()(srcA, dstA, srcB, dstB, node_features, zeros)
    h = _make_first()(mcat, mcat, node_features, W_nbr_0, W_self_0,
                      b_0.reshape(1, 256)).reshape(2 * N, 128)
    mcat = segsum12(srcs12, dsts12, h, zeros)
    h = _make_mid()(mcat, mcat, h, h, W_nbr_1, W_self_1,
                    b_1.reshape(1, 256)).reshape(2 * N, 128)
    mcat = segsum12(srcs12, dsts12, h, zeros)
    mean, std = _make_final()(mcat, mcat, h, h, W_nbr_2, W_self_2,
                              b_2.reshape(1, 256))
    return (mean, std)

# --- scband reference (transcript-rebuilt; emitter-appended) ---
"""Pipeline reference for scband-encoder-86835648790734 (READ-ONLY COPY).

The authoritative reference and input builder live on the scoring server;
editing this copy changes nothing except your own understanding.
"""

import jax, jax.numpy as jnp
import numpy as np

N = 10000
E = 320000
NTIPS = 128
HID = 256
LAT = 128
LAYERS = 3
MIN_CLIP = -5.0
MAX_CLIP = 3.0


def setup_inputs(seed: int = 0) -> dict:
    key = jax.random.key(seed)
    ks = jax.random.split(key, 2 + 2 * LAYERS)
    x = jax.random.normal(ks[0], (N, NTIPS), dtype=jnp.float32)
    edge_index = jax.random.randint(ks[1], (2, E), 0, N, dtype=jnp.int64 if jax.config.jax_enable_x64 else jnp.int32).astype(jnp.int32)
    dims = [NTIPS] + [HID] * (LAYERS - 1) + [2 * LAT]
    out = {"node_features": x, "edge_index": edge_index}
    for i in range(LAYERS):
        fin, fout = dims[i], dims[i + 1]
        out[f"W_nbr_{i}"] = jax.random.normal(ks[2 + 2 * i], (fin, fout), dtype=jnp.float32) * (1.0 / np.sqrt(fin))
        out[f"W_self_{i}"] = jax.random.normal(ks[3 + 2 * i], (fin, fout), dtype=jnp.float32) * (1.0 / np.sqrt(fin))
        out[f"b_{i}"] = jnp.zeros((fout,), dtype=jnp.float32)
    return out


def _mp_forward(x, edge_index, layers):
    # GraphSAGE-style message passing with sum aggregation (gnn_type='sage', aggr='sum')
    src = edge_index[0]
    dst = edge_index[1]
    h = x
    L = len(layers)
    for i, (Wn, Ws, b) in enumerate(layers):
        msg = jax.ops.segment_sum(h[src], dst, num_segments=N)  # scatter-add over edges
        h_new = msg @ Wn + h @ Ws + b
        if i < L - 1:
            h_new = jax.nn.relu(h_new)
        h = h_new
    return h


def reference(node_features, edge_index, W_nbr_0, W_self_0, b_0, W_nbr_1, W_self_1, b_1, W_nbr_2, W_self_2, b_2):
    layers = [(W_nbr_0, W_self_0, b_0), (W_nbr_1, W_self_1, b_1), (W_nbr_2, W_self_2, b_2)]
    out = _mp_forward(node_features, edge_index, layers)
    mean, std = jnp.split(out, 2, axis=-1)
    std = jnp.clip(std, MIN_CLIP, MAX_CLIP)
    return (mean, std)

if __name__ == "__main__":
    import jax
    _d = setup_inputs()
    print(jax.jit(kernel)(*tuple(_d.values())))

</pallas_src>

<mosaic_0001>
#map = affine_map<(d0, d1) -> (0, 0, 0, 0, 0)>
#map1 = affine_map<(d0, d1) -> (0, 0)>
module attributes {stable_mosaic.version = 14 : i64} {
  func.func @sc_segsum_12(%arg0: i32, %arg1: i32, %arg2: memref<2x16x20x8x128xi32, #tpu.memory_space<hbm>>, %arg3: memref<2x16x20x8x128xi32, #tpu.memory_space<hbm>>, %arg4: memref<20000x128xf32, #tpu.memory_space<hbm>>, %arg5: memref<10240x128xf32, #tpu.memory_space<hbm>>, %arg6: memref<20480x128xf32, #tpu.memory_space<hbm>>, %arg7: memref<8x128xi32, #tpu.memory_space<vmem>>, %arg8: memref<8x128xi32, #tpu.memory_space<vmem>>, %arg9: memref<128x128xf32, #tpu.memory_space<vmem>>, %arg10: memref<128x128xf32, #tpu.memory_space<vmem>>, %arg11: memref<10240x128xf32, #tpu.memory_space<vmem_shared>>, %arg12: memref<!tpu.dma_semaphore, #tpu.memory_space<semaphore_mem>>, %arg13: memref<!tpu.dma_semaphore, #tpu.memory_space<semaphore_mem>>) attributes {dimension_semantics = [#tpu.dimension_semantics<core_parallel>, #tpu.dimension_semantics<subcore_parallel>], iteration_bounds = array<i64: 2, 16>, scalar_prefetch = 0 : i64, scratch_operands = 7 : i64, tpu.core_type = #tpu.core_type<sc_vector_subcore>, window_params = [{transform_indices = #map}, {transform_indices = #map}, {transform_indices = #map1}, {transform_indices = #map1}, {transform_indices = #map1}]} {
    %mul3A = arith.constant 640 : i32
    %mul3A_0 = arith.muli %arg1, %mul3A : i32
    %mul3A_1 = arith.constant 640 : i32
    %mul3A_2 = arith.muli %arg1, %mul3A_1 : i32
    "tpu.region"() ({
      %run_scoped3A = tpu.sem_alloc : memref<!tpu.dma_semaphore, #tpu.memory_space<semaphore_mem>>
      %dma_start3A = arith.constant 0 : i32
      %dma_start3A_14 = tpu.memref_slice %arg11[%mul3A_2, %dma_start3A] : memref<10240x128xf32, #tpu.memory_space<vmem_shared>> -> memref<640x128xf32, #tpu.memory_space<vmem_shared>>
      %dma_start3A_15 = arith.constant 0 : i32
      %dma_start3A_16 = tpu.memref_slice %arg5[%mul3A_0, %dma_start3A_15] : memref<10240x128xf32, #tpu.memory_space<hbm>> -> memref<640x128xf32, #tpu.memory_space<hbm>>
      tpu.enqueue_dma source(%dma_start3A_16 : memref<640x128xf32, #tpu.memory_space<hbm>>) target(%dma_start3A_14 : memref<640x128xf32, #tpu.memory_space<vmem_shared>>) target_semaphore(%run_scoped3A : memref<!tpu.dma_semaphore, #tpu.memory_space<semaphore_mem>>)
      %dma_wait3A = arith.constant 0 : i32
      %dma_wait3A_17 = tpu.memref_slice %arg11[%mul3A_2, %dma_wait3A] : memref<10240x128xf32, #tpu.memory_space<vmem_shared>> -> memref<640x128xf32, #tpu.memory_space<vmem_shared>>
      %dma_wait3A_18 = arith.constant 0 : i32
      %dma_wait3A_19 = tpu.memref_slice %arg5[%mul3A_0, %dma_wait3A_18] : memref<10240x128xf32, #tpu.memory_space<hbm>> -> memref<640x128xf32, #tpu.memory_space<hbm>>
      tpu.wait_dma2 semaphore(%run_scoped3A : memref<!tpu.dma_semaphore, #tpu.memory_space<semaphore_mem>>) src(%dma_wait3A_19 : memref<640x128xf32, #tpu.memory_space<hbm>>) dst(%dma_wait3A_17 : memref<640x128xf32, #tpu.memory_space<vmem_shared>>)
      tpu.yield
    }) : () -> ()
    %barrier3A = arith.constant 0 : index
    tpu.barrier barrier_id(%barrier3A)
    %scan3A = arith.constant 0 : i32
    %scan3A_3 = arith.constant 20 : i32
    %scan3A_4 = arith.addi %scan3A, %scan3A_3 : i32
    %scan3A_5 = arith.constant 1 : i32
    scf.for %scan3A_14 = %scan3A to %scan3A_4 step %scan3A_5  : i32 {
      %mul3A_15 = arith.constant 1 : i32
      %mul3A_16 = arith.muli %scan3A_14, %mul3A_15 : i32
      %add3A_17 = arith.constant 0 : i32
      %add3A_18 = arith.addi %add3A_17, %mul3A_16 : i32
      "tpu.region"() ({
        %run_scoped3A_136 = tpu.sem_alloc : memref<!tpu.dma_semaphore, #tpu.memory_space<semaphore_mem>>
        %dma_start3A_137 = arith.constant 0 : i32
        %dma_start3A_138 = arith.constant 0 : i32
        %dma_start3A_139 = arith.constant 0 : i32
        %dma_start3A_140 = arith.constant 0 : i32
        %dma_start3A_141 = tpu.memref_slice %arg2[%arg0, %dma_start3A_137, %dma_start3A_138, %dma_start3A_139, %dma_start3A_140] : memref<2x16x20x8x128xi32, #tpu.memory_space<hbm>> -> memref<1x16x20x8x128xi32, #tpu.memory_space<hbm>>
        %dma_start3A_142 = tpu.memref_squeeze %dma_start3A_141 : memref<1x16x20x8x128xi32, #tpu.memory_space<hbm>> -> memref<16x20x8x128xi32, #tpu.memory_space<hbm>>
        %dma_start3A_143 = arith.constant 0 : i32
        %dma_start3A_144 = arith.constant 0 : i32
        %dma_start3A_145 = tpu.memref_slice %dma_start3A_142[%arg1, %add3A_18, %dma_start3A_143, %dma_start3A_144] : memref<16x20x8x128xi32, #tpu.memory_space<hbm>> -> memref<1x1x8x128xi32, #tpu.memory_space<hbm>>
        %dma_start3A_146 = tpu.memref_squeeze %dma_start3A_145 : memref<1x1x8x128xi32, #tpu.memory_space<hbm>> -> memref<8x128xi32, #tpu.memory_space<hbm>>
        %dma_start3A_147 = arith.constant 0 : i32
        %dma_start3A_148 = arith.constant 0 : i32
        %dma_start3A_149 = arith.constant 0 : i32
        %dma_start3A_150 = arith.constant 0 : i32
        %dma_start3A_151 = tpu.memref_slice %arg2[%arg0, %dma_start3A_147, %dma_start3A_148, %dma_start3A_149, %dma_start3A_150] : memref<2x16x20x8x128xi32, #tpu.memory_space<hbm>> -> memref<1x16x20x8x128xi32, #tpu.memory_space<hbm>>
        %dma_start3A_152 = tpu.memref_squeeze %dma_start3A_151 : memref<1x16x20x8x128xi32, #tpu.memory_space<hbm>> -> memref<16x20x8x128xi32, #tpu.memory_space<hbm>>
        %dma_start3A_153 = arith.constant 0 : i32
        %dma_start3A_154 = arith.constant 0 : i32
        %dma_start3A_155 = tpu.memref_slice %dma_start3A_152[%arg1, %add3A_18, %dma_start3A_153, %dma_start3A_154] : memref<16x20x8x128xi32, #tpu.memory_space<hbm>> -> memref<1x1x8x128xi32, #tpu.memory_space<hbm>>
        %dma_start3A_156 = tpu.memref_squeeze %dma_start3A_155 : memref<1x1x8x128xi32, #tpu.memory_space<hbm>> -> memref<8x128xi32, #tpu.memory_space<hbm>>
        tpu.enqueue_dma source(%dma_start3A_156 : memref<8x128xi32, #tpu.memory_space<hbm>>) target(%arg7 : memref<8x128xi32, #tpu.memory_space<vmem>>) target_semaphore(%run_scoped3A_136 : memref<!tpu.dma_semaphore, #tpu.memory_space<semaphore_mem>>)
        %dma_wait3A_157 = arith.constant 0 : i32
        %dma_wait3A_158 = arith.constant 0 : i32
        %dma_wait3A_159 = arith.constant 0 : i32
        %dma_wait3A_160 = arith.constant 0 : i32
        %dma_wait3A_161 = tpu.memref_slice %arg2[%arg0, %dma_wait3A_157, %dma_wait3A_158, %dma_wait3A_159, %dma_wait3A_160] : memref<2x16x20x8x128xi32, #tpu.memory_space<hbm>> -> memref<1x16x20x8x128xi32, #tpu.memory_space<hbm>>
        %dma_wait3A_162 = tpu.memref_squeeze %dma_wait3A_161 : memref<1x16x20x8x128xi32, #tpu.memory_space<hbm>> -> memref<16x20x8x128xi32, #tpu.memory_space<hbm>>
        %dma_wait3A_163 = arith.constant 0 : i32
        %dma_wait3A_164 = arith.constant 0 : i32
        %dma_wait3A_165 = tpu.memref_slice %dma_wait3A_162[%arg1, %add3A_18, %dma_wait3A_163, %dma_wait3A_164] : memref<16x20x8x128xi32, #tpu.memory_space<hbm>> -> memref<1x1x8x128xi32, #tpu.memory_space<hbm>>
        %dma_wait3A_166 = tpu.memref_squeeze %dma_wait3A_165 : memref<1x1x8x128xi32, #tpu.memory_space<hbm>> -> memref<8x128xi32, #tpu.memory_space<hbm>>
        %dma_wait3A_167 = arith.constant 0 : i32
        %dma_wait3A_168 = arith.constant 0 : i32
        %dma_wait3A_169 = arith.constant 0 : i32
        %dma_wait3A_170 = arith.constant 0 : i32
        %dma_wait3A_171 = tpu.memref_slice %arg2[%arg0, %dma_wait3A_167, %dma_wait3A_168, %dma_wait3A_169, %dma_wait3A_170] : memref<2x16x20x8x128xi32, #tpu.memory_space<hbm>> -> memref<1x16x20x8x128xi32, #tpu.memory_space<hbm>>
        %dma_wait3A_172 = tpu.memref_squeeze %dma_wait3A_171 : memref<1x16x20x8x128xi32, #tpu.memory_space<hbm>> -> memref<16x20x8x128xi32, #tpu.memory_space<hbm>>
        %dma_wait3A_173 = arith.constant 0 : i32
        %dma_wait3A_174 = arith.constant 0 : i32
        %dma_wait3A_175 = tpu.memref_slice %dma_wait3A_172[%arg1, %add3A_18, %dma_wait3A_173, %dma_wait3A_174] : memref<16x20x8x128xi32, #tpu.memory_space<hbm>> -> memref<1x1x8x128xi32, #tpu.memory_space<hbm>>
        %dma_wait3A_176 = tpu.memref_squeeze %dma_wait3A_175 : memref<1x1x8x128xi32, #tpu.memory_space<hbm>> -> memref<8x128xi32, #tpu.memory_space<hbm>>
        tpu.wait_dma2 semaphore(%run_scoped3A_136 : memref<!tpu.dma_semaphore, #tpu.memory_space<semaphore_mem>>) src(%dma_wait3A_176 : memref<8x128xi32, #tpu.memory_space<hbm>>) dst(%arg7 : memref<8x128xi32, #tpu.memory_space<vmem>>)
        tpu.yield
      }) : () -> ()
      "tpu.region"() ({
        %run_scoped3A_136 = tpu.sem_alloc : memref<!tpu.dma_semaphore, #tpu.memory_space<semaphore_mem>>
        %dma_start3A_137 = arith.constant 0 : i32
        %dma_start3A_138 = arith.constant 0 : i32
        %dma_start3A_139 = arith.constant 0 : i32
        %dma_start3A_140 = arith.constant 0 : i32
        %dma_start3A_141 = tpu.memref_slice %arg3[%arg0, %dma_start3A_137, %dma_start3A_138, %dma_start3A_139, %dma_start3A_140] : memref<2x16x20x8x128xi32, #tpu.memory_space<hbm>> -> memref<1x16x20x8x128xi32, #tpu.memory_space<hbm>>
        %dma_start3A_142 = tpu.memref_squeeze %dma_start3A_141 : memref<1x16x20x8x128xi32, #tpu.memory_space<hbm>> -> memref<16x20x8x128xi32, #tpu.memory_space<hbm>>
        %dma_start3A_143 = arith.constant 0 : i32
        %dma_start3A_144 = arith.constant 0 : i32
        %dma_start3A_145 = tpu.memref_slice %dma_start3A_142[%arg1, %add3A_18, %dma_start3A_143, %dma_start3A_144] : memref<16x20x8x128xi32, #tpu.memory_space<hbm>> -> memref<1x1x8x128xi32, #tpu.memory_space<hbm>>
        %dma_start3A_146 = tpu.memref_squeeze %dma_start3A_145 : memref<1x1x8x128xi32, #tpu.memory_space<hbm>> -> memref<8x128xi32, #tpu.memory_space<hbm>>
        %dma_start3A_147 = arith.constant 0 : i32
        %dma_start3A_148 = arith.constant 0 : i32
        %dma_start3A_149 = arith.constant 0 : i32
        %dma_start3A_150 = arith.constant 0 : i32
        %dma_start3A_151 = tpu.memref_slice %arg3[%arg0, %dma_start3A_147, %dma_start3A_148, %dma_start3A_149, %dma_start3A_150] : memref<2x16x20x8x128xi32, #tpu.memory_space<hbm>> -> memref<1x16x20x8x128xi32, #tpu.memory_space<hbm>>
        %dma_start3A_152 = tpu.memref_squeeze %dma_start3A_151 : memref<1x16x20x8x128xi32, #tpu.memory_space<hbm>> -> memref<16x20x8x128xi32, #tpu.memory_space<hbm>>
        %dma_start3A_153 = arith.constant 0 : i32
        %dma_start3A_154 = arith.constant 0 : i32
        %dma_start3A_155 = tpu.memref_slice %dma_start3A_152[%arg1, %add3A_18, %dma_start3A_153, %dma_start3A_154] : memref<16x20x8x128xi32, #tpu.memory_space<hbm>> -> memref<1x1x8x128xi32, #tpu.memory_space<hbm>>
        %dma_start3A_156 = tpu.memref_squeeze %dma_start3A_155 : memref<1x1x8x128xi32, #tpu.memory_space<hbm>> -> memref<8x128xi32, #tpu.memory_space<hbm>>
        tpu.enqueue_dma source(%dma_start3A_156 : memref<8x128xi32, #tpu.memory_space<hbm>>) target(%arg8 : memref<8x128xi32, #tpu.memory_space<vmem>>) target_semaphore(%run_scoped3A_136 : memref<!tpu.dma_semaphore, #tpu.memory_space<semaphore_mem>>)
        %dma_wait3A_157 = arith.constant 0 : i32
        %dma_wait3A_158 = arith.constant 0 : i32
        %dma_wait3A_159 = arith.constant 0 : i32
        %dma_wait3A_160 = arith.constant 0 : i32
        %dma_wait3A_161 = tpu.memref_slice %arg3[%arg0, %dma_wait3A_157, %dma_wait3A_158, %dma_wait3A_159, %dma_wait3A_160] : memref<2x16x20x8x128xi32, #tpu.memory_space<hbm>> -> memref<1x16x20x8x128xi32, #tpu.memory_space<hbm>>
        %dma_wait3A_162 = tpu.memref_squeeze %dma_wait3A_161 : memref<1x16x20x8x128xi32, #tpu.memory_space<hbm>> -> memref<16x20x8x128xi32, #tpu.memory_space<hbm>>
        %dma_wait3A_163 = arith.constant 0 : i32
        %dma_wait3A_164 = arith.constant 0 : i32
        %dma_wait3A_165 = tpu.memref_slice %dma_wait3A_162[%arg1, %add3A_18, %dma_wait3A_163, %dma_wait3A_164] : memref<16x20x8x128xi32, #tpu.memory_space<hbm>> -> memref<1x1x8x128xi32, #tpu.memory_space<hbm>>
        %dma_wait3A_166 = tpu.memref_squeeze %dma_wait3A_165 : memref<1x1x8x128xi32, #tpu.memory_space<hbm>> -> memref<8x128xi32, #tpu.memory_space<hbm>>
        %dma_wait3A_167 = arith.constant 0 : i32
        %dma_wait3A_168 = arith.constant 0 : i32
        %dma_wait3A_169 = arith.constant 0 : i32
        %dma_wait3A_170 = arith.constant 0 : i32
        %dma_wait3A_171 = tpu.memref_slice %arg3[%arg0, %dma_wait3A_167, %dma_wait3A_168, %dma_wait3A_169, %dma_wait3A_170] : memref<2x16x20x8x128xi32, #tpu.memory_space<hbm>> -> memref<1x16x20x8x128xi32, #tpu.memory_space<hbm>>
        %dma_wait3A_172 = tpu.memref_squeeze %dma_wait3A_171 : memref<1x16x20x8x128xi32, #tpu.memory_space<hbm>> -> memref<16x20x8x128xi32, #tpu.memory_space<hbm>>
        %dma_wait3A_173 = arith.constant 0 : i32
        %dma_wait3A_174 = arith.constant 0 : i32
        %dma_wait3A_175 = tpu.memref_slice %dma_wait3A_172[%arg1, %add3A_18, %dma_wait3A_173, %dma_wait3A_174] : memref<16x20x8x128xi32, #tpu.memory_space<hbm>> -> memref<1x1x8x128xi32, #tpu.memory_space<hbm>>
        %dma_wait3A_176 = tpu.memref_squeeze %dma_wait3A_175 : memref<1x1x8x128xi32, #tpu.memory_space<hbm>> -> memref<8x128xi32, #tpu.memory_space<hbm>>
        tpu.wait_dma2 semaphore(%run_scoped3A_136 : memref<!tpu.dma_semaphore, #tpu.memory_space<semaphore_mem>>) src(%dma_wait3A_176 : memref<8x128xi32, #tpu.memory_space<hbm>>) dst(%arg8 : memref<8x128xi32, #tpu.memory_space<vmem>>)
        tpu.yield
      }) : () -> ()
      %dma_start3A = arith.constant 0 : i32
      %dma_start3A_19 = arith.constant 0 : i32
      %dma_start3A_20 = tpu.memref_slice %arg7[%dma_start3A, %dma_start3A_19] : memref<8x128xi32, #tpu.memory_space<vmem>> -> memref<1x128xi32, #tpu.memory_space<vmem>>
      %dma_start3A_21 = tpu.memref_squeeze %dma_start3A_20 : memref<1x128xi32, #tpu.memory_space<vmem>> -> memref<128xi32, #tpu.memory_space<vmem>>
      %dma_start3A_22 = arith.constant 0 : i32
      %dma_start3A_23 = arith.constant 0 : i32
      %dma_start3A_24 = tpu.memref_slice %arg4[%dma_start3A_22, %dma_start3A_23] : memref<20000x128xf32, #tpu.memory_space<hbm>> -> memref<20000x128xf32, #tpu.memory_space<hbm>>
      tpu.enqueue_indirect_dma source(%dma_start3A_24 : memref<20000x128xf32, #tpu.memory_space<hbm>>) target(%arg9 : memref<128x128xf32, #tpu.memory_space<vmem>>) offsets(%dma_start3A_21 : memref<128xi32, #tpu.memory_space<vmem>>) semaphore(%arg12 : memref<!tpu.dma_semaphore, #tpu.memory_space<semaphore_mem>>)
      %dma_wait3A = arith.constant 0 : i32
      %dma_wait3A_25 = arith.constant 0 : i32
      %dma_wait3A_26 = tpu.memref_slice %arg7[%dma_wait3A, %dma_wait3A_25] : memref<8x128xi32, #tpu.memory_space<vmem>> -> memref<1x128xi32, #tpu.memory_space<vmem>>
      %dma_wait3A_27 = tpu.memref_squeeze %dma_wait3A_26 : memref<1x128xi32, #tpu.memory_space<vmem>> -> memref<128xi32, #tpu.memory_space<vmem>>
      %dma_wait3A_28 = arith.constant 0 : i32
      %dma_wait3A_29 = arith.constant 0 : i32
      %dma_wait3A_30 = tpu.memref_slice %arg4[%dma_wait3A_28, %dma_wait3A_29] : memref<20000x128xf32, #tpu.memory_space<hbm>> -> memref<20000x128xf32, #tpu.memory_space<hbm>>
      tpu.wait_indirect_dma semaphore(%arg12 : memref<!tpu.dma_semaphore, #tpu.memory_space<semaphore_mem>>) src(%dma_wait3A_30 : memref<20000x128xf32, #tpu.memory_space<hbm>>) dst(%arg9 : memref<128x128xf32, #tpu.memory_space<vmem>>)
      %dma_start3A_31 = arith.constant 1 : i32
      %dma_start3A_32 = arith.constant 0 : i32
      %dma_start3A_33 = tpu.memref_slice %arg7[%dma_start3A_31, %dma_start3A_32] : memref<8x128xi32, #tpu.memory_space<vmem>> -> memref<1x128xi32, #tpu.memory_space<vmem>>
      %dma_start3A_34 = tpu.memref_squeeze %dma_start3A_33 : memref<1x128xi32, #tpu.memory_space<vmem>> -> memref<128xi32, #tpu.memory_space<vmem>>
      %dma_start3A_35 = arith.constant 0 : i32
      %dma_start3A_36 = arith.constant 0 : i32
      %dma_start3A_37 = tpu.memref_slice %arg4[%dma_start3A_35, %dma_start3A_36] : memref<20000x128xf32, #tpu.memory_space<hbm>> -> memref<20000x128xf32, #tpu.memory_space<hbm>>
      tpu.enqueue_indirect_dma source(%dma_start3A_37 : memref<20000x128xf32, #tpu.memory_space<hbm>>) target(%arg10 : memref<128x128xf32, #tpu.memory_space<vmem>>) offsets(%dma_start3A_34 : memref<128xi32, #tpu.memory_space<vmem>>) semaphore(%arg13 : memref<!tpu.dma_semaphore, #tpu.memory_space<semaphore_mem>>)
      %run_scoped3A = arith.constant 0 : i32
      "tpu.region"() ({
        %run_scoped3A_136 = tpu.sem_alloc : memref<!tpu.dma_semaphore, #tpu.memory_space<semaphore_mem>>
        %dma_start3A_137 = arith.constant 0 : i32
        %dma_start3A_138 = tpu.memref_slice %arg8[%run_scoped3A, %dma_start3A_137] : memref<8x128xi32, #tpu.memory_space<vmem>> -> memref<1x128xi32, #tpu.memory_space<vmem>>
        %dma_start3A_139 = tpu.memref_squeeze %dma_start3A_138 : memref<1x128xi32, #tpu.memory_space<vmem>> -> memref<128xi32, #tpu.memory_space<vmem>>
        %dma_start3A_140 = arith.constant 0 : i32
        %dma_start3A_141 = arith.constant 0 : i32
        %dma_start3A_142 = tpu.memref_slice %arg11[%dma_start3A_140, %dma_start3A_141] : memref<10240x128xf32, #tpu.memory_space<vmem_shared>> -> memref<10240x128xf32, #tpu.memory_space<vmem_shared>>
        tpu.enqueue_indirect_dma source(%arg9 : memref<128x128xf32, #tpu.memory_space<vmem>>) target(%dma_start3A_142 : memref<10240x128xf32, #tpu.memory_space<vmem_shared>>) offsets(%dma_start3A_139 : memref<128xi32, #tpu.memory_space<vmem>>) semaphore(%run_scoped3A_136 : memref<!tpu.dma_semaphore, #tpu.memory_space<semaphore_mem>>) {add = true}
        %dma_wait3A_143 = arith.constant 0 : i32
        %dma_wait3A_144 = tpu.memref_slice %arg8[%run_scoped3A, %dma_wait3A_143] : memref<8x128xi32, #tpu.memory_space<vmem>> -> memref<1x128xi32, #tpu.memory_space<vmem>>
        %dma_wait3A_145 = tpu.memref_squeeze %dma_wait3A_144 : memref<1x128xi32, #tpu.memory_space<vmem>> -> memref<128xi32, #tpu.memory_space<vmem>>
        %dma_wait3A_146 = arith.constant 0 : i32
        %dma_wait3A_147 = arith.constant 0 : i32
        %dma_wait3A_148 = tpu.memref_slice %arg11[%dma_wait3A_146, %dma_wait3A_147] : memref<10240x128xf32, #tpu.memory_space<vmem_shared>> -> memref<10240x128xf32, #tpu.memory_space<vmem_shared>>
        tpu.wait_indirect_dma semaphore(%run_scoped3A_136 : memref<!tpu.dma_semaphore, #tpu.memory_space<semaphore_mem>>) src(%arg9 : memref<128x128xf32, #tpu.memory_space<vmem>>) dst(%dma_wait3A_148 : memref<10240x128xf32, #tpu.memory_space<vmem_shared>>)
        tpu.yield
      }) : () -> ()
      %dma_wait3A_38 = arith.constant 1 : i32
      %dma_wait3A_39 = arith.constant 0 : i32
      %dma_wait3A_40 = tpu.memref_slice %arg7[%dma_wait3A_38, %dma_wait3A_39] : memref<8x128xi32, #tpu.memory_space<vmem>> -> memref<1x128xi32, #tpu.memory_space<vmem>>
      %dma_wait3A_41 = tpu.memref_squeeze %dma_wait3A_40 : memref<1x128xi32, #tpu.memory_space<vmem>> -> memref<128xi32, #tpu.memory_space<vmem>>
      %dma_wait3A_42 = arith.constant 0 : i32
      %dma_wait3A_43 = arith.constant 0 : i32
      %dma_wait3A_44 = tpu.memref_slice %arg4[%dma_wait3A_42, %dma_wait3A_43] : memref<20000x128xf32, #tpu.memory_space<hbm>> -> memref<20000x128xf32, #tpu.memory_space<hbm>>
      tpu.wait_indirect_dma semaphore(%arg13 : memref<!tpu.dma_semaphore, #tpu.memory_space<semaphore_mem>>) src(%dma_wait3A_44 : memref<20000x128xf32, #tpu.memory_space<hbm>>) dst(%arg10 : memref<128x128xf32, #tpu.memory_space<vmem>>)
      %dma_start3A_45 = arith.constant 2 : i32
      %dma_start3A_46 = arith.constant 0 : i32
      %dma_start3A_47 = tpu.memref_slice %arg7[%dma_start3A_45, %dma_start3A_46] : memref<8x128xi32, #tpu.memory_space<vmem>> -> memref<1x128xi32, #tpu.memory_space<vmem>>
      %dma_start3A_48 = tpu.memref_squeeze %dma_start3A_47 : memref<1x128xi32, #tpu.memory_space<vmem>> -> memref<128xi32, #tpu.memory_space<vmem>>
      %dma_start3A_49 = arith.constant 0 : i32
      %dma_start3A_50 = arith.constant 0 : i32
      %dma_start3A_51 = tpu.memref_slice %arg4[%dma_start3A_49, %dma_start3A_50] : memref<20000x128xf32, #tpu.memory_space<hbm>> -> memref<20000x128xf32, #tpu.memory_space<hbm>>
      tpu.enqueue_indirect_dma source(%dma_start3A_51 : memref<20000x128xf32, #tpu.memory_space<hbm>>) target(%arg9 : memref<128x128xf32, #tpu.memory_space<vmem>>) offsets(%dma_start3A_48 : memref<128xi32, #tpu.memory_space<vmem>>) semaphore(%arg12 : memref<!tpu.dma_semaphore, #tpu.memory_space<semaphore_mem>>)
      %run_scoped3A_52 = arith.constant 1 : i32
      "tpu.region"() ({
        %run_scoped3A_136 = tpu.sem_alloc : memref<!tpu.dma_semaphore, #tpu.memory_space<semaphore_mem>>
        %dma_start3A_137 = arith.constant 0 : i32
        %dma_start3A_138 = tpu.memref_slice %arg8[%run_scoped3A_52, %dma_start3A_137] : memref<8x128xi32, #tpu.memory_space<vmem>> -> memref<1x128xi32, #tpu.memory_space<vmem>>
        %dma_start3A_139 = tpu.memref_squeeze %dma_start3A_138 : memref<1x128xi32, #tpu.memory_space<vmem>> -> memref<128xi32, #tpu.memory_space<vmem>>
        %dma_start3A_140 = arith.constant 0 : i32
        %dma_start3A_141 = arith.constant 0 : i32
        %dma_start3A_142 = tpu.memref_slice %arg11[%dma_start3A_140, %dma_start3A_141] : memref<10240x128xf32, #tpu.memory_space<vmem_shared>> -> memref<10240x128xf32, #tpu.memory_space<vmem_shared>>
        tpu.enqueue_indirect_dma source(%arg10 : memref<128x128xf32, #tpu.memory_space<vmem>>) target(%dma_start3A_142 : memref<10240x128xf32, #tpu.memory_space<vmem_shared>>) offsets(%dma_start3A_139 : memref<128xi32, #tpu.memory_space<vmem>>) semaphore(%run_scoped3A_136 : memref<!tpu.dma_semaphore, #tpu.memory_space<semaphore_mem>>) {add = true}
        %dma_wait3A_143 = arith.constant 0 : i32
        %dma_wait3A_144 = tpu.memref_slice %arg8[%run_scoped3A_52, %dma_wait3A_143] : memref<8x128xi32, #tpu.memory_space<vmem>> -> memref<1x128xi32, #tpu.memory_space<vmem>>
        %dma_wait3A_145 = tpu.memref_squeeze %dma_wait3A_144 : memref<1x128xi32, #tpu.memory_space<vmem>> -> memref<128xi32, #tpu.memory_space<vmem>>
        %dma_wait3A_146 = arith.constant 0 : i32
        %dma_wait3A_147 = arith.constant 0 : i32
        %dma_wait3A_148 = tpu.memref_slice %arg11[%dma_wait3A_146, %dma_wait3A_147] : memref<10240x128xf32, #tpu.memory_space<vmem_shared>> -> memref<10240x128xf32, #tpu.memory_space<vmem_shared>>
        tpu.wait_indirect_dma semaphore(%run_scoped3A_136 : memref<!tpu.dma_semaphore, #tpu.memory_space<semaphore_mem>>) src(%arg10 : memref<128x128xf32, #tpu.memory_space<vmem>>) dst(%dma_wait3A_148 : memref<10240x128xf32, #tpu.memory_space<vmem_shared>>)
        tpu.yield
      }) : () -> ()
      %dma_wait3A_53 = arith.constant 2 : i32
      %dma_wait3A_54 = arith.constant 0 : i32
      %dma_wait3A_55 = tpu.memref_slice %arg7[%dma_wait3A_53, %dma_wait3A_54] : memref<8x128xi32, #tpu.memory_space<vmem>> -> memref<1x128xi32, #tpu.memory_space<vmem>>
      %dma_wait3A_56 = tpu.memref_squeeze %dma_wait3A_55 : memref<1x128xi32, #tpu.memory_space<vmem>> -> memref<128xi32, #tpu.memory_space<vmem>>
      %dma_wait3A_57 = arith.constant 0 : i32
      %dma_wait3A_58 = arith.constant 0 : i32
      %dma_wait3A_59 = tpu.memref_slice %arg4[%dma_wait3A_57, %dma_wait3A_58] : memref<20000x128xf32, #tpu.memory_space<hbm>> -> memref<20000x128xf32, #tpu.memory_space<hbm>>
      tpu.wait_indirect_dma semaphore(%arg12 : memref<!tpu.dma_semaphore, #tpu.memory_space<semaphore_mem>>) src(%dma_wait3A_59 : memref<20000x128xf32, #tpu.memory_space<hbm>>) dst(%arg9 : memref<128x128xf32, #tpu.memory_space<vmem>>)
      %dma_start3A_60 = arith.constant 3 : i32
      %dma_start3A_61 = arith.constant 0 : i32
      %dma_start3A_62 = tpu.memref_slice %arg7[%dma_start3A_60, %dma_start3A_61] : memref<8x128xi32, #tpu.memory_space<vmem>> -> memref<1x128xi32, #tpu.memory_space<vmem>>
      %dma_start3A_63 = tpu.memref_squeeze %dma_start3A_62 : memref<1x128xi32, #tpu.memory_space<vmem>> -> memref<128xi32, #tpu.memory_space<vmem>>
      %dma_start3A_64 = arith.constant 0 : i32
      %dma_start3A_65 = arith.constant 0 : i32
      %dma_start3A_66 = tpu.memref_slice %arg4[%dma_start3A_64, %dma_start3A_65] : memref<20000x128xf32, #tpu.memory_space<hbm>> -> memref<20000x128xf32, #tpu.memory_space<hbm>>
      tpu.enqueue_indirect_dma source(%dma_start3A_66 : memref<20000x128xf32, #tpu.memory_space<hbm>>) target(%arg10 : memref<128x128xf32, #tpu.memory_space<vmem>>) offsets(%dma_start3A_63 : memref<128xi32, #tpu.memory_space<vmem>>) semaphore(%arg13 : memref<!tpu.dma_semaphore, #tpu.memory_space<semaphore_mem>>)
      %run_scoped3A_67 = arith.constant 2 : i32
      "tpu.region"() ({
        %run_scoped3A_136 = tpu.sem_alloc : memref<!tpu.dma_semaphore, #tpu.memory_space<semaphore_mem>>
        %dma_start3A_137 = arith.constant 0 : i32
        %dma_start3A_138 = tpu.memref_slice %arg8[%run_scoped3A_67, %dma_start3A_137] : memref<8x128xi32, #tpu.memory_space<vmem>> -> memref<1x128xi32, #tpu.memory_space<vmem>>
        %dma_start3A_139 = tpu.memref_squeeze %dma_start3A_138 : memref<1x128xi32, #tpu.memory_space<vmem>> -> memref<128xi32, #tpu.memory_space<vmem>>
        %dma_start3A_140 = arith.constant 0 : i32
        %dma_start3A_141 = arith.constant 0 : i32
        %dma_start3A_142 = tpu.memref_slice %arg11[%dma_start3A_140, %dma_start3A_141] : memref<10240x128xf32, #tpu.memory_space<vmem_shared>> -> memref<10240x128xf32, #tpu.memory_space<vmem_shared>>
        tpu.enqueue_indirect_dma source(%arg9 : memref<128x128xf32, #tpu.memory_space<vmem>>) target(%dma_start3A_142 : memref<10240x128xf32, #tpu.memory_space<vmem_shared>>) offsets(%dma_start3A_139 : memref<128xi32, #tpu.memory_space<vmem>>) semaphore(%run_scoped3A_136 : memref<!tpu.dma_semaphore, #tpu.memory_space<semaphore_mem>>) {add = true}
        %dma_wait3A_143 = arith.constant 0 : i32
        %dma_wait3A_144 = tpu.memref_slice %arg8[%run_scoped3A_67, %dma_wait3A_143] : memref<8x128xi32, #tpu.memory_space<vmem>> -> memref<1x128xi32, #tpu.memory_space<vmem>>
        %dma_wait3A_145 = tpu.memref_squeeze %dma_wait3A_144 : memref<1x128xi32, #tpu.memory_space<vmem>> -> memref<128xi32, #tpu.memory_space<vmem>>
        %dma_wait3A_146 = arith.constant 0 : i32
        %dma_wait3A_147 = arith.constant 0 : i32
        %dma_wait3A_148 = tpu.memref_slice %arg11[%dma_wait3A_146, %dma_wait3A_147] : memref<10240x128xf32, #tpu.memory_space<vmem_shared>> -> memref<10240x128xf32, #tpu.memory_space<vmem_shared>>
        tpu.wait_indirect_dma semaphore(%run_scoped3A_136 : memref<!tpu.dma_semaphore, #tpu.memory_space<semaphore_mem>>) src(%arg9 : memref<128x128xf32, #tpu.memory_space<vmem>>) dst(%dma_wait3A_148 : memref<10240x128xf32, #tpu.memory_space<vmem_shared>>)
        tpu.yield
      }) : () -> ()
      %dma_wait3A_68 = arith.constant 3 : i32
      %dma_wait3A_69 = arith.constant 0 : i32
      %dma_wait3A_70 = tpu.memref_slice %arg7[%dma_wait3A_68, %dma_wait3A_69] : memref<8x128xi32, #tpu.memory_space<vmem>> -> memref<1x128xi32, #tpu.memory_space<vmem>>
      %dma_wait3A_71 = tpu.memref_squeeze %dma_wait3A_70 : memref<1x128xi32, #tpu.memory_space<vmem>> -> memref<128xi32, #tpu.memory_space<vmem>>
      %dma_wait3A_72 = arith.constant 0 : i32
      %dma_wait3A_73 = arith.constant 0 : i32
      %dma_wait3A_74 = tpu.memref_slice %arg4[%dma_wait3A_72, %dma_wait3A_73] : memref<20000x128xf32, #tpu.memory_space<hbm>> -> memref<20000x128xf32, #tpu.memory_space<hbm>>
      tpu.wait_indirect_dma semaphore(%arg13 : memref<!tpu.dma_semaphore, #tpu.memory_space<semaphore_mem>>) src(%dma_wait3A_74 : memref<20000x128xf32, #tpu.memory_space<hbm>>) dst(%arg10 : memref<128x128xf32, #tpu.memory_space<vmem>>)
      %dma_start3A_75 = arith.constant 4 : i32
      %dma_start3A_76 = arith.constant 0 : i32
      %dma_start3A_77 = tpu.memref_slice %arg7[%dma_start3A_75, %dma_start3A_76] : memref<8x128xi32, #tpu.memory_space<vmem>> -> memref<1x128xi32, #tpu.memory_space<vmem>>
      %dma_start3A_78 = tpu.memref_squeeze %dma_start3A_77 : memref<1x128xi32, #tpu.memory_space<vmem>> -> memref<128xi32, #tpu.memory_space<vmem>>
      %dma_start3A_79 = arith.constant 0 : i32
      %dma_start3A_80 = arith.constant 0 : i32
      %dma_start3A_81 = tpu.memref_slice %arg4[%dma_start3A_79, %dma_start3A_80] : memref<20000x128xf32, #tpu.memory_space<hbm>> -> memref<20000x128xf32, #tpu.memory_space<hbm>>
      tpu.enqueue_indirect_dma source(%dma_start3A_81 : memref<20000x128xf32, #tpu.memory_space<hbm>>) target(%arg9 : memref<128x128xf32, #tpu.memory_space<vmem>>) offsets(%dma_start3A_78 : memref<128xi32, #tpu.memory_space<vmem>>) semaphore(%arg12 : memref<!tpu.dma_semaphore, #tpu.memory_space<semaphore_mem>>)
      %run_scoped3A_82 = arith.constant 3 : i32
      "tpu.region"() ({
        %run_scoped3A_136 = tpu.sem_alloc : memref<!tpu.dma_semaphore, #tpu.memory_space<semaphore_mem>>
        %dma_start3A_137 = arith.constant 0 : i32
        %dma_start3A_138 = tpu.memref_slice %arg8[%run_scoped3A_82, %dma_start3A_137] : memref<8x128xi32, #tpu.memory_space<vmem>> -> memref<1x128xi32, #tpu.memory_space<vmem>>
        %dma_start3A_139 = tpu.memref_squeeze %dma_start3A_138 : memref<1x128xi32, #tpu.memory_space<vmem>> -> memref<128xi32, #tpu.memory_space<vmem>>
        %dma_start3A_140 = arith.constant 0 : i32
        %dma_start3A_141 = arith.constant 0 : i32
        %dma_start3A_142 = tpu.memref_slice %arg11[%dma_start3A_140, %dma_start3A_141] : memref<10240x128xf32, #tpu.memory_space<vmem_shared>> -> memref<10240x128xf32, #tpu.memory_space<vmem_shared>>
        tpu.enqueue_indirect_dma source(%arg10 : memref<128x128xf32, #tpu.memory_space<vmem>>) target(%dma_start3A_142 : memref<10240x128xf32, #tpu.memory_space<vmem_shared>>) offsets(%dma_start3A_139 : memref<128xi32, #tpu.memory_space<vmem>>) semaphore(%run_scoped3A_136 : memref<!tpu.dma_semaphore, #tpu.memory_space<semaphore_mem>>) {add = true}
        %dma_wait3A_143 = arith.constant 0 : i32
        %dma_wait3A_144 = tpu.memref_slice %arg8[%run_scoped3A_82, %dma_wait3A_143] : memref<8x128xi32, #tpu.memory_space<vmem>> -> memref<1x128xi32, #tpu.memory_space<vmem>>
        %dma_wait3A_145 = tpu.memref_squeeze %dma_wait3A_144 : memref<1x128xi32, #tpu.memory_space<vmem>> -> memref<128xi32, #tpu.memory_space<vmem>>
        %dma_wait3A_146 = arith.constant 0 : i32
        %dma_wait3A_147 = arith.constant 0 : i32
        %dma_wait3A_148 = tpu.memref_slice %arg11[%dma_wait3A_146, %dma_wait3A_147] : memref<10240x128xf32, #tpu.memory_space<vmem_shared>> -> memref<10240x128xf32, #tpu.memory_space<vmem_shared>>
        tpu.wait_indirect_dma semaphore(%run_scoped3A_136 : memref<!tpu.dma_semaphore, #tpu.memory_space<semaphore_mem>>) src(%arg10 : memref<128x128xf32, #tpu.memory_space<vmem>>) dst(%dma_wait3A_148 : memref<10240x128xf32, #tpu.memory_space<vmem_shared>>)
        tpu.yield
      }) : () -> ()
      %dma_wait3A_83 = arith.constant 4 : i32
      %dma_wait3A_84 = arith.constant 0 : i32
      %dma_wait3A_85 = tpu.memref_slice %arg7[%dma_wait3A_83, %dma_wait3A_84] : memref<8x128xi32, #tpu.memory_space<vmem>> -> memref<1x128xi32, #tpu.memory_space<vmem>>
      %dma_wait3A_86 = tpu.memref_squeeze %dma_wait3A_85 : memref<1x128xi32, #tpu.memory_space<vmem>> -> memref<128xi32, #tpu.memory_space<vmem>>
      %dma_wait3A_87 = arith.constant 0 : i32
      %dma_wait3A_88 = arith.constant 0 : i32
      %dma_wait3A_89 = tpu.memref_slice %arg4[%dma_wait3A_87, %dma_wait3A_88] : memref<20000x128xf32, #tpu.memory_space<hbm>> -> memref<20000x128xf32, #tpu.memory_space<hbm>>
      tpu.wait_indirect_dma semaphore(%arg12 : memref<!tpu.dma_semaphore, #tpu.memory_space<semaphore_mem>>) src(%dma_wait3A_89 : memref<20000x128xf32, #tpu.memory_space<hbm>>) dst(%arg9 : memref<128x128xf32, #tpu.memory_space<vmem>>)
      %dma_start3A_90 = arith.constant 5 : i32
      %dma_start3A_91 = arith.constant 0 : i32
      %dma_start3A_92 = tpu.memref_slice %arg7[%dma_start3A_90, %dma_start3A_91] : memref<8x128xi32, #tpu.memory_space<vmem>> -> memref<1x128xi32, #tpu.memory_space<vmem>>
      %dma_start3A_93 = tpu.memref_squeeze %dma_start3A_92 : memref<1x128xi32, #tpu.memory_space<vmem>> -> memref<128xi32, #tpu.memory_space<vmem>>
      %dma_start3A_94 = arith.constant 0 : i32
      %dma_start3A_95 = arith.constant 0 : i32
      %dma_start3A_96 = tpu.memref_slice %arg4[%dma_start3A_94, %dma_start3A_95] : memref<20000x128xf32, #tpu.memory_space<hbm>> -> memref<20000x128xf32, #tpu.memory_space<hbm>>
      tpu.enqueue_indirect_dma source(%dma_start3A_96 : memref<20000x128xf32, #tpu.memory_space<hbm>>) target(%arg10 : memref<128x128xf32, #tpu.memory_space<vmem>>) offsets(%dma_start3A_93 : memref<128xi32, #tpu.memory_space<vmem>>) semaphore(%arg13 : memref<!tpu.dma_semaphore, #tpu.memory_space<semaphore_mem>>)
      %run_scoped3A_97 = arith.constant 4 : i32
      "tpu.region"() ({
        %run_scoped3A_136 = tpu.sem_alloc : memref<!tpu.dma_semaphore, #tpu.memory_space<semaphore_mem>>
        %dma_start3A_137 = arith.constant 0 : i32
        %dma_start3A_138 = tpu.memref_slice %arg8[%run_scoped3A_97, %dma_start3A_137] : memref<8x128xi32, #tpu.memory_space<vmem>> -> memref<1x128xi32, #tpu.memory_space<vmem>>
        %dma_start3A_139 = tpu.memref_squeeze %dma_start3A_138 : memref<1x128xi32, #tpu.memory_space<vmem>> -> memref<128xi32, #tpu.memory_space<vmem>>
        %dma_start3A_140 = arith.constant 0 : i32
        %dma_start3A_141 = arith.constant 0 : i32
        %dma_start3A_142 = tpu.memref_slice %arg11[%dma_start3A_140, %dma_start3A_141] : memref<10240x128xf32, #tpu.memory_space<vmem_shared>> -> memref<10240x128xf32, #tpu.memory_space<vmem_shared>>
        tpu.enqueue_indirect_dma source(%arg9 : memref<128x128xf32, #tpu.memory_space<vmem>>) target(%dma_start3A_142 : memref<10240x128xf32, #tpu.memory_space<vmem_shared>>) offsets(%dma_start3A_139 : memref<128xi32, #tpu.memory_space<vmem>>) semaphore(%run_scoped3A_136 : memref<!tpu.dma_semaphore, #tpu.memory_space<semaphore_mem>>) {add = true}
        %dma_wait3A_143 = arith.constant 0 : i32
        %dma_wait3A_144 = tpu.memref_slice %arg8[%run_scoped3A_97, %dma_wait3A_143] : memref<8x128xi32, #tpu.memory_space<vmem>> -> memref<1x128xi32, #tpu.memory_space<vmem>>
        %dma_wait3A_145 = tpu.memref_squeeze %dma_wait3A_144 : memref<1x128xi32, #tpu.memory_space<vmem>> -> memref<128xi32, #tpu.memory_space<vmem>>
        %dma_wait3A_146 = arith.constant 0 : i32
        %dma_wait3A_147 = arith.constant 0 : i32
        %dma_wait3A_148 = tpu.memref_slice %arg11[%dma_wait3A_146, %dma_wait3A_147] : memref<10240x128xf32, #tpu.memory_space<vmem_shared>> -> memref<10240x128xf32, #tpu.memory_space<vmem_shared>>
        tpu.wait_indirect_dma semaphore(%run_scoped3A_136 : memref<!tpu.dma_semaphore, #tpu.memory_space<semaphore_mem>>) src(%arg9 : memref<128x128xf32, #tpu.memory_space<vmem>>) dst(%dma_wait3A_148 : memref<10240x128xf32, #tpu.memory_space<vmem_shared>>)
        tpu.yield
      }) : () -> ()
      %dma_wait3A_98 = arith.constant 5 : i32
      %dma_wait3A_99 = arith.constant 0 : i32
      %dma_wait3A_100 = tpu.memref_slice %arg7[%dma_wait3A_98, %dma_wait3A_99] : memref<8x128xi32, #tpu.memory_space<vmem>> -> memref<1x128xi32, #tpu.memory_space<vmem>>
      %dma_wait3A_101 = tpu.memref_squeeze %dma_wait3A_100 : memref<1x128xi32, #tpu.memory_space<vmem>> -> memref<128xi32, #tpu.memory_space<vmem>>
      %dma_wait3A_102 = arith.constant 0 : i32
      %dma_wait3A_103 = arith.constant 0 : i32
      %dma_wait3A_104 = tpu.memref_slice %arg4[%dma_wait3A_102, %dma_wait3A_103] : memref<20000x128xf32, #tpu.memory_space<hbm>> -> memref<20000x128xf32, #tpu.memory_space<hbm>>
      tpu.wait_indirect_dma semaphore(%arg13 : memref<!tpu.dma_semaphore, #tpu.memory_space<semaphore_mem>>) src(%dma_wait3A_104 : memref<20000x128xf32, #tpu.memory_space<hbm>>) dst(%arg10 : memref<128x128xf32, #tpu.memory_space<vmem>>)
      %dma_start3A_105 = arith.constant 6 : i32
      %dma_start3A_106 = arith.constant 0 : i32
      %dma_start3A_107 = tpu.memref_slice %arg7[%dma_start3A_105, %dma_start3A_106] : memref<8x128xi32, #tpu.memory_space<vmem>> -> memref<1x128xi32, #tpu.memory_space<vmem>>
      %dma_start3A_108 = tpu.memref_squeeze %dma_start3A_107 : memref<1x128xi32, #tpu.memory_space<vmem>> -> memref<128xi32, #tpu.memory_space<vmem>>
      %dma_start3A_109 = arith.constant 0 : i32
      %dma_start3A_110 = arith.constant 0 : i32
      %dma_start3A_111 = tpu.memref_slice %arg4[%dma_start3A_109, %dma_start3A_110] : memref<20000x128xf32, #tpu.memory_space<hbm>> -> memref<20000x128xf32, #tpu.memory_space<hbm>>
      tpu.enqueue_indirect_dma source(%dma_start3A_111 : memref<20000x128xf32, #tpu.memory_space<hbm>>) target(%arg9 : memref<128x128xf32, #tpu.memory_space<vmem>>) offsets(%dma_start3A_108 : memref<128xi32, #tpu.memory_space<vmem>>) semaphore(%arg12 : memref<!tpu.dma_semaphore, #tpu.memory_space<semaphore_mem>>)
      %run_scoped3A_112 = arith.constant 5 : i32
      "tpu.region"() ({
        %run_scoped3A_136 = tpu.sem_alloc : memref<!tpu.dma_semaphore, #tpu.memory_space<semaphore_mem>>
        %dma_start3A_137 = arith.constant 0 : i32
        %dma_start3A_138 = tpu.memref_slice %arg8[%run_scoped3A_112, %dma_start3A_137] : memref<8x128xi32, #tpu.memory_space<vmem>> -> memref<1x128xi32, #tpu.memory_space<vmem>>
        %dma_start3A_139 = tpu.memref_squeeze %dma_start3A_138 : memref<1x128xi32, #tpu.memory_space<vmem>> -> memref<128xi32, #tpu.memory_space<vmem>>
        %dma_start3A_140 = arith.constant 0 : i32
        %dma_start3A_141 = arith.constant 0 : i32
        %dma_start3A_142 = tpu.memref_slice %arg11[%dma_start3A_140, %dma_start3A_141] : memref<10240x128xf32, #tpu.memory_space<vmem_shared>> -> memref<10240x128xf32, #tpu.memory_space<vmem_shared>>
        tpu.enqueue_indirect_dma source(%arg10 : memref<128x128xf32, #tpu.memory_space<vmem>>) target(%dma_start3A_142 : memref<10240x128xf32, #tpu.memory_space<vmem_shared>>) offsets(%dma_start3A_139 : memref<128xi32, #tpu.memory_space<vmem>>) semaphore(%run_scoped3A_136 : memref<!tpu.dma_semaphore, #tpu.memory_space<semaphore_mem>>) {add = true}
        %dma_wait3A_143 = arith.constant 0 : i32
        %dma_wait3A_144 = tpu.memref_slice %arg8[%run_scoped3A_112, %dma_wait3A_143] : memref<8x128xi32, #tpu.memory_space<vmem>> -> memref<1x128xi32, #tpu.memory_space<vmem>>
        %dma_wait3A_145 = tpu.memref_squeeze %dma_wait3A_144 : memref<1x128xi32, #tpu.memory_space<vmem>> -> memref<128xi32, #tpu.memory_space<vmem>>
        %dma_wait3A_146 = arith.constant 0 : i32
        %dma_wait3A_147 = arith.constant 0 : i32
        %dma_wait3A_148 = tpu.memref_slice %arg11[%dma_wait3A_146, %dma_wait3A_147] : memref<10240x128xf32, #tpu.memory_space<vmem_shared>> -> memref<10240x128xf32, #tpu.memory_space<vmem_shared>>
        tpu.wait_indirect_dma semaphore(%run_scoped3A_136 : memref<!tpu.dma_semaphore, #tpu.memory_space<semaphore_mem>>) src(%arg10 : memref<128x128xf32, #tpu.memory_space<vmem>>) dst(%dma_wait3A_148 : memref<10240x128xf32, #tpu.memory_space<vmem_shared>>)
        tpu.yield
      }) : () -> ()
      %dma_wait3A_113 = arith.constant 6 : i32
      %dma_wait3A_114 = arith.constant 0 : i32
      %dma_wait3A_115 = tpu.memref_slice %arg7[%dma_wait3A_113, %dma_wait3A_114] : memref<8x128xi32, #tpu.memory_space<vmem>> -> memref<1x128xi32, #tpu.memory_space<vmem>>
      %dma_wait3A_116 = tpu.memref_squeeze %dma_wait3A_115 : memref<1x128xi32, #tpu.memory_space<vmem>> -> memref<128xi32, #tpu.memory_space<vmem>>
      %dma_wait3A_117 = arith.constant 0 : i32
      %dma_wait3A_118 = arith.constant 0 : i32
      %dma_wait3A_119 = tpu.memref_slice %arg4[%dma_wait3A_117, %dma_wait3A_118] : memref<20000x128xf32, #tpu.memory_space<hbm>> -> memref<20000x128xf32, #tpu.memory_space<hbm>>
      tpu.wait_indirect_dma semaphore(%arg12 : memref<!tpu.dma_semaphore, #tpu.memory_space<semaphore_mem>>) src(%dma_wait3A_119 : memref<20000x128xf32, #tpu.memory_space<hbm>>) dst(%arg9 : memref<128x128xf32, #tpu.memory_space<vmem>>)
      %dma_start3A_120 = arith.constant 7 : i32
      %dma_start3A_121 = arith.constant 0 : i32
      %dma_start3A_122 = tpu.memref_slice %arg7[%dma_start3A_120, %dma_start3A_121] : memref<8x128xi32, #tpu.memory_space<vmem>> -> memref<1x128xi32, #tpu.memory_space<vmem>>
      %dma_start3A_123 = tpu.memref_squeeze %dma_start3A_122 : memref<1x128xi32, #tpu.memory_space<vmem>> -> memref<128xi32, #tpu.memory_space<vmem>>
      %dma_start3A_124 = arith.constant 0 : i32
      %dma_start3A_125 = arith.constant 0 : i32
      %dma_start3A_126 = tpu.memref_slice %arg4[%dma_start3A_124, %dma_start3A_125] : memref<20000x128xf32, #tpu.memory_space<hbm>> -> memref<20000x128xf32, #tpu.memory_space<hbm>>
      tpu.enqueue_indirect_dma source(%dma_start3A_126 : memref<20000x128xf32, #tpu.memory_space<hbm>>) target(%arg10 : memref<128x128xf32, #tpu.memory_space<vmem>>) offsets(%dma_start3A_123 : memref<128xi32, #tpu.memory_space<vmem>>) semaphore(%arg13 : memref<!tpu.dma_semaphore, #tpu.memory_space<semaphore_mem>>)
      %run_scoped3A_127 = arith.constant 6 : i32
      "tpu.region"() ({
        %run_scoped3A_136 = tpu.sem_alloc : memref<!tpu.dma_semaphore, #tpu.memory_space<semaphore_mem>>
        %dma_start3A_137 = arith.constant 0 : i32
        %dma_start3A_138 = tpu.memref_slice %arg8[%run_scoped3A_127, %dma_start3A_137] : memref<8x128xi32, #tpu.memory_space<vmem>> -> memref<1x128xi32, #tpu.memory_space<vmem>>
        %dma_start3A_139 = tpu.memref_squeeze %dma_start3A_138 : memref<1x128xi32, #tpu.memory_space<vmem>> -> memref<128xi32, #tpu.memory_space<vmem>>
        %dma_start3A_140 = arith.constant 0 : i32
        %dma_start3A_141 = arith.constant 0 : i32
        %dma_start3A_142 = tpu.memref_slice %arg11[%dma_start3A_140, %dma_start3A_141] : memref<10240x128xf32, #tpu.memory_space<vmem_shared>> -> memref<10240x128xf32, #tpu.memory_space<vmem_shared>>
        tpu.enqueue_indirect_dma source(%arg9 : memref<128x128xf32, #tpu.memory_space<vmem>>) target(%dma_start3A_142 : memref<10240x128xf32, #tpu.memory_space<vmem_shared>>) offsets(%dma_start3A_139 : memref<128xi32, #tpu.memory_space<vmem>>) semaphore(%run_scoped3A_136 : memref<!tpu.dma_semaphore, #tpu.memory_space<semaphore_mem>>) {add = true}
        %dma_wait3A_143 = arith.constant 0 : i32
        %dma_wait3A_144 = tpu.memref_slice %arg8[%run_scoped3A_127, %dma_wait3A_143] : memref<8x128xi32, #tpu.memory_space<vmem>> -> memref<1x128xi32, #tpu.memory_space<vmem>>
        %dma_wait3A_145 = tpu.memref_squeeze %dma_wait3A_144 : memref<1x128xi32, #tpu.memory_space<vmem>> -> memref<128xi32, #tpu.memory_space<vmem>>
        %dma_wait3A_146 = arith.constant 0 : i32
        %dma_wait3A_147 = arith.constant 0 : i32
        %dma_wait3A_148 = tpu.memref_slice %arg11[%dma_wait3A_146, %dma_wait3A_147] : memref<10240x128xf32, #tpu.memory_space<vmem_shared>> -> memref<10240x128xf32, #tpu.memory_space<vmem_shared>>
        tpu.wait_indirect_dma semaphore(%run_scoped3A_136 : memref<!tpu.dma_semaphore, #tpu.memory_space<semaphore_mem>>) src(%arg9 : memref<128x128xf32, #tpu.memory_space<vmem>>) dst(%dma_wait3A_148 : memref<10240x128xf32, #tpu.memory_space<vmem_shared>>)
        tpu.yield
      }) : () -> ()
      %dma_wait3A_128 = arith.constant 7 : i32
      %dma_wait3A_129 = arith.constant 0 : i32
      %dma_wait3A_130 = tpu.memref_slice %arg7[%dma_wait3A_128, %dma_wait3A_129] : memref<8x128xi32, #tpu.memory_space<vmem>> -> memref<1x128xi32, #tpu.memory_space<vmem>>
      %dma_wait3A_131 = tpu.memref_squeeze %dma_wait3A_130 : memref<1x128xi32, #tpu.memory_space<vmem>> -> memref<128xi32, #tpu.memory_space<vmem>>
      %dma_wait3A_132 = arith.constant 0 : i32
      %dma_wait3A_133 = arith.constant 0 : i32
      %dma_wait3A_134 = tpu.memref_slice %arg4[%dma_wait3A_132, %dma_wait3A_133] : memref<20000x128xf32, #tpu.memory_space<hbm>> -> memref<20000x128xf32, #tpu.memory_space<hbm>>
      tpu.wait_indirect_dma semaphore(%arg13 : memref<!tpu.dma_semaphore, #tpu.memory_space<semaphore_mem>>) src(%dma_wait3A_134 : memref<20000x128xf32, #tpu.memory_space<hbm>>) dst(%arg10 : memref<128x128xf32, #tpu.memory_space<vmem>>)
      %run_scoped3A_135 = arith.constant 7 : i32
      "tpu.region"() ({
        %run_scoped3A_136 = tpu.sem_alloc : memref<!tpu.dma_semaphore, #tpu.memory_space<semaphore_mem>>
        %dma_start3A_137 = arith.constant 0 : i32
        %dma_start3A_138 = tpu.memref_slice %arg8[%run_scoped3A_135, %dma_start3A_137] : memref<8x128xi32, #tpu.memory_space<vmem>> -> memref<1x128xi32, #tpu.memory_space<vmem>>
        %dma_start3A_139 = tpu.memref_squeeze %dma_start3A_138 : memref<1x128xi32, #tpu.memory_space<vmem>> -> memref<128xi32, #tpu.memory_space<vmem>>
        %dma_start3A_140 = arith.constant 0 : i32
        %dma_start3A_141 = arith.constant 0 : i32
        %dma_start3A_142 = tpu.memref_slice %arg11[%dma_start3A_140, %dma_start3A_141] : memref<10240x128xf32, #tpu.memory_space<vmem_shared>> -> memref<10240x128xf32, #tpu.memory_space<vmem_shared>>
        tpu.enqueue_indirect_dma source(%arg10 : memref<128x128xf32, #tpu.memory_space<vmem>>) target(%dma_start3A_142 : memref<10240x128xf32, #tpu.memory_space<vmem_shared>>) offsets(%dma_start3A_139 : memref<128xi32, #tpu.memory_space<vmem>>) semaphore(%run_scoped3A_136 : memref<!tpu.dma_semaphore, #tpu.memory_space<semaphore_mem>>) {add = true}
        %dma_wait3A_143 = arith.constant 0 : i32
        %dma_wait3A_144 = tpu.memref_slice %arg8[%run_scoped3A_135, %dma_wait3A_143] : memref<8x128xi32, #tpu.memory_space<vmem>> -> memref<1x128xi32, #tpu.memory_space<vmem>>
        %dma_wait3A_145 = tpu.memref_squeeze %dma_wait3A_144 : memref<1x128xi32, #tpu.memory_space<vmem>> -> memref<128xi32, #tpu.memory_space<vmem>>
        %dma_wait3A_146 = arith.constant 0 : i32
        %dma_wait3A_147 = arith.constant 0 : i32
        %dma_wait3A_148 = tpu.memref_slice %arg11[%dma_wait3A_146, %dma_wait3A_147] : memref<10240x128xf32, #tpu.memory_space<vmem_shared>> -> memref<10240x128xf32, #tpu.memory_space<vmem_shared>>
        tpu.wait_indirect_dma semaphore(%run_scoped3A_136 : memref<!tpu.dma_semaphore, #tpu.memory_space<semaphore_mem>>) src(%arg10 : memref<128x128xf32, #tpu.memory_space<vmem>>) dst(%dma_wait3A_148 : memref<10240x128xf32, #tpu.memory_space<vmem_shared>>)
        tpu.yield
      }) : () -> ()
    }
    %scan3A_6 = arith.constant 20 : i32
    %barrier3A_7 = arith.constant 0 : index
    tpu.barrier barrier_id(%barrier3A_7)
    %mul3A_8 = arith.constant 640 : i32
    %mul3A_9 = arith.muli %arg1, %mul3A_8 : i32
    %mul3A_10 = arith.constant 10240 : i32
    %mul3A_11 = arith.muli %arg0, %mul3A_10 : i32
    %mul3A_12 = arith.constant 640 : i32
    %mul3A_13 = arith.muli %arg1, %mul3A_12 : i32
    %add3A = arith.addi %mul3A_11, %mul3A_13 : i32
    "tpu.region"() ({
      %run_scoped3A = tpu.sem_alloc : memref<!tpu.dma_semaphore, #tpu.memory_space<semaphore_mem>>
      %dma_start3A = arith.constant 0 : i32
      %dma_start3A_14 = tpu.memref_slice %arg6[%add3A, %dma_start3A] : memref<20480x128xf32, #tpu.memory_space<hbm>> -> memref<640x128xf32, #tpu.memory_space<hbm>>
      %dma_start3A_15 = arith.constant 0 : i32
      %dma_start3A_16 = tpu.memref_slice %arg11[%mul3A_9, %dma_start3A_15] : memref<10240x128xf32, #tpu.memory_space<vmem_shared>> -> memref<640x128xf32, #tpu.memory_space<vmem_shared>>
      tpu.enqueue_dma source(%dma_start3A_16 : memref<640x128xf32, #tpu.memory_space<vmem_shared>>) target(%dma_start3A_14 : memref<640x128xf32, #tpu.memory_space<hbm>>) target_semaphore(%run_scoped3A : memref<!tpu.dma_semaphore, #tpu.memory_space<semaphore_mem>>)
      %dma_wait3A = arith.constant 0 : i32
      %dma_wait3A_17 = tpu.memref_slice %arg6[%add3A, %dma_wait3A] : memref<20480x128xf32, #tpu.memory_space<hbm>> -> memref<640x128xf32, #tpu.memory_space<hbm>>
      %dma_wait3A_18 = arith.constant 0 : i32
      %dma_wait3A_19 = tpu.memref_slice %arg11[%mul3A_9, %dma_wait3A_18] : memref<10240x128xf32, #tpu.memory_space<vmem_shared>> -> memref<640x128xf32, #tpu.memory_space<vmem_shared>>
      tpu.wait_dma2 semaphore(%run_scoped3A : memref<!tpu.dma_semaphore, #tpu.memory_space<semaphore_mem>>) src(%dma_wait3A_19 : memref<640x128xf32, #tpu.memory_space<vmem_shared>>) dst(%dma_wait3A_17 : memref<640x128xf32, #tpu.memory_space<hbm>>)
      tpu.yield
    }) : () -> ()
    return
  }
}

#map = affine_map<(d0, d1) -> (0, 0, 0, 0)>
#map1 = affine_map<(d0, d1) -> (0, 0)>
module attributes {stable_mosaic.version = 14 : i64} {
  func.func @sc_segsum_l0(%arg0: i32, %arg1: i32, %arg2: memref<16x13x8x128xi32, #tpu.memory_space<hbm>>, %arg3: memref<16x13x8x128xi32, #tpu.memory_space<hbm>>, %arg4: memref<16x7x8x128xi32, #tpu.memory_space<hbm>>, %arg5: memref<16x7x8x128xi32, #tpu.memory_space<hbm>>, %arg6: memref<10000x128xf32, #tpu.memory_space<hbm>>, %arg7: memref<10240x128xf32, #tpu.memory_space<hbm>>, %arg8: memref<20480x128xf32, #tpu.memory_space<hbm>>, %arg9: memref<8x128xi32, #tpu.memory_space<vmem>>, %arg10: memref<8x128xi32, #tpu.memory_space<vmem>>, %arg11: memref<128x128xf32, #tpu.memory_space<vmem>>, %arg12: memref<128x128xf32, #tpu.memory_space<vmem>>, %arg13: memref<10240x128xf32, #tpu.memory_space<vmem_shared>>, %arg14: memref<!tpu.dma_semaphore, #tpu.memory_space<semaphore_mem>>, %arg15: memref<!tpu.dma_semaphore, #tpu.memory_space<semaphore_mem>>) attributes {dimension_semantics = [#tpu.dimension_semantics<core_parallel>, #tpu.dimension_semantics<subcore_parallel>], iteration_bounds = array<i64: 2, 16>, scalar_prefetch = 0 : i64, scratch_operands = 7 : i64, tpu.core_type = #tpu.core_type<sc_vector_subcore>, window_params = [{transform_indices = #map}, {transform_indices = #map}, {transform_indices = #map}, {transform_indices = #map}, {transform_indices = #map1}, {transform_indices = #map1}, {transform_indices = #map1}]} {
    %mul3A = arith.constant 640 : i32
    %mul3A_0 = arith.muli %arg1, %mul3A : i32
    %mul3A_1 = arith.constant 640 : i32
    %mul3A_2 = arith.muli %arg1, %mul3A_1 : i32
    "tpu.region"() ({
      %run_scoped3A = tpu.sem_alloc : memref<!tpu.dma_semaphore, #tpu.memory_space<semaphore_mem>>
      %dma_start3A = arith.constant 0 : i32
      %dma_start3A_17 = tpu.memref_slice %arg13[%mul3A_2, %dma_start3A] : memref<10240x128xf32, #tpu.memory_space<vmem_shared>> -> memref<640x128xf32, #tpu.memory_space<vmem_shared>>
      %dma_start3A_18 = arith.constant 0 : i32
      %dma_start3A_19 = tpu.memref_slice %arg7[%mul3A_0, %dma_start3A_18] : memref<10240x128xf32, #tpu.memory_space<hbm>> -> memref<640x128xf32, #tpu.memory_space<hbm>>
      tpu.enqueue_dma source(%dma_start3A_19 : memref<640x128xf32, #tpu.memory_space<hbm>>) target(%dma_start3A_17 : memref<640x128xf32, #tpu.memory_space<vmem_shared>>) target_semaphore(%run_scoped3A : memref<!tpu.dma_semaphore, #tpu.memory_space<semaphore_mem>>)
      %dma_wait3A = arith.constant 0 : i32
      %dma_wait3A_20 = tpu.memref_slice %arg13[%mul3A_2, %dma_wait3A] : memref<10240x128xf32, #tpu.memory_space<vmem_shared>> -> memref<640x128xf32, #tpu.memory_space<vmem_shared>>
      %dma_wait3A_21 = arith.constant 0 : i32
      %dma_wait3A_22 = tpu.memref_slice %arg7[%mul3A_0, %dma_wait3A_21] : memref<10240x128xf32, #tpu.memory_space<hbm>> -> memref<640x128xf32, #tpu.memory_space<hbm>>
      tpu.wait_dma2 semaphore(%run_scoped3A : memref<!tpu.dma_semaphore, #tpu.memory_space<semaphore_mem>>) src(%dma_wait3A_22 : memref<640x128xf32, #tpu.memory_space<hbm>>) dst(%dma_wait3A_20 : memref<640x128xf32, #tpu.memory_space<vmem_shared>>)
      tpu.yield
    }) : () -> ()
    %barrier3A = arith.constant 0 : index
    tpu.barrier barrier_id(%barrier3A)
    %eq3A = arith.constant 0 : i32
    %eq3A_3 = arith.cmpi eq, %arg0, %eq3A : i32
    %convert_element_type3A = arith.extui %eq3A_3 : i1 to i32
    %cond3A = arith.constant 0 : i32
    %cond3A_4 = arith.cmpi ne, %convert_element_type3A, %cond3A : i32
    scf.if %cond3A_4 {
      %scan3A = arith.constant 0 : i32
      %scan3A_17 = arith.constant 13 : i32
      %scan3A_18 = arith.addi %scan3A, %scan3A_17 : i32
      %scan3A_19 = arith.constant 1 : i32
      scf.for %scan3A_21 = %scan3A to %scan3A_18 step %scan3A_19  : i32 {
        %mul3A_22 = arith.constant 1 : i32
        %mul3A_23 = arith.muli %scan3A_21, %mul3A_22 : i32
        %add3A_24 = arith.constant 0 : i32
        %add3A_25 = arith.addi %add3A_24, %mul3A_23 : i32
        "tpu.region"() ({
          %run_scoped3A_143 = tpu.sem_alloc : memref<!tpu.dma_semaphore, #tpu.memory_space<semaphore_mem>>
          %dma_start3A_144 = arith.constant 0 : i32
          %dma_start3A_145 = arith.constant 0 : i32
          %dma_start3A_146 = tpu.memref_slice %arg2[%arg1, %add3A_25, %dma_start3A_144, %dma_start3A_145] : memref<16x13x8x128xi32, #tpu.memory_space<hbm>> -> memref<1x1x8x128xi32, #tpu.memory_space<hbm>>
          %dma_start3A_147 = tpu.memref_squeeze %dma_start3A_146 : memref<1x1x8x128xi32, #tpu.memory_space<hbm>> -> memref<8x128xi32, #tpu.memory_space<hbm>>
          %dma_start3A_148 = arith.constant 0 : i32
          %dma_start3A_149 = arith.constant 0 : i32
          %dma_start3A_150 = tpu.memref_slice %arg2[%arg1, %add3A_25, %dma_start3A_148, %dma_start3A_149] : memref<16x13x8x128xi32, #tpu.memory_space<hbm>> -> memref<1x1x8x128xi32, #tpu.memory_space<hbm>>
          %dma_start3A_151 = tpu.memref_squeeze %dma_start3A_150 : memref<1x1x8x128xi32, #tpu.memory_space<hbm>> -> memref<8x128xi32, #tpu.memory_space<hbm>>
          tpu.enqueue_dma source(%dma_start3A_151 : memref<8x128xi32, #tpu.memory_space<hbm>>) target(%arg9 : memref<8x128xi32, #tpu.memory_space<vmem>>) target_semaphore(%run_scoped3A_143 : memref<!tpu.dma_semaphore, #tpu.memory_space<semaphore_mem>>)
          %dma_wait3A_152 = arith.constant 0 : i32
          %dma_wait3A_153 = arith.constant 0 : i32
          %dma_wait3A_154 = tpu.memref_slice %arg2[%arg1, %add3A_25, %dma_wait3A_152, %dma_wait3A_153] : memref<16x13x8x128xi32, #tpu.memory_space<hbm>> -> memref<1x1x8x128xi32, #tpu.memory_space<hbm>>
          %dma_wait3A_155 = tpu.memref_squeeze %dma_wait3A_154 : memref<1x1x8x128xi32, #tpu.memory_space<hbm>> -> memref<8x128xi32, #tpu.memory_space<hbm>>
          %dma_wait3A_156 = arith.constant 0 : i32
          %dma_wait3A_157 = arith.constant 0 : i32
          %dma_wait3A_158 = tpu.memref_slice %arg2[%arg1, %add3A_25, %dma_wait3A_156, %dma_wait3A_157] : memref<16x13x8x128xi32, #tpu.memory_space<hbm>> -> memref<1x1x8x128xi32, #tpu.memory_space<hbm>>
          %dma_wait3A_159 = tpu.memref_squeeze %dma_wait3A_158 : memref<1x1x8x128xi32, #tpu.memory_space<hbm>> -> memref<8x128xi32, #tpu.memory_space<hbm>>
          tpu.wait_dma2 semaphore(%run_scoped3A_143 : memref<!tpu.dma_semaphore, #tpu.memory_space<semaphore_mem>>) src(%dma_wait3A_159 : memref<8x128xi32, #tpu.memory_space<hbm>>) dst(%arg9 : memref<8x128xi32, #tpu.memory_space<vmem>>)
          tpu.yield
        }) : () -> ()
        "tpu.region"() ({
          %run_scoped3A_143 = tpu.sem_alloc : memref<!tpu.dma_semaphore, #tpu.memory_space<semaphore_mem>>
          %dma_start3A_144 = arith.constant 0 : i32
          %dma_start3A_145 = arith.constant 0 : i32
          %dma_start3A_146 = tpu.memref_slice %arg3[%arg1, %add3A_25, %dma_start3A_144, %dma_start3A_145] : memref<16x13x8x128xi32, #tpu.memory_space<hbm>> -> memref<1x1x8x128xi32, #tpu.memory_space<hbm>>
          %dma_start3A_147 = tpu.memref_squeeze %dma_start3A_146 : memref<1x1x8x128xi32, #tpu.memory_space<hbm>> -> memref<8x128xi32, #tpu.memory_space<hbm>>
          %dma_start3A_148 = arith.constant 0 : i32
          %dma_start3A_149 = arith.constant 0 : i32
          %dma_start3A_150 = tpu.memref_slice %arg3[%arg1, %add3A_25, %dma_start3A_148, %dma_start3A_149] : memref<16x13x8x128xi32, #tpu.memory_space<hbm>> -> memref<1x1x8x128xi32, #tpu.memory_space<hbm>>
          %dma_start3A_151 = tpu.memref_squeeze %dma_start3A_150 : memref<1x1x8x128xi32, #tpu.memory_space<hbm>> -> memref<8x128xi32, #tpu.memory_space<hbm>>
          tpu.enqueue_dma source(%dma_start3A_151 : memref<8x128xi32, #tpu.memory_space<hbm>>) target(%arg10 : memref<8x128xi32, #tpu.memory_space<vmem>>) target_semaphore(%run_scoped3A_143 : memref<!tpu.dma_semaphore, #tpu.memory_space<semaphore_mem>>)
          %dma_wait3A_152 = arith.constant 0 : i32
          %dma_wait3A_153 = arith.constant 0 : i32
          %dma_wait3A_154 = tpu.memref_slice %arg3[%arg1, %add3A_25, %dma_wait3A_152, %dma_wait3A_153] : memref<16x13x8x128xi32, #tpu.memory_space<hbm>> -> memref<1x1x8x128xi32, #tpu.memory_space<hbm>>
          %dma_wait3A_155 = tpu.memref_squeeze %dma_wait3A_154 : memref<1x1x8x128xi32, #tpu.memory_space<hbm>> -> memref<8x128xi32, #tpu.memory_space<hbm>>
          %dma_wait3A_156 = arith.constant 0 : i32
          %dma_wait3A_157 = arith.constant 0 : i32
          %dma_wait3A_158 = tpu.memref_slice %arg3[%arg1, %add3A_25, %dma_wait3A_156, %dma_wait3A_157] : memref<16x13x8x128xi32, #tpu.memory_space<hbm>> -> memref<1x1x8x128xi32, #tpu.memory_space<hbm>>
          %dma_wait3A_159 = tpu.memref_squeeze %dma_wait3A_158 : memref<1x1x8x128xi32, #tpu.memory_space<hbm>> -> memref<8x128xi32, #tpu.memory_space<hbm>>
          tpu.wait_dma2 semaphore(%run_scoped3A_143 : memref<!tpu.dma_semaphore, #tpu.memory_space<semaphore_mem>>) src(%dma_wait3A_159 : memref<8x128xi32, #tpu.memory_space<hbm>>) dst(%arg10 : memref<8x128xi32, #tpu.memory_space<vmem>>)
          tpu.yield
        }) : () -> ()
        %dma_start3A = arith.constant 0 : i32
        %dma_start3A_26 = arith.constant 0 : i32
        %dma_start3A_27 = tpu.memref_slice %arg9[%dma_start3A, %dma_start3A_26] : memref<8x128xi32, #tpu.memory_space<vmem>> -> memref<1x128xi32, #tpu.memory_space<vmem>>
        %dma_start3A_28 = tpu.memref_squeeze %dma_start3A_27 : memref<1x128xi32, #tpu.memory_space<vmem>> -> memref<128xi32, #tpu.memory_space<vmem>>
        %dma_start3A_29 = arith.constant 0 : i32
        %dma_start3A_30 = arith.constant 0 : i32
        %dma_start3A_31 = tpu.memref_slice %arg6[%dma_start3A_29, %dma_start3A_30] : memref<10000x128xf32, #tpu.memory_space<hbm>> -> memref<10000x128xf32, #tpu.memory_space<hbm>>
        tpu.enqueue_indirect_dma source(%dma_start3A_31 : memref<10000x128xf32, #tpu.memory_space<hbm>>) target(%arg11 : memref<128x128xf32, #tpu.memory_space<vmem>>) offsets(%dma_start3A_28 : memref<128xi32, #tpu.memory_space<vmem>>) semaphore(%arg14 : memref<!tpu.dma_semaphore, #tpu.memory_space<semaphore_mem>>)
        %dma_wait3A = arith.constant 0 : i32
        %dma_wait3A_32 = arith.constant 0 : i32
        %dma_wait3A_33 = tpu.memref_slice %arg9[%dma_wait3A, %dma_wait3A_32] : memref<8x128xi32, #tpu.memory_space<vmem>> -> memref<1x128xi32, #tpu.memory_space<vmem>>
        %dma_wait3A_34 = tpu.memref_squeeze %dma_wait3A_33 : memref<1x128xi32, #tpu.memory_space<vmem>> -> memref<128xi32, #tpu.memory_space<vmem>>
        %dma_wait3A_35 = arith.constant 0 : i32
        %dma_wait3A_36 = arith.constant 0 : i32
        %dma_wait3A_37 = tpu.memref_slice %arg6[%dma_wait3A_35, %dma_wait3A_36] : memref<10000x128xf32, #tpu.memory_space<hbm>> -> memref<10000x128xf32, #tpu.memory_space<hbm>>
        tpu.wait_indirect_dma semaphore(%arg14 : memref<!tpu.dma_semaphore, #tpu.memory_space<semaphore_mem>>) src(%dma_wait3A_37 : memref<10000x128xf32, #tpu.memory_space<hbm>>) dst(%arg11 : memref<128x128xf32, #tpu.memory_space<vmem>>)
        %dma_start3A_38 = arith.constant 1 : i32
        %dma_start3A_39 = arith.constant 0 : i32
        %dma_start3A_40 = tpu.memref_slice %arg9[%dma_start3A_38, %dma_start3A_39] : memref<8x128xi32, #tpu.memory_space<vmem>> -> memref<1x128xi32, #tpu.memory_space<vmem>>
        %dma_start3A_41 = tpu.memref_squeeze %dma_start3A_40 : memref<1x128xi32, #tpu.memory_space<vmem>> -> memref<128xi32, #tpu.memory_space<vmem>>
        %dma_start3A_42 = arith.constant 0 : i32
        %dma_start3A_43 = arith.constant 0 : i32
        %dma_start3A_44 = tpu.memref_slice %arg6[%dma_start3A_42, %dma_start3A_43] : memref<10000x128xf32, #tpu.memory_space<hbm>> -> memref<10000x128xf32, #tpu.memory_space<hbm>>
        tpu.enqueue_indirect_dma source(%dma_start3A_44 : memref<10000x128xf32, #tpu.memory_space<hbm>>) target(%arg12 : memref<128x128xf32, #tpu.memory_space<vmem>>) offsets(%dma_start3A_41 : memref<128xi32, #tpu.memory_space<vmem>>) semaphore(%arg15 : memref<!tpu.dma_semaphore, #tpu.memory_space<semaphore_mem>>)
        %run_scoped3A = arith.constant 0 : i32
        "tpu.region"() ({
          %run_scoped3A_143 = tpu.sem_alloc : memref<!tpu.dma_semaphore, #tpu.memory_space<semaphore_mem>>
          %dma_start3A_144 = arith.constant 0 : i32
          %dma_start3A_145 = tpu.memref_slice %arg10[%run_scoped3A, %dma_start3A_144] : memref<8x128xi32, #tpu.memory_space<vmem>> -> memref<1x128xi32, #tpu.memory_space<vmem>>
          %dma_start3A_146 = tpu.memref_squeeze %dma_start3A_145 : memref<1x128xi32, #tpu.memory_space<vmem>> -> memref<128xi32, #tpu.memory_space<vmem>>
          %dma_start3A_147 = arith.constant 0 : i32
          %dma_start3A_148 = arith.constant 0 : i32
          %dma_start3A_149 = tpu.memref_slice %arg13[%dma_start3A_147, %dma_start3A_148] : memref<10240x128xf32, #tpu.memory_space<vmem_shared>> -> memref<10240x128xf32, #tpu.memory_space<vmem_shared>>
          tpu.enqueue_indirect_dma source(%arg11 : memref<128x128xf32, #tpu.memory_space<vmem>>) target(%dma_start3A_149 : memref<10240x128xf32, #tpu.memory_space<vmem_shared>>) offsets(%dma_start3A_146 : memref<128xi32, #tpu.memory_space<vmem>>) semaphore(%run_scoped3A_143 : memref<!tpu.dma_semaphore, #tpu.memory_space<semaphore_mem>>) {add = true}
          %dma_wait3A_150 = arith.constant 0 : i32
          %dma_wait3A_151 = tpu.memref_slice %arg10[%run_scoped3A, %dma_wait3A_150] : memref<8x128xi32, #tpu.memory_space<vmem>> -> memref<1x128xi32, #tpu.memory_space<vmem>>
          %dma_wait3A_152 = tpu.memref_squeeze %dma_wait3A_151 : memref<1x128xi32, #tpu.memory_space<vmem>> -> memref<128xi32, #tpu.memory_space<vmem>>
          %dma_wait3A_153 = arith.constant 0 : i32
          %dma_wait3A_154 = arith.constant 0 : i32
          %dma_wait3A_155 = tpu.memref_slice %arg13[%dma_wait3A_153, %dma_wait3A_154] : memref<10240x128xf32, #tpu.memory_space<vmem_shared>> -> memref<10240x128xf32, #tpu.memory_space<vmem_shared>>
          tpu.wait_indirect_dma semaphore(%run_scoped3A_143 : memref<!tpu.dma_semaphore, #tpu.memory_space<semaphore_mem>>) src(%arg11 : memref<128x128xf32, #tpu.memory_space<vmem>>) dst(%dma_wait3A_155 : memref<10240x128xf32, #tpu.memory_space<vmem_shared>>)
          tpu.yield
        }) : () -> ()
        %dma_wait3A_45 = arith.constant 1 : i32
        %dma_wait3A_46 = arith.constant 0 : i32
        %dma_wait3A_47 = tpu.memref_slice %arg9[%dma_wait3A_45, %dma_wait3A_46] : memref<8x128xi32, #tpu.memory_space<vmem>> -> memref<1x128xi32, #tpu.memory_space<vmem>>
        %dma_wait3A_48 = tpu.memref_squeeze %dma_wait3A_47 : memref<1x128xi32, #tpu.memory_space<vmem>> -> memref<128xi32, #tpu.memory_space<vmem>>
        %dma_wait3A_49 = arith.constant 0 : i32
        %dma_wait3A_50 = arith.constant 0 : i32
        %dma_wait3A_51 = tpu.memref_slice %arg6[%dma_wait3A_49, %dma_wait3A_50] : memref<10000x128xf32, #tpu.memory_space<hbm>> -> memref<10000x128xf32, #tpu.memory_space<hbm>>
        tpu.wait_indirect_dma semaphore(%arg15 : memref<!tpu.dma_semaphore, #tpu.memory_space<semaphore_mem>>) src(%dma_wait3A_51 : memref<10000x128xf32, #tpu.memory_space<hbm>>) dst(%arg12 : memref<128x128xf32, #tpu.memory_space<vmem>>)
        %dma_start3A_52 = arith.constant 2 : i32
        %dma_start3A_53 = arith.constant 0 : i32
        %dma_start3A_54 = tpu.memref_slice %arg9[%dma_start3A_52, %dma_start3A_53] : memref<8x128xi32, #tpu.memory_space<vmem>> -> memref<1x128xi32, #tpu.memory_space<vmem>>
        %dma_start3A_55 = tpu.memref_squeeze %dma_start3A_54 : memref<1x128xi32, #tpu.memory_space<vmem>> -> memref<128xi32, #tpu.memory_space<vmem>>
        %dma_start3A_56 = arith.constant 0 : i32
        %dma_start3A_57 = arith.constant 0 : i32
        %dma_start3A_58 = tpu.memref_slice %arg6[%dma_start3A_56, %dma_start3A_57] : memref<10000x128xf32, #tpu.memory_space<hbm>> -> memref<10000x128xf32, #tpu.memory_space<hbm>>
        tpu.enqueue_indirect_dma source(%dma_start3A_58 : memref<10000x128xf32, #tpu.memory_space<hbm>>) target(%arg11 : memref<128x128xf32, #tpu.memory_space<vmem>>) offsets(%dma_start3A_55 : memref<128xi32, #tpu.memory_space<vmem>>) semaphore(%arg14 : memref<!tpu.dma_semaphore, #tpu.memory_space<semaphore_mem>>)
        %run_scoped3A_59 = arith.constant 1 : i32
        "tpu.region"() ({
          %run_scoped3A_143 = tpu.sem_alloc : memref<!tpu.dma_semaphore, #tpu.memory_space<semaphore_mem>>
          %dma_start3A_144 = arith.constant 0 : i32
          %dma_start3A_145 = tpu.memref_slice %arg10[%run_scoped3A_59, %dma_start3A_144] : memref<8x128xi32, #tpu.memory_space<vmem>> -> memref<1x128xi32, #tpu.memory_space<vmem>>
          %dma_start3A_146 = tpu.memref_squeeze %dma_start3A_145 : memref<1x128xi32, #tpu.memory_space<vmem>> -> memref<128xi32, #tpu.memory_space<vmem>>
          %dma_start3A_147 = arith.constant 0 : i32
          %dma_start3A_148 = arith.constant 0 : i32
          %dma_start3A_149 = tpu.memref_slice %arg13[%dma_start3A_147, %dma_start3A_148] : memref<10240x128xf32, #tpu.memory_space<vmem_shared>> -> memref<10240x128xf32, #tpu.memory_space<vmem_shared>>
          tpu.enqueue_indirect_dma source(%arg12 : memref<128x128xf32, #tpu.memory_space<vmem>>) target(%dma_start3A_149 : memref<10240x128xf32, #tpu.memory_space<vmem_shared>>) offsets(%dma_start3A_146 : memref<128xi32, #tpu.memory_space<vmem>>) semaphore(%run_scoped3A_143 : memref<!tpu.dma_semaphore, #tpu.memory_space<semaphore_mem>>) {add = true}
          %dma_wait3A_150 = arith.constant 0 : i32
          %dma_wait3A_151 = tpu.memref_slice %arg10[%run_scoped3A_59, %dma_wait3A_150] : memref<8x128xi32, #tpu.memory_space<vmem>> -> memref<1x128xi32, #tpu.memory_space<vmem>>
          %dma_wait3A_152 = tpu.memref_squeeze %dma_wait3A_151 : memref<1x128xi32, #tpu.memory_space<vmem>> -> memref<128xi32, #tpu.memory_space<vmem>>
          %dma_wait3A_153 = arith.constant 0 : i32
          %dma_wait3A_154 = arith.constant 0 : i32
          %dma_wait3A_155 = tpu.memref_slice %arg13[%dma_wait3A_153, %dma_wait3A_154] : memref<10240x128xf32, #tpu.memory_space<vmem_shared>> -> memref<10240x128xf32, #tpu.memory_space<vmem_shared>>
          tpu.wait_indirect_dma semaphore(%run_scoped3A_143 : memref<!tpu.dma_semaphore, #tpu.memory_space<semaphore_mem>>) src(%arg12 : memref<128x128xf32, #tpu.memory_space<vmem>>) dst(%dma_wait3A_155 : memref<10240x128xf32, #tpu.memory_space<vmem_shared>>)
          tpu.yield
        }) : () -> ()
        %dma_wait3A_60 = arith.constant 2 : i32
        %dma_wait3A_61 = arith.constant 0 : i32
        %dma_wait3A_62 = tpu.memref_slice %arg9[%dma_wait3A_60, %dma_wait3A_61] : memref<8x128xi32, #tpu.memory_space<vmem>> -> memref<1x128xi32, #tpu.memory_space<vmem>>
        %dma_wait3A_63 = tpu.memref_squeeze %dma_wait3A_62 : memref<1x128xi32, #tpu.memory_space<vmem>> -> memref<128xi32, #tpu.memory_space<vmem>>
        %dma_wait3A_64 = arith.constant 0 : i32
        %dma_wait3A_65 = arith.constant 0 : i32
        %dma_wait3A_66 = tpu.memref_slice %arg6[%dma_wait3A_64, %dma_wait3A_65] : memref<10000x128xf32, #tpu.memory_space<hbm>> -> memref<10000x128xf32, #tpu.memory_space<hbm>>
        tpu.wait_indirect_dma semaphore(%arg14 : memref<!tpu.dma_semaphore, #tpu.memory_space<semaphore_mem>>) src(%dma_wait3A_66 : memref<10000x128xf32, #tpu.memory_space<hbm>>) dst(%arg11 : memref<128x128xf32, #tpu.memory_space<vmem>>)
        %dma_start3A_67 = arith.constant 3 : i32
        %dma_start3A_68 = arith.constant 0 : i32
        %dma_start3A_69 = tpu.memref_slice %arg9[%dma_start3A_67, %dma_start3A_68] : memref<8x128xi32, #tpu.memory_space<vmem>> -> memref<1x128xi32, #tpu.memory_space<vmem>>
        %dma_start3A_70 = tpu.memref_squeeze %dma_start3A_69 : memref<1x128xi32, #tpu.memory_space<vmem>> -> memref<128xi32, #tpu.memory_space<vmem>>
        %dma_start3A_71 = arith.constant 0 : i32
        %dma_start3A_72 = arith.constant 0 : i32
        %dma_start3A_73 = tpu.memref_slice %arg6[%dma_start3A_71, %dma_start3A_72] : memref<10000x128xf32, #tpu.memory_space<hbm>> -> memref<10000x128xf32, #tpu.memory_space<hbm>>
        tpu.enqueue_indirect_dma source(%dma_start3A_73 : memref<10000x128xf32, #tpu.memory_space<hbm>>) target(%arg12 : memref<128x128xf32, #tpu.memory_space<vmem>>) offsets(%dma_start3A_70 : memref<128xi32, #tpu.memory_space<vmem>>) semaphore(%arg15 : memref<!tpu.dma_semaphore, #tpu.memory_space<semaphore_mem>>)
        %run_scoped3A_74 = arith.constant 2 : i32
        "tpu.region"() ({
          %run_scoped3A_143 = tpu.sem_alloc : memref<!tpu.dma_semaphore, #tpu.memory_space<semaphore_mem>>
          %dma_start3A_144 = arith.constant 0 : i32
          %dma_start3A_145 = tpu.memref_slice %arg10[%run_scoped3A_74, %dma_start3A_144] : memref<8x128xi32, #tpu.memory_space<vmem>> -> memref<1x128xi32, #tpu.memory_space<vmem>>
          %dma_start3A_146 = tpu.memref_squeeze %dma_start3A_145 : memref<1x128xi32, #tpu.memory_space<vmem>> -> memref<128xi32, #tpu.memory_space<vmem>>
          %dma_start3A_147 = arith.constant 0 : i32
          %dma_start3A_148 = arith.constant 0 : i32
          %dma_start3A_149 = tpu.memref_slice %arg13[%dma_start3A_147, %dma_start3A_148] : memref<10240x128xf32, #tpu.memory_space<vmem_shared>> -> memref<10240x128xf32, #tpu.memory_space<vmem_shared>>
          tpu.enqueue_indirect_dma source(%arg11 : memref<128x128xf32, #tpu.memory_space<vmem>>) target(%dma_start3A_149 : memref<10240x128xf32, #tpu.memory_space<vmem_shared>>) offsets(%dma_start3A_146 : memref<128xi32, #tpu.memory_space<vmem>>) semaphore(%run_scoped3A_143 : memref<!tpu.dma_semaphore, #tpu.memory_space<semaphore_mem>>) {add = true}
          %dma_wait3A_150 = arith.constant 0 : i32
          %dma_wait3A_151 = tpu.memref_slice %arg10[%run_scoped3A_74, %dma_wait3A_150] : memref<8x128xi32, #tpu.memory_space<vmem>> -> memref<1x128xi32, #tpu.memory_space<vmem>>
          %dma_wait3A_152 = tpu.memref_squeeze %dma_wait3A_151 : memref<1x128xi32, #tpu.memory_space<vmem>> -> memref<128xi32, #tpu.memory_space<vmem>>
          %dma_wait3A_153 = arith.constant 0 : i32
          %dma_wait3A_154 = arith.constant 0 : i32
          %dma_wait3A_155 = tpu.memref_slice %arg13[%dma_wait3A_153, %dma_wait3A_154] : memref<10240x128xf32, #tpu.memory_space<vmem_shared>> -> memref<10240x128xf32, #tpu.memory_space<vmem_shared>>
          tpu.wait_indirect_dma semaphore(%run_scoped3A_143 : memref<!tpu.dma_semaphore, #tpu.memory_space<semaphore_mem>>) src(%arg11 : memref<128x128xf32, #tpu.memory_space<vmem>>) dst(%dma_wait3A_155 : memref<10240x128xf32, #tpu.memory_space<vmem_shared>>)
          tpu.yield
        }) : () -> ()
        %dma_wait3A_75 = arith.constant 3 : i32
        %dma_wait3A_76 = arith.constant 0 : i32
        %dma_wait3A_77 = tpu.memref_slice %arg9[%dma_wait3A_75, %dma_wait3A_76] : memref<8x128xi32, #tpu.memory_space<vmem>> -> memref<1x128xi32, #tpu.memory_space<vmem>>
        %dma_wait3A_78 = tpu.memref_squeeze %dma_wait3A_77 : memref<1x128xi32, #tpu.memory_space<vmem>> -> memref<128xi32, #tpu.memory_space<vmem>>
        %dma_wait3A_79 = arith.constant 0 : i32
        %dma_wait3A_80 = arith.constant 0 : i32
        %dma_wait3A_81 = tpu.memref_slice %arg6[%dma_wait3A_79, %dma_wait3A_80] : memref<10000x128xf32, #tpu.memory_space<hbm>> -> memref<10000x128xf32, #tpu.memory_space<hbm>>
        tpu.wait_indirect_dma semaphore(%arg15 : memref<!tpu.dma_semaphore, #tpu.memory_space<semaphore_mem>>) src(%dma_wait3A_81 : memref<10000x128xf32, #tpu.memory_space<hbm>>) dst(%arg12 : memref<128x128xf32, #tpu.memory_space<vmem>>)
        %dma_start3A_82 = arith.constant 4 : i32
        %dma_start3A_83 = arith.constant 0 : i32
        %dma_start3A_84 = tpu.memref_slice %arg9[%dma_start3A_82, %dma_start3A_83] : memref<8x128xi32, #tpu.memory_space<vmem>> -> memref<1x128xi32, #tpu.memory_space<vmem>>
        %dma_start3A_85 = tpu.memref_squeeze %dma_start3A_84 : memref<1x128xi32, #tpu.memory_space<vmem>> -> memref<128xi32, #tpu.memory_space<vmem>>
        %dma_start3A_86 = arith.constant 0 : i32
        %dma_start3A_87 = arith.constant 0 : i32
        %dma_start3A_88 = tpu.memref_slice %arg6[%dma_start3A_86, %dma_start3A_87] : memref<10000x128xf32, #tpu.memory_space<hbm>> -> memref<10000x128xf32, #tpu.memory_space<hbm>>
        tpu.enqueue_indirect_dma source(%dma_start3A_88 : memref<10000x128xf32, #tpu.memory_space<hbm>>) target(%arg11 : memref<128x128xf32, #tpu.memory_space<vmem>>) offsets(%dma_start3A_85 : memref<128xi32, #tpu.memory_space<vmem>>) semaphore(%arg14 : memref<!tpu.dma_semaphore, #tpu.memory_space<semaphore_mem>>)
        %run_scoped3A_89 = arith.constant 3 : i32
        "tpu.region"() ({
          %run_scoped3A_143 = tpu.sem_alloc : memref<!tpu.dma_semaphore, #tpu.memory_space<semaphore_mem>>
          %dma_start3A_144 = arith.constant 0 : i32
          %dma_start3A_145 = tpu.memref_slice %arg10[%run_scoped3A_89, %dma_start3A_144] : memref<8x128xi32, #tpu.memory_space<vmem>> -> memref<1x128xi32, #tpu.memory_space<vmem>>
          %dma_start3A_146 = tpu.memref_squeeze %dma_start3A_145 : memref<1x128xi32, #tpu.memory_space<vmem>> -> memref<128xi32, #tpu.memory_space<vmem>>
          %dma_start3A_147 = arith.constant 0 : i32
          %dma_start3A_148 = arith.constant 0 : i32
          %dma_start3A_149 = tpu.memref_slice %arg13[%dma_start3A_147, %dma_start3A_148] : memref<10240x128xf32, #tpu.memory_space<vmem_shared>> -> memref<10240x128xf32, #tpu.memory_space<vmem_shared>>
          tpu.enqueue_indirect_dma source(%arg12 : memref<128x128xf32, #tpu.memory_space<vmem>>) target(%dma_start3A_149 : memref<10240x128xf32, #tpu.memory_space<vmem_shared>>) offsets(%dma_start3A_146 : memref<128xi32, #tpu.memory_space<vmem>>) semaphore(%run_scoped3A_143 : memref<!tpu.dma_semaphore, #tpu.memory_space<semaphore_mem>>) {add = true}
          %dma_wait3A_150 = arith.constant 0 : i32
          %dma_wait3A_151 = tpu.memref_slice %arg10[%run_scoped3A_89, %dma_wait3A_150] : memref<8x128xi32, #tpu.memory_space<vmem>> -> memref<1x128xi32, #tpu.memory_space<vmem>>
          %dma_wait3A_152 = tpu.memref_squeeze %dma_wait3A_151 : memref<1x128xi32, #tpu.memory_space<vmem>> -> memref<128xi32, #tpu.memory_space<vmem>>
          %dma_wait3A_153 = arith.constant 0 : i32
          %dma_wait3A_154 = arith.constant 0 : i32
          %dma_wait3A_155 = tpu.memref_slice %arg13[%dma_wait3A_153, %dma_wait3A_154] : memref<10240x128xf32, #tpu.memory_space<vmem_shared>> -> memref<10240x128xf32, #tpu.memory_space<vmem_shared>>
          tpu.wait_indirect_dma semaphore(%run_scoped3A_143 : memref<!tpu.dma_semaphore, #tpu.memory_space<semaphore_mem>>) src(%arg12 : memref<128x128xf32, #tpu.memory_space<vmem>>) dst(%dma_wait3A_155 : memref<10240x128xf32, #tpu.memory_space<vmem_shared>>)
          tpu.yield
        }) : () -> ()
        %dma_wait3A_90 = arith.constant 4 : i32
        %dma_wait3A_91 = arith.constant 0 : i32
        %dma_wait3A_92 = tpu.memref_slice %arg9[%dma_wait3A_90, %dma_wait3A_91] : memref<8x128xi32, #tpu.memory_space<vmem>> -> memref<1x128xi32, #tpu.memory_space<vmem>>
        %dma_wait3A_93 = tpu.memref_squeeze %dma_wait3A_92 : memref<1x128xi32, #tpu.memory_space<vmem>> -> memref<128xi32, #tpu.memory_space<vmem>>
        %dma_wait3A_94 = arith.constant 0 : i32
        %dma_wait3A_95 = arith.constant 0 : i32
        %dma_wait3A_96 = tpu.memref_slice %arg6[%dma_wait3A_94, %dma_wait3A_95] : memref<10000x128xf32, #tpu.memory_space<hbm>> -> memref<10000x128xf32, #tpu.memory_space<hbm>>
        tpu.wait_indirect_dma semaphore(%arg14 : memref<!tpu.dma_semaphore, #tpu.memory_space<semaphore_mem>>) src(%dma_wait3A_96 : memref<10000x128xf32, #tpu.memory_space<hbm>>) dst(%arg11 : memref<128x128xf32, #tpu.memory_space<vmem>>)
        %dma_start3A_97 = arith.constant 5 : i32
        %dma_start3A_98 = arith.constant 0 : i32
        %dma_start3A_99 = tpu.memref_slice %arg9[%dma_start3A_97, %dma_start3A_98] : memref<8x128xi32, #tpu.memory_space<vmem>> -> memref<1x128xi32, #tpu.memory_space<vmem>>
        %dma_start3A_100 = tpu.memref_squeeze %dma_start3A_99 : memref<1x128xi32, #tpu.memory_space<vmem>> -> memref<128xi32, #tpu.memory_space<vmem>>
        %dma_start3A_101 = arith.constant 0 : i32
        %dma_start3A_102 = arith.constant 0 : i32
        %dma_start3A_103 = tpu.memref_slice %arg6[%dma_start3A_101, %dma_start3A_102] : memref<10000x128xf32, #tpu.memory_space<hbm>> -> memref<10000x128xf32, #tpu.memory_space<hbm>>
        tpu.enqueue_indirect_dma source(%dma_start3A_103 : memref<10000x128xf32, #tpu.memory_space<hbm>>) target(%arg12 : memref<128x128xf32, #tpu.memory_space<vmem>>) offsets(%dma_start3A_100 : memref<128xi32, #tpu.memory_space<vmem>>) semaphore(%arg15 : memref<!tpu.dma_semaphore, #tpu.memory_space<semaphore_mem>>)
        %run_scoped3A_104 = arith.constant 4 : i32
        "tpu.region"() ({
          %run_scoped3A_143 = tpu.sem_alloc : memref<!tpu.dma_semaphore, #tpu.memory_space<semaphore_mem>>
          %dma_start3A_144 = arith.constant 0 : i32
          %dma_start3A_145 = tpu.memref_slice %arg10[%run_scoped3A_104, %dma_start3A_144] : memref<8x128xi32, #tpu.memory_space<vmem>> -> memref<1x128xi32, #tpu.memory_space<vmem>>
          %dma_start3A_146 = tpu.memref_squeeze %dma_start3A_145 : memref<1x128xi32, #tpu.memory_space<vmem>> -> memref<128xi32, #tpu.memory_space<vmem>>
          %dma_start3A_147 = arith.constant 0 : i32
          %dma_start3A_148 = arith.constant 0 : i32
          %dma_start3A_149 = tpu.memref_slice %arg13[%dma_start3A_147, %dma_start3A_148] : memref<10240x128xf32, #tpu.memory_space<vmem_shared>> -> memref<10240x128xf32, #tpu.memory_space<vmem_shared>>
          tpu.enqueue_indirect_dma source(%arg11 : memref<128x128xf32, #tpu.memory_space<vmem>>) target(%dma_start3A_149 : memref<10240x128xf32, #tpu.memory_space<vmem_shared>>) offsets(%dma_start3A_146 : memref<128xi32, #tpu.memory_space<vmem>>) semaphore(%run_scoped3A_143 : memref<!tpu.dma_semaphore, #tpu.memory_space<semaphore_mem>>) {add = true}
          %dma_wait3A_150 = arith.constant 0 : i32
          %dma_wait3A_151 = tpu.memref_slice %arg10[%run_scoped3A_104, %dma_wait3A_150] : memref<8x128xi32, #tpu.memory_space<vmem>> -> memref<1x128xi32, #tpu.memory_space<vmem>>
          %dma_wait3A_152 = tpu.memref_squeeze %dma_wait3A_151 : memref<1x128xi32, #tpu.memory_space<vmem>> -> memref<128xi32, #tpu.memory_space<vmem>>
          %dma_wait3A_153 = arith.constant 0 : i32
          %dma_wait3A_154 = arith.constant 0 : i32
          %dma_wait3A_155 = tpu.memref_slice %arg13[%dma_wait3A_153, %dma_wait3A_154] : memref<10240x128xf32, #tpu.memory_space<vmem_shared>> -> memref<10240x128xf32, #tpu.memory_space<vmem_shared>>
          tpu.wait_indirect_dma semaphore(%run_scoped3A_143 : memref<!tpu.dma_semaphore, #tpu.memory_space<semaphore_mem>>) src(%arg11 : memref<128x128xf32, #tpu.memory_space<vmem>>) dst(%dma_wait3A_155 : memref<10240x128xf32, #tpu.memory_space<vmem_shared>>)
          tpu.yield
        }) : () -> ()
        %dma_wait3A_105 = arith.constant 5 : i32
        %dma_wait3A_106 = arith.constant 0 : i32
        %dma_wait3A_107 = tpu.memref_slice %arg9[%dma_wait3A_105, %dma_wait3A_106] : memref<8x128xi32, #tpu.memory_space<vmem>> -> memref<1x128xi32, #tpu.memory_space<vmem>>
        %dma_wait3A_108 = tpu.memref_squeeze %dma_wait3A_107 : memref<1x128xi32, #tpu.memory_space<vmem>> -> memref<128xi32, #tpu.memory_space<vmem>>
        %dma_wait3A_109 = arith.constant 0 : i32
        %dma_wait3A_110 = arith.constant 0 : i32
        %dma_wait3A_111 = tpu.memref_slice %arg6[%dma_wait3A_109, %dma_wait3A_110] : memref<10000x128xf32, #tpu.memory_space<hbm>> -> memref<10000x128xf32, #tpu.memory_space<hbm>>
        tpu.wait_indirect_dma semaphore(%arg15 : memref<!tpu.dma_semaphore, #tpu.memory_space<semaphore_mem>>) src(%dma_wait3A_111 : memref<10000x128xf32, #tpu.memory_space<hbm>>) dst(%arg12 : memref<128x128xf32, #tpu.memory_space<vmem>>)
        %dma_start3A_112 = arith.constant 6 : i32
        %dma_start3A_113 = arith.constant 0 : i32
        %dma_start3A_114 = tpu.memref_slice %arg9[%dma_start3A_112, %dma_start3A_113] : memref<8x128xi32, #tpu.memory_space<vmem>> -> memref<1x128xi32, #tpu.memory_space<vmem>>
        %dma_start3A_115 = tpu.memref_squeeze %dma_start3A_114 : memref<1x128xi32, #tpu.memory_space<vmem>> -> memref<128xi32, #tpu.memory_space<vmem>>
        %dma_start3A_116 = arith.constant 0 : i32
        %dma_start3A_117 = arith.constant 0 : i32
        %dma_start3A_118 = tpu.memref_slice %arg6[%dma_start3A_116, %dma_start3A_117] : memref<10000x128xf32, #tpu.memory_space<hbm>> -> memref<10000x128xf32, #tpu.memory_space<hbm>>
        tpu.enqueue_indirect_dma source(%dma_start3A_118 : memref<10000x128xf32, #tpu.memory_space<hbm>>) target(%arg11 : memref<128x128xf32, #tpu.memory_space<vmem>>) offsets(%dma_start3A_115 : memref<128xi32, #tpu.memory_space<vmem>>) semaphore(%arg14 : memref<!tpu.dma_semaphore, #tpu.memory_space<semaphore_mem>>)
        %run_scoped3A_119 = arith.constant 5 : i32
        "tpu.region"() ({
          %run_scoped3A_143 = tpu.sem_alloc : memref<!tpu.dma_semaphore, #tpu.memory_space<semaphore_mem>>
          %dma_start3A_144 = arith.constant 0 : i32
          %dma_start3A_145 = tpu.memref_slice %arg10[%run_scoped3A_119, %dma_start3A_144] : memref<8x128xi32, #tpu.memory_space<vmem>> -> memref<1x128xi32, #tpu.memory_space<vmem>>
          %dma_start3A_146 = tpu.memref_squeeze %dma_start3A_145 : memref<1x128xi32, #tpu.memory_space<vmem>> -> memref<128xi32, #tpu.memory_space<vmem>>
          %dma_start3A_147 = arith.constant 0 : i32
          %dma_start3A_148 = arith.constant 0 : i32
          %dma_start3A_149 = tpu.memref_slice %arg13[%dma_start3A_147, %dma_start3A_148] : memref<10240x128xf32, #tpu.memory_space<vmem_shared>> -> memref<10240x128xf32, #tpu.memory_space<vmem_shared>>
          tpu.enqueue_indirect_dma source(%arg12 : memref<128x128xf32, #tpu.memory_space<vmem>>) target(%dma_start3A_149 : memref<10240x128xf32, #tpu.memory_space<vmem_shared>>) offsets(%dma_start3A_146 : memref<128xi32, #tpu.memory_space<vmem>>) semaphore(%run_scoped3A_143 : memref<!tpu.dma_semaphore, #tpu.memory_space<semaphore_mem>>) {add = true}
          %dma_wait3A_150 = arith.constant 0 : i32
          %dma_wait3A_151 = tpu.memref_slice %arg10[%run_scoped3A_119, %dma_wait3A_150] : memref<8x128xi32, #tpu.memory_space<vmem>> -> memref<1x128xi32, #tpu.memory_space<vmem>>
          %dma_wait3A_152 = tpu.memref_squeeze %dma_wait3A_151 : memref<1x128xi32, #tpu.memory_space<vmem>> -> memref<128xi32, #tpu.memory_space<vmem>>
          %dma_wait3A_153 = arith.constant 0 : i32
          %dma_wait3A_154 = arith.constant 0 : i32
          %dma_wait3A_155 = tpu.memref_slice %arg13[%dma_wait3A_153, %dma_wait3A_154] : memref<10240x128xf32, #tpu.memory_space<vmem_shared>> -> memref<10240x128xf32, #tpu.memory_space<vmem_shared>>
          tpu.wait_indirect_dma semaphore(%run_scoped3A_143 : memref<!tpu.dma_semaphore, #tpu.memory_space<semaphore_mem>>) src(%arg12 : memref<128x128xf32, #tpu.memory_space<vmem>>) dst(%dma_wait3A_155 : memref<10240x128xf32, #tpu.memory_space<vmem_shared>>)
          tpu.yield
        }) : () -> ()
        %dma_wait3A_120 = arith.constant 6 : i32
        %dma_wait3A_121 = arith.constant 0 : i32
        %dma_wait3A_122 = tpu.memref_slice %arg9[%dma_wait3A_120, %dma_wait3A_121] : memref<8x128xi32, #tpu.memory_space<vmem>> -> memref<1x128xi32, #tpu.memory_space<vmem>>
        %dma_wait3A_123 = tpu.memref_squeeze %dma_wait3A_122 : memref<1x128xi32, #tpu.memory_space<vmem>> -> memref<128xi32, #tpu.memory_space<vmem>>
        %dma_wait3A_124 = arith.constant 0 : i32
        %dma_wait3A_125 = arith.constant 0 : i32
        %dma_wait3A_126 = tpu.memref_slice %arg6[%dma_wait3A_124, %dma_wait3A_125] : memref<10000x128xf32, #tpu.memory_space<hbm>> -> memref<10000x128xf32, #tpu.memory_space<hbm>>
        tpu.wait_indirect_dma semaphore(%arg14 : memref<!tpu.dma_semaphore, #tpu.memory_space<semaphore_mem>>) src(%dma_wait3A_126 : memref<10000x128xf32, #tpu.memory_space<hbm>>) dst(%arg11 : memref<128x128xf32, #tpu.memory_space<vmem>>)
        %dma_start3A_127 = arith.constant 7 : i32
        %dma_start3A_128 = arith.constant 0 : i32
        %dma_start3A_129 = tpu.memref_slice %arg9[%dma_start3A_127, %dma_start3A_128] : memref<8x128xi32, #tpu.memory_space<vmem>> -> memref<1x128xi32, #tpu.memory_space<vmem>>
        %dma_start3A_130 = tpu.memref_squeeze %dma_start3A_129 : memref<1x128xi32, #tpu.memory_space<vmem>> -> memref<128xi32, #tpu.memory_space<vmem>>
        %dma_start3A_131 = arith.constant 0 : i32
        %dma_start3A_132 = arith.constant 0 : i32
        %dma_start3A_133 = tpu.memref_slice %arg6[%dma_start3A_131, %dma_start3A_132] : memref<10000x128xf32, #tpu.memory_space<hbm>> -> memref<10000x128xf32, #tpu.memory_space<hbm>>
        tpu.enqueue_indirect_dma source(%dma_start3A_133 : memref<10000x128xf32, #tpu.memory_space<hbm>>) target(%arg12 : memref<128x128xf32, #tpu.memory_space<vmem>>) offsets(%dma_start3A_130 : memref<128xi32, #tpu.memory_space<vmem>>) semaphore(%arg15 : memref<!tpu.dma_semaphore, #tpu.memory_space<semaphore_mem>>)
        %run_scoped3A_134 = arith.constant 6 : i32
        "tpu.region"() ({
          %run_scoped3A_143 = tpu.sem_alloc : memref<!tpu.dma_semaphore, #tpu.memory_space<semaphore_mem>>
          %dma_start3A_144 = arith.constant 0 : i32
          %dma_start3A_145 = tpu.memref_slice %arg10[%run_scoped3A_134, %dma_start3A_144] : memref<8x128xi32, #tpu.memory_space<vmem>> -> memref<1x128xi32, #tpu.memory_space<vmem>>
          %dma_start3A_146 = tpu.memref_squeeze %dma_start3A_145 : memref<1x128xi32, #tpu.memory_space<vmem>> -> memref<128xi32, #tpu.memory_space<vmem>>
          %dma_start3A_147 = arith.constant 0 : i32
          %dma_start3A_148 = arith.constant 0 : i32
          %dma_start3A_149 = tpu.memref_slice %arg13[%dma_start3A_147, %dma_start3A_148] : memref<10240x128xf32, #tpu.memory_space<vmem_shared>> -> memref<10240x128xf32, #tpu.memory_space<vmem_shared>>
          tpu.enqueue_indirect_dma source(%arg11 : memref<128x128xf32, #tpu.memory_space<vmem>>) target(%dma_start3A_149 : memref<10240x128xf32, #tpu.memory_space<vmem_shared>>) offsets(%dma_start3A_146 : memref<128xi32, #tpu.memory_space<vmem>>) semaphore(%run_scoped3A_143 : memref<!tpu.dma_semaphore, #tpu.memory_space<semaphore_mem>>) {add = true}
          %dma_wait3A_150 = arith.constant 0 : i32
          %dma_wait3A_151 = tpu.memref_slice %arg10[%run_scoped3A_134, %dma_wait3A_150] : memref<8x128xi32, #tpu.memory_space<vmem>> -> memref<1x128xi32, #tpu.memory_space<vmem>>
          %dma_wait3A_152 = tpu.memref_squeeze %dma_wait3A_151 : memref<1x128xi32, #tpu.memory_space<vmem>> -> memref<128xi32, #tpu.memory_space<vmem>>
          %dma_wait3A_153 = arith.constant 0 : i32
          %dma_wait3A_154 = arith.constant 0 : i32
          %dma_wait3A_155 = tpu.memref_slice %arg13[%dma_wait3A_153, %dma_wait3A_154] : memref<10240x128xf32, #tpu.memory_space<vmem_shared>> -> memref<10240x128xf32, #tpu.memory_space<vmem_shared>>
          tpu.wait_indirect_dma semaphore(%run_scoped3A_143 : memref<!tpu.dma_semaphore, #tpu.memory_space<semaphore_mem>>) src(%arg11 : memref<128x128xf32, #tpu.memory_space<vmem>>) dst(%dma_wait3A_155 : memref<10240x128xf32, #tpu.memory_space<vmem_shared>>)
          tpu.yield
        }) : () -> ()
        %dma_wait3A_135 = arith.constant 7 : i32
        %dma_wait3A_136 = arith.constant 0 : i32
        %dma_wait3A_137 = tpu.memref_slice %arg9[%dma_wait3A_135, %dma_wait3A_136] : memref<8x128xi32, #tpu.memory_space<vmem>> -> memref<1x128xi32, #tpu.memory_space<vmem>>
        %dma_wait3A_138 = tpu.memref_squeeze %dma_wait3A_137 : memref<1x128xi32, #tpu.memory_space<vmem>> -> memref<128xi32, #tpu.memory_space<vmem>>
        %dma_wait3A_139 = arith.constant 0 : i32
        %dma_wait3A_140 = arith.constant 0 : i32
        %dma_wait3A_141 = tpu.memref_slice %arg6[%dma_wait3A_139, %dma_wait3A_140] : memref<10000x128xf32, #tpu.memory_space<hbm>> -> memref<10000x128xf32, #tpu.memory_space<hbm>>
        tpu.wait_indirect_dma semaphore(%arg15 : memref<!tpu.dma_semaphore, #tpu.memory_space<semaphore_mem>>) src(%dma_wait3A_141 : memref<10000x128xf32, #tpu.memory_space<hbm>>) dst(%arg12 : memref<128x128xf32, #tpu.memory_space<vmem>>)
        %run_scoped3A_142 = arith.constant 7 : i32
        "tpu.region"() ({
          %run_scoped3A_143 = tpu.sem_alloc : memref<!tpu.dma_semaphore, #tpu.memory_space<semaphore_mem>>
          %dma_start3A_144 = arith.constant 0 : i32
          %dma_start3A_145 = tpu.memref_slice %arg10[%run_scoped3A_142, %dma_start3A_144] : memref<8x128xi32, #tpu.memory_space<vmem>> -> memref<1x128xi32, #tpu.memory_space<vmem>>
          %dma_start3A_146 = tpu.memref_squeeze %dma_start3A_145 : memref<1x128xi32, #tpu.memory_space<vmem>> -> memref<128xi32, #tpu.memory_space<vmem>>
          %dma_start3A_147 = arith.constant 0 : i32
          %dma_start3A_148 = arith.constant 0 : i32
          %dma_start3A_149 = tpu.memref_slice %arg13[%dma_start3A_147, %dma_start3A_148] : memref<10240x128xf32, #tpu.memory_space<vmem_shared>> -> memref<10240x128xf32, #tpu.memory_space<vmem_shared>>
          tpu.enqueue_indirect_dma source(%arg12 : memref<128x128xf32, #tpu.memory_space<vmem>>) target(%dma_start3A_149 : memref<10240x128xf32, #tpu.memory_space<vmem_shared>>) offsets(%dma_start3A_146 : memref<128xi32, #tpu.memory_space<vmem>>) semaphore(%run_scoped3A_143 : memref<!tpu.dma_semaphore, #tpu.memory_space<semaphore_mem>>) {add = true}
          %dma_wait3A_150 = arith.constant 0 : i32
          %dma_wait3A_151 = tpu.memref_slice %arg10[%run_scoped3A_142, %dma_wait3A_150] : memref<8x128xi32, #tpu.memory_space<vmem>> -> memref<1x128xi32, #tpu.memory_space<vmem>>
          %dma_wait3A_152 = tpu.memref_squeeze %dma_wait3A_151 : memref<1x128xi32, #tpu.memory_space<vmem>> -> memref<128xi32, #tpu.memory_space<vmem>>
          %dma_wait3A_153 = arith.constant 0 : i32
          %dma_wait3A_154 = arith.constant 0 : i32
          %dma_wait3A_155 = tpu.memref_slice %arg13[%dma_wait3A_153, %dma_wait3A_154] : memref<10240x128xf32, #tpu.memory_space<vmem_shared>> -> memref<10240x128xf32, #tpu.memory_space<vmem_shared>>
          tpu.wait_indirect_dma semaphore(%run_scoped3A_143 : memref<!tpu.dma_semaphore, #tpu.memory_space<semaphore_mem>>) src(%arg12 : memref<128x128xf32, #tpu.memory_space<vmem>>) dst(%dma_wait3A_155 : memref<10240x128xf32, #tpu.memory_space<vmem_shared>>)
          tpu.yield
        }) : () -> ()
      }
      %scan3A_20 = arith.constant 13 : i32
    } else {
    }
    %eq3A_5 = arith.constant 1 : i32
    %eq3A_6 = arith.cmpi eq, %arg0, %eq3A_5 : i32
    %convert_element_type3A_7 = arith.extui %eq3A_6 : i1 to i32
    %cond3A_8 = arith.constant 0 : i32
    %cond3A_9 = arith.cmpi ne, %convert_element_type3A_7, %cond3A_8 : i32
    scf.if %cond3A_9 {
      %scan3A = arith.constant 0 : i32
      %scan3A_17 = arith.constant 7 : i32
      %scan3A_18 = arith.addi %scan3A, %scan3A_17 : i32
      %scan3A_19 = arith.constant 1 : i32
      scf.for %scan3A_21 = %scan3A to %scan3A_18 step %scan3A_19  : i32 {
        %mul3A_22 = arith.constant 1 : i32
        %mul3A_23 = arith.muli %scan3A_21, %mul3A_22 : i32
        %add3A_24 = arith.constant 0 : i32
        %add3A_25 = arith.addi %add3A_24, %mul3A_23 : i32
        "tpu.region"() ({
          %run_scoped3A_143 = tpu.sem_alloc : memref<!tpu.dma_semaphore, #tpu.memory_space<semaphore_mem>>
          %dma_start3A_144 = arith.constant 0 : i32
          %dma_start3A_145 = arith.constant 0 : i32
          %dma_start3A_146 = tpu.memref_slice %arg4[%arg1, %add3A_25, %dma_start3A_144, %dma_start3A_145] : memref<16x7x8x128xi32, #tpu.memory_space<hbm>> -> memref<1x1x8x128xi32, #tpu.memory_space<hbm>>
          %dma_start3A_147 = tpu.memref_squeeze %dma_start3A_146 : memref<1x1x8x128xi32, #tpu.memory_space<hbm>> -> memref<8x128xi32, #tpu.memory_space<hbm>>
          %dma_start3A_148 = arith.constant 0 : i32
          %dma_start3A_149 = arith.constant 0 : i32
          %dma_start3A_150 = tpu.memref_slice %arg4[%arg1, %add3A_25, %dma_start3A_148, %dma_start3A_149] : memref<16x7x8x128xi32, #tpu.memory_space<hbm>> -> memref<1x1x8x128xi32, #tpu.memory_space<hbm>>
          %dma_start3A_151 = tpu.memref_squeeze %dma_start3A_150 : memref<1x1x8x128xi32, #tpu.memory_space<hbm>> -> memref<8x128xi32, #tpu.memory_space<hbm>>
          tpu.enqueue_dma source(%dma_start3A_151 : memref<8x128xi32, #tpu.memory_space<hbm>>) target(%arg9 : memref<8x128xi32, #tpu.memory_space<vmem>>) target_semaphore(%run_scoped3A_143 : memref<!tpu.dma_semaphore, #tpu.memory_space<semaphore_mem>>)
          %dma_wait3A_152 = arith.constant 0 : i32
          %dma_wait3A_153 = arith.constant 0 : i32
          %dma_wait3A_154 = tpu.memref_slice %arg4[%arg1, %add3A_25, %dma_wait3A_152, %dma_wait3A_153] : memref<16x7x8x128xi32, #tpu.memory_space<hbm>> -> memref<1x1x8x128xi32, #tpu.memory_space<hbm>>
          %dma_wait3A_155 = tpu.memref_squeeze %dma_wait3A_154 : memref<1x1x8x128xi32, #tpu.memory_space<hbm>> -> memref<8x128xi32, #tpu.memory_space<hbm>>
          %dma_wait3A_156 = arith.constant 0 : i32
          %dma_wait3A_157 = arith.constant 0 : i32
          %dma_wait3A_158 = tpu.memref_slice %arg4[%arg1, %add3A_25, %dma_wait3A_156, %dma_wait3A_157] : memref<16x7x8x128xi32, #tpu.memory_space<hbm>> -> memref<1x1x8x128xi32, #tpu.memory_space<hbm>>
          %dma_wait3A_159 = tpu.memref_squeeze %dma_wait3A_158 : memref<1x1x8x128xi32, #tpu.memory_space<hbm>> -> memref<8x128xi32, #tpu.memory_space<hbm>>
          tpu.wait_dma2 semaphore(%run_scoped3A_143 : memref<!tpu.dma_semaphore, #tpu.memory_space<semaphore_mem>>) src(%dma_wait3A_159 : memref<8x128xi32, #tpu.memory_space<hbm>>) dst(%arg9 : memref<8x128xi32, #tpu.memory_space<vmem>>)
          tpu.yield
        }) : () -> ()
        "tpu.region"() ({
          %run_scoped3A_143 = tpu.sem_alloc : memref<!tpu.dma_semaphore, #tpu.memory_space<semaphore_mem>>
          %dma_start3A_144 = arith.constant 0 : i32
          %dma_start3A_145 = arith.constant 0 : i32
          %dma_start3A_146 = tpu.memref_slice %arg5[%arg1, %add3A_25, %dma_start3A_144, %dma_start3A_145] : memref<16x7x8x128xi32, #tpu.memory_space<hbm>> -> memref<1x1x8x128xi32, #tpu.memory_space<hbm>>
          %dma_start3A_147 = tpu.memref_squeeze %dma_start3A_146 : memref<1x1x8x128xi32, #tpu.memory_space<hbm>> -> memref<8x128xi32, #tpu.memory_space<hbm>>
          %dma_start3A_148 = arith.constant 0 : i32
          %dma_start3A_149 = arith.constant 0 : i32
          %dma_start3A_150 = tpu.memref_slice %arg5[%arg1, %add3A_25, %dma_start3A_148, %dma_start3A_149] : memref<16x7x8x128xi32, #tpu.memory_space<hbm>> -> memref<1x1x8x128xi32, #tpu.memory_space<hbm>>
          %dma_start3A_151 = tpu.memref_squeeze %dma_start3A_150 : memref<1x1x8x128xi32, #tpu.memory_space<hbm>> -> memref<8x128xi32, #tpu.memory_space<hbm>>
          tpu.enqueue_dma source(%dma_start3A_151 : memref<8x128xi32, #tpu.memory_space<hbm>>) target(%arg10 : memref<8x128xi32, #tpu.memory_space<vmem>>) target_semaphore(%run_scoped3A_143 : memref<!tpu.dma_semaphore, #tpu.memory_space<semaphore_mem>>)
          %dma_wait3A_152 = arith.constant 0 : i32
          %dma_wait3A_153 = arith.constant 0 : i32
          %dma_wait3A_154 = tpu.memref_slice %arg5[%arg1, %add3A_25, %dma_wait3A_152, %dma_wait3A_153] : memref<16x7x8x128xi32, #tpu.memory_space<hbm>> -> memref<1x1x8x128xi32, #tpu.memory_space<hbm>>
          %dma_wait3A_155 = tpu.memref_squeeze %dma_wait3A_154 : memref<1x1x8x128xi32, #tpu.memory_space<hbm>> -> memref<8x128xi32, #tpu.memory_space<hbm>>
          %dma_wait3A_156 = arith.constant 0 : i32
          %dma_wait3A_157 = arith.constant 0 : i32
          %dma_wait3A_158 = tpu.memref_slice %arg5[%arg1, %add3A_25, %dma_wait3A_156, %dma_wait3A_157] : memref<16x7x8x128xi32, #tpu.memory_space<hbm>> -> memref<1x1x8x128xi32, #tpu.memory_space<hbm>>
          %dma_wait3A_159 = tpu.memref_squeeze %dma_wait3A_158 : memref<1x1x8x128xi32, #tpu.memory_space<hbm>> -> memref<8x128xi32, #tpu.memory_space<hbm>>
          tpu.wait_dma2 semaphore(%run_scoped3A_143 : memref<!tpu.dma_semaphore, #tpu.memory_space<semaphore_mem>>) src(%dma_wait3A_159 : memref<8x128xi32, #tpu.memory_space<hbm>>) dst(%arg10 : memref<8x128xi32, #tpu.memory_space<vmem>>)
          tpu.yield
        }) : () -> ()
        %dma_start3A = arith.constant 0 : i32
        %dma_start3A_26 = arith.constant 0 : i32
        %dma_start3A_27 = tpu.memref_slice %arg9[%dma_start3A, %dma_start3A_26] : memref<8x128xi32, #tpu.memory_space<vmem>> -> memref<1x128xi32, #tpu.memory_space<vmem>>
        %dma_start3A_28 = tpu.memref_squeeze %dma_start3A_27 : memref<1x128xi32, #tpu.memory_space<vmem>> -> memref<128xi32, #tpu.memory_space<vmem>>
        %dma_start3A_29 = arith.constant 0 : i32
        %dma_start3A_30 = arith.constant 0 : i32
        %dma_start3A_31 = tpu.memref_slice %arg6[%dma_start3A_29, %dma_start3A_30] : memref<10000x128xf32, #tpu.memory_space<hbm>> -> memref<10000x128xf32, #tpu.memory_space<hbm>>
        tpu.enqueue_indirect_dma source(%dma_start3A_31 : memref<10000x128xf32, #tpu.memory_space<hbm>>) target(%arg11 : memref<128x128xf32, #tpu.memory_space<vmem>>) offsets(%dma_start3A_28 : memref<128xi32, #tpu.memory_space<vmem>>) semaphore(%arg14 : memref<!tpu.dma_semaphore, #tpu.memory_space<semaphore_mem>>)
        %dma_wait3A = arith.constant 0 : i32
        %dma_wait3A_32 = arith.constant 0 : i32
        %dma_wait3A_33 = tpu.memref_slice %arg9[%dma_wait3A, %dma_wait3A_32] : memref<8x128xi32, #tpu.memory_space<vmem>> -> memref<1x128xi32, #tpu.memory_space<vmem>>
        %dma_wait3A_34 = tpu.memref_squeeze %dma_wait3A_33 : memref<1x128xi32, #tpu.memory_space<vmem>> -> memref<128xi32, #tpu.memory_space<vmem>>
        %dma_wait3A_35 = arith.constant 0 : i32
        %dma_wait3A_36 = arith.constant 0 : i32
        %dma_wait3A_37 = tpu.memref_slice %arg6[%dma_wait3A_35, %dma_wait3A_36] : memref<10000x128xf32, #tpu.memory_space<hbm>> -> memref<10000x128xf32, #tpu.memory_space<hbm>>
        tpu.wait_indirect_dma semaphore(%arg14 : memref<!tpu.dma_semaphore, #tpu.memory_space<semaphore_mem>>) src(%dma_wait3A_37 : memref<10000x128xf32, #tpu.memory_space<hbm>>) dst(%arg11 : memref<128x128xf32, #tpu.memory_space<vmem>>)
        %dma_start3A_38 = arith.constant 1 : i32
        %dma_start3A_39 = arith.constant 0 : i32
        %dma_start3A_40 = tpu.memref_slice %arg9[%dma_start3A_38, %dma_start3A_39] : memref<8x128xi32, #tpu.memory_space<vmem>> -> memref<1x128xi32, #tpu.memory_space<vmem>>
        %dma_start3A_41 = tpu.memref_squeeze %dma_start3A_40 : memref<1x128xi32, #tpu.memory_space<vmem>> -> memref<128xi32, #tpu.memory_space<vmem>>
        %dma_start3A_42 = arith.constant 0 : i32
        %dma_start3A_43 = arith.constant 0 : i32
        %dma_start3A_44 = tpu.memref_slice %arg6[%dma_start3A_42, %dma_start3A_43] : memref<10000x128xf32, #tpu.memory_space<hbm>> -> memref<10000x128xf32, #tpu.memory_space<hbm>>
        tpu.enqueue_indirect_dma source(%dma_start3A_44 : memref<10000x128xf32, #tpu.memory_space<hbm>>) target(%arg12 : memref<128x128xf32, #tpu.memory_space<vmem>>) offsets(%dma_start3A_41 : memref<128xi32, #tpu.memory_space<vmem>>) semaphore(%arg15 : memref<!tpu.dma_semaphore, #tpu.memory_space<semaphore_mem>>)
        %run_scoped3A = arith.constant 0 : i32
        "tpu.region"() ({
          %run_scoped3A_143 = tpu.sem_alloc : memref<!tpu.dma_semaphore, #tpu.memory_space<semaphore_mem>>
          %dma_start3A_144 = arith.constant 0 : i32
          %dma_start3A_145 = tpu.memref_slice %arg10[%run_scoped3A, %dma_start3A_144] : memref<8x128xi32, #tpu.memory_space<vmem>> -> memref<1x128xi32, #tpu.memory_space<vmem>>
          %dma_start3A_146 = tpu.memref_squeeze %dma_start3A_145 : memref<1x128xi32, #tpu.memory_space<vmem>> -> memref<128xi32, #tpu.memory_space<vmem>>
          %dma_start3A_147 = arith.constant 0 : i32
          %dma_start3A_148 = arith.constant 0 : i32
          %dma_start3A_149 = tpu.memref_slice %arg13[%dma_start3A_147, %dma_start3A_148] : memref<10240x128xf32, #tpu.memory_space<vmem_shared>> -> memref<10240x128xf32, #tpu.memory_space<vmem_shared>>
          tpu.enqueue_indirect_dma source(%arg11 : memref<128x128xf32, #tpu.memory_space<vmem>>) target(%dma_start3A_149 : memref<10240x128xf32, #tpu.memory_space<vmem_shared>>) offsets(%dma_start3A_146 : memref<128xi32, #tpu.memory_space<vmem>>) semaphore(%run_scoped3A_143 : memref<!tpu.dma_semaphore, #tpu.memory_space<semaphore_mem>>) {add = true}
          %dma_wait3A_150 = arith.constant 0 : i32
          %dma_wait3A_151 = tpu.memref_slice %arg10[%run_scoped3A, %dma_wait3A_150] : memref<8x128xi32, #tpu.memory_space<vmem>> -> memref<1x128xi32, #tpu.memory_space<vmem>>
          %dma_wait3A_152 = tpu.memref_squeeze %dma_wait3A_151 : memref<1x128xi32, #tpu.memory_space<vmem>> -> memref<128xi32, #tpu.memory_space<vmem>>
          %dma_wait3A_153 = arith.constant 0 : i32
          %dma_wait3A_154 = arith.constant 0 : i32
          %dma_wait3A_155 = tpu.memref_slice %arg13[%dma_wait3A_153, %dma_wait3A_154] : memref<10240x128xf32, #tpu.memory_space<vmem_shared>> -> memref<10240x128xf32, #tpu.memory_space<vmem_shared>>
          tpu.wait_indirect_dma semaphore(%run_scoped3A_143 : memref<!tpu.dma_semaphore, #tpu.memory_space<semaphore_mem>>) src(%arg11 : memref<128x128xf32, #tpu.memory_space<vmem>>) dst(%dma_wait3A_155 : memref<10240x128xf32, #tpu.memory_space<vmem_shared>>)
          tpu.yield
        }) : () -> ()
        %dma_wait3A_45 = arith.constant 1 : i32
        %dma_wait3A_46 = arith.constant 0 : i32
        %dma_wait3A_47 = tpu.memref_slice %arg9[%dma_wait3A_45, %dma_wait3A_46] : memref<8x128xi32, #tpu.memory_space<vmem>> -> memref<1x128xi32, #tpu.memory_space<vmem>>
        %dma_wait3A_48 = tpu.memref_squeeze %dma_wait3A_47 : memref<1x128xi32, #tpu.memory_space<vmem>> -> memref<128xi32, #tpu.memory_space<vmem>>
        %dma_wait3A_49 = arith.constant 0 : i32
        %dma_wait3A_50 = arith.constant 0 : i32
        %dma_wait3A_51 = tpu.memref_slice %arg6[%dma_wait3A_49, %dma_wait3A_50] : memref<10000x128xf32, #tpu.memory_space<hbm>> -> memref<10000x128xf32, #tpu.memory_space<hbm>>
        tpu.wait_indirect_dma semaphore(%arg15 : memref<!tpu.dma_semaphore, #tpu.memory_space<semaphore_mem>>) src(%dma_wait3A_51 : memref<10000x128xf32, #tpu.memory_space<hbm>>) dst(%arg12 : memref<128x128xf32, #tpu.memory_space<vmem>>)
        %dma_start3A_52 = arith.constant 2 : i32
        %dma_start3A_53 = arith.constant 0 : i32
        %dma_start3A_54 = tpu.memref_slice %arg9[%dma_start3A_52, %dma_start3A_53] : memref<8x128xi32, #tpu.memory_space<vmem>> -> memref<1x128xi32, #tpu.memory_space<vmem>>
        %dma_start3A_55 = tpu.memref_squeeze %dma_start3A_54 : memref<1x128xi32, #tpu.memory_space<vmem>> -> memref<128xi32, #tpu.memory_space<vmem>>
        %dma_start3A_56 = arith.constant 0 : i32
        %dma_start3A_57 = arith.constant 0 : i32
        %dma_start3A_58 = tpu.memref_slice %arg6[%dma_start3A_56, %dma_start3A_57] : memref<10000x128xf32, #tpu.memory_space<hbm>> -> memref<10000x128xf32, #tpu.memory_space<hbm>>
        tpu.enqueue_indirect_dma source(%dma_start3A_58 : memref<10000x128xf32, #tpu.memory_space<hbm>>) target(%arg11 : memref<128x128xf32, #tpu.memory_space<vmem>>) offsets(%dma_start3A_55 : memref<128xi32, #tpu.memory_space<vmem>>) semaphore(%arg14 : memref<!tpu.dma_semaphore, #tpu.memory_space<semaphore_mem>>)
        %run_scoped3A_59 = arith.constant 1 : i32
        "tpu.region"() ({
          %run_scoped3A_143 = tpu.sem_alloc : memref<!tpu.dma_semaphore, #tpu.memory_space<semaphore_mem>>
          %dma_start3A_144 = arith.constant 0 : i32
          %dma_start3A_145 = tpu.memref_slice %arg10[%run_scoped3A_59, %dma_start3A_144] : memref<8x128xi32, #tpu.memory_space<vmem>> -> memref<1x128xi32, #tpu.memory_space<vmem>>
          %dma_start3A_146 = tpu.memref_squeeze %dma_start3A_145 : memref<1x128xi32, #tpu.memory_space<vmem>> -> memref<128xi32, #tpu.memory_space<vmem>>
          %dma_start3A_147 = arith.constant 0 : i32
          %dma_start3A_148 = arith.constant 0 : i32
          %dma_start3A_149 = tpu.memref_slice %arg13[%dma_start3A_147, %dma_start3A_148] : memref<10240x128xf32, #tpu.memory_space<vmem_shared>> -> memref<10240x128xf32, #tpu.memory_space<vmem_shared>>
          tpu.enqueue_indirect_dma source(%arg12 : memref<128x128xf32, #tpu.memory_space<vmem>>) target(%dma_start3A_149 : memref<10240x128xf32, #tpu.memory_space<vmem_shared>>) offsets(%dma_start3A_146 : memref<128xi32, #tpu.memory_space<vmem>>) semaphore(%run_scoped3A_143 : memref<!tpu.dma_semaphore, #tpu.memory_space<semaphore_mem>>) {add = true}
          %dma_wait3A_150 = arith.constant 0 : i32
          %dma_wait3A_151 = tpu.memref_slice %arg10[%run_scoped3A_59, %dma_wait3A_150] : memref<8x128xi32, #tpu.memory_space<vmem>> -> memref<1x128xi32, #tpu.memory_space<vmem>>
          %dma_wait3A_152 = tpu.memref_squeeze %dma_wait3A_151 : memref<1x128xi32, #tpu.memory_space<vmem>> -> memref<128xi32, #tpu.memory_space<vmem>>
          %dma_wait3A_153 = arith.constant 0 : i32
          %dma_wait3A_154 = arith.constant 0 : i32
          %dma_wait3A_155 = tpu.memref_slice %arg13[%dma_wait3A_153, %dma_wait3A_154] : memref<10240x128xf32, #tpu.memory_space<vmem_shared>> -> memref<10240x128xf32, #tpu.memory_space<vmem_shared>>
          tpu.wait_indirect_dma semaphore(%run_scoped3A_143 : memref<!tpu.dma_semaphore, #tpu.memory_space<semaphore_mem>>) src(%arg12 : memref<128x128xf32, #tpu.memory_space<vmem>>) dst(%dma_wait3A_155 : memref<10240x128xf32, #tpu.memory_space<vmem_shared>>)
          tpu.yield
        }) : () -> ()
        %dma_wait3A_60 = arith.constant 2 : i32
        %dma_wait3A_61 = arith.constant 0 : i32
        %dma_wait3A_62 = tpu.memref_slice %arg9[%dma_wait3A_60, %dma_wait3A_61] : memref<8x128xi32, #tpu.memory_space<vmem>> -> memref<1x128xi32, #tpu.memory_space<vmem>>
        %dma_wait3A_63 = tpu.memref_squeeze %dma_wait3A_62 : memref<1x128xi32, #tpu.memory_space<vmem>> -> memref<128xi32, #tpu.memory_space<vmem>>
        %dma_wait3A_64 = arith.constant 0 : i32
        %dma_wait3A_65 = arith.constant 0 : i32
        %dma_wait3A_66 = tpu.memref_slice %arg6[%dma_wait3A_64, %dma_wait3A_65] : memref<10000x128xf32, #tpu.memory_space<hbm>> -> memref<10000x128xf32, #tpu.memory_space<hbm>>
        tpu.wait_indirect_dma semaphore(%arg14 : memref<!tpu.dma_semaphore, #tpu.memory_space<semaphore_mem>>) src(%dma_wait3A_66 : memref<10000x128xf32, #tpu.memory_space<hbm>>) dst(%arg11 : memref<128x128xf32, #tpu.memory_space<vmem>>)
        %dma_start3A_67 = arith.constant 3 : i32
        %dma_start3A_68 = arith.constant 0 : i32
        %dma_start3A_69 = tpu.memref_slice %arg9[%dma_start3A_67, %dma_start3A_68] : memref<8x128xi32, #tpu.memory_space<vmem>> -> memref<1x128xi32, #tpu.memory_space<vmem>>
        %dma_start3A_70 = tpu.memref_squeeze %dma_start3A_69 : memref<1x128xi32, #tpu.memory_space<vmem>> -> memref<128xi32, #tpu.memory_space<vmem>>
        %dma_start3A_71 = arith.constant 0 : i32
        %dma_start3A_72 = arith.constant 0 : i32
        %dma_start3A_73 = tpu.memref_slice %arg6[%dma_start3A_71, %dma_start3A_72] : memref<10000x128xf32, #tpu.memory_space<hbm>> -> memref<10000x128xf32, #tpu.memory_space<hbm>>
        tpu.enqueue_indirect_dma source(%dma_start3A_73 : memref<10000x128xf32, #tpu.memory_space<hbm>>) target(%arg12 : memref<128x128xf32, #tpu.memory_space<vmem>>) offsets(%dma_start3A_70 : memref<128xi32, #tpu.memory_space<vmem>>) semaphore(%arg15 : memref<!tpu.dma_semaphore, #tpu.memory_space<semaphore_mem>>)
        %run_scoped3A_74 = arith.constant 2 : i32
        "tpu.region"() ({
          %run_scoped3A_143 = tpu.sem_alloc : memref<!tpu.dma_semaphore, #tpu.memory_space<semaphore_mem>>
          %dma_start3A_144 = arith.constant 0 : i32
          %dma_start3A_145 = tpu.memref_slice %arg10[%run_scoped3A_74, %dma_start3A_144] : memref<8x128xi32, #tpu.memory_space<vmem>> -> memref<1x128xi32, #tpu.memory_space<vmem>>
          %dma_start3A_146 = tpu.memref_squeeze %dma_start3A_145 : memref<1x128xi32, #tpu.memory_space<vmem>> -> memref<128xi32, #tpu.memory_space<vmem>>
          %dma_start3A_147 = arith.constant 0 : i32
          %dma_start3A_148 = arith.constant 0 : i32
          %dma_start3A_149 = tpu.memref_slice %arg13[%dma_start3A_147, %dma_start3A_148] : memref<10240x128xf32, #tpu.memory_space<vmem_shared>> -> memref<10240x128xf32, #tpu.memory_space<vmem_shared>>
          tpu.enqueue_indirect_dma source(%arg11 : memref<128x128xf32, #tpu.memory_space<vmem>>) target(%dma_start3A_149 : memref<10240x128xf32, #tpu.memory_space<vmem_shared>>) offsets(%dma_start3A_146 : memref<128xi32, #tpu.memory_space<vmem>>) semaphore(%run_scoped3A_143 : memref<!tpu.dma_semaphore, #tpu.memory_space<semaphore_mem>>) {add = true}
          %dma_wait3A_150 = arith.constant 0 : i32
          %dma_wait3A_151 = tpu.memref_slice %arg10[%run_scoped3A_74, %dma_wait3A_150] : memref<8x128xi32, #tpu.memory_space<vmem>> -> memref<1x128xi32, #tpu.memory_space<vmem>>
          %dma_wait3A_152 = tpu.memref_squeeze %dma_wait3A_151 : memref<1x128xi32, #tpu.memory_space<vmem>> -> memref<128xi32, #tpu.memory_space<vmem>>
          %dma_wait3A_153 = arith.constant 0 : i32
          %dma_wait3A_154 = arith.constant 0 : i32
          %dma_wait3A_155 = tpu.memref_slice %arg13[%dma_wait3A_153, %dma_wait3A_154] : memref<10240x128xf32, #tpu.memory_space<vmem_shared>> -> memref<10240x128xf32, #tpu.memory_space<vmem_shared>>
          tpu.wait_indirect_dma semaphore(%run_scoped3A_143 : memref<!tpu.dma_semaphore, #tpu.memory_space<semaphore_mem>>) src(%arg11 : memref<128x128xf32, #tpu.memory_space<vmem>>) dst(%dma_wait3A_155 : memref<10240x128xf32, #tpu.memory_space<vmem_shared>>)
          tpu.yield
        }) : () -> ()
        %dma_wait3A_75 = arith.constant 3 : i32
        %dma_wait3A_76 = arith.constant 0 : i32
        %dma_wait3A_77 = tpu.memref_slice %arg9[%dma_wait3A_75, %dma_wait3A_76] : memref<8x128xi32, #tpu.memory_space<vmem>> -> memref<1x128xi32, #tpu.memory_space<vmem>>
        %dma_wait3A_78 = tpu.memref_squeeze %dma_wait3A_77 : memref<1x128xi32, #tpu.memory_space<vmem>> -> memref<128xi32, #tpu.memory_space<vmem>>
        %dma_wait3A_79 = arith.constant 0 : i32
        %dma_wait3A_80 = arith.constant 0 : i32
        %dma_wait3A_81 = tpu.memref_slice %arg6[%dma_wait3A_79, %dma_wait3A_80] : memref<10000x128xf32, #tpu.memory_space<hbm>> -> memref<10000x128xf32, #tpu.memory_space<hbm>>
        tpu.wait_indirect_dma semaphore(%arg15 : memref<!tpu.dma_semaphore, #tpu.memory_space<semaphore_mem>>) src(%dma_wait3A_81 : memref<10000x128xf32, #tpu.memory_space<hbm>>) dst(%arg12 : memref<128x128xf32, #tpu.memory_space<vmem>>)
        %dma_start3A_82 = arith.constant 4 : i32
        %dma_start3A_83 = arith.constant 0 : i32
        %dma_start3A_84 = tpu.memref_slice %arg9[%dma_start3A_82, %dma_start3A_83] : memref<8x128xi32, #tpu.memory_space<vmem>> -> memref<1x128xi32, #tpu.memory_space<vmem>>
        %dma_start3A_85 = tpu.memref_squeeze %dma_start3A_84 : memref<1x128xi32, #tpu.memory_space<vmem>> -> memref<128xi32, #tpu.memory_space<vmem>>
        %dma_start3A_86 = arith.constant 0 : i32
        %dma_start3A_87 = arith.constant 0 : i32
        %dma_start3A_88 = tpu.memref_slice %arg6[%dma_start3A_86, %dma_start3A_87] : memref<10000x128xf32, #tpu.memory_space<hbm>> -> memref<10000x128xf32, #tpu.memory_space<hbm>>
        tpu.enqueue_indirect_dma source(%dma_start3A_88 : memref<10000x128xf32, #tpu.memory_space<hbm>>) target(%arg11 : memref<128x128xf32, #tpu.memory_space<vmem>>) offsets(%dma_start3A_85 : memref<128xi32, #tpu.memory_space<vmem>>) semaphore(%arg14 : memref<!tpu.dma_semaphore, #tpu.memory_space<semaphore_mem>>)
        %run_scoped3A_89 = arith.constant 3 : i32
        "tpu.region"() ({
          %run_scoped3A_143 = tpu.sem_alloc : memref<!tpu.dma_semaphore, #tpu.memory_space<semaphore_mem>>
          %dma_start3A_144 = arith.constant 0 : i32
          %dma_start3A_145 = tpu.memref_slice %arg10[%run_scoped3A_89, %dma_start3A_144] : memref<8x128xi32, #tpu.memory_space<vmem>> -> memref<1x128xi32, #tpu.memory_space<vmem>>
          %dma_start3A_146 = tpu.memref_squeeze %dma_start3A_145 : memref<1x128xi32, #tpu.memory_space<vmem>> -> memref<128xi32, #tpu.memory_space<vmem>>
          %dma_start3A_147 = arith.constant 0 : i32
          %dma_start3A_148 = arith.constant 0 : i32
          %dma_start3A_149 = tpu.memref_slice %arg13[%dma_start3A_147, %dma_start3A_148] : memref<10240x128xf32, #tpu.memory_space<vmem_shared>> -> memref<10240x128xf32, #tpu.memory_space<vmem_shared>>
          tpu.enqueue_indirect_dma source(%arg12 : memref<128x128xf32, #tpu.memory_space<vmem>>) target(%dma_start3A_149 : memref<10240x128xf32, #tpu.memory_space<vmem_shared>>) offsets(%dma_start3A_146 : memref<128xi32, #tpu.memory_space<vmem>>) semaphore(%run_scoped3A_143 : memref<!tpu.dma_semaphore, #tpu.memory_space<semaphore_mem>>) {add = true}
          %dma_wait3A_150 = arith.constant 0 : i32
          %dma_wait3A_151 = tpu.memref_slice %arg10[%run_scoped3A_89, %dma_wait3A_150] : memref<8x128xi32, #tpu.memory_space<vmem>> -> memref<1x128xi32, #tpu.memory_space<vmem>>
          %dma_wait3A_152 = tpu.memref_squeeze %dma_wait3A_151 : memref<1x128xi32, #tpu.memory_space<vmem>> -> memref<128xi32, #tpu.memory_space<vmem>>
          %dma_wait3A_153 = arith.constant 0 : i32
          %dma_wait3A_154 = arith.constant 0 : i32
          %dma_wait3A_155 = tpu.memref_slice %arg13[%dma_wait3A_153, %dma_wait3A_154] : memref<10240x128xf32, #tpu.memory_space<vmem_shared>> -> memref<10240x128xf32, #tpu.memory_space<vmem_shared>>
          tpu.wait_indirect_dma semaphore(%run_scoped3A_143 : memref<!tpu.dma_semaphore, #tpu.memory_space<semaphore_mem>>) src(%arg12 : memref<128x128xf32, #tpu.memory_space<vmem>>) dst(%dma_wait3A_155 : memref<10240x128xf32, #tpu.memory_space<vmem_shared>>)
          tpu.yield
        }) : () -> ()
        %dma_wait3A_90 = arith.constant 4 : i32
        %dma_wait3A_91 = arith.constant 0 : i32
        %dma_wait3A_92 = tpu.memref_slice %arg9[%dma_wait3A_90, %dma_wait3A_91] : memref<8x128xi32, #tpu.memory_space<vmem>> -> memref<1x128xi32, #tpu.memory_space<vmem>>
        %dma_wait3A_93 = tpu.memref_squeeze %dma_wait3A_92 : memref<1x128xi32, #tpu.memory_space<vmem>> -> memref<128xi32, #tpu.memory_space<vmem>>
        %dma_wait3A_94 = arith.constant 0 : i32
        %dma_wait3A_95 = arith.constant 0 : i32
        %dma_wait3A_96 = tpu.memref_slice %arg6[%dma_wait3A_94, %dma_wait3A_95] : memref<10000x128xf32, #tpu.memory_space<hbm>> -> memref<10000x128xf32, #tpu.memory_space<hbm>>
        tpu.wait_indirect_dma semaphore(%arg14 : memref<!tpu.dma_semaphore, #tpu.memory_space<semaphore_mem>>) src(%dma_wait3A_96 : memref<10000x128xf32, #tpu.memory_space<hbm>>) dst(%arg11 : memref<128x128xf32, #tpu.memory_space<vmem>>)
        %dma_start3A_97 = arith.constant 5 : i32
        %dma_start3A_98 = arith.constant 0 : i32
        %dma_start3A_99 = tpu.memref_slice %arg9[%dma_start3A_97, %dma_start3A_98] : memref<8x128xi32, #tpu.memory_space<vmem>> -> memref<1x128xi32, #tpu.memory_space<vmem>>
        %dma_start3A_100 = tpu.memref_squeeze %dma_start3A_99 : memref<1x128xi32, #tpu.memory_space<vmem>> -> memref<128xi32, #tpu.memory_space<vmem>>
        %dma_start3A_101 = arith.constant 0 : i32
        %dma_start3A_102 = arith.constant 0 : i32
        %dma_start3A_103 = tpu.memref_slice %arg6[%dma_start3A_101, %dma_start3A_102] : memref<10000x128xf32, #tpu.memory_space<hbm>> -> memref<10000x128xf32, #tpu.memory_space<hbm>>
        tpu.enqueue_indirect_dma source(%dma_start3A_103 : memref<10000x128xf32, #tpu.memory_space<hbm>>) target(%arg12 : memref<128x128xf32, #tpu.memory_space<vmem>>) offsets(%dma_start3A_100 : memref<128xi32, #tpu.memory_space<vmem>>) semaphore(%arg15 : memref<!tpu.dma_semaphore, #tpu.memory_space<semaphore_mem>>)
        %run_scoped3A_104 = arith.constant 4 : i32
        "tpu.region"() ({
          %run_scoped3A_143 = tpu.sem_alloc : memref<!tpu.dma_semaphore, #tpu.memory_space<semaphore_mem>>
          %dma_start3A_144 = arith.constant 0 : i32
          %dma_start3A_145 = tpu.memref_slice %arg10[%run_scoped3A_104, %dma_start3A_144] : memref<8x128xi32, #tpu.memory_space<vmem>> -> memref<1x128xi32, #tpu.memory_space<vmem>>
          %dma_start3A_146 = tpu.memref_squeeze %dma_start3A_145 : memref<1x128xi32, #tpu.memory_space<vmem>> -> memref<128xi32, #tpu.memory_space<vmem>>
          %dma_start3A_147 = arith.constant 0 : i32
          %dma_start3A_148 = arith.constant 0 : i32
          %dma_start3A_149 = tpu.memref_slice %arg13[%dma_start3A_147, %dma_start3A_148] : memref<10240x128xf32, #tpu.memory_space<vmem_shared>> -> memref<10240x128xf32, #tpu.memory_space<vmem_shared>>
          tpu.enqueue_indirect_dma source(%arg11 : memref<128x128xf32, #tpu.memory_space<vmem>>) target(%dma_start3A_149 : memref<10240x128xf32, #tpu.memory_space<vmem_shared>>) offsets(%dma_start3A_146 : memref<128xi32, #tpu.memory_space<vmem>>) semaphore(%run_scoped3A_143 : memref<!tpu.dma_semaphore, #tpu.memory_space<semaphore_mem>>) {add = true}
          %dma_wait3A_150 = arith.constant 0 : i32
          %dma_wait3A_151 = tpu.memref_slice %arg10[%run_scoped3A_104, %dma_wait3A_150] : memref<8x128xi32, #tpu.memory_space<vmem>> -> memref<1x128xi32, #tpu.memory_space<vmem>>
          %dma_wait3A_152 = tpu.memref_squeeze %dma_wait3A_151 : memref<1x128xi32, #tpu.memory_space<vmem>> -> memref<128xi32, #tpu.memory_space<vmem>>
          %dma_wait3A_153 = arith.constant 0 : i32
          %dma_wait3A_154 = arith.constant 0 : i32
          %dma_wait3A_155 = tpu.memref_slice %arg13[%dma_wait3A_153, %dma_wait3A_154] : memref<10240x128xf32, #tpu.memory_space<vmem_shared>> -> memref<10240x128xf32, #tpu.memory_space<vmem_shared>>
          tpu.wait_indirect_dma semaphore(%run_scoped3A_143 : memref<!tpu.dma_semaphore, #tpu.memory_space<semaphore_mem>>) src(%arg11 : memref<128x128xf32, #tpu.memory_space<vmem>>) dst(%dma_wait3A_155 : memref<10240x128xf32, #tpu.memory_space<vmem_shared>>)
          tpu.yield
        }) : () -> ()
        %dma_wait3A_105 = arith.constant 5 : i32
        %dma_wait3A_106 = arith.constant 0 : i32
        %dma_wait3A_107 = tpu.memref_slice %arg9[%dma_wait3A_105, %dma_wait3A_106] : memref<8x128xi32, #tpu.memory_space<vmem>> -> memref<1x128xi32, #tpu.memory_space<vmem>>
        %dma_wait3A_108 = tpu.memref_squeeze %dma_wait3A_107 : memref<1x128xi32, #tpu.memory_space<vmem>> -> memref<128xi32, #tpu.memory_space<vmem>>
        %dma_wait3A_109 = arith.constant 0 : i32
        %dma_wait3A_110 = arith.constant 0 : i32
        %dma_wait3A_111 = tpu.memref_slice %arg6[%dma_wait3A_109, %dma_wait3A_110] : memref<10000x128xf32, #tpu.memory_space<hbm>> -> memref<10000x128xf32, #tpu.memory_space<hbm>>
        tpu.wait_indirect_dma semaphore(%arg15 : memref<!tpu.dma_semaphore, #tpu.memory_space<semaphore_mem>>) src(%dma_wait3A_111 : memref<10000x128xf32, #tpu.memory_space<hbm>>) dst(%arg12 : memref<128x128xf32, #tpu.memory_space<vmem>>)
        %dma_start3A_112 = arith.constant 6 : i32
        %dma_start3A_113 = arith.constant 0 : i32
        %dma_start3A_114 = tpu.memref_slice %arg9[%dma_start3A_112, %dma_start3A_113] : memref<8x128xi32, #tpu.memory_space<vmem>> -> memref<1x128xi32, #tpu.memory_space<vmem>>
        %dma_start3A_115 = tpu.memref_squeeze %dma_start3A_114 : memref<1x128xi32, #tpu.memory_space<vmem>> -> memref<128xi32, #tpu.memory_space<vmem>>
        %dma_start3A_116 = arith.constant 0 : i32
        %dma_start3A_117 = arith.constant 0 : i32
        %dma_start3A_118 = tpu.memref_slice %arg6[%dma_start3A_116, %dma_start3A_117] : memref<10000x128xf32, #tpu.memory_space<hbm>> -> memref<10000x128xf32, #tpu.memory_space<hbm>>
        tpu.enqueue_indirect_dma source(%dma_start3A_118 : memref<10000x128xf32, #tpu.memory_space<hbm>>) target(%arg11 : memref<128x128xf32, #tpu.memory_space<vmem>>) offsets(%dma_start3A_115 : memref<128xi32, #tpu.memory_space<vmem>>) semaphore(%arg14 : memref<!tpu.dma_semaphore, #tpu.memory_space<semaphore_mem>>)
        %run_scoped3A_119 = arith.constant 5 : i32
        "tpu.region"() ({
          %run_scoped3A_143 = tpu.sem_alloc : memref<!tpu.dma_semaphore, #tpu.memory_space<semaphore_mem>>
          %dma_start3A_144 = arith.constant 0 : i32
          %dma_start3A_145 = tpu.memref_slice %arg10[%run_scoped3A_119, %dma_start3A_144] : memref<8x128xi32, #tpu.memory_space<vmem>> -> memref<1x128xi32, #tpu.memory_space<vmem>>
          %dma_start3A_146 = tpu.memref_squeeze %dma_start3A_145 : memref<1x128xi32, #tpu.memory_space<vmem>> -> memref<128xi32, #tpu.memory_space<vmem>>
          %dma_start3A_147 = arith.constant 0 : i32
          %dma_start3A_148 = arith.constant 0 : i32
          %dma_start3A_149 = tpu.memref_slice %arg13[%dma_start3A_147, %dma_start3A_148] : memref<10240x128xf32, #tpu.memory_space<vmem_shared>> -> memref<10240x128xf32, #tpu.memory_space<vmem_shared>>
          tpu.enqueue_indirect_dma source(%arg12 : memref<128x128xf32, #tpu.memory_space<vmem>>) target(%dma_start3A_149 : memref<10240x128xf32, #tpu.memory_space<vmem_shared>>) offsets(%dma_start3A_146 : memref<128xi32, #tpu.memory_space<vmem>>) semaphore(%run_scoped3A_143 : memref<!tpu.dma_semaphore, #tpu.memory_space<semaphore_mem>>) {add = true}
          %dma_wait3A_150 = arith.constant 0 : i32
          %dma_wait3A_151 = tpu.memref_slice %arg10[%run_scoped3A_119, %dma_wait3A_150] : memref<8x128xi32, #tpu.memory_space<vmem>> -> memref<1x128xi32, #tpu.memory_space<vmem>>
          %dma_wait3A_152 = tpu.memref_squeeze %dma_wait3A_151 : memref<1x128xi32, #tpu.memory_space<vmem>> -> memref<128xi32, #tpu.memory_space<vmem>>
          %dma_wait3A_153 = arith.constant 0 : i32
          %dma_wait3A_154 = arith.constant 0 : i32
          %dma_wait3A_155 = tpu.memref_slice %arg13[%dma_wait3A_153, %dma_wait3A_154] : memref<10240x128xf32, #tpu.memory_space<vmem_shared>> -> memref<10240x128xf32, #tpu.memory_space<vmem_shared>>
          tpu.wait_indirect_dma semaphore(%run_scoped3A_143 : memref<!tpu.dma_semaphore, #tpu.memory_space<semaphore_mem>>) src(%arg12 : memref<128x128xf32, #tpu.memory_space<vmem>>) dst(%dma_wait3A_155 : memref<10240x128xf32, #tpu.memory_space<vmem_shared>>)
          tpu.yield
        }) : () -> ()
        %dma_wait3A_120 = arith.constant 6 : i32
        %dma_wait3A_121 = arith.constant 0 : i32
        %dma_wait3A_122 = tpu.memref_slice %arg9[%dma_wait3A_120, %dma_wait3A_121] : memref<8x128xi32, #tpu.memory_space<vmem>> -> memref<1x128xi32, #tpu.memory_space<vmem>>
        %dma_wait3A_123 = tpu.memref_squeeze %dma_wait3A_122 : memref<1x128xi32, #tpu.memory_space<vmem>> -> memref<128xi32, #tpu.memory_space<vmem>>
        %dma_wait3A_124 = arith.constant 0 : i32
        %dma_wait3A_125 = arith.constant 0 : i32
        %dma_wait3A_126 = tpu.memref_slice %arg6[%dma_wait3A_124, %dma_wait3A_125] : memref<10000x128xf32, #tpu.memory_space<hbm>> -> memref<10000x128xf32, #tpu.memory_space<hbm>>
        tpu.wait_indirect_dma semaphore(%arg14 : memref<!tpu.dma_semaphore, #tpu.memory_space<semaphore_mem>>) src(%dma_wait3A_126 : memref<10000x128xf32, #tpu.memory_space<hbm>>) dst(%arg11 : memref<128x128xf32, #tpu.memory_space<vmem>>)
        %dma_start3A_127 = arith.constant 7 : i32
        %dma_start3A_128 = arith.constant 0 : i32
        %dma_start3A_129 = tpu.memref_slice %arg9[%dma_start3A_127, %dma_start3A_128] : memref<8x128xi32, #tpu.memory_space<vmem>> -> memref<1x128xi32, #tpu.memory_space<vmem>>
        %dma_start3A_130 = tpu.memref_squeeze %dma_start3A_129 : memref<1x128xi32, #tpu.memory_space<vmem>> -> memref<128xi32, #tpu.memory_space<vmem>>
        %dma_start3A_131 = arith.constant 0 : i32
        %dma_start3A_132 = arith.constant 0 : i32
        %dma_start3A_133 = tpu.memref_slice %arg6[%dma_start3A_131, %dma_start3A_132] : memref<10000x128xf32, #tpu.memory_space<hbm>> -> memref<10000x128xf32, #tpu.memory_space<hbm>>
        tpu.enqueue_indirect_dma source(%dma_start3A_133 : memref<10000x128xf32, #tpu.memory_space<hbm>>) target(%arg12 : memref<128x128xf32, #tpu.memory_space<vmem>>) offsets(%dma_start3A_130 : memref<128xi32, #tpu.memory_space<vmem>>) semaphore(%arg15 : memref<!tpu.dma_semaphore, #tpu.memory_space<semaphore_mem>>)
        %run_scoped3A_134 = arith.constant 6 : i32
        "tpu.region"() ({
          %run_scoped3A_143 = tpu.sem_alloc : memref<!tpu.dma_semaphore, #tpu.memory_space<semaphore_mem>>
          %dma_start3A_144 = arith.constant 0 : i32
          %dma_start3A_145 = tpu.memref_slice %arg10[%run_scoped3A_134, %dma_start3A_144] : memref<8x128xi32, #tpu.memory_space<vmem>> -> memref<1x128xi32, #tpu.memory_space<vmem>>
          %dma_start3A_146 = tpu.memref_squeeze %dma_start3A_145 : memref<1x128xi32, #tpu.memory_space<vmem>> -> memref<128xi32, #tpu.memory_space<vmem>>
          %dma_start3A_147 = arith.constant 0 : i32
          %dma_start3A_148 = arith.constant 0 : i32
          %dma_start3A_149 = tpu.memref_slice %arg13[%dma_start3A_147, %dma_start3A_148] : memref<10240x128xf32, #tpu.memory_space<vmem_shared>> -> memref<10240x128xf32, #tpu.memory_space<vmem_shared>>
          tpu.enqueue_indirect_dma source(%arg11 : memref<128x128xf32, #tpu.memory_space<vmem>>) target(%dma_start3A_149 : memref<10240x128xf32, #tpu.memory_space<vmem_shared>>) offsets(%dma_start3A_146 : memref<128xi32, #tpu.memory_space<vmem>>) semaphore(%run_scoped3A_143 : memref<!tpu.dma_semaphore, #tpu.memory_space<semaphore_mem>>) {add = true}
          %dma_wait3A_150 = arith.constant 0 : i32
          %dma_wait3A_151 = tpu.memref_slice %arg10[%run_scoped3A_134, %dma_wait3A_150] : memref<8x128xi32, #tpu.memory_space<vmem>> -> memref<1x128xi32, #tpu.memory_space<vmem>>
          %dma_wait3A_152 = tpu.memref_squeeze %dma_wait3A_151 : memref<1x128xi32, #tpu.memory_space<vmem>> -> memref<128xi32, #tpu.memory_space<vmem>>
          %dma_wait3A_153 = arith.constant 0 : i32
          %dma_wait3A_154 = arith.constant 0 : i32
          %dma_wait3A_155 = tpu.memref_slice %arg13[%dma_wait3A_153, %dma_wait3A_154] : memref<10240x128xf32, #tpu.memory_space<vmem_shared>> -> memref<10240x128xf32, #tpu.memory_space<vmem_shared>>
          tpu.wait_indirect_dma semaphore(%run_scoped3A_143 : memref<!tpu.dma_semaphore, #tpu.memory_space<semaphore_mem>>) src(%arg11 : memref<128x128xf32, #tpu.memory_space<vmem>>) dst(%dma_wait3A_155 : memref<10240x128xf32, #tpu.memory_space<vmem_shared>>)
          tpu.yield
        }) : () -> ()
        %dma_wait3A_135 = arith.constant 7 : i32
        %dma_wait3A_136 = arith.constant 0 : i32
        %dma_wait3A_137 = tpu.memref_slice %arg9[%dma_wait3A_135, %dma_wait3A_136] : memref<8x128xi32, #tpu.memory_space<vmem>> -> memref<1x128xi32, #tpu.memory_space<vmem>>
        %dma_wait3A_138 = tpu.memref_squeeze %dma_wait3A_137 : memref<1x128xi32, #tpu.memory_space<vmem>> -> memref<128xi32, #tpu.memory_space<vmem>>
        %dma_wait3A_139 = arith.constant 0 : i32
        %dma_wait3A_140 = arith.constant 0 : i32
        %dma_wait3A_141 = tpu.memref_slice %arg6[%dma_wait3A_139, %dma_wait3A_140] : memref<10000x128xf32, #tpu.memory_space<hbm>> -> memref<10000x128xf32, #tpu.memory_space<hbm>>
        tpu.wait_indirect_dma semaphore(%arg15 : memref<!tpu.dma_semaphore, #tpu.memory_space<semaphore_mem>>) src(%dma_wait3A_141 : memref<10000x128xf32, #tpu.memory_space<hbm>>) dst(%arg12 : memref<128x128xf32, #tpu.memory_space<vmem>>)
        %run_scoped3A_142 = arith.constant 7 : i32
        "tpu.region"() ({
          %run_scoped3A_143 = tpu.sem_alloc : memref<!tpu.dma_semaphore, #tpu.memory_space<semaphore_mem>>
          %dma_start3A_144 = arith.constant 0 : i32
          %dma_start3A_145 = tpu.memref_slice %arg10[%run_scoped3A_142, %dma_start3A_144] : memref<8x128xi32, #tpu.memory_space<vmem>> -> memref<1x128xi32, #tpu.memory_space<vmem>>
          %dma_start3A_146 = tpu.memref_squeeze %dma_start3A_145 : memref<1x128xi32, #tpu.memory_space<vmem>> -> memref<128xi32, #tpu.memory_space<vmem>>
          %dma_start3A_147 = arith.constant 0 : i32
          %dma_start3A_148 = arith.constant 0 : i32
          %dma_start3A_149 = tpu.memref_slice %arg13[%dma_start3A_147, %dma_start3A_148] : memref<10240x128xf32, #tpu.memory_space<vmem_shared>> -> memref<10240x128xf32, #tpu.memory_space<vmem_shared>>
          tpu.enqueue_indirect_dma source(%arg12 : memref<128x128xf32, #tpu.memory_space<vmem>>) target(%dma_start3A_149 : memref<10240x128xf32, #tpu.memory_space<vmem_shared>>) offsets(%dma_start3A_146 : memref<128xi32, #tpu.memory_space<vmem>>) semaphore(%run_scoped3A_143 : memref<!tpu.dma_semaphore, #tpu.memory_space<semaphore_mem>>) {add = true}
          %dma_wait3A_150 = arith.constant 0 : i32
          %dma_wait3A_151 = tpu.memref_slice %arg10[%run_scoped3A_142, %dma_wait3A_150] : memref<8x128xi32, #tpu.memory_space<vmem>> -> memref<1x128xi32, #tpu.memory_space<vmem>>
          %dma_wait3A_152 = tpu.memref_squeeze %dma_wait3A_151 : memref<1x128xi32, #tpu.memory_space<vmem>> -> memref<128xi32, #tpu.memory_space<vmem>>
          %dma_wait3A_153 = arith.constant 0 : i32
          %dma_wait3A_154 = arith.constant 0 : i32
          %dma_wait3A_155 = tpu.memref_slice %arg13[%dma_wait3A_153, %dma_wait3A_154] : memref<10240x128xf32, #tpu.memory_space<vmem_shared>> -> memref<10240x128xf32, #tpu.memory_space<vmem_shared>>
          tpu.wait_indirect_dma semaphore(%run_scoped3A_143 : memref<!tpu.dma_semaphore, #tpu.memory_space<semaphore_mem>>) src(%arg12 : memref<128x128xf32, #tpu.memory_space<vmem>>) dst(%dma_wait3A_155 : memref<10240x128xf32, #tpu.memory_space<vmem_shared>>)
          tpu.yield
        }) : () -> ()
      }
      %scan3A_20 = arith.constant 7 : i32
    } else {
    }
    %barrier3A_10 = arith.constant 0 : index
    tpu.barrier barrier_id(%barrier3A_10)
    %mul3A_11 = arith.constant 640 : i32
    %mul3A_12 = arith.muli %arg1, %mul3A_11 : i32
    %mul3A_13 = arith.constant 10240 : i32
    %mul3A_14 = arith.muli %arg0, %mul3A_13 : i32
    %mul3A_15 = arith.constant 640 : i32
    %mul3A_16 = arith.muli %arg1, %mul3A_15 : i32
    %add3A = arith.addi %mul3A_14, %mul3A_16 : i32
    "tpu.region"() ({
      %run_scoped3A = tpu.sem_alloc : memref<!tpu.dma_semaphore, #tpu.memory_space<semaphore_mem>>
      %dma_start3A = arith.constant 0 : i32
      %dma_start3A_17 = tpu.memref_slice %arg8[%add3A, %dma_start3A] : memref<20480x128xf32, #tpu.memory_space<hbm>> -> memref<640x128xf32, #tpu.memory_space<hbm>>
      %dma_start3A_18 = arith.constant 0 : i32
      %dma_start3A_19 = tpu.memref_slice %arg13[%mul3A_12, %dma_start3A_18] : memref<10240x128xf32, #tpu.memory_space<vmem_shared>> -> memref<640x128xf32, #tpu.memory_space<vmem_shared>>
      tpu.enqueue_dma source(%dma_start3A_19 : memref<640x128xf32, #tpu.memory_space<vmem_shared>>) target(%dma_start3A_17 : memref<640x128xf32, #tpu.memory_space<hbm>>) target_semaphore(%run_scoped3A : memref<!tpu.dma_semaphore, #tpu.memory_space<semaphore_mem>>)
      %dma_wait3A = arith.constant 0 : i32
      %dma_wait3A_20 = tpu.memref_slice %arg8[%add3A, %dma_wait3A] : memref<20480x128xf32, #tpu.memory_space<hbm>> -> memref<640x128xf32, #tpu.memory_space<hbm>>
      %dma_wait3A_21 = arith.constant 0 : i32
      %dma_wait3A_22 = tpu.memref_slice %arg13[%mul3A_12, %dma_wait3A_21] : memref<10240x128xf32, #tpu.memory_space<vmem_shared>> -> memref<640x128xf32, #tpu.memory_space<vmem_shared>>
      tpu.wait_dma2 semaphore(%run_scoped3A : memref<!tpu.dma_semaphore, #tpu.memory_space<semaphore_mem>>) src(%dma_wait3A_22 : memref<640x128xf32, #tpu.memory_space<vmem_shared>>) dst(%dma_wait3A_20 : memref<640x128xf32, #tpu.memory_space<hbm>>)
      tpu.yield
    }) : () -> ()
    return
  }
}

#map = affine_map<(d0, d1) -> (0, 0, 0, 0, 0)>
#map1 = affine_map<(d0, d1) -> (0, 0)>
module attributes {stable_mosaic.version = 14 : i64} {
  func.func @sc_segsum_12(%arg0: i32, %arg1: i32, %arg2: memref<2x16x20x8x128xi32, #tpu.memory_space<hbm>>, %arg3: memref<2x16x20x8x128xi32, #tpu.memory_space<hbm>>, %arg4: memref<20000x128xf32, #tpu.memory_space<hbm>>, %arg5: memref<10240x128xf32, #tpu.memory_space<hbm>>, %arg6: memref<20480x128xf32, #tpu.memory_space<hbm>>, %arg7: memref<8x128xi32, #tpu.memory_space<vmem>>, %arg8: memref<8x128xi32, #tpu.memory_space<vmem>>, %arg9: memref<128x128xf32, #tpu.memory_space<vmem>>, %arg10: memref<128x128xf32, #tpu.memory_space<vmem>>, %arg11: memref<10240x128xf32, #tpu.memory_space<vmem_shared>>, %arg12: memref<!tpu.dma_semaphore, #tpu.memory_space<semaphore_mem>>, %arg13: memref<!tpu.dma_semaphore, #tpu.memory_space<semaphore_mem>>) attributes {dimension_semantics = [#tpu.dimension_semantics<core_parallel>, #tpu.dimension_semantics<subcore_parallel>], iteration_bounds = array<i64: 2, 16>, scalar_prefetch = 0 : i64, scratch_operands = 7 : i64, tpu.core_type = #tpu.core_type<sc_vector_subcore>, window_params = [{transform_indices = #map}, {transform_indices = #map}, {transform_indices = #map1}, {transform_indices = #map1}, {transform_indices = #map1}]} {
    %mul3A = arith.constant 640 : i32
    %mul3A_0 = arith.muli %arg1, %mul3A : i32
    %mul3A_1 = arith.constant 640 : i32
    %mul3A_2 = arith.muli %arg1, %mul3A_1 : i32
    "tpu.region"() ({
      %run_scoped3A = tpu.sem_alloc : memref<!tpu.dma_semaphore, #tpu.memory_space<semaphore_mem>>
      %dma_start3A = arith.constant 0 : i32
      %dma_start3A_14 = tpu.memref_slice %arg11[%mul3A_2, %dma_start3A] : memref<10240x128xf32, #tpu.memory_space<vmem_shared>> -> memref<640x128xf32, #tpu.memory_space<vmem_shared>>
      %dma_start3A_15 = arith.constant 0 : i32
      %dma_start3A_16 = tpu.memref_slice %arg5[%mul3A_0, %dma_start3A_15] : memref<10240x128xf32, #tpu.memory_space<hbm>> -> memref<640x128xf32, #tpu.memory_space<hbm>>
      tpu.enqueue_dma source(%dma_start3A_16 : memref<640x128xf32, #tpu.memory_space<hbm>>) target(%dma_start3A_14 : memref<640x128xf32, #tpu.memory_space<vmem_shared>>) target_semaphore(%run_scoped3A : memref<!tpu.dma_semaphore, #tpu.memory_space<semaphore_mem>>)
      %dma_wait3A = arith.constant 0 : i32
      %dma_wait3A_17 = tpu.memref_slice %arg11[%mul3A_2, %dma_wait3A] : memref<10240x128xf32, #tpu.memory_space<vmem_shared>> -> memref<640x128xf32, #tpu.memory_space<vmem_shared>>
      %dma_wait3A_18 = arith.constant 0 : i32
      %dma_wait3A_19 = tpu.memref_slice %arg5[%mul3A_0, %dma_wait3A_18] : memref<10240x128xf32, #tpu.memory_space<hbm>> -> memref<640x128xf32, #tpu.memory_space<hbm>>
      tpu.wait_dma2 semaphore(%run_scoped3A : memref<!tpu.dma_semaphore, #tpu.memory_space<semaphore_mem>>) src(%dma_wait3A_19 : memref<640x128xf32, #tpu.memory_space<hbm>>) dst(%dma_wait3A_17 : memref<640x128xf32, #tpu.memory_space<vmem_shared>>)
      tpu.yield
    }) : () -> ()
    %barrier3A = arith.constant 0 : index
    tpu.barrier barrier_id(%barrier3A)
    %scan3A = arith.constant 0 : i32
    %scan3A_3 = arith.constant 20 : i32
    %scan3A_4 = arith.addi %scan3A, %scan3A_3 : i32
    %scan3A_5 = arith.constant 1 : i32
    scf.for %scan3A_14 = %scan3A to %scan3A_4 step %scan3A_5  : i32 {
      %mul3A_15 = arith.constant 1 : i32
      %mul3A_16 = arith.muli %scan3A_14, %mul3A_15 : i32
      %add3A_17 = arith.constant 0 : i32
      %add3A_18 = arith.addi %add3A_17, %mul3A_16 : i32
      "tpu.region"() ({
        %run_scoped3A_136 = tpu.sem_alloc : memref<!tpu.dma_semaphore, #tpu.memory_space<semaphore_mem>>
        %dma_start3A_137 = arith.constant 0 : i32
        %dma_start3A_138 = arith.constant 0 : i32
        %dma_start3A_139 = arith.constant 0 : i32
        %dma_start3A_140 = arith.constant 0 : i32
        %dma_start3A_141 = tpu.memref_slice %arg2[%arg0, %dma_start3A_137, %dma_start3A_138, %dma_start3A_139, %dma_start3A_140] : memref<2x16x20x8x128xi32, #tpu.memory_space<hbm>> -> memref<1x16x20x8x128xi32, #tpu.memory_space<hbm>>
        %dma_start3A_142 = tpu.memref_squeeze %dma_start3A_141 : memref<1x16x20x8x128xi32, #tpu.memory_space<hbm>> -> memref<16x20x8x128xi32, #tpu.memory_space<hbm>>
        %dma_start3A_143 = arith.constant 0 : i32
        %dma_start3A_144 = arith.constant 0 : i32
        %dma_start3A_145 = tpu.memref_slice %dma_start3A_142[%arg1, %add3A_18, %dma_start3A_143, %dma_start3A_144] : memref<16x20x8x128xi32, #tpu.memory_space<hbm>> -> memref<1x1x8x128xi32, #tpu.memory_space<hbm>>
        %dma_start3A_146 = tpu.memref_squeeze %dma_start3A_145 : memref<1x1x8x128xi32, #tpu.memory_space<hbm>> -> memref<8x128xi32, #tpu.memory_space<hbm>>
        %dma_start3A_147 = arith.constant 0 : i32
        %dma_start3A_148 = arith.constant 0 : i32
        %dma_start3A_149 = arith.constant 0 : i32
        %dma_start3A_150 = arith.constant 0 : i32
        %dma_start3A_151 = tpu.memref_slice %arg2[%arg0, %dma_start3A_147, %dma_start3A_148, %dma_start3A_149, %dma_start3A_150] : memref<2x16x20x8x128xi32, #tpu.memory_space<hbm>> -> memref<1x16x20x8x128xi32, #tpu.memory_space<hbm>>
        %dma_start3A_152 = tpu.memref_squeeze %dma_start3A_151 : memref<1x16x20x8x128xi32, #tpu.memory_space<hbm>> -> memref<16x20x8x128xi32, #tpu.memory_space<hbm>>
        %dma_start3A_153 = arith.constant 0 : i32
        %dma_start3A_154 = arith.constant 0 : i32
        %dma_start3A_155 = tpu.memref_slice %dma_start3A_152[%arg1, %add3A_18, %dma_start3A_153, %dma_start3A_154] : memref<16x20x8x128xi32, #tpu.memory_space<hbm>> -> memref<1x1x8x128xi32, #tpu.memory_space<hbm>>
        %dma_start3A_156 = tpu.memref_squeeze %dma_start3A_155 : memref<1x1x8x128xi32, #tpu.memory_space<hbm>> -> memref<8x128xi32, #tpu.memory_space<hbm>>
        tpu.enqueue_dma source(%dma_start3A_156 : memref<8x128xi32, #tpu.memory_space<hbm>>) target(%arg7 : memref<8x128xi32, #tpu.memory_space<vmem>>) target_semaphore(%run_scoped3A_136 : memref<!tpu.dma_semaphore, #tpu.memory_space<semaphore_mem>>)
        %dma_wait3A_157 = arith.constant 0 : i32
        %dma_wait3A_158 = arith.constant 0 : i32
        %dma_wait3A_159 = arith.constant 0 : i32
        %dma_wait3A_160 = arith.constant 0 : i32
        %dma_wait3A_161 = tpu.memref_slice %arg2[%arg0, %dma_wait3A_157, %dma_wait3A_158, %dma_wait3A_159, %dma_wait3A_160] : memref<2x16x20x8x128xi32, #tpu.memory_space<hbm>> -> memref<1x16x20x8x128xi32, #tpu.memory_space<hbm>>
        %dma_wait3A_162 = tpu.memref_squeeze %dma_wait3A_161 : memref<1x16x20x8x128xi32, #tpu.memory_space<hbm>> -> memref<16x20x8x128xi32, #tpu.memory_space<hbm>>
        %dma_wait3A_163 = arith.constant 0 : i32
        %dma_wait3A_164 = arith.constant 0 : i32
        %dma_wait3A_165 = tpu.memref_slice %dma_wait3A_162[%arg1, %add3A_18, %dma_wait3A_163, %dma_wait3A_164] : memref<16x20x8x128xi32, #tpu.memory_space<hbm>> -> memref<1x1x8x128xi32, #tpu.memory_space<hbm>>
        %dma_wait3A_166 = tpu.memref_squeeze %dma_wait3A_165 : memref<1x1x8x128xi32, #tpu.memory_space<hbm>> -> memref<8x128xi32, #tpu.memory_space<hbm>>
        %dma_wait3A_167 = arith.constant 0 : i32
        %dma_wait3A_168 = arith.constant 0 : i32
        %dma_wait3A_169 = arith.constant 0 : i32
        %dma_wait3A_170 = arith.constant 0 : i32
        %dma_wait3A_171 = tpu.memref_slice %arg2[%arg0, %dma_wait3A_167, %dma_wait3A_168, %dma_wait3A_169, %dma_wait3A_170] : memref<2x16x20x8x128xi32, #tpu.memory_space<hbm>> -> memref<1x16x20x8x128xi32, #tpu.memory_space<hbm>>
        %dma_wait3A_172 = tpu.memref_squeeze %dma_wait3A_171 : memref<1x16x20x8x128xi32, #tpu.memory_space<hbm>> -> memref<16x20x8x128xi32, #tpu.memory_space<hbm>>
        %dma_wait3A_173 = arith.constant 0 : i32
        %dma_wait3A_174 = arith.constant 0 : i32
        %dma_wait3A_175 = tpu.memref_slice %dma_wait3A_172[%arg1, %add3A_18, %dma_wait3A_173, %dma_wait3A_174] : memref<16x20x8x128xi32, #tpu.memory_space<hbm>> -> memref<1x1x8x128xi32, #tpu.memory_space<hbm>>
        %dma_wait3A_176 = tpu.memref_squeeze %dma_wait3A_175 : memref<1x1x8x128xi32, #tpu.memory_space<hbm>> -> memref<8x128xi32, #tpu.memory_space<hbm>>
        tpu.wait_dma2 semaphore(%run_scoped3A_136 : memref<!tpu.dma_semaphore, #tpu.memory_space<semaphore_mem>>) src(%dma_wait3A_176 : memref<8x128xi32, #tpu.memory_space<hbm>>) dst(%arg7 : memref<8x128xi32, #tpu.memory_space<vmem>>)
        tpu.yield
      }) : () -> ()
      "tpu.region"() ({
        %run_scoped3A_136 = tpu.sem_alloc : memref<!tpu.dma_semaphore, #tpu.memory_space<semaphore_mem>>
        %dma_start3A_137 = arith.constant 0 : i32
        %dma_start3A_138 = arith.constant 0 : i32
        %dma_start3A_139 = arith.constant 0 : i32
        %dma_start3A_140 = arith.constant 0 : i32
        %dma_start3A_141 = tpu.memref_slice %arg3[%arg0, %dma_start3A_137, %dma_start3A_138, %dma_start3A_139, %dma_start3A_140] : memref<2x16x20x8x128xi32, #tpu.memory_space<hbm>> -> memref<1x16x20x8x128xi32, #tpu.memory_space<hbm>>
        %dma_start3A_142 = tpu.memref_squeeze %dma_start3A_141 : memref<1x16x20x8x128xi32, #tpu.memory_space<hbm>> -> memref<16x20x8x128xi32, #tpu.memory_space<hbm>>
        %dma_start3A_143 = arith.constant 0 : i32
        %dma_start3A_144 = arith.constant 0 : i32
        %dma_start3A_145 = tpu.memref_slice %dma_start3A_142[%arg1, %add3A_18, %dma_start3A_143, %dma_start3A_144] : memref<16x20x8x128xi32, #tpu.memory_space<hbm>> -> memref<1x1x8x128xi32, #tpu.memory_space<hbm>>
        %dma_start3A_146 = tpu.memref_squeeze %dma_start3A_145 : memref<1x1x8x128xi32, #tpu.memory_space<hbm>> -> memref<8x128xi32, #tpu.memory_space<hbm>>
        %dma_start3A_147 = arith.constant 0 : i32
        %dma_start3A_148 = arith.constant 0 : i32
        %dma_start3A_149 = arith.constant 0 : i32
        %dma_start3A_150 = arith.constant 0 : i32
        %dma_start3A_151 = tpu.memref_slice %arg3[%arg0, %dma_start3A_147, %dma_start3A_148, %dma_start3A_149, %dma_start3A_150] : memref<2x16x20x8x128xi32, #tpu.memory_space<hbm>> -> memref<1x16x20x8x128xi32, #tpu.memory_space<hbm>>
        %dma_start3A_152 = tpu.memref_squeeze %dma_start3A_151 : memref<1x16x20x8x128xi32, #tpu.memory_space<hbm>> -> memref<16x20x8x128xi32, #tpu.memory_space<hbm>>
        %dma_start3A_153 = arith.constant 0 : i32
        %dma_start3A_154 = arith.constant 0 : i32
        %dma_start3A_155 = tpu.memref_slice %dma_start3A_152[%arg1, %add3A_18, %dma_start3A_153, %dma_start3A_154] : memref<16x20x8x128xi32, #tpu.memory_space<hbm>> -> memref<1x1x8x128xi32, #tpu.memory_space<hbm>>
        %dma_start3A_156 = tpu.memref_squeeze %dma_start3A_155 : memref<1x1x8x128xi32, #tpu.memory_space<hbm>> -> memref<8x128xi32, #tpu.memory_space<hbm>>
        tpu.enqueue_dma source(%dma_start3A_156 : memref<8x128xi32, #tpu.memory_space<hbm>>) target(%arg8 : memref<8x128xi32, #tpu.memory_space<vmem>>) target_semaphore(%run_scoped3A_136 : memref<!tpu.dma_semaphore, #tpu.memory_space<semaphore_mem>>)
        %dma_wait3A_157 = arith.constant 0 : i32
        %dma_wait3A_158 = arith.constant 0 : i32
        %dma_wait3A_159 = arith.constant 0 : i32
        %dma_wait3A_160 = arith.constant 0 : i32
        %dma_wait3A_161 = tpu.memref_slice %arg3[%arg0, %dma_wait3A_157, %dma_wait3A_158, %dma_wait3A_159, %dma_wait3A_160] : memref<2x16x20x8x128xi32, #tpu.memory_space<hbm>> -> memref<1x16x20x8x128xi32, #tpu.memory_space<hbm>>
        %dma_wait3A_162 = tpu.memref_squeeze %dma_wait3A_161 : memref<1x16x20x8x128xi32, #tpu.memory_space<hbm>> -> memref<16x20x8x128xi32, #tpu.memory_space<hbm>>
        %dma_wait3A_163 = arith.constant 0 : i32
        %dma_wait3A_164 = arith.constant 0 : i32
        %dma_wait3A_165 = tpu.memref_slice %dma_wait3A_162[%arg1, %add3A_18, %dma_wait3A_163, %dma_wait3A_164] : memref<16x20x8x128xi32, #tpu.memory_space<hbm>> -> memref<1x1x8x128xi32, #tpu.memory_space<hbm>>
        %dma_wait3A_166 = tpu.memref_squeeze %dma_wait3A_165 : memref<1x1x8x128xi32, #tpu.memory_space<hbm>> -> memref<8x128xi32, #tpu.memory_space<hbm>>
        %dma_wait3A_167 = arith.constant 0 : i32
        %dma_wait3A_168 = arith.constant 0 : i32
        %dma_wait3A_169 = arith.constant 0 : i32
        %dma_wait3A_170 = arith.constant 0 : i32
        %dma_wait3A_171 = tpu.memref_slice %arg3[%arg0, %dma_wait3A_167, %dma_wait3A_168, %dma_wait3A_169, %dma_wait3A_170] : memref<2x16x20x8x128xi32, #tpu.memory_space<hbm>> -> memref<1x16x20x8x128xi32, #tpu.memory_space<hbm>>
        %dma_wait3A_172 = tpu.memref_squeeze %dma_wait3A_171 : memref<1x16x20x8x128xi32, #tpu.memory_space<hbm>> -> memref<16x20x8x128xi32, #tpu.memory_space<hbm>>
        %dma_wait3A_173 = arith.constant 0 : i32
        %dma_wait3A_174 = arith.constant 0 : i32
        %dma_wait3A_175 = tpu.memref_slice %dma_wait3A_172[%arg1, %add3A_18, %dma_wait3A_173, %dma_wait3A_174] : memref<16x20x8x128xi32, #tpu.memory_space<hbm>> -> memref<1x1x8x128xi32, #tpu.memory_space<hbm>>
        %dma_wait3A_176 = tpu.memref_squeeze %dma_wait3A_175 : memref<1x1x8x128xi32, #tpu.memory_space<hbm>> -> memref<8x128xi32, #tpu.memory_space<hbm>>
        tpu.wait_dma2 semaphore(%run_scoped3A_136 : memref<!tpu.dma_semaphore, #tpu.memory_space<semaphore_mem>>) src(%dma_wait3A_176 : memref<8x128xi32, #tpu.memory_space<hbm>>) dst(%arg8 : memref<8x128xi32, #tpu.memory_space<vmem>>)
        tpu.yield
      }) : () -> ()
      %dma_start3A = arith.constant 0 : i32
      %dma_start3A_19 = arith.constant 0 : i32
      %dma_start3A_20 = tpu.memref_slice %arg7[%dma_start3A, %dma_start3A_19] : memref<8x128xi32, #tpu.memory_space<vmem>> -> memref<1x128xi32, #tpu.memory_space<vmem>>
      %dma_start3A_21 = tpu.memref_squeeze %dma_start3A_20 : memref<1x128xi32, #tpu.memory_space<vmem>> -> memref<128xi32, #tpu.memory_space<vmem>>
      %dma_start3A_22 = arith.constant 0 : i32
      %dma_start3A_23 = arith.constant 0 : i32
      %dma_start3A_24 = tpu.memref_slice %arg4[%dma_start3A_22, %dma_start3A_23] : memref<20000x128xf32, #tpu.memory_space<hbm>> -> memref<20000x128xf32, #tpu.memory_space<hbm>>
      tpu.enqueue_indirect_dma source(%dma_start3A_24 : memref<20000x128xf32, #tpu.memory_space<hbm>>) target(%arg9 : memref<128x128xf32, #tpu.memory_space<vmem>>) offsets(%dma_start3A_21 : memref<128xi32, #tpu.memory_space<vmem>>) semaphore(%arg12 : memref<!tpu.dma_semaphore, #tpu.memory_space<semaphore_mem>>)
      %dma_wait3A = arith.constant 0 : i32
      %dma_wait3A_25 = arith.constant 0 : i32
      %dma_wait3A_26 = tpu.memref_slice %arg7[%dma_wait3A, %dma_wait3A_25] : memref<8x128xi32, #tpu.memory_space<vmem>> -> memref<1x128xi32, #tpu.memory_space<vmem>>
      %dma_wait3A_27 = tpu.memref_squeeze %dma_wait3A_26 : memref<1x128xi32, #tpu.memory_space<vmem>> -> memref<128xi32, #tpu.memory_space<vmem>>
      %dma_wait3A_28 = arith.constant 0 : i32
      %dma_wait3A_29 = arith.constant 0 : i32
      %dma_wait3A_30 = tpu.memref_slice %arg4[%dma_wait3A_28, %dma_wait3A_29] : memref<20000x128xf32, #tpu.memory_space<hbm>> -> memref<20000x128xf32, #tpu.memory_space<hbm>>
      tpu.wait_indirect_dma semaphore(%arg12 : memref<!tpu.dma_semaphore, #tpu.memory_space<semaphore_mem>>) src(%dma_wait3A_30 : memref<20000x128xf32, #tpu.memory_space<hbm>>) dst(%arg9 : memref<128x128xf32, #tpu.memory_space<vmem>>)
      %dma_start3A_31 = arith.constant 1 : i32
      %dma_start3A_32 = arith.constant 0 : i32
      %dma_start3A_33 = tpu.memref_slice %arg7[%dma_start3A_31, %dma_start3A_32] : memref<8x128xi32, #tpu.memory_space<vmem>> -> memref<1x128xi32, #tpu.memory_space<vmem>>
      %dma_start3A_34 = tpu.memref_squeeze %dma_start3A_33 : memref<1x128xi32, #tpu.memory_space<vmem>> -> memref<128xi32, #tpu.memory_space<vmem>>
      %dma_start3A_35 = arith.constant 0 : i32
      %dma_start3A_36 = arith.constant 0 : i32
      %dma_start3A_37 = tpu.memref_slice %arg4[%dma_start3A_35, %dma_start3A_36] : memref<20000x128xf32, #tpu.memory_space<hbm>> -> memref<20000x128xf32, #tpu.memory_space<hbm>>
      tpu.enqueue_indirect_dma source(%dma_start3A_37 : memref<20000x128xf32, #tpu.memory_space<hbm>>) target(%arg10 : memref<128x128xf32, #tpu.memory_space<vmem>>) offsets(%dma_start3A_34 : memref<128xi32, #tpu.memory_space<vmem>>) semaphore(%arg13 : memref<!tpu.dma_semaphore, #tpu.memory_space<semaphore_mem>>)
      %run_scoped3A = arith.constant 0 : i32
      "tpu.region"() ({
        %run_scoped3A_136 = tpu.sem_alloc : memref<!tpu.dma_semaphore, #tpu.memory_space<semaphore_mem>>
        %dma_start3A_137 = arith.constant 0 : i32
        %dma_start3A_138 = tpu.memref_slice %arg8[%run_scoped3A, %dma_start3A_137] : memref<8x128xi32, #tpu.memory_space<vmem>> -> memref<1x128xi32, #tpu.memory_space<vmem>>
        %dma_start3A_139 = tpu.memref_squeeze %dma_start3A_138 : memref<1x128xi32, #tpu.memory_space<vmem>> -> memref<128xi32, #tpu.memory_space<vmem>>
        %dma_start3A_140 = arith.constant 0 : i32
        %dma_start3A_141 = arith.constant 0 : i32
        %dma_start3A_142 = tpu.memref_slice %arg11[%dma_start3A_140, %dma_start3A_141] : memref<10240x128xf32, #tpu.memory_space<vmem_shared>> -> memref<10240x128xf32, #tpu.memory_space<vmem_shared>>
        tpu.enqueue_indirect_dma source(%arg9 : memref<128x128xf32, #tpu.memory_space<vmem>>) target(%dma_start3A_142 : memref<10240x128xf32, #tpu.memory_space<vmem_shared>>) offsets(%dma_start3A_139 : memref<128xi32, #tpu.memory_space<vmem>>) semaphore(%run_scoped3A_136 : memref<!tpu.dma_semaphore, #tpu.memory_space<semaphore_mem>>) {add = true}
        %dma_wait3A_143 = arith.constant 0 : i32
        %dma_wait3A_144 = tpu.memref_slice %arg8[%run_scoped3A, %dma_wait3A_143] : memref<8x128xi32, #tpu.memory_space<vmem>> -> memref<1x128xi32, #tpu.memory_space<vmem>>
        %dma_wait3A_145 = tpu.memref_squeeze %dma_wait3A_144 : memref<1x128xi32, #tpu.memory_space<vmem>> -> memref<128xi32, #tpu.memory_space<vmem>>
        %dma_wait3A_146 = arith.constant 0 : i32
        %dma_wait3A_147 = arith.constant 0 : i32
        %dma_wait3A_148 = tpu.memref_slice %arg11[%dma_wait3A_146, %dma_wait3A_147] : memref<10240x128xf32, #tpu.memory_space<vmem_shared>> -> memref<10240x128xf32, #tpu.memory_space<vmem_shared>>
        tpu.wait_indirect_dma semaphore(%run_scoped3A_136 : memref<!tpu.dma_semaphore, #tpu.memory_space<semaphore_mem>>) src(%arg9 : memref<128x128xf32, #tpu.memory_space<vmem>>) dst(%dma_wait3A_148 : memref<10240x128xf32, #tpu.memory_space<vmem_shared>>)
        tpu.yield
      }) : () -> ()
      %dma_wait3A_38 = arith.constant 1 : i32
      %dma_wait3A_39 = arith.constant 0 : i32
      %dma_wait3A_40 = tpu.memref_slice %arg7[%dma_wait3A_38, %dma_wait3A_39] : memref<8x128xi32, #tpu.memory_space<vmem>> -> memref<1x128xi32, #tpu.memory_space<vmem>>
      %dma_wait3A_41 = tpu.memref_squeeze %dma_wait3A_40 : memref<1x128xi32, #tpu.memory_space<vmem>> -> memref<128xi32, #tpu.memory_space<vmem>>
      %dma_wait3A_42 = arith.constant 0 : i32
      %dma_wait3A_43 = arith.constant 0 : i32
      %dma_wait3A_44 = tpu.memref_slice %arg4[%dma_wait3A_42, %dma_wait3A_43] : memref<20000x128xf32, #tpu.memory_space<hbm>> -> memref<20000x128xf32, #tpu.memory_space<hbm>>
      tpu.wait_indirect_dma semaphore(%arg13 : memref<!tpu.dma_semaphore, #tpu.memory_space<semaphore_mem>>) src(%dma_wait3A_44 : memref<20000x128xf32, #tpu.memory_space<hbm>>) dst(%arg10 : memref<128x128xf32, #tpu.memory_space<vmem>>)
      %dma_start3A_45 = arith.constant 2 : i32
      %dma_start3A_46 = arith.constant 0 : i32
      %dma_start3A_47 = tpu.memref_slice %arg7[%dma_start3A_45, %dma_start3A_46] : memref<8x128xi32, #tpu.memory_space<vmem>> -> memref<1x128xi32, #tpu.memory_space<vmem>>
      %dma_start3A_48 = tpu.memref_squeeze %dma_start3A_47 : memref<1x128xi32, #tpu.memory_space<vmem>> -> memref<128xi32, #tpu.memory_space<vmem>>
      %dma_start3A_49 = arith.constant 0 : i32
      %dma_start3A_50 = arith.constant 0 : i32
      %dma_start3A_51 = tpu.memref_slice %arg4[%dma_start3A_49, %dma_start3A_50] : memref<20000x128xf32, #tpu.memory_space<hbm>> -> memref<20000x128xf32, #tpu.memory_space<hbm>>
      tpu.enqueue_indirect_dma source(%dma_start3A_51 : memref<20000x128xf32, #tpu.memory_space<hbm>>) target(%arg9 : memref<128x128xf32, #tpu.memory_space<vmem>>) offsets(%dma_start3A_48 : memref<128xi32, #tpu.memory_space<vmem>>) semaphore(%arg12 : memref<!tpu.dma_semaphore, #tpu.memory_space<semaphore_mem>>)
      %run_scoped3A_52 = arith.constant 1 : i32
      "tpu.region"() ({
        %run_scoped3A_136 = tpu.sem_alloc : memref<!tpu.dma_semaphore, #tpu.memory_space<semaphore_mem>>
        %dma_start3A_137 = arith.constant 0 : i32
        %dma_start3A_138 = tpu.memref_slice %arg8[%run_scoped3A_52, %dma_start3A_137] : memref<8x128xi32, #tpu.memory_space<vmem>> -> memref<1x128xi32, #tpu.memory_space<vmem>>
        %dma_start3A_139 = tpu.memref_squeeze %dma_start3A_138 : memref<1x128xi32, #tpu.memory_space<vmem>> -> memref<128xi32, #tpu.memory_space<vmem>>
        %dma_start3A_140 = arith.constant 0 : i32
        %dma_start3A_141 = arith.constant 0 : i32
        %dma_start3A_142 = tpu.memref_slice %arg11[%dma_start3A_140, %dma_start3A_141] : memref<10240x128xf32, #tpu.memory_space<vmem_shared>> -> memref<10240x128xf32, #tpu.memory_space<vmem_shared>>
        tpu.enqueue_indirect_dma source(%arg10 : memref<128x128xf32, #tpu.memory_space<vmem>>) target(%dma_start3A_142 : memref<10240x128xf32, #tpu.memory_space<vmem_shared>>) offsets(%dma_start3A_139 : memref<128xi32, #tpu.memory_space<vmem>>) semaphore(%run_scoped3A_136 : memref<!tpu.dma_semaphore, #tpu.memory_space<semaphore_mem>>) {add = true}
        %dma_wait3A_143 = arith.constant 0 : i32
        %dma_wait3A_144 = tpu.memref_slice %arg8[%run_scoped3A_52, %dma_wait3A_143] : memref<8x128xi32, #tpu.memory_space<vmem>> -> memref<1x128xi32, #tpu.memory_space<vmem>>
        %dma_wait3A_145 = tpu.memref_squeeze %dma_wait3A_144 : memref<1x128xi32, #tpu.memory_space<vmem>> -> memref<128xi32, #tpu.memory_space<vmem>>
        %dma_wait3A_146 = arith.constant 0 : i32
        %dma_wait3A_147 = arith.constant 0 : i32
        %dma_wait3A_148 = tpu.memref_slice %arg11[%dma_wait3A_146, %dma_wait3A_147] : memref<10240x128xf32, #tpu.memory_space<vmem_shared>> -> memref<10240x128xf32, #tpu.memory_space<vmem_shared>>
        tpu.wait_indirect_dma semaphore(%run_scoped3A_136 : memref<!tpu.dma_semaphore, #tpu.memory_space<semaphore_mem>>) src(%arg10 : memref<128x128xf32, #tpu.memory_space<vmem>>) dst(%dma_wait3A_148 : memref<10240x128xf32, #tpu.memory_space<vmem_shared>>)
        tpu.yield
      }) : () -> ()
      %dma_wait3A_53 = arith.constant 2 : i32
      %dma_wait3A_54 = arith.constant 0 : i32
      %dma_wait3A_55 = tpu.memref_slice %arg7[%dma_wait3A_53, %dma_wait3A_54] : memref<8x128xi32, #tpu.memory_space<vmem>> -> memref<1x128xi32, #tpu.memory_space<vmem>>
      %dma_wait3A_56 = tpu.memref_squeeze %dma_wait3A_55 : memref<1x128xi32, #tpu.memory_space<vmem>> -> memref<128xi32, #tpu.memory_space<vmem>>
      %dma_wait3A_57 = arith.constant 0 : i32
      %dma_wait3A_58 = arith.constant 0 : i32
      %dma_wait3A_59 = tpu.memref_slice %arg4[%dma_wait3A_57, %dma_wait3A_58] : memref<20000x128xf32, #tpu.memory_space<hbm>> -> memref<20000x128xf32, #tpu.memory_space<hbm>>
      tpu.wait_indirect_dma semaphore(%arg12 : memref<!tpu.dma_semaphore, #tpu.memory_space<semaphore_mem>>) src(%dma_wait3A_59 : memref<20000x128xf32, #tpu.memory_space<hbm>>) dst(%arg9 : memref<128x128xf32, #tpu.memory_space<vmem>>)
      %dma_start3A_60 = arith.constant 3 : i32
      %dma_start3A_61 = arith.constant 0 : i32
      %dma_start3A_62 = tpu.memref_slice %arg7[%dma_start3A_60, %dma_start3A_61] : memref<8x128xi32, #tpu.memory_space<vmem>> -> memref<1x128xi32, #tpu.memory_space<vmem>>
      %dma_start3A_63 = tpu.memref_squeeze %dma_start3A_62 : memref<1x128xi32, #tpu.memory_space<vmem>> -> memref<128xi32, #tpu.memory_space<vmem>>
      %dma_start3A_64 = arith.constant 0 : i32
      %dma_start3A_65 = arith.constant 0 : i32
      %dma_start3A_66 = tpu.memref_slice %arg4[%dma_start3A_64, %dma_start3A_65] : memref<20000x128xf32, #tpu.memory_space<hbm>> -> memref<20000x128xf32, #tpu.memory_space<hbm>>
      tpu.enqueue_indirect_dma source(%dma_start3A_66 : memref<20000x128xf32, #tpu.memory_space<hbm>>) target(%arg10 : memref<128x128xf32, #tpu.memory_space<vmem>>) offsets(%dma_start3A_63 : memref<128xi32, #tpu.memory_space<vmem>>) semaphore(%arg13 : memref<!tpu.dma_semaphore, #tpu.memory_space<semaphore_mem>>)
      %run_scoped3A_67 = arith.constant 2 : i32
      "tpu.region"() ({
        %run_scoped3A_136 = tpu.sem_alloc : memref<!tpu.dma_semaphore, #tpu.memory_space<semaphore_mem>>
        %dma_start3A_137 = arith.constant 0 : i32
        %dma_start3A_138 = tpu.memref_slice %arg8[%run_scoped3A_67, %dma_start3A_137] : memref<8x128xi32, #tpu.memory_space<vmem>> -> memref<1x128xi32, #tpu.memory_space<vmem>>
        %dma_start3A_139 = tpu.memref_squeeze %dma_start3A_138 : memref<1x128xi32, #tpu.memory_space<vmem>> -> memref<128xi32, #tpu.memory_space<vmem>>
        %dma_start3A_140 = arith.constant 0 : i32
        %dma_start3A_141 = arith.constant 0 : i32
        %dma_start3A_142 = tpu.memref_slice %arg11[%dma_start3A_140, %dma_start3A_141] : memref<10240x128xf32, #tpu.memory_space<vmem_shared>> -> memref<10240x128xf32, #tpu.memory_space<vmem_shared>>
        tpu.enqueue_indirect_dma source(%arg9 : memref<128x128xf32, #tpu.memory_space<vmem>>) target(%dma_start3A_142 : memref<10240x128xf32, #tpu.memory_space<vmem_shared>>) offsets(%dma_start3A_139 : memref<128xi32, #tpu.memory_space<vmem>>) semaphore(%run_scoped3A_136 : memref<!tpu.dma_semaphore, #tpu.memory_space<semaphore_mem>>) {add = true}
        %dma_wait3A_143 = arith.constant 0 : i32
        %dma_wait3A_144 = tpu.memref_slice %arg8[%run_scoped3A_67, %dma_wait3A_143] : memref<8x128xi32, #tpu.memory_space<vmem>> -> memref<1x128xi32, #tpu.memory_space<vmem>>
        %dma_wait3A_145 = tpu.memref_squeeze %dma_wait3A_144 : memref<1x128xi32, #tpu.memory_space<vmem>> -> memref<128xi32, #tpu.memory_space<vmem>>
        %dma_wait3A_146 = arith.constant 0 : i32
        %dma_wait3A_147 = arith.constant 0 : i32
        %dma_wait3A_148 = tpu.memref_slice %arg11[%dma_wait3A_146, %dma_wait3A_147] : memref<10240x128xf32, #tpu.memory_space<vmem_shared>> -> memref<10240x128xf32, #tpu.memory_space<vmem_shared>>
        tpu.wait_indirect_dma semaphore(%run_scoped3A_136 : memref<!tpu.dma_semaphore, #tpu.memory_space<semaphore_mem>>) src(%arg9 : memref<128x128xf32, #tpu.memory_space<vmem>>) dst(%dma_wait3A_148 : memref<10240x128xf32, #tpu.memory_space<vmem_shared>>)
        tpu.yield
      }) : () -> ()
      %dma_wait3A_68 = arith.constant 3 : i32
      %dma_wait3A_69 = arith.constant 0 : i32
      %dma_wait3A_70 = tpu.memref_slice %arg7[%dma_wait3A_68, %dma_wait3A_69] : memref<8x128xi32, #tpu.memory_space<vmem>> -> memref<1x128xi32, #tpu.memory_space<vmem>>
      %dma_wait3A_71 = tpu.memref_squeeze %dma_wait3A_70 : memref<1x128xi32, #tpu.memory_space<vmem>> -> memref<128xi32, #tpu.memory_space<vmem>>
      %dma_wait3A_72 = arith.constant 0 : i32
      %dma_wait3A_73 = arith.constant 0 : i32
      %dma_wait3A_74 = tpu.memref_slice %arg4[%dma_wait3A_72, %dma_wait3A_73] : memref<20000x128xf32, #tpu.memory_space<hbm>> -> memref<20000x128xf32, #tpu.memory_space<hbm>>
      tpu.wait_indirect_dma semaphore(%arg13 : memref<!tpu.dma_semaphore, #tpu.memory_space<semaphore_mem>>) src(%dma_wait3A_74 : memref<20000x128xf32, #tpu.memory_space<hbm>>) dst(%arg10 : memref<128x128xf32, #tpu.memory_space<vmem>>)
      %dma_start3A_75 = arith.constant 4 : i32
      %dma_start3A_76 = arith.constant 0 : i32
      %dma_start3A_77 = tpu.memref_slice %arg7[%dma_start3A_75, %dma_start3A_76] : memref<8x128xi32, #tpu.memory_space<vmem>> -> memref<1x128xi32, #tpu.memory_space<vmem>>
      %dma_start3A_78 = tpu.memref_squeeze %dma_start3A_77 : memref<1x128xi32, #tpu.memory_space<vmem>> -> memref<128xi32, #tpu.memory_space<vmem>>
      %dma_start3A_79 = arith.constant 0 : i32
      %dma_start3A_80 = arith.constant 0 : i32
      %dma_start3A_81 = tpu.memref_slice %arg4[%dma_start3A_79, %dma_start3A_80] : memref<20000x128xf32, #tpu.memory_space<hbm>> -> memref<20000x128xf32, #tpu.memory_space<hbm>>
      tpu.enqueue_indirect_dma source(%dma_start3A_81 : memref<20000x128xf32, #tpu.memory_space<hbm>>) target(%arg9 : memref<128x128xf32, #tpu.memory_space<vmem>>) offsets(%dma_start3A_78 : memref<128xi32, #tpu.memory_space<vmem>>) semaphore(%arg12 : memref<!tpu.dma_semaphore, #tpu.memory_space<semaphore_mem>>)
      %run_scoped3A_82 = arith.constant 3 : i32
      "tpu.region"() ({
        %run_scoped3A_136 = tpu.sem_alloc : memref<!tpu.dma_semaphore, #tpu.memory_space<semaphore_mem>>
        %dma_start3A_137 = arith.constant 0 : i32
        %dma_start3A_138 = tpu.memref_slice %arg8[%run_scoped3A_82, %dma_start3A_137] : memref<8x128xi32, #tpu.memory_space<vmem>> -> memref<1x128xi32, #tpu.memory_space<vmem>>
        %dma_start3A_139 = tpu.memref_squeeze %dma_start3A_138 : memref<1x128xi32, #tpu.memory_space<vmem>> -> memref<128xi32, #tpu.memory_space<vmem>>
        %dma_start3A_140 = arith.constant 0 : i32
        %dma_start3A_141 = arith.constant 0 : i32
        %dma_start3A_142 = tpu.memref_slice %arg11[%dma_start3A_140, %dma_start3A_141] : memref<10240x128xf32, #tpu.memory_space<vmem_shared>> -> memref<10240x128xf32, #tpu.memory_space<vmem_shared>>
        tpu.enqueue_indirect_dma source(%arg10 : memref<128x128xf32, #tpu.memory_space<vmem>>) target(%dma_start3A_142 : memref<10240x128xf32, #tpu.memory_space<vmem_shared>>) offsets(%dma_start3A_139 : memref<128xi32, #tpu.memory_space<vmem>>) semaphore(%run_scoped3A_136 : memref<!tpu.dma_semaphore, #tpu.memory_space<semaphore_mem>>) {add = true}
        %dma_wait3A_143 = arith.constant 0 : i32
        %dma_wait3A_144 = tpu.memref_slice %arg8[%run_scoped3A_82, %dma_wait3A_143] : memref<8x128xi32, #tpu.memory_space<vmem>> -> memref<1x128xi32, #tpu.memory_space<vmem>>
        %dma_wait3A_145 = tpu.memref_squeeze %dma_wait3A_144 : memref<1x128xi32, #tpu.memory_space<vmem>> -> memref<128xi32, #tpu.memory_space<vmem>>
        %dma_wait3A_146 = arith.constant 0 : i32
        %dma_wait3A_147 = arith.constant 0 : i32
        %dma_wait3A_148 = tpu.memref_slice %arg11[%dma_wait3A_146, %dma_wait3A_147] : memref<10240x128xf32, #tpu.memory_space<vmem_shared>> -> memref<10240x128xf32, #tpu.memory_space<vmem_shared>>
        tpu.wait_indirect_dma semaphore(%run_scoped3A_136 : memref<!tpu.dma_semaphore, #tpu.memory_space<semaphore_mem>>) src(%arg10 : memref<128x128xf32, #tpu.memory_space<vmem>>) dst(%dma_wait3A_148 : memref<10240x128xf32, #tpu.memory_space<vmem_shared>>)
        tpu.yield
      }) : () -> ()
      %dma_wait3A_83 = arith.constant 4 : i32
      %dma_wait3A_84 = arith.constant 0 : i32
      %dma_wait3A_85 = tpu.memref_slice %arg7[%dma_wait3A_83, %dma_wait3A_84] : memref<8x128xi32, #tpu.memory_space<vmem>> -> memref<1x128xi32, #tpu.memory_space<vmem>>
      %dma_wait3A_86 = tpu.memref_squeeze %dma_wait3A_85 : memref<1x128xi32, #tpu.memory_space<vmem>> -> memref<128xi32, #tpu.memory_space<vmem>>
      %dma_wait3A_87 = arith.constant 0 : i32
      %dma_wait3A_88 = arith.constant 0 : i32
      %dma_wait3A_89 = tpu.memref_slice %arg4[%dma_wait3A_87, %dma_wait3A_88] : memref<20000x128xf32, #tpu.memory_space<hbm>> -> memref<20000x128xf32, #tpu.memory_space<hbm>>
      tpu.wait_indirect_dma semaphore(%arg12 : memref<!tpu.dma_semaphore, #tpu.memory_space<semaphore_mem>>) src(%dma_wait3A_89 : memref<20000x128xf32, #tpu.memory_space<hbm>>) dst(%arg9 : memref<128x128xf32, #tpu.memory_space<vmem>>)
      %dma_start3A_90 = arith.constant 5 : i32
      %dma_start3A_91 = arith.constant 0 : i32
      %dma_start3A_92 = tpu.memref_slice %arg7[%dma_start3A_90, %dma_start3A_91] : memref<8x128xi32, #tpu.memory_space<vmem>> -> memref<1x128xi32, #tpu.memory_space<vmem>>
      %dma_start3A_93 = tpu.memref_squeeze %dma_start3A_92 : memref<1x128xi32, #tpu.memory_space<vmem>> -> memref<128xi32, #tpu.memory_space<vmem>>
      %dma_start3A_94 = arith.constant 0 : i32
      %dma_start3A_95 = arith.constant 0 : i32
      %dma_start3A_96 = tpu.memref_slice %arg4[%dma_start3A_94, %dma_start3A_95] : memref<20000x128xf32, #tpu.memory_space<hbm>> -> memref<20000x128xf32, #tpu.memory_space<hbm>>
      tpu.enqueue_indirect_dma source(%dma_start3A_96 : memref<20000x128xf32, #tpu.memory_space<hbm>>) target(%arg10 : memref<128x128xf32, #tpu.memory_space<vmem>>) offsets(%dma_start3A_93 : memref<128xi32, #tpu.memory_space<vmem>>) semaphore(%arg13 : memref<!tpu.dma_semaphore, #tpu.memory_space<semaphore_mem>>)
      %run_scoped3A_97 = arith.constant 4 : i32
      "tpu.region"() ({
        %run_scoped3A_136 = tpu.sem_alloc : memref<!tpu.dma_semaphore, #tpu.memory_space<semaphore_mem>>
        %dma_start3A_137 = arith.constant 0 : i32
        %dma_start3A_138 = tpu.memref_slice %arg8[%run_scoped3A_97, %dma_start3A_137] : memref<8x128xi32, #tpu.memory_space<vmem>> -> memref<1x128xi32, #tpu.memory_space<vmem>>
        %dma_start3A_139 = tpu.memref_squeeze %dma_start3A_138 : memref<1x128xi32, #tpu.memory_space<vmem>> -> memref<128xi32, #tpu.memory_space<vmem>>
        %dma_start3A_140 = arith.constant 0 : i32
        %dma_start3A_141 = arith.constant 0 : i32
        %dma_start3A_142 = tpu.memref_slice %arg11[%dma_start3A_140, %dma_start3A_141] : memref<10240x128xf32, #tpu.memory_space<vmem_shared>> -> memref<10240x128xf32, #tpu.memory_space<vmem_shared>>
        tpu.enqueue_indirect_dma source(%arg9 : memref<128x128xf32, #tpu.memory_space<vmem>>) target(%dma_start3A_142 : memref<10240x128xf32, #tpu.memory_space<vmem_shared>>) offsets(%dma_start3A_139 : memref<128xi32, #tpu.memory_space<vmem>>) semaphore(%run_scoped3A_136 : memref<!tpu.dma_semaphore, #tpu.memory_space<semaphore_mem>>) {add = true}
        %dma_wait3A_143 = arith.constant 0 : i32
        %dma_wait3A_144 = tpu.memref_slice %arg8[%run_scoped3A_97, %dma_wait3A_143] : memref<8x128xi32, #tpu.memory_space<vmem>> -> memref<1x128xi32, #tpu.memory_space<vmem>>
        %dma_wait3A_145 = tpu.memref_squeeze %dma_wait3A_144 : memref<1x128xi32, #tpu.memory_space<vmem>> -> memref<128xi32, #tpu.memory_space<vmem>>
        %dma_wait3A_146 = arith.constant 0 : i32
        %dma_wait3A_147 = arith.constant 0 : i32
        %dma_wait3A_148 = tpu.memref_slice %arg11[%dma_wait3A_146, %dma_wait3A_147] : memref<10240x128xf32, #tpu.memory_space<vmem_shared>> -> memref<10240x128xf32, #tpu.memory_space<vmem_shared>>
        tpu.wait_indirect_dma semaphore(%run_scoped3A_136 : memref<!tpu.dma_semaphore, #tpu.memory_space<semaphore_mem>>) src(%arg9 : memref<128x128xf32, #tpu.memory_space<vmem>>) dst(%dma_wait3A_148 : memref<10240x128xf32, #tpu.memory_space<vmem_shared>>)
        tpu.yield
      }) : () -> ()
      %dma_wait3A_98 = arith.constant 5 : i32
      %dma_wait3A_99 = arith.constant 0 : i32
      %dma_wait3A_100 = tpu.memref_slice %arg7[%dma_wait3A_98, %dma_wait3A_99] : memref<8x128xi32, #tpu.memory_space<vmem>> -> memref<1x128xi32, #tpu.memory_space<vmem>>
      %dma_wait3A_101 = tpu.memref_squeeze %dma_wait3A_100 : memref<1x128xi32, #tpu.memory_space<vmem>> -> memref<128xi32, #tpu.memory_space<vmem>>
      %dma_wait3A_102 = arith.constant 0 : i32
      %dma_wait3A_103 = arith.constant 0 : i32
      %dma_wait3A_104 = tpu.memref_slice %arg4[%dma_wait3A_102, %dma_wait3A_103] : memref<20000x128xf32, #tpu.memory_space<hbm>> -> memref<20000x128xf32, #tpu.memory_space<hbm>>
      tpu.wait_indirect_dma semaphore(%arg13 : memref<!tpu.dma_semaphore, #tpu.memory_space<semaphore_mem>>) src(%dma_wait3A_104 : memref<20000x128xf32, #tpu.memory_space<hbm>>) dst(%arg10 : memref<128x128xf32, #tpu.memory_space<vmem>>)
      %dma_start3A_105 = arith.constant 6 : i32
      %dma_start3A_106 = arith.constant 0 : i32
      %dma_start3A_107 = tpu.memref_slice %arg7[%dma_start3A_105, %dma_start3A_106] : memref<8x128xi32, #tpu.memory_space<vmem>> -> memref<1x128xi32, #tpu.memory_space<vmem>>
      %dma_start3A_108 = tpu.memref_squeeze %dma_start3A_107 : memref<1x128xi32, #tpu.memory_space<vmem>> -> memref<128xi32, #tpu.memory_space<vmem>>
      %dma_start3A_109 = arith.constant 0 : i32
      %dma_start3A_110 = arith.constant 0 : i32
      %dma_start3A_111 = tpu.memref_slice %arg4[%dma_start3A_109, %dma_start3A_110] : memref<20000x128xf32, #tpu.memory_space<hbm>> -> memref<20000x128xf32, #tpu.memory_space<hbm>>
      tpu.enqueue_indirect_dma source(%dma_start3A_111 : memref<20000x128xf32, #tpu.memory_space<hbm>>) target(%arg9 : memref<128x128xf32, #tpu.memory_space<vmem>>) offsets(%dma_start3A_108 : memref<128xi32, #tpu.memory_space<vmem>>) semaphore(%arg12 : memref<!tpu.dma_semaphore, #tpu.memory_space<semaphore_mem>>)
      %run_scoped3A_112 = arith.constant 5 : i32
      "tpu.region"() ({
        %run_scoped3A_136 = tpu.sem_alloc : memref<!tpu.dma_semaphore, #tpu.memory_space<semaphore_mem>>
        %dma_start3A_137 = arith.constant 0 : i32
        %dma_start3A_138 = tpu.memref_slice %arg8[%run_scoped3A_112, %dma_start3A_137] : memref<8x128xi32, #tpu.memory_space<vmem>> -> memref<1x128xi32, #tpu.memory_space<vmem>>
        %dma_start3A_139 = tpu.memref_squeeze %dma_start3A_138 : memref<1x128xi32, #tpu.memory_space<vmem>> -> memref<128xi32, #tpu.memory_space<vmem>>
        %dma_start3A_140 = arith.constant 0 : i32
        %dma_start3A_141 = arith.constant 0 : i32
        %dma_start3A_142 = tpu.memref_slice %arg11[%dma_start3A_140, %dma_start3A_141] : memref<10240x128xf32, #tpu.memory_space<vmem_shared>> -> memref<10240x128xf32, #tpu.memory_space<vmem_shared>>
        tpu.enqueue_indirect_dma source(%arg10 : memref<128x128xf32, #tpu.memory_space<vmem>>) target(%dma_start3A_142 : memref<10240x128xf32, #tpu.memory_space<vmem_shared>>) offsets(%dma_start3A_139 : memref<128xi32, #tpu.memory_space<vmem>>) semaphore(%run_scoped3A_136 : memref<!tpu.dma_semaphore, #tpu.memory_space<semaphore_mem>>) {add = true}
        %dma_wait3A_143 = arith.constant 0 : i32
        %dma_wait3A_144 = tpu.memref_slice %arg8[%run_scoped3A_112, %dma_wait3A_143] : memref<8x128xi32, #tpu.memory_space<vmem>> -> memref<1x128xi32, #tpu.memory_space<vmem>>
        %dma_wait3A_145 = tpu.memref_squeeze %dma_wait3A_144 : memref<1x128xi32, #tpu.memory_space<vmem>> -> memref<128xi32, #tpu.memory_space<vmem>>
        %dma_wait3A_146 = arith.constant 0 : i32
        %dma_wait3A_147 = arith.constant 0 : i32
        %dma_wait3A_148 = tpu.memref_slice %arg11[%dma_wait3A_146, %dma_wait3A_147] : memref<10240x128xf32, #tpu.memory_space<vmem_shared>> -> memref<10240x128xf32, #tpu.memory_space<vmem_shared>>
        tpu.wait_indirect_dma semaphore(%run_scoped3A_136 : memref<!tpu.dma_semaphore, #tpu.memory_space<semaphore_mem>>) src(%arg10 : memref<128x128xf32, #tpu.memory_space<vmem>>) dst(%dma_wait3A_148 : memref<10240x128xf32, #tpu.memory_space<vmem_shared>>)
        tpu.yield
      }) : () -> ()
      %dma_wait3A_113 = arith.constant 6 : i32
      %dma_wait3A_114 = arith.constant 0 : i32
      %dma_wait3A_115 = tpu.memref_slice %arg7[%dma_wait3A_113, %dma_wait3A_114] : memref<8x128xi32, #tpu.memory_space<vmem>> -> memref<1x128xi32, #tpu.memory_space<vmem>>
      %dma_wait3A_116 = tpu.memref_squeeze %dma_wait3A_115 : memref<1x128xi32, #tpu.memory_space<vmem>> -> memref<128xi32, #tpu.memory_space<vmem>>
      %dma_wait3A_117 = arith.constant 0 : i32
      %dma_wait3A_118 = arith.constant 0 : i32
      %dma_wait3A_119 = tpu.memref_slice %arg4[%dma_wait3A_117, %dma_wait3A_118] : memref<20000x128xf32, #tpu.memory_space<hbm>> -> memref<20000x128xf32, #tpu.memory_space<hbm>>
      tpu.wait_indirect_dma semaphore(%arg12 : memref<!tpu.dma_semaphore, #tpu.memory_space<semaphore_mem>>) src(%dma_wait3A_119 : memref<20000x128xf32, #tpu.memory_space<hbm>>) dst(%arg9 : memref<128x128xf32, #tpu.memory_space<vmem>>)
      %dma_start3A_120 = arith.constant 7 : i32
      %dma_start3A_121 = arith.constant 0 : i32
      %dma_start3A_122 = tpu.memref_slice %arg7[%dma_start3A_120, %dma_start3A_121] : memref<8x128xi32, #tpu.memory_space<vmem>> -> memref<1x128xi32, #tpu.memory_space<vmem>>
      %dma_start3A_123 = tpu.memref_squeeze %dma_start3A_122 : memref<1x128xi32, #tpu.memory_space<vmem>> -> memref<128xi32, #tpu.memory_space<vmem>>
      %dma_start3A_124 = arith.constant 0 : i32
      %dma_start3A_125 = arith.constant 0 : i32
      %dma_start3A_126 = tpu.memref_slice %arg4[%dma_start3A_124, %dma_start3A_125] : memref<20000x128xf32, #tpu.memory_space<hbm>> -> memref<20000x128xf32, #tpu.memory_space<hbm>>
      tpu.enqueue_indirect_dma source(%dma_start3A_126 : memref<20000x128xf32, #tpu.memory_space<hbm>>) target(%arg10 : memref<128x128xf32, #tpu.memory_space<vmem>>) offsets(%dma_start3A_123 : memref<128xi32, #tpu.memory_space<vmem>>) semaphore(%arg13 : memref<!tpu.dma_semaphore, #tpu.memory_space<semaphore_mem>>)
      %run_scoped3A_127 = arith.constant 6 : i32
      "tpu.region"() ({
        %run_scoped3A_136 = tpu.sem_alloc : memref<!tpu.dma_semaphore, #tpu.memory_space<semaphore_mem>>
        %dma_start3A_137 = arith.constant 0 : i32
        %dma_start3A_138 = tpu.memref_slice %arg8[%run_scoped3A_127, %dma_start3A_137] : memref<8x128xi32, #tpu.memory_space<vmem>> -> memref<1x128xi32, #tpu.memory_space<vmem>>
        %dma_start3A_139 = tpu.memref_squeeze %dma_start3A_138 : memref<1x128xi32, #tpu.memory_space<vmem>> -> memref<128xi32, #tpu.memory_space<vmem>>
        %dma_start3A_140 = arith.constant 0 : i32
        %dma_start3A_141 = arith.constant 0 : i32
        %dma_start3A_142 = tpu.memref_slice %arg11[%dma_start3A_140, %dma_start3A_141] : memref<10240x128xf32, #tpu.memory_space<vmem_shared>> -> memref<10240x128xf32, #tpu.memory_space<vmem_shared>>
        tpu.enqueue_indirect_dma source(%arg9 : memref<128x128xf32, #tpu.memory_space<vmem>>) target(%dma_start3A_142 : memref<10240x128xf32, #tpu.memory_space<vmem_shared>>) offsets(%dma_start3A_139 : memref<128xi32, #tpu.memory_space<vmem>>) semaphore(%run_scoped3A_136 : memref<!tpu.dma_semaphore, #tpu.memory_space<semaphore_mem>>) {add = true}
        %dma_wait3A_143 = arith.constant 0 : i32
        %dma_wait3A_144 = tpu.memref_slice %arg8[%run_scoped3A_127, %dma_wait3A_143] : memref<8x128xi32, #tpu.memory_space<vmem>> -> memref<1x128xi32, #tpu.memory_space<vmem>>
        %dma_wait3A_145 = tpu.memref_squeeze %dma_wait3A_144 : memref<1x128xi32, #tpu.memory_space<vmem>> -> memref<128xi32, #tpu.memory_space<vmem>>
        %dma_wait3A_146 = arith.constant 0 : i32
        %dma_wait3A_147 = arith.constant 0 : i32
        %dma_wait3A_148 = tpu.memref_slice %arg11[%dma_wait3A_146, %dma_wait3A_147] : memref<10240x128xf32, #tpu.memory_space<vmem_shared>> -> memref<10240x128xf32, #tpu.memory_space<vmem_shared>>
        tpu.wait_indirect_dma semaphore(%run_scoped3A_136 : memref<!tpu.dma_semaphore, #tpu.memory_space<semaphore_mem>>) src(%arg9 : memref<128x128xf32, #tpu.memory_space<vmem>>) dst(%dma_wait3A_148 : memref<10240x128xf32, #tpu.memory_space<vmem_shared>>)
        tpu.yield
      }) : () -> ()
      %dma_wait3A_128 = arith.constant 7 : i32
      %dma_wait3A_129 = arith.constant 0 : i32
      %dma_wait3A_130 = tpu.memref_slice %arg7[%dma_wait3A_128, %dma_wait3A_129] : memref<8x128xi32, #tpu.memory_space<vmem>> -> memref<1x128xi32, #tpu.memory_space<vmem>>
      %dma_wait3A_131 = tpu.memref_squeeze %dma_wait3A_130 : memref<1x128xi32, #tpu.memory_space<vmem>> -> memref<128xi32, #tpu.memory_space<vmem>>
      %dma_wait3A_132 = arith.constant 0 : i32
      %dma_wait3A_133 = arith.constant 0 : i32
      %dma_wait3A_134 = tpu.memref_slice %arg4[%dma_wait3A_132, %dma_wait3A_133] : memref<20000x128xf32, #tpu.memory_space<hbm>> -> memref<20000x128xf32, #tpu.memory_space<hbm>>
      tpu.wait_indirect_dma semaphore(%arg13 : memref<!tpu.dma_semaphore, #tpu.memory_space<semaphore_mem>>) src(%dma_wait3A_134 : memref<20000x128xf32, #tpu.memory_space<hbm>>) dst(%arg10 : memref<128x128xf32, #tpu.memory_space<vmem>>)
      %run_scoped3A_135 = arith.constant 7 : i32
      "tpu.region"() ({
        %run_scoped3A_136 = tpu.sem_alloc : memref<!tpu.dma_semaphore, #tpu.memory_space<semaphore_mem>>
        %dma_start3A_137 = arith.constant 0 : i32
        %dma_start3A_138 = tpu.memref_slice %arg8[%run_scoped3A_135, %dma_start3A_137] : memref<8x128xi32, #tpu.memory_space<vmem>> -> memref<1x128xi32, #tpu.memory_space<vmem>>
        %dma_start3A_139 = tpu.memref_squeeze %dma_start3A_138 : memref<1x128xi32, #tpu.memory_space<vmem>> -> memref<128xi32, #tpu.memory_space<vmem>>
        %dma_start3A_140 = arith.constant 0 : i32
        %dma_start3A_141 = arith.constant 0 : i32
        %dma_start3A_142 = tpu.memref_slice %arg11[%dma_start3A_140, %dma_start3A_141] : memref<10240x128xf32, #tpu.memory_space<vmem_shared>> -> memref<10240x128xf32, #tpu.memory_space<vmem_shared>>
        tpu.enqueue_indirect_dma source(%arg10 : memref<128x128xf32, #tpu.memory_space<vmem>>) target(%dma_start3A_142 : memref<10240x128xf32, #tpu.memory_space<vmem_shared>>) offsets(%dma_start3A_139 : memref<128xi32, #tpu.memory_space<vmem>>) semaphore(%run_scoped3A_136 : memref<!tpu.dma_semaphore, #tpu.memory_space<semaphore_mem>>) {add = true}
        %dma_wait3A_143 = arith.constant 0 : i32
        %dma_wait3A_144 = tpu.memref_slice %arg8[%run_scoped3A_135, %dma_wait3A_143] : memref<8x128xi32, #tpu.memory_space<vmem>> -> memref<1x128xi32, #tpu.memory_space<vmem>>
        %dma_wait3A_145 = tpu.memref_squeeze %dma_wait3A_144 : memref<1x128xi32, #tpu.memory_space<vmem>> -> memref<128xi32, #tpu.memory_space<vmem>>
        %dma_wait3A_146 = arith.constant 0 : i32
        %dma_wait3A_147 = arith.constant 0 : i32
        %dma_wait3A_148 = tpu.memref_slice %arg11[%dma_wait3A_146, %dma_wait3A_147] : memref<10240x128xf32, #tpu.memory_space<vmem_shared>> -> memref<10240x128xf32, #tpu.memory_space<vmem_shared>>
        tpu.wait_indirect_dma semaphore(%run_scoped3A_136 : memref<!tpu.dma_semaphore, #tpu.memory_space<semaphore_mem>>) src(%arg10 : memref<128x128xf32, #tpu.memory_space<vmem>>) dst(%dma_wait3A_148 : memref<10240x128xf32, #tpu.memory_space<vmem_shared>>)
        tpu.yield
      }) : () -> ()
    }
    %scan3A_6 = arith.constant 20 : i32
    %barrier3A_7 = arith.constant 0 : index
    tpu.barrier barrier_id(%barrier3A_7)
    %mul3A_8 = arith.constant 640 : i32
    %mul3A_9 = arith.muli %arg1, %mul3A_8 : i32
    %mul3A_10 = arith.constant 10240 : i32
    %mul3A_11 = arith.muli %arg0, %mul3A_10 : i32
    %mul3A_12 = arith.constant 640 : i32
    %mul3A_13 = arith.muli %arg1, %mul3A_12 : i32
    %add3A = arith.addi %mul3A_11, %mul3A_13 : i32
    "tpu.region"() ({
      %run_scoped3A = tpu.sem_alloc : memref<!tpu.dma_semaphore, #tpu.memory_space<semaphore_mem>>
      %dma_start3A = arith.constant 0 : i32
      %dma_start3A_14 = tpu.memref_slice %arg6[%add3A, %dma_start3A] : memref<20480x128xf32, #tpu.memory_space<hbm>> -> memref<640x128xf32, #tpu.memory_space<hbm>>
      %dma_start3A_15 = arith.constant 0 : i32
      %dma_start3A_16 = tpu.memref_slice %arg11[%mul3A_9, %dma_start3A_15] : memref<10240x128xf32, #tpu.memory_space<vmem_shared>> -> memref<640x128xf32, #tpu.memory_space<vmem_shared>>
      tpu.enqueue_dma source(%dma_start3A_16 : memref<640x128xf32, #tpu.memory_space<vmem_shared>>) target(%dma_start3A_14 : memref<640x128xf32, #tpu.memory_space<hbm>>) target_semaphore(%run_scoped3A : memref<!tpu.dma_semaphore, #tpu.memory_space<semaphore_mem>>)
      %dma_wait3A = arith.constant 0 : i32
      %dma_wait3A_17 = tpu.memref_slice %arg6[%add3A, %dma_wait3A] : memref<20480x128xf32, #tpu.memory_space<hbm>> -> memref<640x128xf32, #tpu.memory_space<hbm>>
      %dma_wait3A_18 = arith.constant 0 : i32
      %dma_wait3A_19 = tpu.memref_slice %arg11[%mul3A_9, %dma_wait3A_18] : memref<10240x128xf32, #tpu.memory_space<vmem_shared>> -> memref<640x128xf32, #tpu.memory_space<vmem_shared>>
      tpu.wait_dma2 semaphore(%run_scoped3A : memref<!tpu.dma_semaphore, #tpu.memory_space<semaphore_mem>>) src(%dma_wait3A_19 : memref<640x128xf32, #tpu.memory_space<vmem_shared>>) dst(%dma_wait3A_17 : memref<640x128xf32, #tpu.memory_space<hbm>>)
      tpu.yield
    }) : () -> ()
    return
  }
}

module attributes {stable_mosaic.version = 14 : i64} {
  func.func @_first_body(%arg0: i32, %arg1: memref<80x128xf32, #tpu.memory_space<vmem>>, %arg2: memref<80x128xf32, #tpu.memory_space<vmem>>, %arg3: memref<80x128xf32, #tpu.memory_space<vmem>>, %arg4: memref<128x256xf32, #tpu.memory_space<vmem>>, %arg5: memref<128x256xf32, #tpu.memory_space<vmem>>, %arg6: memref<1x256xf32, #tpu.memory_space<vmem>>, %arg7: memref<2x80x128xf32, #tpu.memory_space<vmem>>) attributes {dimension_semantics = [#tpu.dimension_semantics<arbitrary>], iteration_bounds = array<i64: 125>, scalar_prefetch = 0 : i64, scratch_operands = 0 : i64, tpu.core_type = #tpu.core_type<tc>, window_params = [{transform_indices = @transform_0, window_bounds = array<i64: 80, 128>}, {transform_indices = @transform_1, window_bounds = array<i64: 80, 128>}, {transform_indices = @transform_2, window_bounds = array<i64: 80, 128>}, {pipeline_mode = #tpu.pipeline_mode<synchronous>, transform_indices = @transform_3, window_bounds = array<i64: 128, 256>}, {pipeline_mode = #tpu.pipeline_mode<synchronous>, transform_indices = @transform_4, window_bounds = array<i64: 128, 256>}, {pipeline_mode = #tpu.pipeline_mode<synchronous>, transform_indices = @transform_5, window_bounds = array<i64: 1, 256>}, {transform_indices = @transform_6, window_bounds = array<i64: 2, 80, 128>}]} {
    %get3A = arith.constant 0 : index
    %get3A_0 = arith.constant 0 : index
    %get3A_1 = vector.load %arg1[%get3A, %get3A_0] : memref<80x128xf32, #tpu.memory_space<vmem>>, vector<80x128xf32>
    %get3A_2 = arith.constant 0 : index
    %get3A_3 = arith.constant 0 : index
    %get3A_4 = vector.load %arg2[%get3A_2, %get3A_3] : memref<80x128xf32, #tpu.memory_space<vmem>>, vector<80x128xf32>
    %add3A = arith.addf %get3A_1, %get3A_4 : vector<80x128xf32>
    %get3A_5 = arith.constant 0 : index
    %get3A_6 = arith.constant 0 : index
    %get3A_7 = vector.load %arg4[%get3A_5, %get3A_6] : memref<128x256xf32, #tpu.memory_space<vmem>>, vector<128x256xf32>
    %dot_general3A = arith.constant dense<0.000000e+00> : vector<80x256xf32>
    %dot_general3A_8 = tpu.matmul %add3A, %get3A_7, %dot_general3A {dimension_numbers = #tpu.dot_dimension_numbers<[1], [0], [0], [1], [0, 0, 1, 1], [], []>, transpose_lhs_hint = false} : vector<80x128xf32>, vector<128x256xf32>, vector<80x256xf32> -> vector<80x256xf32>
    %get3A_9 = arith.constant 0 : index
    %get3A_10 = arith.constant 0 : index
    %get3A_11 = vector.load %arg3[%get3A_9, %get3A_10] : memref<80x128xf32, #tpu.memory_space<vmem>>, vector<80x128xf32>
    %get3A_12 = arith.constant 0 : index
    %get3A_13 = arith.constant 0 : index
    %get3A_14 = vector.load %arg5[%get3A_12, %get3A_13] : memref<128x256xf32, #tpu.memory_space<vmem>>, vector<128x256xf32>
    %dot_general3A_15 = arith.constant dense<0.000000e+00> : vector<80x256xf32>
    %dot_general3A_16 = tpu.matmul %get3A_11, %get3A_14, %dot_general3A_15 {dimension_numbers = #tpu.dot_dimension_numbers<[1], [0], [0], [1], [0, 0, 1, 1], [], []>, transpose_lhs_hint = false} : vector<80x128xf32>, vector<128x256xf32>, vector<80x256xf32> -> vector<80x256xf32>
    %add3A_17 = arith.addf %dot_general3A_8, %dot_general3A_16 : vector<80x256xf32>
    %get3A_18 = arith.constant 0 : index
    %get3A_19 = arith.constant 0 : index
    %get3A_20 = vector.load %arg6[%get3A_18, %get3A_19] : memref<1x256xf32, #tpu.memory_space<vmem>>, vector<1x256xf32>
    %add3A_21 = vector.broadcast %get3A_20 : vector<1x256xf32> to vector<80x256xf32>
    %add3A_22 = arith.addf %add3A_17, %add3A_21 : vector<80x256xf32>
    %max3A = arith.constant 0.000000e+00 : f32
    %max3A_23 = vector.broadcast %max3A : f32 to vector<80x256xf32>
    %max3A_24 = arith.maximumf %add3A_22, %max3A_23 : vector<80x256xf32>
    %slice3A = vector.extract_strided_slice %max3A_24 {offsets = [0, 0], sizes = [80, 128], strides = [1, 1]} : vector<80x256xf32> to vector<80x128xf32>
    %swap3A = arith.constant 0 : index
    %swap3A_25 = arith.constant 0 : index
    %swap3A_26 = arith.constant 0 : index
    %swap3A_27 = vector.load %arg7[%swap3A, %swap3A_25, %swap3A_26] : memref<2x80x128xf32, #tpu.memory_space<vmem>>, vector<1x80x128xf32>
    %swap3A_28 = vector.shape_cast %swap3A_27 : vector<1x80x128xf32> to vector<80x128xf32>
    %swap3A_29 = vector.shape_cast %slice3A : vector<80x128xf32> to vector<1x80x128xf32>
    tpu.vector_store %arg7[%swap3A, %swap3A_25, %swap3A_26], %swap3A_29 {strides = array<i32>} : memref<2x80x128xf32, #tpu.memory_space<vmem>>, vector<1x80x128xf32>,
    %slice3A_30 = vector.extract_strided_slice %max3A_24 {offsets = [0, 128], sizes = [80, 128], strides = [1, 1]} : vector<80x256xf32> to vector<80x128xf32>
    %swap3A_31 = arith.constant 1 : index
    %swap3A_32 = arith.constant 0 : index
    %swap3A_33 = arith.constant 0 : index
    %swap3A_34 = vector.load %arg7[%swap3A_31, %swap3A_32, %swap3A_33] : memref<2x80x128xf32, #tpu.memory_space<vmem>>, vector<1x80x128xf32>
    %swap3A_35 = vector.shape_cast %swap3A_34 : vector<1x80x128xf32> to vector<80x128xf32>
    %swap3A_36 = vector.shape_cast %slice3A_30 : vector<80x128xf32> to vector<1x80x128xf32>
    tpu.vector_store %arg7[%swap3A_31, %swap3A_32, %swap3A_33], %swap3A_36 {strides = array<i32>} : memref<2x80x128xf32, #tpu.memory_space<vmem>>, vector<1x80x128xf32>,
    return
  }
  func.func @transform_0(%arg0: i32) -> (i32, i32) {
    %c0_i32 = arith.constant 0 : i32
    %c0_i32_0 = arith.constant 0 : i32
    return %arg0, %c0_i32 : i32, i32
  }
  func.func @transform_1(%arg0: i32) -> (i32, i32) {
    %add3A = arith.constant 128 : i32
    %add3A_0 = arith.addi %add3A, %arg0 : i32
    %c0_i32 = arith.constant 0 : i32
    %c0_i32_1 = arith.constant 0 : i32
    return %add3A_0, %c0_i32 : i32, i32
  }
  func.func @transform_2(%arg0: i32) -> (i32, i32) {
    %c0_i32 = arith.constant 0 : i32
    %c0_i32_0 = arith.constant 0 : i32
    return %arg0, %c0_i32 : i32, i32
  }
  func.func @transform_3(%arg0: i32) -> (i32, i32) {
    %c0_i32 = arith.constant 0 : i32
    %c0_i32_0 = arith.constant 0 : i32
    %c0_i32_1 = arith.constant 0 : i32
    return %c0_i32, %c0_i32_0 : i32, i32
  }
  func.func @transform_4(%arg0: i32) -> (i32, i32) {
    %c0_i32 = arith.constant 0 : i32
    %c0_i32_0 = arith.constant 0 : i32
    %c0_i32_1 = arith.constant 0 : i32
    return %c0_i32, %c0_i32_0 : i32, i32
  }
  func.func @transform_5(%arg0: i32) -> (i32, i32) {
    %c0_i32 = arith.constant 0 : i32
    %c0_i32_0 = arith.constant 0 : i32
    %c0_i32_1 = arith.constant 0 : i32
    return %c0_i32, %c0_i32_0 : i32, i32
  }
  func.func @transform_6(%arg0: i32) -> (i32, i32, i32) {
    %c0_i32 = arith.constant 0 : i32
    %c0_i32_0 = arith.constant 0 : i32
    %c0_i32_1 = arith.constant 0 : i32
    return %c0_i32, %arg0, %c0_i32_0 : i32, i32, i32
  }
}

module attributes {stable_mosaic.version = 14 : i64} {
  func.func @_mid_body(%arg0: i32, %arg1: memref<80x128xf32, #tpu.memory_space<vmem>>, %arg2: memref<80x128xf32, #tpu.memory_space<vmem>>, %arg3: memref<80x128xf32, #tpu.memory_space<vmem>>, %arg4: memref<80x128xf32, #tpu.memory_space<vmem>>, %arg5: memref<256x256xf32, #tpu.memory_space<vmem>>, %arg6: memref<256x256xf32, #tpu.memory_space<vmem>>, %arg7: memref<1x256xf32, #tpu.memory_space<vmem>>, %arg8: memref<2x80x128xf32, #tpu.memory_space<vmem>>) attributes {dimension_semantics = [#tpu.dimension_semantics<arbitrary>], iteration_bounds = array<i64: 125>, scalar_prefetch = 0 : i64, scratch_operands = 0 : i64, tpu.core_type = #tpu.core_type<tc>, window_params = [{transform_indices = @transform_0, window_bounds = array<i64: 80, 128>}, {transform_indices = @transform_1, window_bounds = array<i64: 80, 128>}, {transform_indices = @transform_2, window_bounds = array<i64: 80, 128>}, {transform_indices = @transform_3, window_bounds = array<i64: 80, 128>}, {pipeline_mode = #tpu.pipeline_mode<synchronous>, transform_indices = @transform_4, window_bounds = array<i64: 256, 256>}, {pipeline_mode = #tpu.pipeline_mode<synchronous>, transform_indices = @transform_5, window_bounds = array<i64: 256, 256>}, {pipeline_mode = #tpu.pipeline_mode<synchronous>, transform_indices = @transform_6, window_bounds = array<i64: 1, 256>}, {transform_indices = @transform_7, window_bounds = array<i64: 2, 80, 128>}]} {
    %get3A = arith.constant 0 : index
    %get3A_0 = arith.constant 0 : index
    %get3A_1 = vector.load %arg1[%get3A, %get3A_0] : memref<80x128xf32, #tpu.memory_space<vmem>>, vector<80x128xf32>
    %get3A_2 = arith.constant 0 : index
    %get3A_3 = arith.constant 0 : index
    %get3A_4 = vector.load %arg5[%get3A_2, %get3A_3] : memref<256x256xf32, #tpu.memory_space<vmem>>, vector<128x256xf32>
    %dot_general3A = arith.constant dense<0.000000e+00> : vector<80x256xf32>
    %dot_general3A_5 = tpu.matmul %get3A_1, %get3A_4, %dot_general3A {dimension_numbers = #tpu.dot_dimension_numbers<[1], [0], [0], [1], [0, 0, 1, 1], [], []>, transpose_lhs_hint = false} : vector<80x128xf32>, vector<128x256xf32>, vector<80x256xf32> -> vector<80x256xf32>
    %get3A_6 = arith.constant 0 : index
    %get3A_7 = arith.constant 0 : index
    %get3A_8 = vector.load %arg2[%get3A_6, %get3A_7] : memref<80x128xf32, #tpu.memory_space<vmem>>, vector<80x128xf32>
    %get3A_9 = arith.constant 128 : index
    %get3A_10 = arith.constant 0 : index
    %get3A_11 = vector.load %arg5[%get3A_9, %get3A_10] : memref<256x256xf32, #tpu.memory_space<vmem>>, vector<128x256xf32>
    %dot_general3A_12 = arith.constant dense<0.000000e+00> : vector<80x256xf32>
    %dot_general3A_13 = tpu.matmul %get3A_8, %get3A_11, %dot_general3A_12 {dimension_numbers = #tpu.dot_dimension_numbers<[1], [0], [0], [1], [0, 0, 1, 1], [], []>, transpose_lhs_hint = false} : vector<80x128xf32>, vector<128x256xf32>, vector<80x256xf32> -> vector<80x256xf32>
    %add3A = arith.addf %dot_general3A_5, %dot_general3A_13 : vector<80x256xf32>
    %get3A_14 = arith.constant 0 : index
    %get3A_15 = arith.constant 0 : index
    %get3A_16 = vector.load %arg3[%get3A_14, %get3A_15] : memref<80x128xf32, #tpu.memory_space<vmem>>, vector<80x128xf32>
    %get3A_17 = arith.constant 0 : index
    %get3A_18 = arith.constant 0 : index
    %get3A_19 = vector.load %arg6[%get3A_17, %get3A_18] : memref<256x256xf32, #tpu.memory_space<vmem>>, vector<128x256xf32>
    %dot_general3A_20 = arith.constant dense<0.000000e+00> : vector<80x256xf32>
    %dot_general3A_21 = tpu.matmul %get3A_16, %get3A_19, %dot_general3A_20 {dimension_numbers = #tpu.dot_dimension_numbers<[1], [0], [0], [1], [0, 0, 1, 1], [], []>, transpose_lhs_hint = false} : vector<80x128xf32>, vector<128x256xf32>, vector<80x256xf32> -> vector<80x256xf32>
    %add3A_22 = arith.addf %add3A, %dot_general3A_21 : vector<80x256xf32>
    %get3A_23 = arith.constant 0 : index
    %get3A_24 = arith.constant 0 : index
    %get3A_25 = vector.load %arg4[%get3A_23, %get3A_24] : memref<80x128xf32, #tpu.memory_space<vmem>>, vector<80x128xf32>
    %get3A_26 = arith.constant 128 : index
    %get3A_27 = arith.constant 0 : index
    %get3A_28 = vector.load %arg6[%get3A_26, %get3A_27] : memref<256x256xf32, #tpu.memory_space<vmem>>, vector<128x256xf32>
    %dot_general3A_29 = arith.constant dense<0.000000e+00> : vector<80x256xf32>
    %dot_general3A_30 = tpu.matmul %get3A_25, %get3A_28, %dot_general3A_29 {dimension_numbers = #tpu.dot_dimension_numbers<[1], [0], [0], [1], [0, 0, 1, 1], [], []>, transpose_lhs_hint = false} : vector<80x128xf32>, vector<128x256xf32>, vector<80x256xf32> -> vector<80x256xf32>
    %add3A_31 = arith.addf %add3A_22, %dot_general3A_30 : vector<80x256xf32>
    %get3A_32 = arith.constant 0 : index
    %get3A_33 = arith.constant 0 : index
    %get3A_34 = vector.load %arg7[%get3A_32, %get3A_33] : memref<1x256xf32, #tpu.memory_space<vmem>>, vector<1x256xf32>
    %add3A_35 = vector.broadcast %get3A_34 : vector<1x256xf32> to vector<80x256xf32>
    %add3A_36 = arith.addf %add3A_31, %add3A_35 : vector<80x256xf32>
    %max3A = arith.constant 0.000000e+00 : f32
    %max3A_37 = vector.broadcast %max3A : f32 to vector<80x256xf32>
    %max3A_38 = arith.maximumf %add3A_36, %max3A_37 : vector<80x256xf32>
    %slice3A = vector.extract_strided_slice %max3A_38 {offsets = [0, 0], sizes = [80, 128], strides = [1, 1]} : vector<80x256xf32> to vector<80x128xf32>
    %swap3A = arith.constant 0 : index
    %swap3A_39 = arith.constant 0 : index
    %swap3A_40 = arith.constant 0 : index
    %swap3A_41 = vector.load %arg8[%swap3A, %swap3A_39, %swap3A_40] : memref<2x80x128xf32, #tpu.memory_space<vmem>>, vector<1x80x128xf32>
    %swap3A_42 = vector.shape_cast %swap3A_41 : vector<1x80x128xf32> to vector<80x128xf32>
    %swap3A_43 = vector.shape_cast %slice3A : vector<80x128xf32> to vector<1x80x128xf32>
    tpu.vector_store %arg8[%swap3A, %swap3A_39, %swap3A_40], %swap3A_43 {strides = array<i32>} : memref<2x80x128xf32, #tpu.memory_space<vmem>>, vector<1x80x128xf32>,
    %slice3A_44 = vector.extract_strided_slice %max3A_38 {offsets = [0, 128], sizes = [80, 128], strides = [1, 1]} : vector<80x256xf32> to vector<80x128xf32>
    %swap3A_45 = arith.constant 1 : index
    %swap3A_46 = arith.constant 0 : index
    %swap3A_47 = arith.constant 0 : index
    %swap3A_48 = vector.load %arg8[%swap3A_45, %swap3A_46, %swap3A_47] : memref<2x80x128xf32, #tpu.memory_space<vmem>>, vector<1x80x128xf32>
    %swap3A_49 = vector.shape_cast %swap3A_48 : vector<1x80x128xf32> to vector<80x128xf32>
    %swap3A_50 = vector.shape_cast %slice3A_44 : vector<80x128xf32> to vector<1x80x128xf32>
    tpu.vector_store %arg8[%swap3A_45, %swap3A_46, %swap3A_47], %swap3A_50 {strides = array<i32>} : memref<2x80x128xf32, #tpu.memory_space<vmem>>, vector<1x80x128xf32>,
    return
  }
  func.func @transform_0(%arg0: i32) -> (i32, i32) {
    %c0_i32 = arith.constant 0 : i32
    %c0_i32_0 = arith.constant 0 : i32
    return %arg0, %c0_i32 : i32, i32
  }
  func.func @transform_1(%arg0: i32) -> (i32, i32) {
    %add3A = arith.constant 128 : i32
    %add3A_0 = arith.addi %add3A, %arg0 : i32
    %c0_i32 = arith.constant 0 : i32
    %c0_i32_1 = arith.constant 0 : i32
    return %add3A_0, %c0_i32 : i32, i32
  }
  func.func @transform_2(%arg0: i32) -> (i32, i32) {
    %c0_i32 = arith.constant 0 : i32
    %c0_i32_0 = arith.constant 0 : i32
    return %arg0, %c0_i32 : i32, i32
  }
  func.func @transform_3(%arg0: i32) -> (i32, i32) {
    %add3A = arith.constant 125 : i32
    %add3A_0 = arith.addi %add3A, %arg0 : i32
    %c0_i32 = arith.constant 0 : i32
    %c0_i32_1 = arith.constant 0 : i32
    return %add3A_0, %c0_i32 : i32, i32
  }
  func.func @transform_4(%arg0: i32) -> (i32, i32) {
    %c0_i32 = arith.constant 0 : i32
    %c0_i32_0 = arith.constant 0 : i32
    %c0_i32_1 = arith.constant 0 : i32
    return %c0_i32, %c0_i32_0 : i32, i32
  }
  func.func @transform_5(%arg0: i32) -> (i32, i32) {
    %c0_i32 = arith.constant 0 : i32
    %c0_i32_0 = arith.constant 0 : i32
    %c0_i32_1 = arith.constant 0 : i32
    return %c0_i32, %c0_i32_0 : i32, i32
  }
  func.func @transform_6(%arg0: i32) -> (i32, i32) {
    %c0_i32 = arith.constant 0 : i32
    %c0_i32_0 = arith.constant 0 : i32
    %c0_i32_1 = arith.constant 0 : i32
    return %c0_i32, %c0_i32_0 : i32, i32
  }
  func.func @transform_7(%arg0: i32) -> (i32, i32, i32) {
    %c0_i32 = arith.constant 0 : i32
    %c0_i32_0 = arith.constant 0 : i32
    %c0_i32_1 = arith.constant 0 : i32
    return %c0_i32, %arg0, %c0_i32_0 : i32, i32, i32
  }
}

module attributes {stable_mosaic.version = 14 : i64} {
  func.func @_final_body(%arg0: i32, %arg1: memref<80x128xf32, #tpu.memory_space<vmem>>, %arg2: memref<80x128xf32, #tpu.memory_space<vmem>>, %arg3: memref<80x128xf32, #tpu.memory_space<vmem>>, %arg4: memref<80x128xf32, #tpu.memory_space<vmem>>, %arg5: memref<256x256xf32, #tpu.memory_space<vmem>>, %arg6: memref<256x256xf32, #tpu.memory_space<vmem>>, %arg7: memref<1x256xf32, #tpu.memory_space<vmem>>, %arg8: memref<80x128xf32, #tpu.memory_space<vmem>>, %arg9: memref<80x128xf32, #tpu.memory_space<vmem>>) attributes {dimension_semantics = [#tpu.dimension_semantics<arbitrary>], iteration_bounds = array<i64: 125>, scalar_prefetch = 0 : i64, scratch_operands = 0 : i64, tpu.core_type = #tpu.core_type<tc>, window_params = [{transform_indices = @transform_0, window_bounds = array<i64: 80, 128>}, {transform_indices = @transform_1, window_bounds = array<i64: 80, 128>}, {transform_indices = @transform_2, window_bounds = array<i64: 80, 128>}, {transform_indices = @transform_3, window_bounds = array<i64: 80, 128>}, {pipeline_mode = #tpu.pipeline_mode<synchronous>, transform_indices = @transform_4, window_bounds = array<i64: 256, 256>}, {pipeline_mode = #tpu.pipeline_mode<synchronous>, transform_indices = @transform_5, window_bounds = array<i64: 256, 256>}, {pipeline_mode = #tpu.pipeline_mode<synchronous>, transform_indices = @transform_6, window_bounds = array<i64: 1, 256>}, {transform_indices = @transform_7, window_bounds = array<i64: 80, 128>}, {transform_indices = @transform_8, window_bounds = array<i64: 80, 128>}]} {
    %get3A = arith.constant 0 : index
    %get3A_0 = arith.constant 0 : index
    %get3A_1 = vector.load %arg1[%get3A, %get3A_0] : memref<80x128xf32, #tpu.memory_space<vmem>>, vector<80x128xf32>
    %get3A_2 = arith.constant 0 : index
    %get3A_3 = arith.constant 0 : index
    %get3A_4 = vector.load %arg5[%get3A_2, %get3A_3] : memref<256x256xf32, #tpu.memory_space<vmem>>, vector<128x256xf32>
    %dot_general3A = arith.constant dense<0.000000e+00> : vector<80x256xf32>
    %dot_general3A_5 = tpu.matmul %get3A_1, %get3A_4, %dot_general3A {dimension_numbers = #tpu.dot_dimension_numbers<[1], [0], [0], [1], [0, 0, 1, 1], [], []>, transpose_lhs_hint = false} : vector<80x128xf32>, vector<128x256xf32>, vector<80x256xf32> -> vector<80x256xf32>
    %get3A_6 = arith.constant 0 : index
    %get3A_7 = arith.constant 0 : index
    %get3A_8 = vector.load %arg2[%get3A_6, %get3A_7] : memref<80x128xf32, #tpu.memory_space<vmem>>, vector<80x128xf32>
    %get3A_9 = arith.constant 128 : index
    %get3A_10 = arith.constant 0 : index
    %get3A_11 = vector.load %arg5[%get3A_9, %get3A_10] : memref<256x256xf32, #tpu.memory_space<vmem>>, vector<128x256xf32>
    %dot_general3A_12 = arith.constant dense<0.000000e+00> : vector<80x256xf32>
    %dot_general3A_13 = tpu.matmul %get3A_8, %get3A_11, %dot_general3A_12 {dimension_numbers = #tpu.dot_dimension_numbers<[1], [0], [0], [1], [0, 0, 1, 1], [], []>, transpose_lhs_hint = false} : vector<80x128xf32>, vector<128x256xf32>, vector<80x256xf32> -> vector<80x256xf32>
    %add3A = arith.addf %dot_general3A_5, %dot_general3A_13 : vector<80x256xf32>
    %get3A_14 = arith.constant 0 : index
    %get3A_15 = arith.constant 0 : index
    %get3A_16 = vector.load %arg3[%get3A_14, %get3A_15] : memref<80x128xf32, #tpu.memory_space<vmem>>, vector<80x128xf32>
    %get3A_17 = arith.constant 0 : index
    %get3A_18 = arith.constant 0 : index
    %get3A_19 = vector.load %arg6[%get3A_17, %get3A_18] : memref<256x256xf32, #tpu.memory_space<vmem>>, vector<128x256xf32>
    %dot_general3A_20 = arith.constant dense<0.000000e+00> : vector<80x256xf32>
    %dot_general3A_21 = tpu.matmul %get3A_16, %get3A_19, %dot_general3A_20 {dimension_numbers = #tpu.dot_dimension_numbers<[1], [0], [0], [1], [0, 0, 1, 1], [], []>, transpose_lhs_hint = false} : vector<80x128xf32>, vector<128x256xf32>, vector<80x256xf32> -> vector<80x256xf32>
    %add3A_22 = arith.addf %add3A, %dot_general3A_21 : vector<80x256xf32>
    %get3A_23 = arith.constant 0 : index
    %get3A_24 = arith.constant 0 : index
    %get3A_25 = vector.load %arg4[%get3A_23, %get3A_24] : memref<80x128xf32, #tpu.memory_space<vmem>>, vector<80x128xf32>
    %get3A_26 = arith.constant 128 : index
    %get3A_27 = arith.constant 0 : index
    %get3A_28 = vector.load %arg6[%get3A_26, %get3A_27] : memref<256x256xf32, #tpu.memory_space<vmem>>, vector<128x256xf32>
    %dot_general3A_29 = arith.constant dense<0.000000e+00> : vector<80x256xf32>
    %dot_general3A_30 = tpu.matmul %get3A_25, %get3A_28, %dot_general3A_29 {dimension_numbers = #tpu.dot_dimension_numbers<[1], [0], [0], [1], [0, 0, 1, 1], [], []>, transpose_lhs_hint = false} : vector<80x128xf32>, vector<128x256xf32>, vector<80x256xf32> -> vector<80x256xf32>
    %add3A_31 = arith.addf %add3A_22, %dot_general3A_30 : vector<80x256xf32>
    %get3A_32 = arith.constant 0 : index
    %get3A_33 = arith.constant 0 : index
    %get3A_34 = vector.load %arg7[%get3A_32, %get3A_33] : memref<1x256xf32, #tpu.memory_space<vmem>>, vector<1x256xf32>
    %add3A_35 = vector.broadcast %get3A_34 : vector<1x256xf32> to vector<80x256xf32>
    %add3A_36 = arith.addf %add3A_31, %add3A_35 : vector<80x256xf32>
    %slice3A = vector.extract_strided_slice %add3A_36 {offsets = [0, 0], sizes = [80, 128], strides = [1, 1]} : vector<80x256xf32> to vector<80x128xf32>
    %swap3A = arith.constant 0 : index
    %swap3A_37 = arith.constant 0 : index
    %swap3A_38 = vector.load %arg8[%swap3A, %swap3A_37] : memref<80x128xf32, #tpu.memory_space<vmem>>, vector<80x128xf32>
    tpu.vector_store %arg8[%swap3A, %swap3A_37], %slice3A {strides = array<i32>} : memref<80x128xf32, #tpu.memory_space<vmem>>, vector<80x128xf32>,
    %slice3A_39 = vector.extract_strided_slice %add3A_36 {offsets = [0, 128], sizes = [80, 128], strides = [1, 1]} : vector<80x256xf32> to vector<80x128xf32>
    %jit3A = arith.constant -5.000000e+00 : f32
    %jit3A_40 = arith.constant 3.000000e+00 : f32
    %max3A = vector.broadcast %jit3A : f32 to vector<80x128xf32>
    %max3A_41 = arith.maximumf %max3A, %slice3A_39 : vector<80x128xf32>
    %min3A = vector.broadcast %jit3A_40 : f32 to vector<80x128xf32>
    %min3A_42 = arith.minimumf %min3A, %max3A_41 : vector<80x128xf32>
    %swap3A_43 = arith.constant 0 : index
    %swap3A_44 = arith.constant 0 : index
    %swap3A_45 = vector.load %arg9[%swap3A_43, %swap3A_44] : memref<80x128xf32, #tpu.memory_space<vmem>>, vector<80x128xf32>
    tpu.vector_store %arg9[%swap3A_43, %swap3A_44], %min3A_42 {strides = array<i32>} : memref<80x128xf32, #tpu.memory_space<vmem>>, vector<80x128xf32>,
    return
  }
  func.func @transform_0(%arg0: i32) -> (i32, i32) {
    %c0_i32 = arith.constant 0 : i32
    %c0_i32_0 = arith.constant 0 : i32
    return %arg0, %c0_i32 : i32, i32
  }
  func.func @transform_1(%arg0: i32) -> (i32, i32) {
    %add3A = arith.constant 128 : i32
    %add3A_0 = arith.addi %add3A, %arg0 : i32
    %c0_i32 = arith.constant 0 : i32
    %c0_i32_1 = arith.constant 0 : i32
    return %add3A_0, %c0_i32 : i32, i32
  }
  func.func @transform_2(%arg0: i32) -> (i32, i32) {
    %c0_i32 = arith.constant 0 : i32
    %c0_i32_0 = arith.constant 0 : i32
    return %arg0, %c0_i32 : i32, i32
  }
  func.func @transform_3(%arg0: i32) -> (i32, i32) {
    %add3A = arith.constant 125 : i32
    %add3A_0 = arith.addi %add3A, %arg0 : i32
    %c0_i32 = arith.constant 0 : i32
    %c0_i32_1 = arith.constant 0 : i32
    return %add3A_0, %c0_i32 : i32, i32
  }
  func.func @transform_4(%arg0: i32) -> (i32, i32) {
    %c0_i32 = arith.constant 0 : i32
    %c0_i32_0 = arith.constant 0 : i32
    %c0_i32_1 = arith.constant 0 : i32
    return %c0_i32, %c0_i32_0 : i32, i32
  }
  func.func @transform_5(%arg0: i32) -> (i32, i32) {
    %c0_i32 = arith.constant 0 : i32
    %c0_i32_0 = arith.constant 0 : i32
    %c0_i32_1 = arith.constant 0 : i32
    return %c0_i32, %c0_i32_0 : i32, i32
  }
  func.func @transform_6(%arg0: i32) -> (i32, i32) {
    %c0_i32 = arith.constant 0 : i32
    %c0_i32_0 = arith.constant 0 : i32
    %c0_i32_1 = arith.constant 0 : i32
    return %c0_i32, %c0_i32_0 : i32, i32
  }
  func.func @transform_7(%arg0: i32) -> (i32, i32) {
    %c0_i32 = arith.constant 0 : i32
    %c0_i32_0 = arith.constant 0 : i32
    return %arg0, %c0_i32 : i32, i32
  }
  func.func @transform_8(%arg0: i32) -> (i32, i32) {
    %c0_i32 = arith.constant 0 : i32
    %c0_i32_0 = arith.constant 0 : i32
    return %arg0, %c0_i32 : i32, i32
  }
}

</mosaic_0001>

<sc_bundles>
// kernel: sc_segsum_12.4.cloned.1.call-start
scs
__scs_entry_jumppad:
0x0: {  	(pc) =	sbr.rel $0x88, $3  }
0x1: {  	(tag) =	ssettag $0x0;
	lr =	simm.s32 $0x1  }
0x2: {  	[smem:$0x3F96] =	sst lr;
	_ =	strace $0xD0000000  }
0x3: {  	_ = 	snop  }
0x4: {  	_ = 	snop  }
0x5: {  	_ = 	snop  }
0x6: {  	_ = 	snop  }
0x7: {  	_ = 	snop  }
__scs_overlays_trampoline_lowered:
0x8: {  	[smem:$0x3FA5] =	sst s0  }
0x9: {  	[smem:$0x3FA6] =	sst s1  }
0xa: {  	[smem:$0x3FA7] =	sst s2  }
0xb: {  	[smem:$0x3FA8] =	sst s3  }
0xc: {  	[smem:$0x3FA9] =	sst s4  }
0xd: {  	[smem:$0x3FAA] =	sst s5  }
0xe: {  	[smem:$0x3FAB] =	sst s6  }
0xf: {  	[smem:$0x3FAC] =	sst s7  }
0x10: {  	[smem:$0x3FAD] =	sst s8  }
0x11: {  	[smem:$0x3FAE] =	sst s9;
	s0 =	simm.s32 @!p0 $0x0  }
0x12: {  	s1 =	sld [smem:$0x3F94];
	s0 =	simm.s32 @p0 $0x1  }
0x13: {  	[smem:$0x3FAF] =	sst s0;
	s0 =	simm.s32 @!p1 $0x0  }
0x14: {  	s2 =	sld [smem:$0x3F93];
	s0 =	simm.s32 @p1 $0x1  }
0x15: {  	[smem:$0x3FB0] =	sst s0;
	s0 =	simm.s32 @!p2 $0x0  }
0x16: {  	s3 =	sld [smem:$0x3FDB];
	s0 =	simm.s32 @p2 $0x1  }
0x17: {  	s4 =	simm.s32 $0x1BF5;
	[smem:$0x3FB2] =	sst s0  }
0x18: {  	s0 =	sld [smem:$0x3F95];
	_ =	swait.ge [sflag:s4], $0x0  }
0x19: {  	s7 =	sld [smem:$0x3F96]  }
0x1a: {  	s8 =	sadd.s32 $0xFFFFE003, lr  }
0x1b: {  	s9 =	sadd.s32 $0xFFFFFEF7, lr;
	s5 =	simm.s32 $0xFFFFFFFF;
	p2 =	slt.u32 s8, $0xFFFFF086  }
0x1c: {  	p1 =	slt.u32 s9, $0xF7A;
	s5 =	simm.s32 @!p2 $0x0  }
0x1d: {  	s5 =	simm.s32 @p1 $0x1;
	p0 =	seq.s32 s7, s2  }
0x1e: {  	s7 =	smul.u32 @!p0 $0xF7A, s2;
	p2 =	seq.s32 @!p0 s5, $0x0  }
0x1f: {  	s9 =	smul.u32 $0xF7A, s1;
	s8 =	simm.s32 @!p0 $0x1BF5;
	p2 =	por !p2, p0  }
0x20: {  	[sflag:s8] =	ssyncset.s32 @!p0 $0xFFFFF086;
	s6 =	sadd.s32 @!p0 s3, s7;
	s7 =	simm.s32 @!p0 $0x108  }
0x21: {  	s3 =	sadd.s32 s3, s9;
	s6 =	sadd.s32 @!p0 $0x88, s6;
	s7 =	simm.s32 @p2 $0x1082  }
0x22: {  	[simem:s7], [sflag:s8] =	dma.local @!p0 [hbm:s6], $0xF7A  }
0x23: {  	s9 =	sor.u32 $0xD0000000, s2;
	s6 =	simm.s32 $0x108;
	_ =	swait.ge @!p0 [sflag:s8], $0x0  }
0x24: {  	s3 =	sadd.s32 $0x88, s3;
	s6 =	simm.s32 @!p1 $0x1082;
	[sflag:s4] =	ssyncset.s32 $0xFFFFF086  }
0x25: {  	[simem:s6], [sflag:s4] =	dma.local [hbm:s3], $0xF7A  }
0x26: {  	[smem:$0x3F96] =	sst s1;
	(tag) =	ssettag s2;
	_ =	strace s9  }
0x27: {  	s1 =	sld [smem:$0x3FA6]  }
0x28: {  	s2 =	sld [smem:$0x3FA7]  }
0x29: {  	s4 =	sld [smem:$0x3FA9]  }
0x2a: {  	p0 =	seq.s32 s5, $0x0;
	s5 =	sld [smem:$0x3FAA]  }
0x2b: {  	s6 =	sld [smem:$0x3FAB]  }
0x2c: {  	s7 =	sld [smem:$0x3FAC]  }
0x2d: {  	s3 =	simm.s32 $0x108;
	s8 =	sld [smem:$0x3FAD]  }
0x2e: {  	s3 =	simm.s32 @!p0 $0x1082;
	s9 =	sld [smem:$0x3FAE]  }
0x2f: {  	lr =	sadd.s32 s0, s3;
	s0 =	sld [smem:$0x3FA5]  }
0x30: {  	s3 =	sld [smem:$0x3FA8]  }
0x31: {  	[smem:$0x3FB1] =	sst s10  }
0x32: {  	s10 =	sld [smem:$0x3FAF];
	_ =	sdelay $0x3  }
0x33: {  	p0 =	seq.s32 s10, $0x1;
	s10 =	sld [smem:$0x3FB1];
	_ =	sdelay $0x3  }
0x34: {  	[smem:$0x3FB1] =	sst s10  }
0x35: {  	s10 =	sld [smem:$0x3FB0];
	_ =	sdelay $0x3  }
0x36: {  	p1 =	seq.s32 s10, $0x1;
	s10 =	sld [smem:$0x3FB1];
	_ =	sdelay $0x3  }
0x37: {  	[smem:$0x3FB1] =	sst s10  }
0x38: {  	s10 =	sld [smem:$0x3FB2]  }
0x39: {  	_ = 	snop;
	(pc) =	sbr.ind lr, $3  }
0x3a: {  	_ = 	snop  }
0x3b: {  	_ = 	snop  }
0x3c: {  	p2 =	seq.s32 s10, $0x1;
	s10 =	sld [smem:$0x3FB1]  }
0x3d: {  	_ =	shalt  }
0x3e: {  	_ =	shalt  }
0x3f: {  	_ =	shalt  }
0x40: {  	_ =	shalt  }
0x41: {  	_ =	shalt  }
0x42: {  	_ =	shalt  }
0x43: {  	_ =	shalt  }
0x44: {  	_ =	shalt  }
0x45: {  	_ =	shalt  }
0x46: {  	_ =	shalt  }
0x47: {  	_ =	shalt  }
0x48: {  	_ =	shalt  }
0x49: {  	_ =	shalt  }
0x4a: {  	_ =	shalt  }
0x4b: {  	_ =	shalt  }
0x4c: {  	_ =	shalt  }
0x4d: {  	_ =	shalt  }
0x4e: {  	_ =	shalt  }
0x4f: {  	_ =	shalt  }
0x50: {  	_ =	shalt  }
0x51: {  	_ =	shalt  }
0x52: {  	_ =	shalt  }
0x53: {  	_ =	shalt  }
0x54: {  	_ =	shalt  }
0x55: {  	_ =	shalt  }
0x56: {  	_ =	shalt  }
0x57: {  	_ =	shalt  }
0x58: {  	_ =	shalt  }
0x59: {  	_ =	shalt  }
0x5a: {  	_ =	shalt  }
0x5b: {  	_ =	shalt  }
0x5c: {  	_ =	shalt  }
0x5d: {  	_ =	shalt  }
0x5e: {  	_ =	shalt  }
0x5f: {  	_ =	shalt  }
0x60: {  	_ =	shalt  }
0x61: {  	_ =	shalt  }
0x62: {  	_ =	shalt  }
0x63: {  	_ =	shalt  }
0x64: {  	_ =	shalt  }
0x65: {  	_ =	shalt  }
0x66: {  	_ =	shalt  }
0x67: {  	_ =	shalt  }
0x68: {  	_ =	shalt  }
0x69: {  	_ =	shalt  }
0x6a: {  	_ =	shalt  }
0x6b: {  	_ =	shalt  }
0x6c: {  	_ =	shalt  }
0x6d: {  	_ =	shalt  }
0x6e: {  	_ =	shalt  }
0x6f: {  	_ =	shalt  }
0x70: {  	_ =	shalt  }
0x71: {  	_ =	shalt  }
0x72: {  	_ =	shalt  }
0x73: {  	_ =	shalt  }
0x74: {  	_ =	shalt  }
0x75: {  	_ =	shalt  }
0x76: {  	_ =	shalt  }
0x77: {  	_ =	shalt  }
0x78: {  	_ =	shalt  }
0x79: {  	_ =	shalt  }
0x7a: {  	_ =	shalt  }
0x7b: {  	_ =	shalt  }
0x7c: {  	_ =	shalt  }
0x7d: {  	_ =	shalt  }
0x7e: {  	_ =	shalt  }
0x7f: {  	_ =	shalt  }
0x80: {  	_ =	shalt  }
0x81: {  	_ =	shalt  }
0x82: {  	_ =	shalt  }
0x83: {  	_ =	shalt  }
0x84: {  	_ =	shalt  }
0x85: {  	_ =	shalt  }
0x86: {  	_ =	shalt  }
0x87: {  	_ =	shalt  }
.Lfunc_end0:
.L_simem_size_0:
called_computation.1_lowered:
.L_overlay_start_0:
0x88: {  	s2 =	sld [smem:$0x3FD9]  }
0x89: {  	s3 =	sld [smem:$0x3FFE];
	_ =	sdelay $0x1  }
0x8a: {  	s1 =	srdreg.scid  }
0x8b: {  	s0 =	sand.u32 $0x1, s1  }
0x8c: {  	s14 =	sshll.u32 s0, $0xA;
	s2 =	sadd.s32 s3, s2  }
0x8d: {  	s2 =	sadd.s32 s2, s14  }
0x8e: {  	[smem:$0x3FBD] =	sst s2  }
0x8f: {  	_ = 	snop  }
0x90: {  	s2 =	sld [smem:$0x3FD0];
	_ =	sdelay $0x2  }
0x91: {  	s15 =	simm.s32 $0xA;
	s4 =	simm.s32 $0x10  }
0x92: {  	[smem:s4], [sflag:s15] =	dma.local [hbm:s2], $0x1  }
0x93: {  	_ =	swait.eq [sflag:s15], $0x1  }
0x94: {  	[sflag:s15] =	ssyncset.done $0x0  }
0x95: {  	s16 =	sld [smem:$0x10];
	[sflag:s15] =	ssyncadd.s32 $0xFFFFFFFF  }
0x96: {  	s17 =	sld [smem:$0x11];
	(tm) =	ssettm $0x1  }
0x97: {  	s18 =	sld [smem:$0x3FFB];
	_ =	sdelay $0x3  }
0x98: {  	_ =	strace s18  }
0x99: {  	s4 =	sld [smem:$0x3FFC];
	_ =	sdelay $0x3  }
0x9a: {  	_ =	strace s4  }
0x9b: {  	s4 =	sld [smem:$0x3FFD];
	_ =	sdelay $0x3  }
0x9c: {  	_ =	strace s4  }
0x9d: {  	_ =	strace $0x8FFFFFFF  }
0x9e: {  	s19 =	sld [smem:$0x3FDB];
	_ =	sdelay $0x1  }
0x9f: {  	s5 =	simm.s32 $_scs_section_size  }
0xa0: {  	s6 =	simm.s32 $_size__tile_overlayer_lowered;
	s7 =	simm.s32 $_tile_overlayer_lowered  }
0xa1: {  	s22 =	simm.s32 $0x1BFF;
	s21 =	sshll.u32 s7, $0x1;
	s4 =	sadd.s32 s5, s19  }
0xa2: {  	s8 =	simm.s32 $0x0;
	s20 =	sshll.u32 s6, $0x1;
	s6 =	sadd.s32 s21, s4  }
0xa3: {  	[timem:s8], [sflag:s22] =	dma.local [hbm:s6], s20  }
0xa4: {  	_ =	swait.ge [sflag:s22], s20  }
0xa5: {  	s5 =	ssub.s32 $0x0, s20;
	[sflag:s22] =	ssyncset.done $0x0  }
0xa6: {  	[sflag:s22] =	ssyncadd.s32 s5;
	_ =	sdelay $0x1  }
0xa7: {  	s23 =	simm.s32 $0x1B8B  }
0xa8: {  	_ =	swait.ge [sflag:s23], $0x1  }
0xa9: {  	[sflag:s23] =	ssyncset.done $0x0  }
0xaa: {  	s25 =	simm.s32 $0x1B8E;
	s24 =	sld [smem:$0x3FFE];
	[sflag:s23] =	ssyncadd.s32 $0xFFFFFFFF  }
0xab: {  	s26 =	simm.s32 $execute0_lowered;
	[smem:$0x3FD2] =	sst s25  }
0xac: {  	s6 =	sshll.u32 s26, $0x1;
	_ =	strace $0x80000049;
	[dreg:$0x1] =	wrdreg $0xFFFFFFFF  }
0xad: {  	s28 =	simm.s32 $_size_execute0_lowered;
	s4 =	sadd.s32 s4, s6;
	[dreg:$0x0] =	wrdreg $0x0  }
0xae: {  	s6 =	sshll.u32 s28, $0x1;
	[dreg:$0x2] =	wrdreg s4  }
0xaf: {  	[dreg:$0x3] =	wrdreg s6  }
0xb0: {  	[dreg:$0x4] =	wrdreg $0xC0  }
0xb1: {  	_ =	task [dreg:s8], $0x5FFFF  }
0xb2: {  	[dreg:$0x1] =	wrdreg $0xFFFFFFFF  }
0xb3: {  	[dreg:$0x0] =	wrdreg $0x60  }
0xb4: {  	[dreg:$0x2] =	wrdreg s17  }
0xb5: {  	[dreg:$0x3] =	wrdreg s16  }
0xb6: {  	[dreg:$0x4] =	wrdreg s24  }
0xb7: {  	[dreg:$0x5] =	wrdreg $0x88000  }
0xb8: {  	[dreg:$0x6] =	wrdreg $0x9  }
0xb9: {  	_ =	task.clear_ibuf [dreg:s8], $0x7FFFF;
	_ =	strace $0x90000049  }
0xba: {  	s29 =	simm.s32 $0x9;
	_ =	strace $0x8000004B  }
0xbb: {  	_ =	swait.ge [sflag:s29], $0x1  }
0xbc: {  	[sflag:s29] =	ssyncadd.s32 $0xFFFFFFFF  }
0xbd: {  	_ =	strace $0x9000004B  }
0xbe: {  	_ =	sfence  }
0xbf: {  	s30 =	sld [smem:$0x0];
	_ =	sdelay $0x2  }
0xc0: {  	s31 =	sshll.u32 s1, $0xD;
	s1 =	sshrl.u32 s1, $0x2  }
0xc1: {  	s3 =	sand.u32 $0x4000, s31;
	s1 =	sadd.s32 s1, s30  }
0xc2: {  	s0 =	sor.u32 s3, s0;
	s1 =	sshll.u32 s1, $0x11  }
0xc3: {  	s0 =	sor.u32 s1, s0  }
0xc4: {  	s0 =	sadd.s32 $0x8F2B, s0  }
0xc5: {  	[sflag:s0] =	ssyncadd.remote.s32 $0x1  }
0xc6: {  	_ =	sfence.sel $0xFFFF  }
0xc7: {  	[dreg:$0x0] =	wrdreg $0xFFFFFFFF;
	(pc) =	sbr.abs _section_cstart, $3  }
0xc8: {  	[dreg:$0x1] =	wrdreg $0xFFFFFFFF  }
0xc9: {  	_ =	task.clear_ibuf [dreg:s8], $0x2FFFF;
	_ =	strace $0x9FFFFFFF  }
0xca: {  	(tm) =	ssettm $0x7FFFFFFF  }
0xcb: {  	_ =	shalt  }
tec
execute0_lowered:
.L_overlay_start_1:
0x0: {  	(tag) =	ssettag $0x1  }
0x1: {  	s0 =	rddreg [dreg:$0x0]  }
0x2: {  	s1 =	rddreg [dreg:$0x1]  }
0x3: {  	s5 =	rddreg [dreg:$0x2]  }
0x4: {  	s2 =	rddreg [dreg:$0x3]  }
0x5: {  	s11 =	stileid.u32;
	s4 =	srdreg.scid  }
0x6: {  	s3 =	simm.s32 $0x0;
	s13 =	simm.s32 $0x400;
	s14 =	simm.s32 $0x80  }
0x7: {  	s15 =	simm.s32 $0x800;
	s16 =	simm.s32 $0x1;
	s17 =	simm.s32 $0x4800  }
0x8: {  	s18 =	simm.s32 $0x2;
	s19 =	simm.s32 $0x100;
	s20 =	simm.s32 $0x480  }
0x9: {  	s21 =	simm.s32 $0x180;
	s22 =	simm.s32 $0x500;
	s28 =	simm.s32 $0x300  }
0xa: {  	s29 =	simm.s32 $0x680;
	s30 =	simm.s32 $0x380;
	s6 =	smul.u32 $0x2800, s11  }
0xb: {  	s31 =	simm.s32 $0x700;
	s7 =	sand.u32 $0x1, s4;
	s10 =	smul.u32 $0x50000, s11  }
0xc: {  	[smem:$0x7FF] =	sst s3;
	s4 =	sadd.s32 $0x40400, s5;
	s12 =	smul.u32 $0xA00, s11  }
0xd: {  	s25 =	sshll.u32 s11, $0x6;
	s8 =	smul.u32 $0x28000, s7;
	s9 =	ssub.s32 $0x2, s7  }
0xe: {  	_ =	strace $0x8000004A;
	s7 =	smul.u32 $0xA000, s7;
	s23 =	sshrl.u32 s9, $0x1  }
0xf: {  	s24 =	sshrl.u32 s10, $0x2;
	s10 =	simm.s32 $0x3;
	s8 =	sadd.s32 s6, s8  }
0x10: {  	s6 =	sadd.s32 s6, s5;
	s0 =	sadd.s32 s0, s7;
	s1 =	sadd.s32 s1, s7  }
0x11: {  	s5 =	sadd.s32 s8, s5;
	s8 =	ssub.s32 s9, s23;
	s9 =	sadd.s32 s24, s2  }
0x12: {  	s6 =	sadd.s32 $0x18400, s6;
	s11 =	sadd.s32 s0, s12;
	s12 =	sadd.s32 s1, s12  }
0x13: {  	s23 =	simm.s32 $0x200;
	[dreg:$0x5] =	wrdreg s6;
	s5 =	sadd.s32 $0x8E600, s5  }
0x14: {  	s24 =	simm.s32 $0x580;
	s26 =	smax.u32 s8, $0x1;
	[dreg:$0x7] =	wrdreg s5  }
0x15: {  	s0 =	simm.s32 $0x780;
	s6 =	sor.u32 $0x1C03, s25;
	[dreg:$0x8] =	wrdreg s26  }
0x16: {  	s1 =	simm.s32 $0x0;
	s7 =	sshrl.u32 s9, $0x3;
	[dreg:$0x6] =	wrdreg s6  }
0x17: {  	s25 =	simm.s32 $0x280;
	s26 =	simm.s32 $0x600;
	[dreg:$0x9] =	wrdreg s7  }
.LBB2_1:
0x18: {  	s5 =	rddreg [dreg:$0x5]  }
0x19: {  	[spmem:s7], [sflag:s6] =	dma.local [hbm:s5], $0x2800  }
0x1a: {  	_ =	swait.ge [sflag:s10], $0x2800  }
0x1b: {  	[sflag:s10] =	ssyncset.done $0x0  }
0x1c: {  	[sflag:s10] =	ssyncadd.s32 $0xFFFFD800  }
0x1d: {  	s8 =	sadd.s32 $0x0, s11;
	[bflag:$0x0] =	sbarrier.arrive $0xFFFF  }
0x1e: {  	[tilespmem:s3], [sflag:$0x3] =	stream.linear.gather [hbm4b:s8+s3], $0x400, $0x38;
	[tilespmem:$0x1C800] =	vst v63  }
0x1f: {  	_ =	swait.ge [sflag:s10], $0x400  }
0x20: {  	[sflag:s10] =	ssyncset.done $0x0  }
0x21: {  	s9 =	sadd.s32 $0x0, s12;
	[sflag:s10] =	ssyncadd.s32 $0xFFFFFC00  }
0x22: {  	[tilespmem:s13], [sflag:$0x3] =	stream.linear.gather [hbm4b:s9+s3], $0x400, $0x38;
	[tilespmem:$0x1C800] =	vst v63  }
0x23: {  	_ =	swait.ge [sflag:s10], $0x400  }
0x24: {  	[sflag:s10] =	ssyncset.done $0x0  }
0x25: {  	[sflag:s10] =	ssyncadd.s32 $0xFFFFFC00  }
0x26: {  	[tilespmem:s15], [sflag:$0x1] =	stream.indirect.gather [hbm4b:s4+s14], $0x80, s3, s14, $0xb8;
	[tilespmem:$0x1C800] =	vst v63  }
0x27: {  	_ =	swait.ge [sflag:s16], $0x4000  }
0x28: {  	[sflag:s16] =	ssyncset.done $0x0  }
0x29: {  	[sflag:s16] =	ssyncadd.s32 $0xFFFFC000  }
0x2a: {  	[tilespmem:s17], [sflag:$0x2] =	stream.indirect.gather [hbm4b:s4+s14], $0x80, s14, s14, $0xb8;
	[tilespmem:$0x1C800] =	vst v63  }
0x2b: {  	_ = 	snop  }
0x2c: {  	[spmem:s2] =	stream.indirect.scatter.add.f32 [tilespmem:s15], [sflag:$0x3], $0x80, s13, s14, $0xb8;
	[tilespmem:$0x1C800] =	vst v63  }
0x2d: {  	_ =	swait.ge [sflag:s10], $0x4000  }
0x2e: {  	[sflag:s10] =	ssyncset.done $0x0  }
0x2f: {  	[sflag:s10] =	ssyncadd.s32 $0xFFFFC000  }
0x30: {  	_ =	swait.ge [sflag:s18], $0x4000  }
0x31: {  	[sflag:s18] =	ssyncset.done $0x0  }
0x32: {  	[sflag:s18] =	ssyncadd.s32 $0xFFFFC000  }
0x33: {  	[tilespmem:s15], [sflag:$0x1] =	stream.indirect.gather [hbm4b:s4+s14], $0x80, s19, s14, $0xb8;
	[tilespmem:$0x1C800] =	vst v63  }
0x34: {  	_ = 	snop  }
0x35: {  	[spmem:s2] =	stream.indirect.scatter.add.f32 [tilespmem:s17], [sflag:$0x3], $0x80, s20, s14, $0xb8;
	[tilespmem:$0x1C800] =	vst v63  }
0x36: {  	_ =	swait.ge [sflag:s10], $0x4000  }
0x37: {  	[sflag:s10] =	ssyncset.done $0x0  }
0x38: {  	[sflag:s10] =	ssyncadd.s32 $0xFFFFC000  }
0x39: {  	_ =	swait.ge [sflag:s16], $0x4000  }
0x3a: {  	[sflag:s16] =	ssyncset.done $0x0  }
0x3b: {  	[sflag:s16] =	ssyncadd.s32 $0xFFFFC000  }
0x3c: {  	[tilespmem:s17], [sflag:$0x2] =	stream.indirect.gather [hbm4b:s4+s14], $0x80, s21, s14, $0xb8;
	[tilespmem:$0x1C800] =	vst v63  }
0x3d: {  	_ = 	snop  }
0x3e: {  	[spmem:s2] =	stream.indirect.scatter.add.f32 [tilespmem:s15], [sflag:$0x3], $0x80, s22, s14, $0xb8;
	[tilespmem:$0x1C800] =	vst v63  }
0x3f: {  	_ =	swait.ge [sflag:s10], $0x4000  }
0x40: {  	[sflag:s10] =	ssyncset.done $0x0  }
0x41: {  	[sflag:s10] =	ssyncadd.s32 $0xFFFFC000  }
0x42: {  	_ =	swait.ge [sflag:s18], $0x4000  }
0x43: {  	[sflag:s18] =	ssyncset.done $0x0  }
0x44: {  	[sflag:s18] =	ssyncadd.s32 $0xFFFFC000  }
0x45: {  	[tilespmem:s15], [sflag:$0x1] =	stream.indirect.gather [hbm4b:s4+s14], $0x80, s23, s14, $0xb8;
	[tilespmem:$0x1C800] =	vst v63  }
0x46: {  	_ = 	snop  }
0x47: {  	[spmem:s2] =	stream.indirect.scatter.add.f32 [tilespmem:s17], [sflag:$0x3], $0x80, s24, s14, $0xb8;
	[tilespmem:$0x1C800] =	vst v63  }
0x48: {  	_ =	swait.ge [sflag:s10], $0x4000  }
0x49: {  	[sflag:s10] =	ssyncset.done $0x0  }
0x4a: {  	[sflag:s10] =	ssyncadd.s32 $0xFFFFC000  }
0x4b: {  	_ =	swait.ge [sflag:s16], $0x4000  }
0x4c: {  	[sflag:s16] =	ssyncset.done $0x0  }
0x4d: {  	[sflag:s16] =	ssyncadd.s32 $0xFFFFC000  }
0x4e: {  	[tilespmem:s17], [sflag:$0x2] =	stream.indirect.gather [hbm4b:s4+s14], $0x80, s25, s14, $0xb8;
	[tilespmem:$0x1C800] =	vst v63  }
0x4f: {  	_ = 	snop  }
0x50: {  	[spmem:s2] =	stream.indirect.scatter.add.f32 [tilespmem:s15], [sflag:$0x3], $0x80, s26, s14, $0xb8;
	[tilespmem:$0x1C800] =	vst v63  }
0x51: {  	_ =	swait.ge [sflag:s10], $0x4000  }
0x52: {  	[sflag:s10] =	ssyncset.done $0x0  }
0x53: {  	[sflag:s10] =	ssyncadd.s32 $0xFFFFC000  }
0x54: {  	_ =	swait.ge [sflag:s18], $0x4000  }
0x55: {  	[sflag:s18] =	ssyncset.done $0x0  }
0x56: {  	[sflag:s18] =	ssyncadd.s32 $0xFFFFC000  }
0x57: {  	[tilespmem:s15], [sflag:$0x1] =	stream.indirect.gather [hbm4b:s4+s14], $0x80, s28, s14, $0xb8;
	[tilespmem:$0x1C800] =	vst v63  }
0x58: {  	_ = 	snop  }
0x59: {  	[spmem:s2] =	stream.indirect.scatter.add.f32 [tilespmem:s17], [sflag:$0x3], $0x80, s29, s14, $0xb8;
	[tilespmem:$0x1C800] =	vst v63  }
0x5a: {  	_ =	swait.ge [sflag:s10], $0x4000  }
0x5b: {  	[sflag:s10] =	ssyncset.done $0x0  }
0x5c: {  	[sflag:s10] =	ssyncadd.s32 $0xFFFFC000  }
0x5d: {  	_ =	swait.ge [sflag:s16], $0x4000  }
0x5e: {  	[sflag:s16] =	ssyncset.done $0x0  }
0x5f: {  	[sflag:s16] =	ssyncadd.s32 $0xFFFFC000  }
0x60: {  	[tilespmem:s17], [sflag:$0x2] =	stream.indirect.gather [hbm4b:s4+s14], $0x80, s30, s14, $0xb8;
	[tilespmem:$0x1C800] =	vst v63  }
0x61: {  	_ = 	snop  }
0x62: {  	[spmem:s2] =	stream.indirect.scatter.add.f32 [tilespmem:s15], [sflag:$0x3], $0x80, s31, s14, $0xb8;
	[tilespmem:$0x1C800] =	vst v63  }
0x63: {  	_ =	swait.ge [sflag:s10], $0x4000  }
0x64: {  	[sflag:s10] =	ssyncset.done $0x0  }
0x65: {  	[sflag:s10] =	ssyncadd.s32 $0xFFFFC000  }
0x66: {  	_ =	swait.ge [sflag:s18], $0x4000  }
0x67: {  	[sflag:s18] =	ssyncset.done $0x0  }
0x68: {  	[sflag:s18] =	ssyncadd.s32 $0xFFFFC000  }
0x69: {  	[spmem:s2] =	stream.indirect.scatter.add.f32 [tilespmem:s17], [sflag:$0x3], $0x80, s0, s14, $0xb8;
	[tilespmem:$0x1C800] =	vst v63  }
0x6a: {  	_ =	swait.ge [sflag:s10], $0x4000  }
0x6b: {  	s5 =	simm.s32 $0x80;
	s7 =	simm.s32 $0x100;
	[sflag:s10] =	ssyncset.done $0x0  }
.LBB2_2:
0x6c: {  	s6 =	sadd.s32 s5, s11  }
0x6d: {  	[sflag:s10] =	ssyncadd.s32 $0xFFFFC000;
	s9 =	smov.u32 s7;
	s8 =	sadd.s32 $0x80, s7  }
0x6e: {  	[tilespmem:s3], [sflag:$0x3] =	stream.linear.gather [hbm4b:s6+s3], $0x400, $0x38;
	[tilespmem:$0x1C800] =	vst v63  }
0x6f: {  	p0 =	sne.s32 s7, $0x980;
	_ =	swait.ge [sflag:s10], $0x400  }
0x70: {  	[sflag:s10] =	ssyncset.done $0x0  }
0x71: {  	s6 =	sadd.s32 s5, s12;
	s5 =	smov.u32 s9;
	[sflag:s10] =	ssyncadd.s32 $0xFFFFFC00  }
0x72: {  	[tilespmem:s13], [sflag:$0x3] =	stream.linear.gather [hbm4b:s6+s3], $0x400, $0x38;
	[tilespmem:$0x1C800] =	vst v63  }
0x73: {  	_ =	swait.ge [sflag:s10], $0x400  }
0x74: {  	[sflag:s10] =	ssyncset.done $0x0  }
0x75: {  	[sflag:s10] =	ssyncadd.s32 $0xFFFFFC00  }
0x76: {  	[tilespmem:s15], [sflag:$0x1] =	stream.indirect.gather [hbm4b:s4+s14], $0x80, s3, s14, $0xb8;
	[tilespmem:$0x1C800] =	vst v63  }
0x77: {  	_ =	swait.ge [sflag:s16], $0x4000  }
0x78: {  	[sflag:s16] =	ssyncset.done $0x0  }
0x79: {  	[sflag:s16] =	ssyncadd.s32 $0xFFFFC000  }
0x7a: {  	[tilespmem:s17], [sflag:$0x2] =	stream.indirect.gather [hbm4b:s4+s14], $0x80, s14, s14, $0xb8;
	[tilespmem:$0x1C800] =	vst v63  }
0x7b: {  	_ = 	snop  }
0x7c: {  	[spmem:s2] =	stream.indirect.scatter.add.f32 [tilespmem:s15], [sflag:$0x3], $0x80, s13, s14, $0xb8;
	[tilespmem:$0x1C800] =	vst v63  }
0x7d: {  	_ =	swait.ge [sflag:s10], $0x4000  }
0x7e: {  	[sflag:s10] =	ssyncset.done $0x0  }
0x7f: {  	[sflag:s10] =	ssyncadd.s32 $0xFFFFC000  }
0x80: {  	_ =	swait.ge [sflag:s18], $0x4000  }
0x81: {  	[sflag:s18] =	ssyncset.done $0x0  }
0x82: {  	[sflag:s18] =	ssyncadd.s32 $0xFFFFC000  }
0x83: {  	[tilespmem:s15], [sflag:$0x1] =	stream.indirect.gather [hbm4b:s4+s14], $0x80, s19, s14, $0xb8;
	[tilespmem:$0x1C800] =	vst v63  }
0x84: {  	_ = 	snop  }
0x85: {  	[spmem:s2] =	stream.indirect.scatter.add.f32 [tilespmem:s17], [sflag:$0x3], $0x80, s20, s14, $0xb8;
	[tilespmem:$0x1C800] =	vst v63  }
0x86: {  	_ =	swait.ge [sflag:s10], $0x4000  }
0x87: {  	[sflag:s10] =	ssyncset.done $0x0  }
0x88: {  	[sflag:s10] =	ssyncadd.s32 $0xFFFFC000  }
0x89: {  	_ =	swait.ge [sflag:s16], $0x4000  }
0x8a: {  	[sflag:s16] =	ssyncset.done $0x0  }
0x8b: {  	[sflag:s16] =	ssyncadd.s32 $0xFFFFC000  }
0x8c: {  	[tilespmem:s17], [sflag:$0x2] =	stream.indirect.gather [hbm4b:s4+s14], $0x80, s21, s14, $0xb8;
	[tilespmem:$0x1C800] =	vst v63  }
0x8d: {  	_ = 	snop  }
0x8e: {  	[spmem:s2] =	stream.indirect.scatter.add.f32 [tilespmem:s15], [sflag:$0x3], $0x80, s22, s14, $0xb8;
	[tilespmem:$0x1C800] =	vst v63  }
0x8f: {  	_ =	swait.ge [sflag:s10], $0x4000  }
0x90: {  	[sflag:s10] =	ssyncset.done $0x0  }
0x91: {  	[sflag:s10] =	ssyncadd.s32 $0xFFFFC000  }
0x92: {  	_ =	swait.ge [sflag:s18], $0x4000  }
0x93: {  	[sflag:s18] =	ssyncset.done $0x0  }
0x94: {  	[sflag:s18] =	ssyncadd.s32 $0xFFFFC000  }
0x95: {  	[tilespmem:s15], [sflag:$0x1] =	stream.indirect.gather [hbm4b:s4+s14], $0x80, s23, s14, $0xb8;
	[tilespmem:$0x1C800] =	vst v63  }
0x96: {  	_ = 	snop  }
0x97: {  	[spmem:s2] =	stream.indirect.scatter.add.f32 [tilespmem:s17], [sflag:$0x3], $0x80, s24, s14, $0xb8;
	[tilespmem:$0x1C800] =	vst v63  }
0x98: {  	_ =	swait.ge [sflag:s10], $0x4000  }
0x99: {  	[sflag:s10] =	ssyncset.done $0x0  }
0x9a: {  	[sflag:s10] =	ssyncadd.s32 $0xFFFFC000  }
0x9b: {  	_ =	swait.ge [sflag:s16], $0x4000  }
0x9c: {  	[sflag:s16] =	ssyncset.done $0x0  }
0x9d: {  	[sflag:s16] =	ssyncadd.s32 $0xFFFFC000  }
0x9e: {  	[tilespmem:s17], [sflag:$0x2] =	stream.indirect.gather [hbm4b:s4+s14], $0x80, s25, s14, $0xb8;
	[tilespmem:$0x1C800] =	vst v63  }
0x9f: {  	_ = 	snop  }
0xa0: {  	[spmem:s2] =	stream.indirect.scatter.add.f32 [tilespmem:s15], [sflag:$0x3], $0x80, s26, s14, $0xb8;
	[tilespmem:$0x1C800] =	vst v63  }
0xa1: {  	_ =	swait.ge [sflag:s10], $0x4000  }
0xa2: {  	[sflag:s10] =	ssyncset.done $0x0  }
0xa3: {  	[sflag:s10] =	ssyncadd.s32 $0xFFFFC000  }
0xa4: {  	_ =	swait.ge [sflag:s18], $0x4000  }
0xa5: {  	[sflag:s18] =	ssyncset.done $0x0  }
0xa6: {  	[sflag:s18] =	ssyncadd.s32 $0xFFFFC000  }
0xa7: {  	[tilespmem:s15], [sflag:$0x1] =	stream.indirect.gather [hbm4b:s4+s14], $0x80, s28, s14, $0xb8;
	[tilespmem:$0x1C800] =	vst v63  }
0xa8: {  	_ = 	snop  }
0xa9: {  	[spmem:s2] =	stream.indirect.scatter.add.f32 [tilespmem:s17], [sflag:$0x3], $0x80, s29, s14, $0xb8;
	[tilespmem:$0x1C800] =	vst v63  }
0xaa: {  	_ =	swait.ge [sflag:s10], $0x4000  }
0xab: {  	[sflag:s10] =	ssyncset.done $0x0  }
0xac: {  	[sflag:s10] =	ssyncadd.s32 $0xFFFFC000  }
0xad: {  	_ =	swait.ge [sflag:s16], $0x4000  }
0xae: {  	[sflag:s16] =	ssyncset.done $0x0  }
0xaf: {  	[sflag:s16] =	ssyncadd.s32 $0xFFFFC000  }
0xb0: {  	[tilespmem:s17], [sflag:$0x2] =	stream.indirect.gather [hbm4b:s4+s14], $0x80, s30, s14, $0xb8;
	[tilespmem:$0x1C800] =	vst v63  }
0xb1: {  	_ = 	snop  }
0xb2: {  	[spmem:s2] =	stream.indirect.scatter.add.f32 [tilespmem:s15], [sflag:$0x3], $0x80, s31, s14, $0xb8;
	[tilespmem:$0x1C800] =	vst v63  }
0xb3: {  	_ =	swait.ge [sflag:s10], $0x4000  }
0xb4: {  	[sflag:s10] =	ssyncset.done $0x0  }
0xb5: {  	[sflag:s10] =	ssyncadd.s32 $0xFFFFC000  }
0xb6: {  	_ =	swait.ge [sflag:s18], $0x4000  }
.Ltmp0:
0xb7: {  	[sflag:s18] =	ssyncset.done $0x0;
	(pc) =	sbr.rel @p0 .LBB2_2-.Ltmp0, $4  }
0xb8: {  	[sflag:s18] =	ssyncadd.s32 $0xFFFFC000  }
0xb9: {  	[spmem:s2] =	stream.indirect.scatter.add.f32 [tilespmem:s17], [sflag:$0x3], $0x80, s0, s14, $0xb8;
	[tilespmem:$0x1C800] =	vst v63  }
0xba: {  	_ =	swait.ge [sflag:s10], $0x4000  }
0xbb: {  	s7 =	smov.u32 s8;
	[sflag:s10] =	ssyncset.done $0x0  }
0xbc: {  	s6 =	sadd.s32 s5, s11;
	[sflag:s10] =	ssyncadd.s32 $0xFFFFC000  }
0xbd: {  	[tilespmem:s3], [sflag:$0x3] =	stream.linear.gather [hbm4b:s6+s3], $0x400, $0x38;
	[tilespmem:$0x1C800] =	vst v63  }
0xbe: {  	_ =	swait.ge [sflag:s10], $0x400  }
0xbf: {  	[sflag:s10] =	ssyncset.done $0x0  }
0xc0: {  	s7 =	sadd.s32 s5, s12;
	[sflag:s10] =	ssyncadd.s32 $0xFFFFFC00  }
0xc1: {  	[tilespmem:s13], [sflag:$0x3] =	stream.linear.gather [hbm4b:s7+s3], $0x400, $0x38;
	[tilespmem:$0x1C800] =	vst v63  }
0xc2: {  	_ =	swait.ge [sflag:s10], $0x400  }
0xc3: {  	[sflag:s10] =	ssyncset.done $0x0  }
0xc4: {  	[sflag:s10] =	ssyncadd.s32 $0xFFFFFC00  }
0xc5: {  	[tilespmem:s15], [sflag:$0x1] =	stream.indirect.gather [hbm4b:s4+s14], $0x80, s3, s14, $0xb8;
	[tilespmem:$0x1C800] =	vst v63  }
0xc6: {  	_ =	swait.ge [sflag:s16], $0x4000  }
0xc7: {  	[sflag:s16] =	ssyncset.done $0x0  }
0xc8: {  	[sflag:s16] =	ssyncadd.s32 $0xFFFFC000  }
0xc9: {  	[tilespmem:s17], [sflag:$0x2] =	stream.indirect.gather [hbm4b:s4+s14], $0x80, s14, s14, $0xb8;
	[tilespmem:$0x1C800] =	vst v63  }
0xca: {  	_ = 	snop  }
0xcb: {  	[spmem:s2] =	stream.indirect.scatter.add.f32 [tilespmem:s15], [sflag:$0x3], $0x80, s13, s14, $0xb8;
	[tilespmem:$0x1C800] =	vst v63  }
0xcc: {  	_ =	swait.ge [sflag:s10], $0x4000  }
0xcd: {  	[sflag:s10] =	ssyncset.done $0x0  }
0xce: {  	[sflag:s10] =	ssyncadd.s32 $0xFFFFC000  }
0xcf: {  	_ =	swait.ge [sflag:s18], $0x4000  }
0xd0: {  	[sflag:s18] =	ssyncset.done $0x0  }
0xd1: {  	[sflag:s18] =	ssyncadd.s32 $0xFFFFC000  }
0xd2: {  	[tilespmem:s15], [sflag:$0x1] =	stream.indirect.gather [hbm4b:s4+s14], $0x80, s19, s14, $0xb8;
	[tilespmem:$0x1C800] =	vst v63  }
0xd3: {  	_ = 	snop  }
0xd4: {  	[spmem:s2] =	stream.indirect.scatter.add.f32 [tilespmem:s17], [sflag:$0x3], $0x80, s20, s14, $0xb8;
	[tilespmem:$0x1C800] =	vst v63  }
0xd5: {  	_ =	swait.ge [sflag:s10], $0x4000  }
0xd6: {  	[sflag:s10] =	ssyncset.done $0x0  }
0xd7: {  	[sflag:s10] =	ssyncadd.s32 $0xFFFFC000  }
0xd8: {  	_ =	swait.ge [sflag:s16], $0x4000  }
0xd9: {  	[sflag:s16] =	ssyncset.done $0x0  }
0xda: {  	[sflag:s16] =	ssyncadd.s32 $0xFFFFC000  }
0xdb: {  	[tilespmem:s17], [sflag:$0x2] =	stream.indirect.gather [hbm4b:s4+s14], $0x80, s21, s14, $0xb8;
	[tilespmem:$0x1C800] =	vst v63  }
0xdc: {  	_ = 	snop  }
0xdd: {  	[spmem:s2] =	stream.indirect.scatter.add.f32 [tilespmem:s15], [sflag:$0x3], $0x80, s22, s14, $0xb8;
	[tilespmem:$0x1C800] =	vst v63  }
0xde: {  	_ =	swait.ge [sflag:s10], $0x4000  }
0xdf: {  	[sflag:s10] =	ssyncset.done $0x0  }
0xe0: {  	[sflag:s10] =	ssyncadd.s32 $0xFFFFC000  }
0xe1: {  	_ =	swait.ge [sflag:s18], $0x4000  }
0xe2: {  	[sflag:s18] =	ssyncset.done $0x0  }
0xe3: {  	[sflag:s18] =	ssyncadd.s32 $0xFFFFC000  }
0xe4: {  	[tilespmem:s15], [sflag:$0x1] =	stream.indirect.gather [hbm4b:s4+s14], $0x80, s23, s14, $0xb8;
	[tilespmem:$0x1C800] =	vst v63  }
0xe5: {  	_ = 	snop  }
0xe6: {  	[spmem:s2] =	stream.indirect.scatter.add.f32 [tilespmem:s17], [sflag:$0x3], $0x80, s24, s14, $0xb8;
	[tilespmem:$0x1C800] =	vst v63  }
0xe7: {  	_ =	swait.ge [sflag:s10], $0x4000  }
0xe8: {  	[sflag:s10] =	ssyncset.done $0x0  }
0xe9: {  	[sflag:s10] =	ssyncadd.s32 $0xFFFFC000  }
0xea: {  	_ =	swait.ge [sflag:s16], $0x4000  }
0xeb: {  	[sflag:s16] =	ssyncset.done $0x0  }
0xec: {  	[sflag:s16] =	ssyncadd.s32 $0xFFFFC000  }
0xed: {  	[tilespmem:s17], [sflag:$0x2] =	stream.indirect.gather [hbm4b:s4+s14], $0x80, s25, s14, $0xb8;
	[tilespmem:$0x1C800] =	vst v63  }
0xee: {  	_ = 	snop  }
0xef: {  	[spmem:s2] =	stream.indirect.scatter.add.f32 [tilespmem:s15], [sflag:$0x3], $0x80, s26, s14, $0xb8;
	[tilespmem:$0x1C800] =	vst v63  }
0xf0: {  	_ =	swait.ge [sflag:s10], $0x4000  }
0xf1: {  	[sflag:s10] =	ssyncset.done $0x0  }
0xf2: {  	[sflag:s10] =	ssyncadd.s32 $0xFFFFC000  }
0xf3: {  	_ =	swait.ge [sflag:s18], $0x4000  }
0xf4: {  	[sflag:s18] =	ssyncset.done $0x0  }
0xf5: {  	[sflag:s18] =	ssyncadd.s32 $0xFFFFC000  }
0xf6: {  	[tilespmem:s15], [sflag:$0x1] =	stream.indirect.gather [hbm4b:s4+s14], $0x80, s28, s14, $0xb8;
	[tilespmem:$0x1C800] =	vst v63  }
0xf7: {  	_ = 	snop  }
0xf8: {  	[spmem:s2] =	stream.indirect.scatter.add.f32 [tilespmem:s17], [sflag:$0x3], $0x80, s29, s14, $0xb8;
	[tilespmem:$0x1C800] =	vst v63  }
0xf9: {  	_ =	swait.ge [sflag:s10], $0x4000  }
0xfa: {  	[sflag:s10] =	ssyncset.done $0x0  }
0xfb: {  	[sflag:s10] =	ssyncadd.s32 $0xFFFFC000  }
0xfc: {  	_ =	swait.ge [sflag:s16], $0x4000  }
0xfd: {  	[sflag:s16] =	ssyncset.done $0x0  }
0xfe: {  	[sflag:s16] =	ssyncadd.s32 $0xFFFFC000  }
0xff: {  	[tilespmem:s17], [sflag:$0x2] =	stream.indirect.gather [hbm4b:s4+s14], $0x80, s30, s14, $0xb8;
	[tilespmem:$0x1C800] =	vst v63  }
0x100: {  	_ = 	snop  }
0x101: {  	[spmem:s2] =	stream.indirect.scatter.add.f32 [tilespmem:s15], [sflag:$0x3], $0x80, s31, s14, $0xb8;
	[tilespmem:$0x1C800] =	vst v63  }
0x102: {  	_ =	swait.ge [sflag:s10], $0x4000  }
0x103: {  	[sflag:s10] =	ssyncset.done $0x0  }
0x104: {  	[sflag:s10] =	ssyncadd.s32 $0xFFFFC000  }
0x105: {  	_ =	swait.ge [sflag:s18], $0x4000  }
0x106: {  	[sflag:s18] =	ssyncset.done $0x0  }
0x107: {  	[sflag:s18] =	ssyncadd.s32 $0xFFFFC000  }
0x108: {  	[spmem:s2] =	stream.indirect.scatter.add.f32 [tilespmem:s17], [sflag:$0x3], $0x80, s0, s14, $0xb8;
	[tilespmem:$0x1C800] =	vst v63  }
0x109: {  	_ =	swait.ge [sflag:s10], $0x4000  }
0x10a: {  	[sflag:s10] =	ssyncset.done $0x0  }
0x10b: {  	[sflag:s10] =	ssyncadd.s32 $0xFFFFC000  }
0x10c: {  	[bflag:$0x0] =	sbarrier.arrive $0xFFFF  }
0x10d: {  	s6 =	rddreg [dreg:$0x6]  }
0x10e: {  	s8 =	rddreg [dreg:$0x7]  }
0x10f: {  	s7 =	rddreg [dreg:$0x9]  }
0x110: {  	[hbm:s8], [sflag:s6] =	dma.local [spmem:s7], $0x2800  }
0x111: {  	_ =	swait.ge [sflag:s10], $0x2800  }
0x112: {  	s1 =	sadd.s32 $0x1, s1;
	s9 =	rddreg [dreg:$0x8]  }
0x113: {  	p0 =	sne.s32 s1, s9  }
.Ltmp1:
0x114: {  	_ = 	snop;
	(pc) =	sbr.rel @p0 .LBB2_1-.Ltmp1, $3  }
0x115: {  	_ =	sdelay $0x1  }
0x116: {  	[sflag:s10] =	ssyncset.done $0x0  }
0x117: {  	[sflag:s10] =	ssyncadd.s32 $0xFFFFD800  }
0x118: {  	_ =	sfence.sel $0x180000  }
0x119: {  	[bflag:$0x0] =	sbarrier.arrive $0xFFFF  }
0x11a: {  	_ =	strace $0x9000004A  }
0x11b: {  	s0 =	stileid.u32;
	[bflag:$0x2] =	sbarrier.arrive $0xFFFF  }
0x11c: {  	p0 =	sne.s32 s0, $0x0;
	s0 =	rddreg [dreg:$0x4]  }
0x11d: {  	s0 =	sadd.s32 @!p0 $0x100000, s0  }
0x11e: {  	[sflag:s0] =	ssyncadd.tile.s32 @!p0 $0x1;
	_ =	shalt  }
.Lfunc_end2:
_tile_overlayer_lowered:
.L_overlay_start_2:
0x11f: {  	(tag) =	ssettag $0x2  }
0x120: {  	s0 =	rddreg [dreg:$0x0];
	s2 =	stileid.u32  }
0x121: {  	s1 =	rddreg [dreg:$0x1];
	p0 =	sne.s32 s2, $0x0  }
0x122: {  	s3 =	rddreg [dreg:$0x2];
	[bflag:$0x3] =	sbarrier.arrive $0xFFFF;
	s2 =	simm.s32 @!p0 $0x1C03  }
0x123: {  	[timem:s3], [sflag:s2] =	dma.local @!p0 [hbm:s0], s1  }
0x124: {  	s0 =	simm.s32 @!p0 $0x3  }
0x125: {  	_ =	swait.ge @!p0 [sflag:s0], s1  }
0x126: {  	s1 =	ssub.s32 @!p0 $0x0, s1;
	[sflag:s0] =	ssyncset.done @!p0 $0x0  }
0x127: {  	[sflag:s0] =	ssyncadd.s32 @!p0 s1  }
0x128: {  	[bflag:$0x3] =	sbarrier.arrive $0xFFFF  }
0x129: {  	_ =	shalt  }

// kernel: sc_segsum_12.7.cloned.1.call-start
scs
__scs_entry_jumppad:
0x0: {  	(pc) =	sbr.rel $0x88, $3  }
0x1: {  	(tag) =	ssettag $0x0;
	lr =	simm.s32 $0x1  }
0x2: {  	[smem:$0x3F96] =	sst lr;
	_ =	strace $0xD0000000  }
0x3: {  	_ = 	snop  }
0x4: {  	_ = 	snop  }
0x5: {  	_ = 	snop  }
0x6: {  	_ = 	snop  }
0x7: {  	_ = 	snop  }
__scs_overlays_trampoline_lowered:
0x8: {  	[smem:$0x3FA5] =	sst s0  }
0x9: {  	[smem:$0x3FA6] =	sst s1  }
0xa: {  	[smem:$0x3FA7] =	sst s2  }
0xb: {  	[smem:$0x3FA8] =	sst s3  }
0xc: {  	[smem:$0x3FA9] =	sst s4  }
0xd: {  	[smem:$0x3FAA] =	sst s5  }
0xe: {  	[smem:$0x3FAB] =	sst s6  }
0xf: {  	[smem:$0x3FAC] =	sst s7  }
0x10: {  	[smem:$0x3FAD] =	sst s8  }
0x11: {  	[smem:$0x3FAE] =	sst s9;
	s0 =	simm.s32 @!p0 $0x0  }
0x12: {  	s1 =	sld [smem:$0x3F94];
	s0 =	simm.s32 @p0 $0x1  }
0x13: {  	[smem:$0x3FAF] =	sst s0;
	s0 =	simm.s32 @!p1 $0x0  }
0x14: {  	s2 =	sld [smem:$0x3F93];
	s0 =	simm.s32 @p1 $0x1  }
0x15: {  	[smem:$0x3FB0] =	sst s0;
	s0 =	simm.s32 @!p2 $0x0  }
0x16: {  	s3 =	sld [smem:$0x3FDB];
	s0 =	simm.s32 @p2 $0x1  }
0x17: {  	s4 =	simm.s32 $0x1BF5;
	[smem:$0x3FB2] =	sst s0  }
0x18: {  	s0 =	sld [smem:$0x3F95];
	_ =	swait.ge [sflag:s4], $0x0  }
0x19: {  	s7 =	sld [smem:$0x3F96]  }
0x1a: {  	s8 =	sadd.s32 $0xFFFFE003, lr  }
0x1b: {  	s9 =	sadd.s32 $0xFFFFFEF7, lr;
	s5 =	simm.s32 $0xFFFFFFFF;
	p2 =	slt.u32 s8, $0xFFFFF086  }
0x1c: {  	p1 =	slt.u32 s9, $0xF7A;
	s5 =	simm.s32 @!p2 $0x0  }
0x1d: {  	s5 =	simm.s32 @p1 $0x1;
	p0 =	seq.s32 s7, s2  }
0x1e: {  	s7 =	smul.u32 @!p0 $0xF7A, s2;
	p2 =	seq.s32 @!p0 s5, $0x0  }
0x1f: {  	s9 =	smul.u32 $0xF7A, s1;
	s8 =	simm.s32 @!p0 $0x1BF5;
	p2 =	por !p2, p0  }
0x20: {  	[sflag:s8] =	ssyncset.s32 @!p0 $0xFFFFF086;
	s6 =	sadd.s32 @!p0 s3, s7;
	s7 =	simm.s32 @!p0 $0x108  }
0x21: {  	s3 =	sadd.s32 s3, s9;
	s6 =	sadd.s32 @!p0 $0x88, s6;
	s7 =	simm.s32 @p2 $0x1082  }
0x22: {  	[simem:s7], [sflag:s8] =	dma.local @!p0 [hbm:s6], $0xF7A  }
0x23: {  	s9 =	sor.u32 $0xD0000000, s2;
	s6 =	simm.s32 $0x108;
	_ =	swait.ge @!p0 [sflag:s8], $0x0  }
0x24: {  	s3 =	sadd.s32 $0x88, s3;
	s6 =	simm.s32 @!p1 $0x1082;
	[sflag:s4] =	ssyncset.s32 $0xFFFFF086  }
0x25: {  	[simem:s6], [sflag:s4] =	dma.local [hbm:s3], $0xF7A  }
0x26: {  	[smem:$0x3F96] =	sst s1;
	(tag) =	ssettag s2;
	_ =	strace s9  }
0x27: {  	s1 =	sld [smem:$0x3FA6]  }
0x28: {  	s2 =	sld [smem:$0x3FA7]  }
0x29: {  	s4 =	sld [smem:$0x3FA9]  }
0x2a: {  	p0 =	seq.s32 s5, $0x0;
	s5 =	sld [smem:$0x3FAA]  }
0x2b: {  	s6 =	sld [smem:$0x3FAB]  }
0x2c: {  	s7 =	sld [smem:$0x3FAC]  }
0x2d: {  	s3 =	simm.s32 $0x108;
	s8 =	sld [smem:$0x3FAD]  }
0x2e: {  	s3 =	simm.s32 @!p0 $0x1082;
	s9 =	sld [smem:$0x3FAE]  }
0x2f: {  	lr =	sadd.s32 s0, s3;
	s0 =	sld [smem:$0x3FA5]  }
0x30: {  	s3 =	sld [smem:$0x3FA8]  }
0x31: {  	[smem:$0x3FB1] =	sst s10  }
0x32: {  	s10 =	sld [smem:$0x3FAF];
	_ =	sdelay $0x3  }
0x33: {  	p0 =	seq.s32 s10, $0x1;
	s10 =	sld [smem:$0x3FB1];
	_ =	sdelay $0x3  }
0x34: {  	[smem:$0x3FB1] =	sst s10  }
0x35: {  	s10 =	sld [smem:$0x3FB0];
	_ =	sdelay $0x3  }
0x36: {  	p1 =	seq.s32 s10, $0x1;
	s10 =	sld [smem:$0x3FB1];
	_ =	sdelay $0x3  }
0x37: {  	[smem:$0x3FB1] =	sst s10  }
0x38: {  	s10 =	sld [smem:$0x3FB2]  }
0x39: {  	_ = 	snop;
	(pc) =	sbr.ind lr, $3  }
0x3a: {  	_ = 	snop  }
0x3b: {  	_ = 	snop  }
0x3c: {  	p2 =	seq.s32 s10, $0x1;
	s10 =	sld [smem:$0x3FB1]  }
0x3d: {  	_ =	shalt  }
0x3e: {  	_ =	shalt  }
0x3f: {  	_ =	shalt  }
0x40: {  	_ =	shalt  }
0x41: {  	_ =	shalt  }
0x42: {  	_ =	shalt  }
0x43: {  	_ =	shalt  }
0x44: {  	_ =	shalt  }
0x45: {  	_ =	shalt  }
0x46: {  	_ =	shalt  }
0x47: {  	_ =	shalt  }
0x48: {  	_ =	shalt  }
0x49: {  	_ =	shalt  }
0x4a: {  	_ =	shalt  }
0x4b: {  	_ =	shalt  }
0x4c: {  	_ =	shalt  }
0x4d: {  	_ =	shalt  }
0x4e: {  	_ =	shalt  }
0x4f: {  	_ =	shalt  }
0x50: {  	_ =	shalt  }
0x51: {  	_ =	shalt  }
0x52: {  	_ =	shalt  }
0x53: {  	_ =	shalt  }
0x54: {  	_ =	shalt  }
0x55: {  	_ =	shalt  }
0x56: {  	_ =	shalt  }
0x57: {  	_ =	shalt  }
0x58: {  	_ =	shalt  }
0x59: {  	_ =	shalt  }
0x5a: {  	_ =	shalt  }
0x5b: {  	_ =	shalt  }
0x5c: {  	_ =	shalt  }
0x5d: {  	_ =	shalt  }
0x5e: {  	_ =	shalt  }
0x5f: {  	_ =	shalt  }
0x60: {  	_ =	shalt  }
0x61: {  	_ =	shalt  }
0x62: {  	_ =	shalt  }
0x63: {  	_ =	shalt  }
0x64: {  	_ =	shalt  }
0x65: {  	_ =	shalt  }
0x66: {  	_ =	shalt  }
0x67: {  	_ =	shalt  }
0x68: {  	_ =	shalt  }
0x69: {  	_ =	shalt  }
0x6a: {  	_ =	shalt  }
0x6b: {  	_ =	shalt  }
0x6c: {  	_ =	shalt  }
0x6d: {  	_ =	shalt  }
0x6e: {  	_ =	shalt  }
0x6f: {  	_ =	shalt  }
0x70: {  	_ =	shalt  }
0x71: {  	_ =	shalt  }
0x72: {  	_ =	shalt  }
0x73: {  	_ =	shalt  }
0x74: {  	_ =	shalt  }
0x75: {  	_ =	shalt  }
0x76: {  	_ =	shalt  }
0x77: {  	_ =	shalt  }
0x78: {  	_ =	shalt  }
0x79: {  	_ =	shalt  }
0x7a: {  	_ =	shalt  }
0x7b: {  	_ =	shalt  }
0x7c: {  	_ =	shalt  }
0x7d: {  	_ =	shalt  }
0x7e: {  	_ =	shalt  }
0x7f: {  	_ =	shalt  }
0x80: {  	_ =	shalt  }
0x81: {  	_ =	shalt  }
0x82: {  	_ =	shalt  }
0x83: {  	_ =	shalt  }
0x84: {  	_ =	shalt  }
0x85: {  	_ =	shalt  }
0x86: {  	_ =	shalt  }
0x87: {  	_ =	shalt  }
.Lfunc_end0:
.L_simem_size_0:
called_computation.2_lowered:
.L_overlay_start_0:
0x88: {  	s2 =	sld [smem:$0x3FD9]  }
0x89: {  	s3 =	sld [smem:$0x3FFE];
	_ =	sdelay $0x1  }
0x8a: {  	s1 =	srdreg.scid  }
0x8b: {  	s0 =	sand.u32 $0x1, s1  }
0x8c: {  	s14 =	sshll.u32 s0, $0xA;
	s2 =	sadd.s32 s3, s2  }
0x8d: {  	s2 =	sadd.s32 s2, s14  }
0x8e: {  	[smem:$0x3FBD] =	sst s2  }
0x8f: {  	_ = 	snop  }
0x90: {  	s2 =	sld [smem:$0x3FD0];
	_ =	sdelay $0x2  }
0x91: {  	s15 =	simm.s32 $0xA;
	s4 =	simm.s32 $0x10  }
0x92: {  	[smem:s4], [sflag:s15] =	dma.local [hbm:s2], $0x1  }
0x93: {  	_ =	swait.eq [sflag:s15], $0x1  }
0x94: {  	[sflag:s15] =	ssyncset.done $0x0  }
0x95: {  	s16 =	sld [smem:$0x10];
	[sflag:s15] =	ssyncadd.s32 $0xFFFFFFFF  }
0x96: {  	s17 =	sld [smem:$0x11];
	(tm) =	ssettm $0x1  }
0x97: {  	s18 =	sld [smem:$0x3FFB];
	_ =	sdelay $0x3  }
0x98: {  	_ =	strace s18  }
0x99: {  	s4 =	sld [smem:$0x3FFC];
	_ =	sdelay $0x3  }
0x9a: {  	_ =	strace s4  }
0x9b: {  	s4 =	sld [smem:$0x3FFD];
	_ =	sdelay $0x3  }
0x9c: {  	_ =	strace s4  }
0x9d: {  	_ =	strace $0x8FFFFFFF  }
0x9e: {  	s19 =	sld [smem:$0x3FDB];
	_ =	sdelay $0x1  }
0x9f: {  	s5 =	simm.s32 $_scs_section_size  }
0xa0: {  	s6 =	simm.s32 $_size__tile_overlayer_lowered;
	s7 =	simm.s32 $_tile_overlayer_lowered  }
0xa1: {  	s22 =	simm.s32 $0x1BFF;
	s21 =	sshll.u32 s7, $0x1;
	s4 =	sadd.s32 s5, s19  }
0xa2: {  	s8 =	simm.s32 $0x0;
	s20 =	sshll.u32 s6, $0x1;
	s6 =	sadd.s32 s21, s4  }
0xa3: {  	[timem:s8], [sflag:s22] =	dma.local [hbm:s6], s20  }
0xa4: {  	_ =	swait.ge [sflag:s22], s20  }
0xa5: {  	s5 =	ssub.s32 $0x0, s20;
	[sflag:s22] =	ssyncset.done $0x0  }
0xa6: {  	[sflag:s22] =	ssyncadd.s32 s5;
	_ =	sdelay $0x1  }
0xa7: {  	s23 =	simm.s32 $0x1B8B  }
0xa8: {  	_ =	swait.ge [sflag:s23], $0x1  }
0xa9: {  	[sflag:s23] =	ssyncset.done $0x0  }
0xaa: {  	s25 =	simm.s32 $0x1B8E;
	s24 =	sld [smem:$0x3FFE];
	[sflag:s23] =	ssyncadd.s32 $0xFFFFFFFF  }
0xab: {  	s26 =	simm.s32 $execute0_lowered;
	[smem:$0x3FD2] =	sst s25  }
0xac: {  	s6 =	sshll.u32 s26, $0x1;
	_ =	strace $0x8000004C;
	[dreg:$0x1] =	wrdreg $0xFFFFFFFF  }
0xad: {  	s28 =	simm.s32 $_size_execute0_lowered;
	s4 =	sadd.s32 s4, s6;
	[dreg:$0x0] =	wrdreg $0x0  }
0xae: {  	s6 =	sshll.u32 s28, $0x1;
	[dreg:$0x2] =	wrdreg s4  }
0xaf: {  	[dreg:$0x3] =	wrdreg s6  }
0xb0: {  	[dreg:$0x4] =	wrdreg $0xC0  }
0xb1: {  	_ =	task [dreg:s8], $0x5FFFF  }
0xb2: {  	[dreg:$0x1] =	wrdreg $0xFFFFFFFF  }
0xb3: {  	[dreg:$0x0] =	wrdreg $0x60  }
0xb4: {  	[dreg:$0x2] =	wrdreg s17  }
0xb5: {  	[dreg:$0x3] =	wrdreg s16  }
0xb6: {  	[dreg:$0x4] =	wrdreg s24  }
0xb7: {  	[dreg:$0x5] =	wrdreg $0x88000  }
0xb8: {  	[dreg:$0x6] =	wrdreg $0x9  }
0xb9: {  	_ =	task.clear_ibuf [dreg:s8], $0x7FFFF;
	_ =	strace $0x9000004C  }
0xba: {  	s29 =	simm.s32 $0x9;
	_ =	strace $0x8000004E  }
0xbb: {  	_ =	swait.ge [sflag:s29], $0x1  }
0xbc: {  	[sflag:s29] =	ssyncadd.s32 $0xFFFFFFFF  }
0xbd: {  	_ =	strace $0x9000004E  }
0xbe: {  	_ =	sfence  }
0xbf: {  	s30 =	sld [smem:$0x0];
	_ =	sdelay $0x2  }
0xc0: {  	s31 =	sshll.u32 s1, $0xD;
	s1 =	sshrl.u32 s1, $0x2  }
0xc1: {  	s3 =	sand.u32 $0x4000, s31;
	s1 =	sadd.s32 s1, s30  }
0xc2: {  	s0 =	sor.u32 s3, s0;
	s1 =	sshll.u32 s1, $0x11  }
0xc3: {  	s0 =	sor.u32 s1, s0  }
0xc4: {  	s0 =	sadd.s32 $0x8F2B, s0  }
0xc5: {  	[sflag:s0] =	ssyncadd.remote.s32 $0x1  }
0xc6: {  	_ =	sfence.sel $0xFFFF  }
0xc7: {  	[dreg:$0x0] =	wrdreg $0xFFFFFFFF;
	(pc) =	sbr.abs _section_cstart, $3  }
0xc8: {  	[dreg:$0x1] =	wrdreg $0xFFFFFFFF  }
0xc9: {  	_ =	task.clear_ibuf [dreg:s8], $0x2FFFF;
	_ =	strace $0x9FFFFFFF  }
0xca: {  	(tm) =	ssettm $0x7FFFFFFF  }
0xcb: {  	_ =	shalt  }
tec
execute0_lowered:
.L_overlay_start_1:
0x0: {  	(tag) =	ssettag $0x1  }
0x1: {  	s0 =	rddreg [dreg:$0x0]  }
0x2: {  	s1 =	rddreg [dreg:$0x1]  }
0x3: {  	s5 =	rddreg [dreg:$0x2]  }
0x4: {  	s2 =	rddreg [dreg:$0x3]  }
0x5: {  	s11 =	stileid.u32;
	s4 =	srdreg.scid  }
0x6: {  	s3 =	simm.s32 $0x0;
	s13 =	simm.s32 $0x400;
	s14 =	simm.s32 $0x80  }
0x7: {  	s15 =	simm.s32 $0x800;
	s16 =	simm.s32 $0x1;
	s17 =	simm.s32 $0x4800  }
0x8: {  	s18 =	simm.s32 $0x2;
	s19 =	simm.s32 $0x100;
	s20 =	simm.s32 $0x480  }
0x9: {  	s21 =	simm.s32 $0x180;
	s22 =	simm.s32 $0x500;
	s28 =	simm.s32 $0x300  }
0xa: {  	s29 =	simm.s32 $0x680;
	s30 =	simm.s32 $0x380;
	s6 =	smul.u32 $0x2800, s11  }
0xb: {  	s31 =	simm.s32 $0x700;
	s7 =	sand.u32 $0x1, s4;
	s10 =	smul.u32 $0x50000, s11  }
0xc: {  	[smem:$0x7FF] =	sst s3;
	s4 =	sadd.s32 $0x40400, s5;
	s12 =	smul.u32 $0xA00, s11  }
0xd: {  	s25 =	sshll.u32 s11, $0x6;
	s8 =	smul.u32 $0x28000, s7;
	s9 =	ssub.s32 $0x2, s7  }
0xe: {  	_ =	strace $0x8000004D;
	s7 =	smul.u32 $0xA000, s7;
	s23 =	sshrl.u32 s9, $0x1  }
0xf: {  	s24 =	sshrl.u32 s10, $0x2;
	s10 =	simm.s32 $0x3;
	s8 =	sadd.s32 s6, s8  }
0x10: {  	s6 =	sadd.s32 s6, s5;
	s0 =	sadd.s32 s0, s7;
	s1 =	sadd.s32 s1, s7  }
0x11: {  	s5 =	sadd.s32 s8, s5;
	s8 =	ssub.s32 s9, s23;
	s9 =	sadd.s32 s24, s2  }
0x12: {  	s6 =	sadd.s32 $0x18400, s6;
	s11 =	sadd.s32 s0, s12;
	s12 =	sadd.s32 s1, s12  }
0x13: {  	s23 =	simm.s32 $0x200;
	[dreg:$0x5] =	wrdreg s6;
	s5 =	sadd.s32 $0x8E600, s5  }
0x14: {  	s24 =	simm.s32 $0x580;
	s26 =	smax.u32 s8, $0x1;
	[dreg:$0x7] =	wrdreg s5  }
0x15: {  	s0 =	simm.s32 $0x780;
	s6 =	sor.u32 $0x1C03, s25;
	[dreg:$0x8] =	wrdreg s26  }
0x16: {  	s1 =	simm.s32 $0x0;
	s7 =	sshrl.u32 s9, $0x3;
	[dreg:$0x6] =	wrdreg s6  }
0x17: {  	s25 =	simm.s32 $0x280;
	s26 =	simm.s32 $0x600;
	[dreg:$0x9] =	wrdreg s7  }
.LBB2_1:
0x18: {  	s5 =	rddreg [dreg:$0x5]  }
0x19: {  	[spmem:s7], [sflag:s6] =	dma.local [hbm:s5], $0x2800  }
0x1a: {  	_ =	swait.ge [sflag:s10], $0x2800  }
0x1b: {  	[sflag:s10] =	ssyncset.done $0x0  }
0x1c: {  	[sflag:s10] =	ssyncadd.s32 $0xFFFFD800  }
0x1d: {  	s8 =	sadd.s32 $0x0, s11;
	[bflag:$0x0] =	sbarrier.arrive $0xFFFF  }
0x1e: {  	[tilespmem:s3], [sflag:$0x3] =	stream.linear.gather [hbm4b:s8+s3], $0x400, $0x38;
	[tilespmem:$0x1C800] =	vst v63  }
0x1f: {  	_ =	swait.ge [sflag:s10], $0x400  }
0x20: {  	[sflag:s10] =	ssyncset.done $0x0  }
0x21: {  	s9 =	sadd.s32 $0x0, s12;
	[sflag:s10] =	ssyncadd.s32 $0xFFFFFC00  }
0x22: {  	[tilespmem:s13], [sflag:$0x3] =	stream.linear.gather [hbm4b:s9+s3], $0x400, $0x38;
	[tilespmem:$0x1C800] =	vst v63  }
0x23: {  	_ =	swait.ge [sflag:s10], $0x400  }
0x24: {  	[sflag:s10] =	ssyncset.done $0x0  }
0x25: {  	[sflag:s10] =	ssyncadd.s32 $0xFFFFFC00  }
0x26: {  	[tilespmem:s15], [sflag:$0x1] =	stream.indirect.gather [hbm4b:s4+s14], $0x80, s3, s14, $0xb8;
	[tilespmem:$0x1C800] =	vst v63  }
0x27: {  	_ =	swait.ge [sflag:s16], $0x4000  }
0x28: {  	[sflag:s16] =	ssyncset.done $0x0  }
0x29: {  	[sflag:s16] =	ssyncadd.s32 $0xFFFFC000  }
0x2a: {  	[tilespmem:s17], [sflag:$0x2] =	stream.indirect.gather [hbm4b:s4+s14], $0x80, s14, s14, $0xb8;
	[tilespmem:$0x1C800] =	vst v63  }
0x2b: {  	_ = 	snop  }
0x2c: {  	[spmem:s2] =	stream.indirect.scatter.add.f32 [tilespmem:s15], [sflag:$0x3], $0x80, s13, s14, $0xb8;
	[tilespmem:$0x1C800] =	vst v63  }
0x2d: {  	_ =	swait.ge [sflag:s10], $0x4000  }
0x2e: {  	[sflag:s10] =	ssyncset.done $0x0  }
0x2f: {  	[sflag:s10] =	ssyncadd.s32 $0xFFFFC000  }
0x30: {  	_ =	swait.ge [sflag:s18], $0x4000  }
0x31: {  	[sflag:s18] =	ssyncset.done $0x0  }
0x32: {  	[sflag:s18] =	ssyncadd.s32 $0xFFFFC000  }
0x33: {  	[tilespmem:s15], [sflag:$0x1] =	stream.indirect.gather [hbm4b:s4+s14], $0x80, s19, s14, $0xb8;
	[tilespmem:$0x1C800] =	vst v63  }
0x34: {  	_ = 	snop  }
0x35: {  	[spmem:s2] =	stream.indirect.scatter.add.f32 [tilespmem:s17], [sflag:$0x3], $0x80, s20, s14, $0xb8;
	[tilespmem:$0x1C800] =	vst v63  }
0x36: {  	_ =	swait.ge [sflag:s10], $0x4000  }
0x37: {  	[sflag:s10] =	ssyncset.done $0x0  }
0x38: {  	[sflag:s10] =	ssyncadd.s32 $0xFFFFC000  }
0x39: {  	_ =	swait.ge [sflag:s16], $0x4000  }
0x3a: {  	[sflag:s16] =	ssyncset.done $0x0  }
0x3b: {  	[sflag:s16] =	ssyncadd.s32 $0xFFFFC000  }
0x3c: {  	[tilespmem:s17], [sflag:$0x2] =	stream.indirect.gather [hbm4b:s4+s14], $0x80, s21, s14, $0xb8;
	[tilespmem:$0x1C800] =	vst v63  }
0x3d: {  	_ = 	snop  }
0x3e: {  	[spmem:s2] =	stream.indirect.scatter.add.f32 [tilespmem:s15], [sflag:$0x3], $0x80, s22, s14, $0xb8;
	[tilespmem:$0x1C800] =	vst v63  }
0x3f: {  	_ =	swait.ge [sflag:s10], $0x4000  }
0x40: {  	[sflag:s10] =	ssyncset.done $0x0  }
0x41: {  	[sflag:s10] =	ssyncadd.s32 $0xFFFFC000  }
0x42: {  	_ =	swait.ge [sflag:s18], $0x4000  }
0x43: {  	[sflag:s18] =	ssyncset.done $0x0  }
0x44: {  	[sflag:s18] =	ssyncadd.s32 $0xFFFFC000  }
0x45: {  	[tilespmem:s15], [sflag:$0x1] =	stream.indirect.gather [hbm4b:s4+s14], $0x80, s23, s14, $0xb8;
	[tilespmem:$0x1C800] =	vst v63  }
0x46: {  	_ = 	snop  }
0x47: {  	[spmem:s2] =	stream.indirect.scatter.add.f32 [tilespmem:s17], [sflag:$0x3], $0x80, s24, s14, $0xb8;
	[tilespmem:$0x1C800] =	vst v63  }
0x48: {  	_ =	swait.ge [sflag:s10], $0x4000  }
0x49: {  	[sflag:s10] =	ssyncset.done $0x0  }
0x4a: {  	[sflag:s10] =	ssyncadd.s32 $0xFFFFC000  }
0x4b: {  	_ =	swait.ge [sflag:s16], $0x4000  }
0x4c: {  	[sflag:s16] =	ssyncset.done $0x0  }
0x4d: {  	[sflag:s16] =	ssyncadd.s32 $0xFFFFC000  }
0x4e: {  	[tilespmem:s17], [sflag:$0x2] =	stream.indirect.gather [hbm4b:s4+s14], $0x80, s25, s14, $0xb8;
	[tilespmem:$0x1C800] =	vst v63  }
0x4f: {  	_ = 	snop  }
0x50: {  	[spmem:s2] =	stream.indirect.scatter.add.f32 [tilespmem:s15], [sflag:$0x3], $0x80, s26, s14, $0xb8;
	[tilespmem:$0x1C800] =	vst v63  }
0x51: {  	_ =	swait.ge [sflag:s10], $0x4000  }
0x52: {  	[sflag:s10] =	ssyncset.done $0x0  }
0x53: {  	[sflag:s10] =	ssyncadd.s32 $0xFFFFC000  }
0x54: {  	_ =	swait.ge [sflag:s18], $0x4000  }
0x55: {  	[sflag:s18] =	ssyncset.done $0x0  }
0x56: {  	[sflag:s18] =	ssyncadd.s32 $0xFFFFC000  }
0x57: {  	[tilespmem:s15], [sflag:$0x1] =	stream.indirect.gather [hbm4b:s4+s14], $0x80, s28, s14, $0xb8;
	[tilespmem:$0x1C800] =	vst v63  }
0x58: {  	_ = 	snop  }
0x59: {  	[spmem:s2] =	stream.indirect.scatter.add.f32 [tilespmem:s17], [sflag:$0x3], $0x80, s29, s14, $0xb8;
	[tilespmem:$0x1C800] =	vst v63  }
0x5a: {  	_ =	swait.ge [sflag:s10], $0x4000  }
0x5b: {  	[sflag:s10] =	ssyncset.done $0x0  }
0x5c: {  	[sflag:s10] =	ssyncadd.s32 $0xFFFFC000  }
0x5d: {  	_ =	swait.ge [sflag:s16], $0x4000  }
0x5e: {  	[sflag:s16] =	ssyncset.done $0x0  }
0x5f: {  	[sflag:s16] =	ssyncadd.s32 $0xFFFFC000  }
0x60: {  	[tilespmem:s17], [sflag:$0x2] =	stream.indirect.gather [hbm4b:s4+s14], $0x80, s30, s14, $0xb8;
	[tilespmem:$0x1C800] =	vst v63  }
0x61: {  	_ = 	snop  }
0x62: {  	[spmem:s2] =	stream.indirect.scatter.add.f32 [tilespmem:s15], [sflag:$0x3], $0x80, s31, s14, $0xb8;
	[tilespmem:$0x1C800] =	vst v63  }
0x63: {  	_ =	swait.ge [sflag:s10], $0x4000  }
0x64: {  	[sflag:s10] =	ssyncset.done $0x0  }
0x65: {  	[sflag:s10] =	ssyncadd.s32 $0xFFFFC000  }
0x66: {  	_ =	swait.ge [sflag:s18], $0x4000  }
0x67: {  	[sflag:s18] =	ssyncset.done $0x0  }
0x68: {  	[sflag:s18] =	ssyncadd.s32 $0xFFFFC000  }
0x69: {  	[spmem:s2] =	stream.indirect.scatter.add.f32 [tilespmem:s17], [sflag:$0x3], $0x80, s0, s14, $0xb8;
	[tilespmem:$0x1C800] =	vst v63  }
0x6a: {  	_ =	swait.ge [sflag:s10], $0x4000  }
0x6b: {  	s5 =	simm.s32 $0x80;
	s7 =	simm.s32 $0x100;
	[sflag:s10] =	ssyncset.done $0x0  }
.LBB2_2:
0x6c: {  	s6 =	sadd.s32 s5, s11  }
0x6d: {  	[sflag:s10] =	ssyncadd.s32 $0xFFFFC000;
	s9 =	smov.u32 s7;
	s8 =	sadd.s32 $0x80, s7  }
0x6e: {  	[tilespmem:s3], [sflag:$0x3] =	stream.linear.gather [hbm4b:s6+s3], $0x400, $0x38;
	[tilespmem:$0x1C800] =	vst v63  }
0x6f: {  	p0 =	sne.s32 s7, $0x980;
	_ =	swait.ge [sflag:s10], $0x400  }
0x70: {  	[sflag:s10] =	ssyncset.done $0x0  }
0x71: {  	s6 =	sadd.s32 s5, s12;
	s5 =	smov.u32 s9;
	[sflag:s10] =	ssyncadd.s32 $0xFFFFFC00  }
0x72: {  	[tilespmem:s13], [sflag:$0x3] =	stream.linear.gather [hbm4b:s6+s3], $0x400, $0x38;
	[tilespmem:$0x1C800] =	vst v63  }
0x73: {  	_ =	swait.ge [sflag:s10], $0x400  }
0x74: {  	[sflag:s10] =	ssyncset.done $0x0  }
0x75: {  	[sflag:s10] =	ssyncadd.s32 $0xFFFFFC00  }
0x76: {  	[tilespmem:s15], [sflag:$0x1] =	stream.indirect.gather [hbm4b:s4+s14], $0x80, s3, s14, $0xb8;
	[tilespmem:$0x1C800] =	vst v63  }
0x77: {  	_ =	swait.ge [sflag:s16], $0x4000  }
0x78: {  	[sflag:s16] =	ssyncset.done $0x0  }
0x79: {  	[sflag:s16] =	ssyncadd.s32 $0xFFFFC000  }
0x7a: {  	[tilespmem:s17], [sflag:$0x2] =	stream.indirect.gather [hbm4b:s4+s14], $0x80, s14, s14, $0xb8;
	[tilespmem:$0x1C800] =	vst v63  }
0x7b: {  	_ = 	snop  }
0x7c: {  	[spmem:s2] =	stream.indirect.scatter.add.f32 [tilespmem:s15], [sflag:$0x3], $0x80, s13, s14, $0xb8;
	[tilespmem:$0x1C800] =	vst v63  }
0x7d: {  	_ =	swait.ge [sflag:s10], $0x4000  }
0x7e: {  	[sflag:s10] =	ssyncset.done $0x0  }
0x7f: {  	[sflag:s10] =	ssyncadd.s32 $0xFFFFC000  }
0x80: {  	_ =	swait.ge [sflag:s18], $0x4000  }
0x81: {  	[sflag:s18] =	ssyncset.done $0x0  }
0x82: {  	[sflag:s18] =	ssyncadd.s32 $0xFFFFC000  }
0x83: {  	[tilespmem:s15], [sflag:$0x1] =	stream.indirect.gather [hbm4b:s4+s14], $0x80, s19, s14, $0xb8;
	[tilespmem:$0x1C800] =	vst v63  }
0x84: {  	_ = 	snop  }
0x85: {  	[spmem:s2] =	stream.indirect.scatter.add.f32 [tilespmem:s17], [sflag:$0x3], $0x80, s20, s14, $0xb8;
	[tilespmem:$0x1C800] =	vst v63  }
0x86: {  	_ =	swait.ge [sflag:s10], $0x4000  }
0x87: {  	[sflag:s10] =	ssyncset.done $0x0  }
0x88: {  	[sflag:s10] =	ssyncadd.s32 $0xFFFFC000  }
0x89: {  	_ =	swait.ge [sflag:s16], $0x4000  }
0x8a: {  	[sflag:s16] =	ssyncset.done $0x0  }
0x8b: {  	[sflag:s16] =	ssyncadd.s32 $0xFFFFC000  }
0x8c: {  	[tilespmem:s17], [sflag:$0x2] =	stream.indirect.gather [hbm4b:s4+s14], $0x80, s21, s14, $0xb8;
	[tilespmem:$0x1C800] =	vst v63  }
0x8d: {  	_ = 	snop  }
0x8e: {  	[spmem:s2] =	stream.indirect.scatter.add.f32 [tilespmem:s15], [sflag:$0x3], $0x80, s22, s14, $0xb8;
	[tilespmem:$0x1C800] =	vst v63  }
0x8f: {  	_ =	swait.ge [sflag:s10], $0x4000  }
0x90: {  	[sflag:s10] =	ssyncset.done $0x0  }
0x91: {  	[sflag:s10] =	ssyncadd.s32 $0xFFFFC000  }
0x92: {  	_ =	swait.ge [sflag:s18], $0x4000  }
0x93: {  	[sflag:s18] =	ssyncset.done $0x0  }
0x94: {  	[sflag:s18] =	ssyncadd.s32 $0xFFFFC000  }
0x95: {  	[tilespmem:s15], [sflag:$0x1] =	stream.indirect.gather [hbm4b:s4+s14], $0x80, s23, s14, $0xb8;
	[tilespmem:$0x1C800] =	vst v63  }
0x96: {  	_ = 	snop  }
0x97: {  	[spmem:s2] =	stream.indirect.scatter.add.f32 [tilespmem:s17], [sflag:$0x3], $0x80, s24, s14, $0xb8;
	[tilespmem:$0x1C800] =	vst v63  }
0x98: {  	_ =	swait.ge [sflag:s10], $0x4000  }
0x99: {  	[sflag:s10] =	ssyncset.done $0x0  }
0x9a: {  	[sflag:s10] =	ssyncadd.s32 $0xFFFFC000  }
0x9b: {  	_ =	swait.ge [sflag:s16], $0x4000  }
0x9c: {  	[sflag:s16] =	ssyncset.done $0x0  }
0x9d: {  	[sflag:s16] =	ssyncadd.s32 $0xFFFFC000  }
0x9e: {  	[tilespmem:s17], [sflag:$0x2] =	stream.indirect.gather [hbm4b:s4+s14], $0x80, s25, s14, $0xb8;
	[tilespmem:$0x1C800] =	vst v63  }
0x9f: {  	_ = 	snop  }
0xa0: {  	[spmem:s2] =	stream.indirect.scatter.add.f32 [tilespmem:s15], [sflag:$0x3], $0x80, s26, s14, $0xb8;
	[tilespmem:$0x1C800] =	vst v63  }
0xa1: {  	_ =	swait.ge [sflag:s10], $0x4000  }
0xa2: {  	[sflag:s10] =	ssyncset.done $0x0  }
0xa3: {  	[sflag:s10] =	ssyncadd.s32 $0xFFFFC000  }
0xa4: {  	_ =	swait.ge [sflag:s18], $0x4000  }
0xa5: {  	[sflag:s18] =	ssyncset.done $0x0  }
0xa6: {  	[sflag:s18] =	ssyncadd.s32 $0xFFFFC000  }
0xa7: {  	[tilespmem:s15], [sflag:$0x1] =	stream.indirect.gather [hbm4b:s4+s14], $0x80, s28, s14, $0xb8;
	[tilespmem:$0x1C800] =	vst v63  }
0xa8: {  	_ = 	snop  }
0xa9: {  	[spmem:s2] =	stream.indirect.scatter.add.f32 [tilespmem:s17], [sflag:$0x3], $0x80, s29, s14, $0xb8;
	[tilespmem:$0x1C800] =	vst v63  }
0xaa: {  	_ =	swait.ge [sflag:s10], $0x4000  }
0xab: {  	[sflag:s10] =	ssyncset.done $0x0  }
0xac: {  	[sflag:s10] =	ssyncadd.s32 $0xFFFFC000  }
0xad: {  	_ =	swait.ge [sflag:s16], $0x4000  }
0xae: {  	[sflag:s16] =	ssyncset.done $0x0  }
0xaf: {  	[sflag:s16] =	ssyncadd.s32 $0xFFFFC000  }
0xb0: {  	[tilespmem:s17], [sflag:$0x2] =	stream.indirect.gather [hbm4b:s4+s14], $0x80, s30, s14, $0xb8;
	[tilespmem:$0x1C800] =	vst v63  }
0xb1: {  	_ = 	snop  }
0xb2: {  	[spmem:s2] =	stream.indirect.scatter.add.f32 [tilespmem:s15], [sflag:$0x3], $0x80, s31, s14, $0xb8;
	[tilespmem:$0x1C800] =	vst v63  }
0xb3: {  	_ =	swait.ge [sflag:s10], $0x4000  }
0xb4: {  	[sflag:s10] =	ssyncset.done $0x0  }
0xb5: {  	[sflag:s10] =	ssyncadd.s32 $0xFFFFC000  }
0xb6: {  	_ =	swait.ge [sflag:s18], $0x4000  }
.Ltmp0:
0xb7: {  	[sflag:s18] =	ssyncset.done $0x0;
	(pc) =	sbr.rel @p0 .LBB2_2-.Ltmp0, $4  }
0xb8: {  	[sflag:s18] =	ssyncadd.s32 $0xFFFFC000  }
0xb9: {  	[spmem:s2] =	stream.indirect.scatter.add.f32 [tilespmem:s17], [sflag:$0x3], $0x80, s0, s14, $0xb8;
	[tilespmem:$0x1C800] =	vst v63  }
0xba: {  	_ =	swait.ge [sflag:s10], $0x4000  }
0xbb: {  	s7 =	smov.u32 s8;
	[sflag:s10] =	ssyncset.done $0x0  }
0xbc: {  	s6 =	sadd.s32 s5, s11;
	[sflag:s10] =	ssyncadd.s32 $0xFFFFC000  }
0xbd: {  	[tilespmem:s3], [sflag:$0x3] =	stream.linear.gather [hbm4b:s6+s3], $0x400, $0x38;
	[tilespmem:$0x1C800] =	vst v63  }
0xbe: {  	_ =	swait.ge [sflag:s10], $0x400  }
0xbf: {  	[sflag:s10] =	ssyncset.done $0x0  }
0xc0: {  	s7 =	sadd.s32 s5, s12;
	[sflag:s10] =	ssyncadd.s32 $0xFFFFFC00  }
0xc1: {  	[tilespmem:s13], [sflag:$0x3] =	stream.linear.gather [hbm4b:s7+s3], $0x400, $0x38;
	[tilespmem:$0x1C800] =	vst v63  }
0xc2: {  	_ =	swait.ge [sflag:s10], $0x400  }
0xc3: {  	[sflag:s10] =	ssyncset.done $0x0  }
0xc4: {  	[sflag:s10] =	ssyncadd.s32 $0xFFFFFC00  }
0xc5: {  	[tilespmem:s15], [sflag:$0x1] =	stream.indirect.gather [hbm4b:s4+s14], $0x80, s3, s14, $0xb8;
	[tilespmem:$0x1C800] =	vst v63  }
0xc6: {  	_ =	swait.ge [sflag:s16], $0x4000  }
0xc7: {  	[sflag:s16] =	ssyncset.done $0x0  }
0xc8: {  	[sflag:s16] =	ssyncadd.s32 $0xFFFFC000  }
0xc9: {  	[tilespmem:s17], [sflag:$0x2] =	stream.indirect.gather [hbm4b:s4+s14], $0x80, s14, s14, $0xb8;
	[tilespmem:$0x1C800] =	vst v63  }
0xca: {  	_ = 	snop  }
0xcb: {  	[spmem:s2] =	stream.indirect.scatter.add.f32 [tilespmem:s15], [sflag:$0x3], $0x80, s13, s14, $0xb8;
	[tilespmem:$0x1C800] =	vst v63  }
0xcc: {  	_ =	swait.ge [sflag:s10], $0x4000  }
0xcd: {  	[sflag:s10] =	ssyncset.done $0x0  }
0xce: {  	[sflag:s10] =	ssyncadd.s32 $0xFFFFC000  }
0xcf: {  	_ =	swait.ge [sflag:s18], $0x4000  }
0xd0: {  	[sflag:s18] =	ssyncset.done $0x0  }
0xd1: {  	[sflag:s18] =	ssyncadd.s32 $0xFFFFC000  }
0xd2: {  	[tilespmem:s15], [sflag:$0x1] =	stream.indirect.gather [hbm4b:s4+s14], $0x80, s19, s14, $0xb8;
	[tilespmem:$0x1C800] =	vst v63  }
0xd3: {  	_ = 	snop  }
0xd4: {  	[spmem:s2] =	stream.indirect.scatter.add.f32 [tilespmem:s17], [sflag:$0x3], $0x80, s20, s14, $0xb8;
	[tilespmem:$0x1C800] =	vst v63  }
0xd5: {  	_ =	swait.ge [sflag:s10], $0x4000  }
0xd6: {  	[sflag:s10] =	ssyncset.done $0x0  }
0xd7: {  	[sflag:s10] =	ssyncadd.s32 $0xFFFFC000  }
0xd8: {  	_ =	swait.ge [sflag:s16], $0x4000  }
0xd9: {  	[sflag:s16] =	ssyncset.done $0x0  }
0xda: {  	[sflag:s16] =	ssyncadd.s32 $0xFFFFC000  }
0xdb: {  	[tilespmem:s17], [sflag:$0x2] =	stream.indirect.gather [hbm4b:s4+s14], $0x80, s21, s14, $0xb8;
	[tilespmem:$0x1C800] =	vst v63  }
0xdc: {  	_ = 	snop  }
0xdd: {  	[spmem:s2] =	stream.indirect.scatter.add.f32 [tilespmem:s15], [sflag:$0x3], $0x80, s22, s14, $0xb8;
	[tilespmem:$0x1C800] =	vst v63  }
0xde: {  	_ =	swait.ge [sflag:s10], $0x4000  }
0xdf: {  	[sflag:s10] =	ssyncset.done $0x0  }
0xe0: {  	[sflag:s10] =	ssyncadd.s32 $0xFFFFC000  }
0xe1: {  	_ =	swait.ge [sflag:s18], $0x4000  }
0xe2: {  	[sflag:s18] =	ssyncset.done $0x0  }
0xe3: {  	[sflag:s18] =	ssyncadd.s32 $0xFFFFC000  }
0xe4: {  	[tilespmem:s15], [sflag:$0x1] =	stream.indirect.gather [hbm4b:s4+s14], $0x80, s23, s14, $0xb8;
	[tilespmem:$0x1C800] =	vst v63  }
0xe5: {  	_ = 	snop  }
0xe6: {  	[spmem:s2] =	stream.indirect.scatter.add.f32 [tilespmem:s17], [sflag:$0x3], $0x80, s24, s14, $0xb8;
	[tilespmem:$0x1C800] =	vst v63  }
0xe7: {  	_ =	swait.ge [sflag:s10], $0x4000  }
0xe8: {  	[sflag:s10] =	ssyncset.done $0x0  }
0xe9: {  	[sflag:s10] =	ssyncadd.s32 $0xFFFFC000  }
0xea: {  	_ =	swait.ge [sflag:s16], $0x4000  }
0xeb: {  	[sflag:s16] =	ssyncset.done $0x0  }
0xec: {  	[sflag:s16] =	ssyncadd.s32 $0xFFFFC000  }
0xed: {  	[tilespmem:s17], [sflag:$0x2] =	stream.indirect.gather [hbm4b:s4+s14], $0x80, s25, s14, $0xb8;
	[tilespmem:$0x1C800] =	vst v63  }
0xee: {  	_ = 	snop  }
0xef: {  	[spmem:s2] =	stream.indirect.scatter.add.f32 [tilespmem:s15], [sflag:$0x3], $0x80, s26, s14, $0xb8;
	[tilespmem:$0x1C800] =	vst v63  }
0xf0: {  	_ =	swait.ge [sflag:s10], $0x4000  }
0xf1: {  	[sflag:s10] =	ssyncset.done $0x0  }
0xf2: {  	[sflag:s10] =	ssyncadd.s32 $0xFFFFC000  }
0xf3: {  	_ =	swait.ge [sflag:s18], $0x4000  }
0xf4: {  	[sflag:s18] =	ssyncset.done $0x0  }
0xf5: {  	[sflag:s18] =	ssyncadd.s32 $0xFFFFC000  }
0xf6: {  	[tilespmem:s15], [sflag:$0x1] =	stream.indirect.gather [hbm4b:s4+s14], $0x80, s28, s14, $0xb8;
	[tilespmem:$0x1C800] =	vst v63  }
0xf7: {  	_ = 	snop  }
0xf8: {  	[spmem:s2] =	stream.indirect.scatter.add.f32 [tilespmem:s17], [sflag:$0x3], $0x80, s29, s14, $0xb8;
	[tilespmem:$0x1C800] =	vst v63  }
0xf9: {  	_ =	swait.ge [sflag:s10], $0x4000  }
0xfa: {  	[sflag:s10] =	ssyncset.done $0x0  }
0xfb: {  	[sflag:s10] =	ssyncadd.s32 $0xFFFFC000  }
0xfc: {  	_ =	swait.ge [sflag:s16], $0x4000  }
0xfd: {  	[sflag:s16] =	ssyncset.done $0x0  }
0xfe: {  	[sflag:s16] =	ssyncadd.s32 $0xFFFFC000  }
0xff: {  	[tilespmem:s17], [sflag:$0x2] =	stream.indirect.gather [hbm4b:s4+s14], $0x80, s30, s14, $0xb8;
	[tilespmem:$0x1C800] =	vst v63  }
0x100: {  	_ = 	snop  }
0x101: {  	[spmem:s2] =	stream.indirect.scatter.add.f32 [tilespmem:s15], [sflag:$0x3], $0x80, s31, s14, $0xb8;
	[tilespmem:$0x1C800] =	vst v63  }
0x102: {  	_ =	swait.ge [sflag:s10], $0x4000  }
0x103: {  	[sflag:s10] =	ssyncset.done $0x0  }
0x104: {  	[sflag:s10] =	ssyncadd.s32 $0xFFFFC000  }
0x105: {  	_ =	swait.ge [sflag:s18], $0x4000  }
0x106: {  	[sflag:s18] =	ssyncset.done $0x0  }
0x107: {  	[sflag:s18] =	ssyncadd.s32 $0xFFFFC000  }
0x108: {  	[spmem:s2] =	stream.indirect.scatter.add.f32 [tilespmem:s17], [sflag:$0x3], $0x80, s0, s14, $0xb8;
	[tilespmem:$0x1C800] =	vst v63  }
0x109: {  	_ =	swait.ge [sflag:s10], $0x4000  }
0x10a: {  	[sflag:s10] =	ssyncset.done $0x0  }
0x10b: {  	[sflag:s10] =	ssyncadd.s32 $0xFFFFC000  }
0x10c: {  	[bflag:$0x0] =	sbarrier.arrive $0xFFFF  }
0x10d: {  	s6 =	rddreg [dreg:$0x6]  }
0x10e: {  	s8 =	rddreg [dreg:$0x7]  }
0x10f: {  	s7 =	rddreg [dreg:$0x9]  }
0x110: {  	[hbm:s8], [sflag:s6] =	dma.local [spmem:s7], $0x2800  }
0x111: {  	_ =	swait.ge [sflag:s10], $0x2800  }
0x112: {  	s1 =	sadd.s32 $0x1, s1;
	s9 =	rddreg [dreg:$0x8]  }
0x113: {  	p0 =	sne.s32 s1, s9  }
.Ltmp1:
0x114: {  	_ = 	snop;
	(pc) =	sbr.rel @p0 .LBB2_1-.Ltmp1, $3  }
0x115: {  	_ =	sdelay $0x1  }
0x116: {  	[sflag:s10] =	ssyncset.done $0x0  }
0x117: {  	[sflag:s10] =	ssyncadd.s32 $0xFFFFD800  }
0x118: {  	_ =	sfence.sel $0x180000  }
0x119: {  	[bflag:$0x0] =	sbarrier.arrive $0xFFFF  }
0x11a: {  	_ =	strace $0x9000004D  }
0x11b: {  	s0 =	stileid.u32;
	[bflag:$0x2] =	sbarrier.arrive $0xFFFF  }
0x11c: {  	p0 =	sne.s32 s0, $0x0;
	s0 =	rddreg [dreg:$0x4]  }
0x11d: {  	s0 =	sadd.s32 @!p0 $0x100000, s0  }
0x11e: {  	[sflag:s0] =	ssyncadd.tile.s32 @!p0 $0x1;
	_ =	shalt  }
.Lfunc_end2:
_tile_overlayer_lowered:
.L_overlay_start_2:
0x11f: {  	(tag) =	ssettag $0x2  }
0x120: {  	s0 =	rddreg [dreg:$0x0];
	s2 =	stileid.u32  }
0x121: {  	s1 =	rddreg [dreg:$0x1];
	p0 =	sne.s32 s2, $0x0  }
0x122: {  	s3 =	rddreg [dreg:$0x2];
	[bflag:$0x3] =	sbarrier.arrive $0xFFFF;
	s2 =	simm.s32 @!p0 $0x1C03  }
0x123: {  	[timem:s3], [sflag:s2] =	dma.local @!p0 [hbm:s0], s1  }
0x124: {  	s0 =	simm.s32 @!p0 $0x3  }
0x125: {  	_ =	swait.ge @!p0 [sflag:s0], s1  }
0x126: {  	s1 =	ssub.s32 @!p0 $0x0, s1;
	[sflag:s0] =	ssyncset.done @!p0 $0x0  }
0x127: {  	[sflag:s0] =	ssyncadd.s32 @!p0 s1  }
0x128: {  	[bflag:$0x3] =	sbarrier.arrive $0xFFFF  }
0x129: {  	_ =	shalt  }

// kernel: sc_segsum_l0.3.cloned.1.call-start
scs
__scs_entry_jumppad:
0x0: {  	(pc) =	sbr.rel $0x88, $3  }
0x1: {  	(tag) =	ssettag $0x0;
	lr =	simm.s32 $0x1  }
0x2: {  	[smem:$0x3F96] =	sst lr;
	_ =	strace $0xD0000000  }
0x3: {  	_ = 	snop  }
0x4: {  	_ = 	snop  }
0x5: {  	_ = 	snop  }
0x6: {  	_ = 	snop  }
0x7: {  	_ = 	snop  }
__scs_overlays_trampoline_lowered:
0x8: {  	[smem:$0x3FA5] =	sst s0  }
0x9: {  	[smem:$0x3FA6] =	sst s1  }
0xa: {  	[smem:$0x3FA7] =	sst s2  }
0xb: {  	[smem:$0x3FA8] =	sst s3  }
0xc: {  	[smem:$0x3FA9] =	sst s4  }
0xd: {  	[smem:$0x3FAA] =	sst s5  }
0xe: {  	[smem:$0x3FAB] =	sst s6  }
0xf: {  	[smem:$0x3FAC] =	sst s7  }
0x10: {  	[smem:$0x3FAD] =	sst s8  }
0x11: {  	[smem:$0x3FAE] =	sst s9;
	s0 =	simm.s32 @!p0 $0x0  }
0x12: {  	s1 =	sld [smem:$0x3F94];
	s0 =	simm.s32 @p0 $0x1  }
0x13: {  	[smem:$0x3FAF] =	sst s0;
	s0 =	simm.s32 @!p1 $0x0  }
0x14: {  	s2 =	sld [smem:$0x3F93];
	s0 =	simm.s32 @p1 $0x1  }
0x15: {  	[smem:$0x3FB0] =	sst s0;
	s0 =	simm.s32 @!p2 $0x0  }
0x16: {  	s3 =	sld [smem:$0x3FDB];
	s0 =	simm.s32 @p2 $0x1  }
0x17: {  	s4 =	simm.s32 $0x1BF5;
	[smem:$0x3FB2] =	sst s0  }
0x18: {  	s0 =	sld [smem:$0x3F95];
	_ =	swait.ge [sflag:s4], $0x0  }
0x19: {  	s7 =	sld [smem:$0x3F96]  }
0x1a: {  	s8 =	sadd.s32 $0xFFFFE003, lr  }
0x1b: {  	s9 =	sadd.s32 $0xFFFFFEF7, lr;
	s5 =	simm.s32 $0xFFFFFFFF;
	p2 =	slt.u32 s8, $0xFFFFF086  }
0x1c: {  	p1 =	slt.u32 s9, $0xF7A;
	s5 =	simm.s32 @!p2 $0x0  }
0x1d: {  	s5 =	simm.s32 @p1 $0x1;
	p0 =	seq.s32 s7, s2  }
0x1e: {  	s7 =	smul.u32 @!p0 $0xF7A, s2;
	p2 =	seq.s32 @!p0 s5, $0x0  }
0x1f: {  	s9 =	smul.u32 $0xF7A, s1;
	s8 =	simm.s32 @!p0 $0x1BF5;
	p2 =	por !p2, p0  }
0x20: {  	[sflag:s8] =	ssyncset.s32 @!p0 $0xFFFFF086;
	s6 =	sadd.s32 @!p0 s3, s7;
	s7 =	simm.s32 @!p0 $0x108  }
0x21: {  	s3 =	sadd.s32 s3, s9;
	s6 =	sadd.s32 @!p0 $0x88, s6;
	s7 =	simm.s32 @p2 $0x1082  }
0x22: {  	[simem:s7], [sflag:s8] =	dma.local @!p0 [hbm:s6], $0xF7A  }
0x23: {  	s9 =	sor.u32 $0xD0000000, s2;
	s6 =	simm.s32 $0x108;
	_ =	swait.ge @!p0 [sflag:s8], $0x0  }
0x24: {  	s3 =	sadd.s32 $0x88, s3;
	s6 =	simm.s32 @!p1 $0x1082;
	[sflag:s4] =	ssyncset.s32 $0xFFFFF086  }
0x25: {  	[simem:s6], [sflag:s4] =	dma.local [hbm:s3], $0xF7A  }
0x26: {  	[smem:$0x3F96] =	sst s1;
	(tag) =	ssettag s2;
	_ =	strace s9  }
0x27: {  	s1 =	sld [smem:$0x3FA6]  }
0x28: {  	s2 =	sld [smem:$0x3FA7]  }
0x29: {  	s4 =	sld [smem:$0x3FA9]  }
0x2a: {  	p0 =	seq.s32 s5, $0x0;
	s5 =	sld [smem:$0x3FAA]  }
0x2b: {  	s6 =	sld [smem:$0x3FAB]  }
0x2c: {  	s7 =	sld [smem:$0x3FAC]  }
0x2d: {  	s3 =	simm.s32 $0x108;
	s8 =	sld [smem:$0x3FAD]  }
0x2e: {  	s3 =	simm.s32 @!p0 $0x1082;
	s9 =	sld [smem:$0x3FAE]  }
0x2f: {  	lr =	sadd.s32 s0, s3;
	s0 =	sld [smem:$0x3FA5]  }
0x30: {  	s3 =	sld [smem:$0x3FA8]  }
0x31: {  	[smem:$0x3FB1] =	sst s10  }
0x32: {  	s10 =	sld [smem:$0x3FAF];
	_ =	sdelay $0x3  }
0x33: {  	p0 =	seq.s32 s10, $0x1;
	s10 =	sld [smem:$0x3FB1];
	_ =	sdelay $0x3  }
0x34: {  	[smem:$0x3FB1] =	sst s10  }
0x35: {  	s10 =	sld [smem:$0x3FB0];
	_ =	sdelay $0x3  }
0x36: {  	p1 =	seq.s32 s10, $0x1;
	s10 =	sld [smem:$0x3FB1];
	_ =	sdelay $0x3  }
0x37: {  	[smem:$0x3FB1] =	sst s10  }
0x38: {  	s10 =	sld [smem:$0x3FB2]  }
0x39: {  	_ = 	snop;
	(pc) =	sbr.ind lr, $3  }
0x3a: {  	_ = 	snop  }
0x3b: {  	_ = 	snop  }
0x3c: {  	p2 =	seq.s32 s10, $0x1;
	s10 =	sld [smem:$0x3FB1]  }
0x3d: {  	_ =	shalt  }
0x3e: {  	_ =	shalt  }
0x3f: {  	_ =	shalt  }
0x40: {  	_ =	shalt  }
0x41: {  	_ =	shalt  }
0x42: {  	_ =	shalt  }
0x43: {  	_ =	shalt  }
0x44: {  	_ =	shalt  }
0x45: {  	_ =	shalt  }
0x46: {  	_ =	shalt  }
0x47: {  	_ =	shalt  }
0x48: {  	_ =	shalt  }
0x49: {  	_ =	shalt  }
0x4a: {  	_ =	shalt  }
0x4b: {  	_ =	shalt  }
0x4c: {  	_ =	shalt  }
0x4d: {  	_ =	shalt  }
0x4e: {  	_ =	shalt  }
0x4f: {  	_ =	shalt  }
0x50: {  	_ =	shalt  }
0x51: {  	_ =	shalt  }
0x52: {  	_ =	shalt  }
0x53: {  	_ =	shalt  }
0x54: {  	_ =	shalt  }
0x55: {  	_ =	shalt  }
0x56: {  	_ =	shalt  }
0x57: {  	_ =	shalt  }
0x58: {  	_ =	shalt  }
0x59: {  	_ =	shalt  }
0x5a: {  	_ =	shalt  }
0x5b: {  	_ =	shalt  }
0x5c: {  	_ =	shalt  }
0x5d: {  	_ =	shalt  }
0x5e: {  	_ =	shalt  }
0x5f: {  	_ =	shalt  }
0x60: {  	_ =	shalt  }
0x61: {  	_ =	shalt  }
0x62: {  	_ =	shalt  }
0x63: {  	_ =	shalt  }
0x64: {  	_ =	shalt  }
0x65: {  	_ =	shalt  }
0x66: {  	_ =	shalt  }
0x67: {  	_ =	shalt  }
0x68: {  	_ =	shalt  }
0x69: {  	_ =	shalt  }
0x6a: {  	_ =	shalt  }
0x6b: {  	_ =	shalt  }
0x6c: {  	_ =	shalt  }
0x6d: {  	_ =	shalt  }
0x6e: {  	_ =	shalt  }
0x6f: {  	_ =	shalt  }
0x70: {  	_ =	shalt  }
0x71: {  	_ =	shalt  }
0x72: {  	_ =	shalt  }
0x73: {  	_ =	shalt  }
0x74: {  	_ =	shalt  }
0x75: {  	_ =	shalt  }
0x76: {  	_ =	shalt  }
0x77: {  	_ =	shalt  }
0x78: {  	_ =	shalt  }
0x79: {  	_ =	shalt  }
0x7a: {  	_ =	shalt  }
0x7b: {  	_ =	shalt  }
0x7c: {  	_ =	shalt  }
0x7d: {  	_ =	shalt  }
0x7e: {  	_ =	shalt  }
0x7f: {  	_ =	shalt  }
0x80: {  	_ =	shalt  }
0x81: {  	_ =	shalt  }
0x82: {  	_ =	shalt  }
0x83: {  	_ =	shalt  }
0x84: {  	_ =	shalt  }
0x85: {  	_ =	shalt  }
0x86: {  	_ =	shalt  }
0x87: {  	_ =	shalt  }
.Lfunc_end0:
.L_simem_size_0:
called_computation_lowered:
.L_overlay_start_0:
0x88: {  	s2 =	sld [smem:$0x3FD9]  }
0x89: {  	s3 =	sld [smem:$0x3FFE];
	_ =	sdelay $0x1  }
0x8a: {  	s1 =	srdreg.scid  }
0x8b: {  	s0 =	sand.u32 $0x1, s1  }
0x8c: {  	s17 =	sshll.u32 s0, $0xA;
	s2 =	sadd.s32 s3, s2  }
0x8d: {  	s2 =	sadd.s32 s2, s17  }
0x8e: {  	[smem:$0x3FBD] =	sst s2  }
0x8f: {  	_ = 	snop  }
0x90: {  	s2 =	sld [smem:$0x3FC9];
	(tm) =	ssettm $0x1  }
0x91: {  	s18 =	sld [smem:$0x3FFB];
	_ =	sdelay $0x3  }
0x92: {  	_ =	strace s18  }
0x93: {  	s3 =	sld [smem:$0x3FFC];
	_ =	sdelay $0x3  }
0x94: {  	_ =	strace s3  }
0x95: {  	s3 =	sld [smem:$0x3FFD];
	_ =	sdelay $0x3  }
0x96: {  	_ =	strace s3  }
0x97: {  	_ =	strace $0x8FFFFFFF  }
0x98: {  	s19 =	sld [smem:$0x3FDB];
	_ =	sdelay $0x1  }
0x99: {  	s4 =	simm.s32 $_scs_section_size  }
0x9a: {  	s5 =	simm.s32 $_size__tile_overlayer_lowered;
	s6 =	simm.s32 $_tile_overlayer_lowered  }
0x9b: {  	s22 =	simm.s32 $0x1BFF;
	s21 =	sshll.u32 s6, $0x1;
	s3 =	sadd.s32 s4, s19  }
0x9c: {  	s7 =	simm.s32 $0x0;
	s20 =	sshll.u32 s5, $0x1;
	s5 =	sadd.s32 s21, s3  }
0x9d: {  	[timem:s7], [sflag:s22] =	dma.local [hbm:s5], s20  }
0x9e: {  	_ =	swait.ge [sflag:s22], s20  }
0x9f: {  	s4 =	ssub.s32 $0x0, s20;
	[sflag:s22] =	ssyncset.done $0x0  }
0xa0: {  	[sflag:s22] =	ssyncadd.s32 s4;
	_ =	sdelay $0x1  }
0xa1: {  	s23 =	simm.s32 $0x1B8B  }
0xa2: {  	_ =	swait.ge [sflag:s23], $0x1  }
0xa3: {  	[sflag:s23] =	ssyncset.done $0x0  }
0xa4: {  	s25 =	simm.s32 $0x1B8E;
	s24 =	sld [smem:$0x3FFE];
	[sflag:s23] =	ssyncadd.s32 $0xFFFFFFFF  }
0xa5: {  	s26 =	simm.s32 $execute0_lowered;
	[smem:$0x3FD2] =	sst s25  }
0xa6: {  	s5 =	sshll.u32 s26, $0x1;
	_ =	strace $0x80000046;
	[dreg:$0x1] =	wrdreg $0xFFFFFFFF  }
0xa7: {  	s28 =	simm.s32 $_size_execute0_lowered;
	s3 =	sadd.s32 s3, s5;
	[dreg:$0x0] =	wrdreg $0x0  }
0xa8: {  	s5 =	sshll.u32 s28, $0x1;
	[dreg:$0x2] =	wrdreg s3  }
0xa9: {  	[dreg:$0x3] =	wrdreg s5  }
0xaa: {  	[dreg:$0x4] =	wrdreg $0xC0  }
0xab: {  	_ =	task [dreg:s7], $0x5FFFF  }
0xac: {  	[dreg:$0x1] =	wrdreg $0xFFFFFFFF  }
0xad: {  	[dreg:$0x0] =	wrdreg $0x60  }
0xae: {  	[dreg:$0x2] =	wrdreg s24  }
0xaf: {  	[dreg:$0x3] =	wrdreg s2  }
0xb0: {  	[dreg:$0x4] =	wrdreg $0x88000  }
0xb1: {  	[dreg:$0x5] =	wrdreg $0x9  }
0xb2: {  	_ =	task.clear_ibuf [dreg:s7], $0x6FFFF;
	_ =	strace $0x90000046  }
0xb3: {  	s29 =	simm.s32 $0x9;
	_ =	strace $0x80000048  }
0xb4: {  	_ =	swait.ge [sflag:s29], $0x1  }
0xb5: {  	[sflag:s29] =	ssyncadd.s32 $0xFFFFFFFF  }
0xb6: {  	_ =	strace $0x90000048  }
0xb7: {  	_ =	sfence  }
0xb8: {  	s30 =	sld [smem:$0x0];
	_ =	sdelay $0x2  }
0xb9: {  	s31 =	sshll.u32 s1, $0xD;
	s1 =	sshrl.u32 s1, $0x2  }
0xba: {  	s3 =	sand.u32 $0x4000, s31;
	s1 =	sadd.s32 s1, s30  }
0xbb: {  	s0 =	sor.u32 s3, s0;
	s1 =	sshll.u32 s1, $0x11  }
0xbc: {  	s0 =	sor.u32 s1, s0  }
0xbd: {  	s0 =	sadd.s32 $0x8F2B, s0  }
0xbe: {  	[sflag:s0] =	ssyncadd.remote.s32 $0x1  }
0xbf: {  	_ =	sfence.sel $0xFFFF  }
0xc0: {  	[dreg:$0x0] =	wrdreg $0xFFFFFFFF;
	(pc) =	sbr.abs _section_cstart, $3  }
0xc1: {  	[dreg:$0x1] =	wrdreg $0xFFFFFFFF  }
0xc2: {  	_ =	task.clear_ibuf [dreg:s7], $0x2FFFF;
	_ =	strace $0x9FFFFFFF  }
0xc3: {  	(tm) =	ssettm $0x7FFFFFFF  }
tec
execute0_lowered:
.L_overlay_start_1:
0x0: {  	(tag) =	ssettag $0x1  }
0x1: {  	s0 =	rddreg [dreg:$0x0]  }
0x2: {  	s2 =	rddreg [dreg:$0x1]  }
0x3: {  	s3 =	rddreg [dreg:$0x2];
	s12 =	stileid.u32;
	s4 =	simm.s32 $0x0  }
0x4: {  	s6 =	srdreg.scid;
	s14 =	simm.s32 $0x3;
	s15 =	simm.s32 $0x400  }
0x5: {  	s16 =	simm.s32 $0x80;
	s17 =	simm.s32 $0x800;
	s18 =	simm.s32 $0x1  }
0x6: {  	s19 =	simm.s32 $0x4800;
	s28 =	simm.s32 $0x280;
	s1 =	smul.u32 $0x680, s12  }
0x7: {  	s29 =	simm.s32 $0x600;
	s30 =	simm.s32 $0x300;
	s5 =	smul.u32 $0x380, s12  }
0x8: {  	s31 =	simm.s32 $0x680;
	[smem:$0x7FF] =	sst s4;
	s7 =	smul.u32 $0x2800, s12  }
0x9: {  	s6 =	sand.u32 $0x1, s6;
	s10 =	smul.u32 $0x50000, s12;
	s24 =	sshll.u32 s12, $0x6  }
0xa: {  	_ =	strace $0x80000047;
	s8 =	smul.u32 $0x28000, s6;
	s9 =	ssub.s32 $0x2, s6  }
0xb: {  	p0 =	seq.s32 s6, $0x1;
	s1 =	sadd.s32 s1, s0;
	s5 =	sadd.s32 s5, s0  }
0xc: {  	s11 =	sadd.s32 s7, s0;
	s20 =	sshrl.u32 s9, $0x1;
	s22 =	sshrl.u32 s10, $0x2  }
0xd: {  	s10 =	simm.s32 $0x0;
	s7 =	sadd.s32 s7, s8;
	s21 =	ssub.s32 s9, s20  }
0xe: {  	s8 =	sadd.s32 s22, s3;
	s23 =	sadd.s32 $0x18400, s11;
	s9 =	sor.u32 $0x1C03, s24  }
0xf: {  	s13 =	sadd.s32 $0xAC00, s1;
	s26 =	sadd.s32 $0x11400, s5;
	s20 =	simm.s32 $0x2  }
0x10: {  	s22 =	simm.s32 $0x480;
	s24 =	simm.s32 $0x500;
	s0 =	sadd.s32 s7, s0  }
0x11: {  	[dreg:$0x5] =	wrdreg s23;
	s25 =	smax.u32 s21, $0x1;
	s7 =	sadd.s32 $0x4400, s1  }
0x12: {  	[dreg:$0x9] =	wrdreg s26;
	s21 =	sadd.s32 $0x14C00, s5;
	s12 =	sshrl.u32 s8, $0x3  }
.Ltmp0:
0x13: {  	s8 =	simm.s32 $0x100;
	[dreg:$0x6] =	wrdreg s9;
	(pc) =	sbr.rel .LBB2_1-.Ltmp0, $4  }
0x14: {  	s23 =	simm.s32 $0x180;
	s26 =	simm.s32 $0x580;
	[dreg:$0x8] =	wrdreg s25  }
0x15: {  	s1 =	simm.s32 $0x700;
	s5 =	simm.s32 $0x780;
	[dreg:$0x4] =	wrdreg s7  }
0x16: {  	s11 =	smov.u32 s13;
	s0 =	sadd.s32 $0x40400, s0;
	[dreg:$0xa] =	wrdreg s12  }
0x17: {  	s25 =	simm.s32 $0x200;
	[dreg:$0x7] =	wrdreg s0;
	s0 =	simm.s32 $0x380  }
.LBB2_7:
0x18: {  	s6 =	sadd.s32 s8, s21;
	[sflag:s14] =	ssyncadd.s32 $0xFFFFC000  }
0x19: {  	[tilespmem:s4], [sflag:$0x3] =	stream.linear.gather [hbm4b:s6+s4], $0x400, $0x38;
	[tilespmem:$0x1C800] =	vst v63  }
0x1a: {  	_ =	swait.ge [sflag:s14], $0x400  }
0x1b: {  	[sflag:s14] =	ssyncset.done $0x0  }
0x1c: {  	s13 =	sadd.s32 s8, s12;
	[sflag:s14] =	ssyncadd.s32 $0xFFFFFC00  }
0x1d: {  	[tilespmem:s15], [sflag:$0x3] =	stream.linear.gather [hbm4b:s13+s4], $0x400, $0x38;
	[tilespmem:$0x1C800] =	vst v63  }
0x1e: {  	_ =	swait.ge [sflag:s14], $0x400  }
0x1f: {  	[sflag:s14] =	ssyncset.done $0x0  }
0x20: {  	[sflag:s14] =	ssyncadd.s32 $0xFFFFFC00  }
0x21: {  	[tilespmem:s17], [sflag:$0x1] =	stream.indirect.gather [hbm4b:s2+s16], $0x80, s4, s16, $0xb8;
	[tilespmem:$0x1C800] =	vst v63  }
0x22: {  	_ =	swait.ge [sflag:s18], $0x4000  }
0x23: {  	[sflag:s18] =	ssyncset.done $0x0  }
0x24: {  	[sflag:s18] =	ssyncadd.s32 $0xFFFFC000  }
0x25: {  	[tilespmem:s19], [sflag:$0x2] =	stream.indirect.gather [hbm4b:s2+s16], $0x80, s16, s16, $0xb8;
	[tilespmem:$0x1C800] =	vst v63  }
0x26: {  	_ = 	snop  }
0x27: {  	[spmem:s3] =	stream.indirect.scatter.add.f32 [tilespmem:s17], [sflag:$0x3], $0x80, s15, s16, $0xb8;
	[tilespmem:$0x1C800] =	vst v63  }
0x28: {  	_ =	swait.ge [sflag:s14], $0x4000  }
0x29: {  	[sflag:s14] =	ssyncset.done $0x0  }
0x2a: {  	[sflag:s14] =	ssyncadd.s32 $0xFFFFC000  }
0x2b: {  	_ =	swait.ge [sflag:s20], $0x4000  }
0x2c: {  	[sflag:s20] =	ssyncset.done $0x0  }
0x2d: {  	[sflag:s20] =	ssyncadd.s32 $0xFFFFC000  }
0x2e: {  	[tilespmem:s17], [sflag:$0x1] =	stream.indirect.gather [hbm4b:s2+s16], $0x80, s22, s16, $0xb8;
	[tilespmem:$0x1C800] =	vst v63  }
0x2f: {  	_ = 	snop  }
0x30: {  	[spmem:s3] =	stream.indirect.scatter.add.f32 [tilespmem:s19], [sflag:$0x3], $0x80, s23, s16, $0xb8;
	[tilespmem:$0x1C800] =	vst v63  }
0x31: {  	_ =	swait.ge [sflag:s14], $0x4000  }
0x32: {  	[sflag:s14] =	ssyncset.done $0x0  }
0x33: {  	[sflag:s14] =	ssyncadd.s32 $0xFFFFC000  }
0x34: {  	_ =	swait.ge [sflag:s18], $0x4000  }
0x35: {  	[sflag:s18] =	ssyncset.done $0x0  }
0x36: {  	[sflag:s18] =	ssyncadd.s32 $0xFFFFC000  }
0x37: {  	[tilespmem:s19], [sflag:$0x2] =	stream.indirect.gather [hbm4b:s2+s16], $0x80, s24, s16, $0xb8;
	[tilespmem:$0x1C800] =	vst v63  }
0x38: {  	_ = 	snop  }
0x39: {  	[spmem:s3] =	stream.indirect.scatter.add.f32 [tilespmem:s17], [sflag:$0x3], $0x80, s25, s16, $0xb8;
	[tilespmem:$0x1C800] =	vst v63  }
0x3a: {  	_ =	swait.ge [sflag:s14], $0x4000  }
0x3b: {  	[sflag:s14] =	ssyncset.done $0x0  }
0x3c: {  	[sflag:s14] =	ssyncadd.s32 $0xFFFFC000  }
0x3d: {  	_ =	swait.ge [sflag:s20], $0x4000  }
0x3e: {  	[sflag:s20] =	ssyncset.done $0x0  }
0x3f: {  	[sflag:s20] =	ssyncadd.s32 $0xFFFFC000  }
0x40: {  	[tilespmem:s17], [sflag:$0x1] =	stream.indirect.gather [hbm4b:s2+s16], $0x80, s26, s16, $0xb8;
	[tilespmem:$0x1C800] =	vst v63  }
0x41: {  	_ = 	snop  }
0x42: {  	[spmem:s3] =	stream.indirect.scatter.add.f32 [tilespmem:s19], [sflag:$0x3], $0x80, s28, s16, $0xb8;
	[tilespmem:$0x1C800] =	vst v63  }
0x43: {  	_ =	swait.ge [sflag:s14], $0x4000  }
0x44: {  	[sflag:s14] =	ssyncset.done $0x0  }
0x45: {  	[sflag:s14] =	ssyncadd.s32 $0xFFFFC000  }
0x46: {  	_ =	swait.ge [sflag:s18], $0x4000  }
0x47: {  	[sflag:s18] =	ssyncset.done $0x0  }
0x48: {  	[sflag:s18] =	ssyncadd.s32 $0xFFFFC000  }
0x49: {  	[tilespmem:s19], [sflag:$0x2] =	stream.indirect.gather [hbm4b:s2+s16], $0x80, s29, s16, $0xb8;
	[tilespmem:$0x1C800] =	vst v63  }
0x4a: {  	_ = 	snop  }
0x4b: {  	[spmem:s3] =	stream.indirect.scatter.add.f32 [tilespmem:s17], [sflag:$0x3], $0x80, s30, s16, $0xb8;
	[tilespmem:$0x1C800] =	vst v63  }
0x4c: {  	_ =	swait.ge [sflag:s14], $0x4000  }
0x4d: {  	[sflag:s14] =	ssyncset.done $0x0  }
0x4e: {  	[sflag:s14] =	ssyncadd.s32 $0xFFFFC000  }
0x4f: {  	_ =	swait.ge [sflag:s20], $0x4000  }
0x50: {  	[sflag:s20] =	ssyncset.done $0x0  }
0x51: {  	[sflag:s20] =	ssyncadd.s32 $0xFFFFC000  }
0x52: {  	[tilespmem:s17], [sflag:$0x1] =	stream.indirect.gather [hbm4b:s2+s16], $0x80, s31, s16, $0xb8;
	[tilespmem:$0x1C800] =	vst v63  }
0x53: {  	_ = 	snop  }
0x54: {  	[spmem:s3] =	stream.indirect.scatter.add.f32 [tilespmem:s19], [sflag:$0x3], $0x80, s0, s16, $0xb8;
	[tilespmem:$0x1C800] =	vst v63  }
0x55: {  	_ =	swait.ge [sflag:s14], $0x4000  }
0x56: {  	[sflag:s14] =	ssyncset.done $0x0  }
0x57: {  	[sflag:s14] =	ssyncadd.s32 $0xFFFFC000  }
0x58: {  	_ =	swait.ge [sflag:s18], $0x4000  }
0x59: {  	[sflag:s18] =	ssyncset.done $0x0  }
0x5a: {  	[sflag:s18] =	ssyncadd.s32 $0xFFFFC000  }
0x5b: {  	[tilespmem:s19], [sflag:$0x2] =	stream.indirect.gather [hbm4b:s2+s16], $0x80, s1, s16, $0xb8;
	[tilespmem:$0x1C800] =	vst v63  }
0x5c: {  	_ = 	snop  }
0x5d: {  	[spmem:s3] =	stream.indirect.scatter.add.f32 [tilespmem:s17], [sflag:$0x3], $0x80, s5, s16, $0xb8;
	[tilespmem:$0x1C800] =	vst v63  }
0x5e: {  	_ =	swait.ge [sflag:s14], $0x4000  }
0x5f: {  	[sflag:s14] =	ssyncset.done $0x0  }
0x60: {  	s8 =	simm.s32 $0x100;
	s13 =	smov.u32 s11;
	[sflag:s14] =	ssyncadd.s32 $0xFFFFC000  }
0x61: {  	s22 =	simm.s32 $0x480;
	s23 =	simm.s32 $0x180;
	_ =	swait.ge [sflag:s20], $0x4000  }
0x62: {  	s24 =	simm.s32 $0x500;
	s25 =	simm.s32 $0x200;
	[sflag:s20] =	ssyncset.done $0x0  }
0x63: {  	s26 =	simm.s32 $0x580;
	s28 =	simm.s32 $0x280;
	[sflag:s20] =	ssyncadd.s32 $0xFFFFC000  }
0x64: {  	[spmem:s3] =	stream.indirect.scatter.add.f32 [tilespmem:s19], [sflag:$0x3], $0x80, s10, s16, $0xb8;
	[tilespmem:$0x1C800] =	vst v63  }
0x65: {  	s29 =	simm.s32 $0x600;
	s30 =	simm.s32 $0x300;
	_ =	swait.ge [sflag:s14], $0x4000  }
0x66: {  	s31 =	simm.s32 $0x680;
	s0 =	simm.s32 $0x380;
	s7 =	rddreg [dreg:$0x4]  }
0x67: {  	s1 =	simm.s32 $0x700;
	[sflag:s14] =	ssyncset.done $0x0;
	s12 =	rddreg [dreg:$0xa]  }
0x68: {  	s5 =	simm.s32 $0x780;
	s10 =	rddreg [dreg:$0xb];
	[sflag:s14] =	ssyncadd.s32 $0xFFFFC000  }
.LBB2_8:
0x69: {  	[bflag:$0x0] =	sbarrier.arrive $0xFFFF  }
0x6a: {  	s9 =	rddreg [dreg:$0x6]  }
0x6b: {  	s6 =	rddreg [dreg:$0x7]  }
0x6c: {  	[hbm:s6], [sflag:s9] =	dma.local [spmem:s12], $0x2800  }
0x6d: {  	_ =	swait.ge [sflag:s14], $0x2800  }
0x6e: {  	s10 =	sadd.s32 $0x1, s10;
	s6 =	rddreg [dreg:$0x8]  }
0x6f: {  	p1 =	sne.s32 s10, s6  }
.Ltmp1:
0x70: {  	_ = 	snop;
	(pc) =	sbr.rel @!p1 .LBB2_9-.Ltmp1, $3  }
0x71: {  	_ =	sdelay $0x1  }
0x72: {  	[sflag:s14] =	ssyncset.done $0x0  }
0x73: {  	[sflag:s14] =	ssyncadd.s32 $0xFFFFD800  }
.LBB2_1:
0x74: {  	s6 =	rddreg [dreg:$0x5]  }
0x75: {  	[spmem:s12], [sflag:s9] =	dma.local [hbm:s6], $0x2800  }
.Ltmp2:
0x76: {  	_ =	swait.ge [sflag:s14], $0x2800;
	(pc) =	sbr.rel @!p0 .LBB2_2-.Ltmp2, $3  }
0x77: {  	[sflag:s14] =	ssyncset.done $0x0  }
0x78: {  	[sflag:s14] =	ssyncadd.s32 $0xFFFFD800  }
0x79: {  	[bflag:$0x0] =	sbarrier.arrive $0xFFFF;
	_ =	sdelay $0x1  }
0x7a: {  	[dreg:$0xb] =	wrdreg s10;
	s6 =	sadd.s32 $0x0, s21  }
0x7b: {  	[tilespmem:s4], [sflag:$0x3] =	stream.linear.gather [hbm4b:s6+s4], $0x400, $0x38;
	[tilespmem:$0x1C800] =	vst v63  }
0x7c: {  	_ =	swait.ge [sflag:s14], $0x400  }
0x7d: {  	[sflag:s14] =	ssyncset.done $0x0;
	s12 =	rddreg [dreg:$0x9]  }
0x7e: {  	[sflag:s14] =	ssyncadd.s32 $0xFFFFFC00;
	s13 =	sadd.s32 $0x0, s12  }
0x7f: {  	[tilespmem:s15], [sflag:$0x3] =	stream.linear.gather [hbm4b:s13+s4], $0x400, $0x38;
	[tilespmem:$0x1C800] =	vst v63  }
0x80: {  	_ =	swait.ge [sflag:s14], $0x400  }
0x81: {  	[sflag:s14] =	ssyncset.done $0x0  }
0x82: {  	[sflag:s14] =	ssyncadd.s32 $0xFFFFFC00  }
0x83: {  	[tilespmem:s17], [sflag:$0x1] =	stream.indirect.gather [hbm4b:s2+s16], $0x80, s4, s16, $0xb8;
	[tilespmem:$0x1C800] =	vst v63  }
0x84: {  	_ =	swait.ge [sflag:s18], $0x4000  }
0x85: {  	[sflag:s18] =	ssyncset.done $0x0  }
0x86: {  	[sflag:s18] =	ssyncadd.s32 $0xFFFFC000  }
0x87: {  	[tilespmem:s19], [sflag:$0x2] =	stream.indirect.gather [hbm4b:s2+s16], $0x80, s16, s16, $0xb8;
	[tilespmem:$0x1C800] =	vst v63  }
0x88: {  	_ = 	snop  }
0x89: {  	[spmem:s3] =	stream.indirect.scatter.add.f32 [tilespmem:s17], [sflag:$0x3], $0x80, s15, s16, $0xb8;
	[tilespmem:$0x1C800] =	vst v63  }
0x8a: {  	_ =	swait.ge [sflag:s14], $0x4000  }
0x8b: {  	[sflag:s14] =	ssyncset.done $0x0  }
0x8c: {  	[sflag:s14] =	ssyncadd.s32 $0xFFFFC000  }
0x8d: {  	_ =	swait.ge [sflag:s20], $0x4000  }
0x8e: {  	[sflag:s20] =	ssyncset.done $0x0  }
0x8f: {  	[sflag:s20] =	ssyncadd.s32 $0xFFFFC000  }
0x90: {  	[tilespmem:s17], [sflag:$0x1] =	stream.indirect.gather [hbm4b:s2+s16], $0x80, s8, s16, $0xb8;
	[tilespmem:$0x1C800] =	vst v63  }
0x91: {  	_ = 	snop  }
0x92: {  	[spmem:s3] =	stream.indirect.scatter.add.f32 [tilespmem:s19], [sflag:$0x3], $0x80, s22, s16, $0xb8;
	[tilespmem:$0x1C800] =	vst v63  }
0x93: {  	_ =	swait.ge [sflag:s14], $0x4000  }
0x94: {  	[sflag:s14] =	ssyncset.done $0x0  }
0x95: {  	[sflag:s14] =	ssyncadd.s32 $0xFFFFC000  }
0x96: {  	_ =	swait.ge [sflag:s18], $0x4000  }
0x97: {  	[sflag:s18] =	ssyncset.done $0x0  }
0x98: {  	[sflag:s18] =	ssyncadd.s32 $0xFFFFC000  }
0x99: {  	[tilespmem:s19], [sflag:$0x2] =	stream.indirect.gather [hbm4b:s2+s16], $0x80, s23, s16, $0xb8;
	[tilespmem:$0x1C800] =	vst v63  }
0x9a: {  	_ = 	snop  }
0x9b: {  	[spmem:s3] =	stream.indirect.scatter.add.f32 [tilespmem:s17], [sflag:$0x3], $0x80, s24, s16, $0xb8;
	[tilespmem:$0x1C800] =	vst v63  }
0x9c: {  	_ =	swait.ge [sflag:s14], $0x4000  }
0x9d: {  	[sflag:s14] =	ssyncset.done $0x0  }
0x9e: {  	[sflag:s14] =	ssyncadd.s32 $0xFFFFC000  }
0x9f: {  	_ =	swait.ge [sflag:s20], $0x4000  }
0xa0: {  	[sflag:s20] =	ssyncset.done $0x0  }
0xa1: {  	[sflag:s20] =	ssyncadd.s32 $0xFFFFC000  }
0xa2: {  	[tilespmem:s17], [sflag:$0x1] =	stream.indirect.gather [hbm4b:s2+s16], $0x80, s25, s16, $0xb8;
	[tilespmem:$0x1C800] =	vst v63  }
0xa3: {  	_ = 	snop  }
0xa4: {  	[spmem:s3] =	stream.indirect.scatter.add.f32 [tilespmem:s19], [sflag:$0x3], $0x80, s26, s16, $0xb8;
	[tilespmem:$0x1C800] =	vst v63  }
0xa5: {  	_ =	swait.ge [sflag:s14], $0x4000  }
0xa6: {  	[sflag:s14] =	ssyncset.done $0x0  }
0xa7: {  	[sflag:s14] =	ssyncadd.s32 $0xFFFFC000  }
0xa8: {  	_ =	swait.ge [sflag:s18], $0x4000  }
0xa9: {  	[sflag:s18] =	ssyncset.done $0x0  }
0xaa: {  	[sflag:s18] =	ssyncadd.s32 $0xFFFFC000  }
0xab: {  	[tilespmem:s19], [sflag:$0x2] =	stream.indirect.gather [hbm4b:s2+s16], $0x80, s28, s16, $0xb8;
	[tilespmem:$0x1C800] =	vst v63  }
0xac: {  	_ = 	snop  }
0xad: {  	[spmem:s3] =	stream.indirect.scatter.add.f32 [tilespmem:s17], [sflag:$0x3], $0x80, s29, s16, $0xb8;
	[tilespmem:$0x1C800] =	vst v63  }
0xae: {  	_ =	swait.ge [sflag:s14], $0x4000  }
0xaf: {  	[sflag:s14] =	ssyncset.done $0x0  }
0xb0: {  	[sflag:s14] =	ssyncadd.s32 $0xFFFFC000  }
0xb1: {  	_ =	swait.ge [sflag:s20], $0x4000  }
0xb2: {  	[sflag:s20] =	ssyncset.done $0x0  }
0xb3: {  	[sflag:s20] =	ssyncadd.s32 $0xFFFFC000  }
0xb4: {  	[tilespmem:s17], [sflag:$0x1] =	stream.indirect.gather [hbm4b:s2+s16], $0x80, s30, s16, $0xb8;
	[tilespmem:$0x1C800] =	vst v63  }
0xb5: {  	_ = 	snop  }
0xb6: {  	[spmem:s3] =	stream.indirect.scatter.add.f32 [tilespmem:s19], [sflag:$0x3], $0x80, s31, s16, $0xb8;
	[tilespmem:$0x1C800] =	vst v63  }
0xb7: {  	_ =	swait.ge [sflag:s14], $0x4000  }
0xb8: {  	[sflag:s14] =	ssyncset.done $0x0  }
0xb9: {  	[sflag:s14] =	ssyncadd.s32 $0xFFFFC000  }
0xba: {  	_ =	swait.ge [sflag:s18], $0x4000  }
0xbb: {  	[sflag:s18] =	ssyncset.done $0x0  }
0xbc: {  	[sflag:s18] =	ssyncadd.s32 $0xFFFFC000  }
0xbd: {  	[tilespmem:s19], [sflag:$0x2] =	stream.indirect.gather [hbm4b:s2+s16], $0x80, s0, s16, $0xb8;
	[tilespmem:$0x1C800] =	vst v63  }
0xbe: {  	_ = 	snop  }
0xbf: {  	[spmem:s3] =	stream.indirect.scatter.add.f32 [tilespmem:s17], [sflag:$0x3], $0x80, s1, s16, $0xb8;
	[tilespmem:$0x1C800] =	vst v63  }
0xc0: {  	s10 =	simm.s32 $0x780;
	_ =	swait.ge [sflag:s14], $0x4000  }
0xc1: {  	s13 =	simm.s32 $0x100;
	s8 =	simm.s32 $0x80;
	[sflag:s14] =	ssyncset.done $0x0  }
0xc2: {  	s22 =	simm.s32 $0x100;
	s23 =	simm.s32 $0x480;
	[sflag:s14] =	ssyncadd.s32 $0xFFFFC000  }
0xc3: {  	s24 =	simm.s32 $0x180;
	s25 =	simm.s32 $0x500;
	_ =	swait.ge [sflag:s20], $0x4000  }
0xc4: {  	s26 =	simm.s32 $0x200;
	s28 =	simm.s32 $0x580;
	[sflag:s20] =	ssyncset.done $0x0  }
0xc5: {  	s29 =	simm.s32 $0x280;
	s30 =	simm.s32 $0x600;
	[sflag:s20] =	ssyncadd.s32 $0xFFFFC000  }
0xc6: {  	[spmem:s3] =	stream.indirect.scatter.add.f32 [tilespmem:s19], [sflag:$0x3], $0x80, s5, s16, $0xb8;
	[tilespmem:$0x1C800] =	vst v63  }
0xc7: {  	s31 =	simm.s32 $0x300;
	s0 =	simm.s32 $0x680;
	_ =	swait.ge [sflag:s14], $0x4000  }
0xc8: {  	s1 =	simm.s32 $0x380;
	s5 =	simm.s32 $0x700;
	[sflag:s14] =	ssyncset.done $0x0  }
.LBB2_6:
0xc9: {  	s7 =	sadd.s32 s8, s21  }
0xca: {  	[sflag:s14] =	ssyncadd.s32 $0xFFFFC000;
	s9 =	smov.u32 s13;
	s6 =	sadd.s32 $0x80, s13  }
0xcb: {  	[tilespmem:s4], [sflag:$0x3] =	stream.linear.gather [hbm4b:s7+s4], $0x400, $0x38;
	[tilespmem:$0x1C800] =	vst v63  }
0xcc: {  	p1 =	sne.s32 s13, $0x300;
	_ =	swait.ge [sflag:s14], $0x400  }
0xcd: {  	[sflag:s14] =	ssyncset.done $0x0  }
0xce: {  	s7 =	sadd.s32 s8, s12;
	s8 =	smov.u32 s9;
	[sflag:s14] =	ssyncadd.s32 $0xFFFFFC00  }
0xcf: {  	[tilespmem:s15], [sflag:$0x3] =	stream.linear.gather [hbm4b:s7+s4], $0x400, $0x38;
	[tilespmem:$0x1C800] =	vst v63  }
0xd0: {  	_ =	swait.ge [sflag:s14], $0x400  }
0xd1: {  	[sflag:s14] =	ssyncset.done $0x0  }
0xd2: {  	[sflag:s14] =	ssyncadd.s32 $0xFFFFFC00  }
0xd3: {  	[tilespmem:s17], [sflag:$0x1] =	stream.indirect.gather [hbm4b:s2+s16], $0x80, s4, s16, $0xb8;
	[tilespmem:$0x1C800] =	vst v63  }
0xd4: {  	_ =	swait.ge [sflag:s18], $0x4000  }
0xd5: {  	[sflag:s18] =	ssyncset.done $0x0  }
0xd6: {  	[sflag:s18] =	ssyncadd.s32 $0xFFFFC000  }
0xd7: {  	[tilespmem:s19], [sflag:$0x2] =	stream.indirect.gather [hbm4b:s2+s16], $0x80, s16, s16, $0xb8;
	[tilespmem:$0x1C800] =	vst v63  }
0xd8: {  	_ = 	snop  }
0xd9: {  	[spmem:s3] =	stream.indirect.scatter.add.f32 [tilespmem:s17], [sflag:$0x3], $0x80, s15, s16, $0xb8;
	[tilespmem:$0x1C800] =	vst v63  }
0xda: {  	_ =	swait.ge [sflag:s14], $0x4000  }
0xdb: {  	[sflag:s14] =	ssyncset.done $0x0  }
0xdc: {  	[sflag:s14] =	ssyncadd.s32 $0xFFFFC000  }
0xdd: {  	_ =	swait.ge [sflag:s20], $0x4000  }
0xde: {  	[sflag:s20] =	ssyncset.done $0x0  }
0xdf: {  	[sflag:s20] =	ssyncadd.s32 $0xFFFFC000  }
0xe0: {  	[tilespmem:s17], [sflag:$0x1] =	stream.indirect.gather [hbm4b:s2+s16], $0x80, s22, s16, $0xb8;
	[tilespmem:$0x1C800] =	vst v63  }
0xe1: {  	_ = 	snop  }
0xe2: {  	[spmem:s3] =	stream.indirect.scatter.add.f32 [tilespmem:s19], [sflag:$0x3], $0x80, s23, s16, $0xb8;
	[tilespmem:$0x1C800] =	vst v63  }
0xe3: {  	_ =	swait.ge [sflag:s14], $0x4000  }
0xe4: {  	[sflag:s14] =	ssyncset.done $0x0  }
0xe5: {  	[sflag:s14] =	ssyncadd.s32 $0xFFFFC000  }
0xe6: {  	_ =	swait.ge [sflag:s18], $0x4000  }
0xe7: {  	[sflag:s18] =	ssyncset.done $0x0  }
0xe8: {  	[sflag:s18] =	ssyncadd.s32 $0xFFFFC000  }
0xe9: {  	[tilespmem:s19], [sflag:$0x2] =	stream.indirect.gather [hbm4b:s2+s16], $0x80, s24, s16, $0xb8;
	[tilespmem:$0x1C800] =	vst v63  }
0xea: {  	_ = 	snop  }
0xeb: {  	[spmem:s3] =	stream.indirect.scatter.add.f32 [tilespmem:s17], [sflag:$0x3], $0x80, s25, s16, $0xb8;
	[tilespmem:$0x1C800] =	vst v63  }
0xec: {  	_ =	swait.ge [sflag:s14], $0x4000  }
0xed: {  	[sflag:s14] =	ssyncset.done $0x0  }
0xee: {  	[sflag:s14] =	ssyncadd.s32 $0xFFFFC000  }
0xef: {  	_ =	swait.ge [sflag:s20], $0x4000  }
0xf0: {  	[sflag:s20] =	ssyncset.done $0x0  }
0xf1: {  	[sflag:s20] =	ssyncadd.s32 $0xFFFFC000  }
0xf2: {  	[tilespmem:s17], [sflag:$0x1] =	stream.indirect.gather [hbm4b:s2+s16], $0x80, s26, s16, $0xb8;
	[tilespmem:$0x1C800] =	vst v63  }
0xf3: {  	_ = 	snop  }
0xf4: {  	[spmem:s3] =	stream.indirect.scatter.add.f32 [tilespmem:s19], [sflag:$0x3], $0x80, s28, s16, $0xb8;
	[tilespmem:$0x1C800] =	vst v63  }
0xf5: {  	_ =	swait.ge [sflag:s14], $0x4000  }
0xf6: {  	[sflag:s14] =	ssyncset.done $0x0  }
0xf7: {  	[sflag:s14] =	ssyncadd.s32 $0xFFFFC000  }
0xf8: {  	_ =	swait.ge [sflag:s18], $0x4000  }
0xf9: {  	[sflag:s18] =	ssyncset.done $0x0  }
0xfa: {  	[sflag:s18] =	ssyncadd.s32 $0xFFFFC000  }
0xfb: {  	[tilespmem:s19], [sflag:$0x2] =	stream.indirect.gather [hbm4b:s2+s16], $0x80, s29, s16, $0xb8;
	[tilespmem:$0x1C800] =	vst v63  }
0xfc: {  	_ = 	snop  }
0xfd: {  	[spmem:s3] =	stream.indirect.scatter.add.f32 [tilespmem:s17], [sflag:$0x3], $0x80, s30, s16, $0xb8;
	[tilespmem:$0x1C800] =	vst v63  }
0xfe: {  	_ =	swait.ge [sflag:s14], $0x4000  }
0xff: {  	[sflag:s14] =	ssyncset.done $0x0  }
0x100: {  	[sflag:s14] =	ssyncadd.s32 $0xFFFFC000  }
0x101: {  	_ =	swait.ge [sflag:s20], $0x4000  }
0x102: {  	[sflag:s20] =	ssyncset.done $0x0  }
0x103: {  	[sflag:s20] =	ssyncadd.s32 $0xFFFFC000  }
0x104: {  	[tilespmem:s17], [sflag:$0x1] =	stream.indirect.gather [hbm4b:s2+s16], $0x80, s31, s16, $0xb8;
	[tilespmem:$0x1C800] =	vst v63  }
0x105: {  	_ = 	snop  }
0x106: {  	[spmem:s3] =	stream.indirect.scatter.add.f32 [tilespmem:s19], [sflag:$0x3], $0x80, s0, s16, $0xb8;
	[tilespmem:$0x1C800] =	vst v63  }
0x107: {  	_ =	swait.ge [sflag:s14], $0x4000  }
0x108: {  	[sflag:s14] =	ssyncset.done $0x0  }
0x109: {  	[sflag:s14] =	ssyncadd.s32 $0xFFFFC000  }
0x10a: {  	_ =	swait.ge [sflag:s18], $0x4000  }
0x10b: {  	[sflag:s18] =	ssyncset.done $0x0  }
0x10c: {  	[sflag:s18] =	ssyncadd.s32 $0xFFFFC000  }
0x10d: {  	[tilespmem:s19], [sflag:$0x2] =	stream.indirect.gather [hbm4b:s2+s16], $0x80, s1, s16, $0xb8;
	[tilespmem:$0x1C800] =	vst v63  }
0x10e: {  	_ = 	snop  }
0x10f: {  	[spmem:s3] =	stream.indirect.scatter.add.f32 [tilespmem:s17], [sflag:$0x3], $0x80, s5, s16, $0xb8;
	[tilespmem:$0x1C800] =	vst v63  }
0x110: {  	_ =	swait.ge [sflag:s14], $0x4000  }
0x111: {  	[sflag:s14] =	ssyncset.done $0x0  }
0x112: {  	[sflag:s14] =	ssyncadd.s32 $0xFFFFC000  }
0x113: {  	_ =	swait.ge [sflag:s20], $0x4000  }
.Ltmp3:
0x114: {  	[sflag:s20] =	ssyncset.done $0x0;
	(pc) =	sbr.rel @p1 .LBB2_6-.Ltmp3, $4  }
0x115: {  	[sflag:s20] =	ssyncadd.s32 $0xFFFFC000  }
0x116: {  	[spmem:s3] =	stream.indirect.scatter.add.f32 [tilespmem:s19], [sflag:$0x3], $0x80, s10, s16, $0xb8;
	[tilespmem:$0x1C800] =	vst v63  }
0x117: {  	_ =	swait.ge [sflag:s14], $0x4000  }
0x118: {  	s13 =	smov.u32 s6;
	[sflag:s14] =	ssyncset.done $0x0  }
.Ltmp4:
0x119: {  	_ = 	snop;
	(pc) =	sbr.rel .LBB2_7-.Ltmp4, $1  }
0x11a: {  	_ =	sdelay $0x3  }
.LBB2_2:
0x11b: {  	s6 =	sadd.s32 $0x0, s13  }
0x11c: {  	[tilespmem:s4], [sflag:$0x3] =	stream.linear.gather [hbm4b:s6+s4], $0x400, $0x38;
	[tilespmem:$0x1C800] =	vst v63  }
0x11d: {  	_ =	swait.ge [sflag:s14], $0x400  }
0x11e: {  	[sflag:s14] =	ssyncset.done $0x0  }
0x11f: {  	s12 =	sadd.s32 $0x0, s7;
	[sflag:s14] =	ssyncadd.s32 $0xFFFFFC00  }
0x120: {  	[tilespmem:s15], [sflag:$0x3] =	stream.linear.gather [hbm4b:s12+s4], $0x400, $0x38;
	[tilespmem:$0x1C800] =	vst v63  }
0x121: {  	_ =	swait.ge [sflag:s14], $0x400  }
0x122: {  	[sflag:s14] =	ssyncset.done $0x0  }
0x123: {  	[sflag:s14] =	ssyncadd.s32 $0xFFFFFC00  }
0x124: {  	[tilespmem:s17], [sflag:$0x1] =	stream.indirect.gather [hbm4b:s2+s16], $0x80, s4, s16, $0xb8;
	[tilespmem:$0x1C800] =	vst v63  }
0x125: {  	_ =	swait.ge [sflag:s18], $0x4000  }
0x126: {  	[sflag:s18] =	ssyncset.done $0x0  }
0x127: {  	[sflag:s18] =	ssyncadd.s32 $0xFFFFC000  }
0x128: {  	[tilespmem:s19], [sflag:$0x2] =	stream.indirect.gather [hbm4b:s2+s16], $0x80, s16, s16, $0xb8;
	[tilespmem:$0x1C800] =	vst v63  }
0x129: {  	_ = 	snop  }
0x12a: {  	[spmem:s3] =	stream.indirect.scatter.add.f32 [tilespmem:s17], [sflag:$0x3], $0x80, s15, s16, $0xb8;
	[tilespmem:$0x1C800] =	vst v63  }
0x12b: {  	_ =	swait.ge [sflag:s14], $0x4000  }
0x12c: {  	[sflag:s14] =	ssyncset.done $0x0  }
0x12d: {  	[sflag:s14] =	ssyncadd.s32 $0xFFFFC000  }
0x12e: {  	_ =	swait.ge [sflag:s20], $0x4000  }
0x12f: {  	[sflag:s20] =	ssyncset.done $0x0  }
0x130: {  	[sflag:s20] =	ssyncadd.s32 $0xFFFFC000  }
0x131: {  	[tilespmem:s17], [sflag:$0x1] =	stream.indirect.gather [hbm4b:s2+s16], $0x80, s8, s16, $0xb8;
	[tilespmem:$0x1C800] =	vst v63  }
0x132: {  	_ = 	snop  }
0x133: {  	[spmem:s3] =	stream.indirect.scatter.add.f32 [tilespmem:s19], [sflag:$0x3], $0x80, s22, s16, $0xb8;
	[tilespmem:$0x1C800] =	vst v63  }
0x134: {  	_ =	swait.ge [sflag:s14], $0x4000  }
0x135: {  	[sflag:s14] =	ssyncset.done $0x0  }
0x136: {  	[sflag:s14] =	ssyncadd.s32 $0xFFFFC000  }
0x137: {  	_ =	swait.ge [sflag:s18], $0x4000  }
0x138: {  	[sflag:s18] =	ssyncset.done $0x0  }
0x139: {  	[sflag:s18] =	ssyncadd.s32 $0xFFFFC000  }
0x13a: {  	[tilespmem:s19], [sflag:$0x2] =	stream.indirect.gather [hbm4b:s2+s16], $0x80, s23, s16, $0xb8;
	[tilespmem:$0x1C800] =	vst v63  }
0x13b: {  	_ = 	snop  }
0x13c: {  	[spmem:s3] =	stream.indirect.scatter.add.f32 [tilespmem:s17], [sflag:$0x3], $0x80, s24, s16, $0xb8;
	[tilespmem:$0x1C800] =	vst v63  }
0x13d: {  	_ =	swait.ge [sflag:s14], $0x4000  }
0x13e: {  	[sflag:s14] =	ssyncset.done $0x0  }
0x13f: {  	[sflag:s14] =	ssyncadd.s32 $0xFFFFC000  }
0x140: {  	_ =	swait.ge [sflag:s20], $0x4000  }
0x141: {  	[sflag:s20] =	ssyncset.done $0x0  }
0x142: {  	[sflag:s20] =	ssyncadd.s32 $0xFFFFC000  }
0x143: {  	[tilespmem:s17], [sflag:$0x1] =	stream.indirect.gather [hbm4b:s2+s16], $0x80, s25, s16, $0xb8;
	[tilespmem:$0x1C800] =	vst v63  }
0x144: {  	_ = 	snop  }
0x145: {  	[spmem:s3] =	stream.indirect.scatter.add.f32 [tilespmem:s19], [sflag:$0x3], $0x80, s26, s16, $0xb8;
	[tilespmem:$0x1C800] =	vst v63  }
0x146: {  	_ =	swait.ge [sflag:s14], $0x4000  }
0x147: {  	[sflag:s14] =	ssyncset.done $0x0  }
0x148: {  	[sflag:s14] =	ssyncadd.s32 $0xFFFFC000  }
0x149: {  	_ =	swait.ge [sflag:s18], $0x4000  }
0x14a: {  	[sflag:s18] =	ssyncset.done $0x0  }
0x14b: {  	[sflag:s18] =	ssyncadd.s32 $0xFFFFC000  }
0x14c: {  	[tilespmem:s19], [sflag:$0x2] =	stream.indirect.gather [hbm4b:s2+s16], $0x80, s28, s16, $0xb8;
	[tilespmem:$0x1C800] =	vst v63  }
0x14d: {  	_ = 	snop  }
0x14e: {  	[spmem:s3] =	stream.indirect.scatter.add.f32 [tilespmem:s17], [sflag:$0x3], $0x80, s29, s16, $0xb8;
	[tilespmem:$0x1C800] =	vst v63  }
0x14f: {  	_ =	swait.ge [sflag:s14], $0x4000  }
0x150: {  	[sflag:s14] =	ssyncset.done $0x0  }
0x151: {  	[sflag:s14] =	ssyncadd.s32 $0xFFFFC000  }
0x152: {  	_ =	swait.ge [sflag:s20], $0x4000  }
0x153: {  	[sflag:s20] =	ssyncset.done $0x0  }
0x154: {  	[sflag:s20] =	ssyncadd.s32 $0xFFFFC000  }
0x155: {  	[tilespmem:s17], [sflag:$0x1] =	stream.indirect.gather [hbm4b:s2+s16], $0x80, s30, s16, $0xb8;
	[tilespmem:$0x1C800] =	vst v63  }
0x156: {  	_ = 	snop  }
0x157: {  	[spmem:s3] =	stream.indirect.scatter.add.f32 [tilespmem:s19], [sflag:$0x3], $0x80, s31, s16, $0xb8;
	[tilespmem:$0x1C800] =	vst v63  }
0x158: {  	_ =	swait.ge [sflag:s14], $0x4000  }
0x159: {  	[sflag:s14] =	ssyncset.done $0x0  }
0x15a: {  	[sflag:s14] =	ssyncadd.s32 $0xFFFFC000  }
0x15b: {  	_ =	swait.ge [sflag:s18], $0x4000  }
0x15c: {  	[sflag:s18] =	ssyncset.done $0x0  }
0x15d: {  	[sflag:s18] =	ssyncadd.s32 $0xFFFFC000  }
0x15e: {  	[tilespmem:s19], [sflag:$0x2] =	stream.indirect.gather [hbm4b:s2+s16], $0x80, s0, s16, $0xb8;
	[tilespmem:$0x1C800] =	vst v63  }
0x15f: {  	_ = 	snop  }
0x160: {  	[spmem:s3] =	stream.indirect.scatter.add.f32 [tilespmem:s17], [sflag:$0x3], $0x80, s1, s16, $0xb8;
	[tilespmem:$0x1C800] =	vst v63  }
0x161: {  	_ =	swait.ge [sflag:s14], $0x4000  }
0x162: {  	[sflag:s14] =	ssyncset.done $0x0  }
0x163: {  	[sflag:s14] =	ssyncadd.s32 $0xFFFFC000  }
0x164: {  	_ =	swait.ge [sflag:s20], $0x4000  }
0x165: {  	[sflag:s20] =	ssyncset.done $0x0  }
0x166: {  	[sflag:s20] =	ssyncadd.s32 $0xFFFFC000  }
0x167: {  	[spmem:s3] =	stream.indirect.scatter.add.f32 [tilespmem:s19], [sflag:$0x3], $0x80, s5, s16, $0xb8;
	[tilespmem:$0x1C800] =	vst v63  }
0x168: {  	s6 =	simm.s32 $0x100;
	_ =	swait.ge [sflag:s14], $0x4000  }
0x169: {  	s12 =	simm.s32 $0x100;
	s8 =	simm.s32 $0x80;
	[sflag:s14] =	ssyncset.done $0x0  }
.LBB2_3:
0x16a: {  	s7 =	sadd.s32 s8, s13;
	[sflag:s14] =	ssyncadd.s32 $0xFFFFC000  }
0x16b: {  	[tilespmem:s4], [sflag:$0x3] =	stream.linear.gather [hbm4b:s7+s4], $0x400, $0x38;
	[tilespmem:$0x1C800] =	vst v63  }
0x16c: {  	s7 =	rddreg [dreg:$0x4];
	_ =	swait.ge [sflag:s14], $0x400  }
0x16d: {  	s9 =	smov.u32 s6;
	s13 =	sadd.s32 $0x80, s6;
	[sflag:s14] =	ssyncset.done $0x0  }
0x16e: {  	p1 =	seq.s32 s6, $0x600;
	s6 =	sadd.s32 s8, s7;
	[sflag:s14] =	ssyncadd.s32 $0xFFFFFC00  }
0x16f: {  	[tilespmem:s15], [sflag:$0x3] =	stream.linear.gather [hbm4b:s6+s4], $0x400, $0x38;
	[tilespmem:$0x1C800] =	vst v63  }
0x170: {  	_ =	swait.ge [sflag:s14], $0x400  }
0x171: {  	[sflag:s14] =	ssyncset.done $0x0  }
0x172: {  	[sflag:s14] =	ssyncadd.s32 $0xFFFFFC00  }
0x173: {  	[tilespmem:s17], [sflag:$0x1] =	stream.indirect.gather [hbm4b:s2+s16], $0x80, s4, s16, $0xb8;
	[tilespmem:$0x1C800] =	vst v63  }
0x174: {  	_ =	swait.ge [sflag:s18], $0x4000  }
0x175: {  	[sflag:s18] =	ssyncset.done $0x0  }
0x176: {  	[sflag:s18] =	ssyncadd.s32 $0xFFFFC000  }
0x177: {  	[tilespmem:s19], [sflag:$0x2] =	stream.indirect.gather [hbm4b:s2+s16], $0x80, s16, s16, $0xb8;
	[tilespmem:$0x1C800] =	vst v63  }
0x178: {  	_ = 	snop  }
0x179: {  	[spmem:s3] =	stream.indirect.scatter.add.f32 [tilespmem:s17], [sflag:$0x3], $0x80, s15, s16, $0xb8;
	[tilespmem:$0x1C800] =	vst v63  }
0x17a: {  	_ =	swait.ge [sflag:s14], $0x4000  }
0x17b: {  	[sflag:s14] =	ssyncset.done $0x0  }
0x17c: {  	[sflag:s14] =	ssyncadd.s32 $0xFFFFC000  }
0x17d: {  	_ =	swait.ge [sflag:s20], $0x4000  }
0x17e: {  	[sflag:s20] =	ssyncset.done $0x0  }
0x17f: {  	[sflag:s20] =	ssyncadd.s32 $0xFFFFC000  }
0x180: {  	[tilespmem:s17], [sflag:$0x1] =	stream.indirect.gather [hbm4b:s2+s16], $0x80, s12, s16, $0xb8;
	[tilespmem:$0x1C800] =	vst v63  }
0x181: {  	_ = 	snop  }
0x182: {  	[spmem:s3] =	stream.indirect.scatter.add.f32 [tilespmem:s19], [sflag:$0x3], $0x80, s22, s16, $0xb8;
	[tilespmem:$0x1C800] =	vst v63  }
0x183: {  	_ =	swait.ge [sflag:s14], $0x4000  }
0x184: {  	[sflag:s14] =	ssyncset.done $0x0  }
0x185: {  	[sflag:s14] =	ssyncadd.s32 $0xFFFFC000  }
0x186: {  	_ =	swait.ge [sflag:s18], $0x4000  }
0x187: {  	[sflag:s18] =	ssyncset.done $0x0  }
0x188: {  	[sflag:s18] =	ssyncadd.s32 $0xFFFFC000  }
0x189: {  	[tilespmem:s19], [sflag:$0x2] =	stream.indirect.gather [hbm4b:s2+s16], $0x80, s23, s16, $0xb8;
	[tilespmem:$0x1C800] =	vst v63  }
0x18a: {  	_ = 	snop  }
0x18b: {  	[spmem:s3] =	stream.indirect.scatter.add.f32 [tilespmem:s17], [sflag:$0x3], $0x80, s24, s16, $0xb8;
	[tilespmem:$0x1C800] =	vst v63  }
0x18c: {  	_ =	swait.ge [sflag:s14], $0x4000  }
0x18d: {  	[sflag:s14] =	ssyncset.done $0x0  }
0x18e: {  	[sflag:s14] =	ssyncadd.s32 $0xFFFFC000  }
0x18f: {  	_ =	swait.ge [sflag:s20], $0x4000  }
0x190: {  	[sflag:s20] =	ssyncset.done $0x0  }
0x191: {  	[sflag:s20] =	ssyncadd.s32 $0xFFFFC000  }
0x192: {  	[tilespmem:s17], [sflag:$0x1] =	stream.indirect.gather [hbm4b:s2+s16], $0x80, s25, s16, $0xb8;
	[tilespmem:$0x1C800] =	vst v63  }
0x193: {  	_ = 	snop  }
0x194: {  	[spmem:s3] =	stream.indirect.scatter.add.f32 [tilespmem:s19], [sflag:$0x3], $0x80, s26, s16, $0xb8;
	[tilespmem:$0x1C800] =	vst v63  }
0x195: {  	_ =	swait.ge [sflag:s14], $0x4000  }
0x196: {  	[sflag:s14] =	ssyncset.done $0x0  }
0x197: {  	[sflag:s14] =	ssyncadd.s32 $0xFFFFC000  }
0x198: {  	_ =	swait.ge [sflag:s18], $0x4000  }
0x199: {  	[sflag:s18] =	ssyncset.done $0x0  }
0x19a: {  	[sflag:s18] =	ssyncadd.s32 $0xFFFFC000  }
0x19b: {  	[tilespmem:s19], [sflag:$0x2] =	stream.indirect.gather [hbm4b:s2+s16], $0x80, s28, s16, $0xb8;
	[tilespmem:$0x1C800] =	vst v63  }
0x19c: {  	_ = 	snop  }
0x19d: {  	[spmem:s3] =	stream.indirect.scatter.add.f32 [tilespmem:s17], [sflag:$0x3], $0x80, s29, s16, $0xb8;
	[tilespmem:$0x1C800] =	vst v63  }
0x19e: {  	_ =	swait.ge [sflag:s14], $0x4000  }
0x19f: {  	[sflag:s14] =	ssyncset.done $0x0  }
0x1a0: {  	[sflag:s14] =	ssyncadd.s32 $0xFFFFC000  }
0x1a1: {  	_ =	swait.ge [sflag:s20], $0x4000  }
0x1a2: {  	[sflag:s20] =	ssyncset.done $0x0  }
0x1a3: {  	[sflag:s20] =	ssyncadd.s32 $0xFFFFC000  }
0x1a4: {  	[tilespmem:s17], [sflag:$0x1] =	stream.indirect.gather [hbm4b:s2+s16], $0x80, s30, s16, $0xb8;
	[tilespmem:$0x1C800] =	vst v63  }
0x1a5: {  	_ = 	snop  }
0x1a6: {  	[spmem:s3] =	stream.indirect.scatter.add.f32 [tilespmem:s19], [sflag:$0x3], $0x80, s31, s16, $0xb8;
	[tilespmem:$0x1C800] =	vst v63  }
0x1a7: {  	_ =	swait.ge [sflag:s14], $0x4000  }
0x1a8: {  	[sflag:s14] =	ssyncset.done $0x0  }
0x1a9: {  	[sflag:s14] =	ssyncadd.s32 $0xFFFFC000  }
0x1aa: {  	_ =	swait.ge [sflag:s18], $0x4000  }
0x1ab: {  	[sflag:s18] =	ssyncset.done $0x0  }
0x1ac: {  	[sflag:s18] =	ssyncadd.s32 $0xFFFFC000  }
0x1ad: {  	[tilespmem:s19], [sflag:$0x2] =	stream.indirect.gather [hbm4b:s2+s16], $0x80, s0, s16, $0xb8;
	[tilespmem:$0x1C800] =	vst v63  }
0x1ae: {  	_ = 	snop  }
0x1af: {  	[spmem:s3] =	stream.indirect.scatter.add.f32 [tilespmem:s17], [sflag:$0x3], $0x80, s1, s16, $0xb8;
	[tilespmem:$0x1C800] =	vst v63  }
0x1b0: {  	_ =	swait.ge [sflag:s14], $0x4000  }
0x1b1: {  	[sflag:s14] =	ssyncset.done $0x0  }
0x1b2: {  	[sflag:s14] =	ssyncadd.s32 $0xFFFFC000  }
0x1b3: {  	_ =	swait.ge [sflag:s20], $0x4000  }
.Ltmp5:
0x1b4: {  	[sflag:s20] =	ssyncset.done $0x0;
	(pc) =	sbr.rel @!p1 .LBB2_3-.Ltmp5, $4  }
0x1b5: {  	[sflag:s20] =	ssyncadd.s32 $0xFFFFC000  }
0x1b6: {  	[spmem:s3] =	stream.indirect.scatter.add.f32 [tilespmem:s19], [sflag:$0x3], $0x80, s5, s16, $0xb8;
	[tilespmem:$0x1C800] =	vst v63  }
0x1b7: {  	s8 =	smov.u32 s9;
	_ =	swait.ge [sflag:s14], $0x4000  }
0x1b8: {  	s6 =	smov.u32 s13;
	s13 =	smov.u32 s11;
	[sflag:s14] =	ssyncset.done $0x0  }
0x1b9: {  	s6 =	sadd.s32 s8, s13;
	[sflag:s14] =	ssyncadd.s32 $0xFFFFC000  }
0x1ba: {  	[tilespmem:s4], [sflag:$0x3] =	stream.linear.gather [hbm4b:s6+s4], $0x400, $0x38;
	[tilespmem:$0x1C800] =	vst v63  }
0x1bb: {  	_ =	swait.ge [sflag:s14], $0x400  }
0x1bc: {  	[sflag:s14] =	ssyncset.done $0x0  }
0x1bd: {  	s9 =	sadd.s32 s8, s7;
	[sflag:s14] =	ssyncadd.s32 $0xFFFFFC00  }
0x1be: {  	[tilespmem:s15], [sflag:$0x3] =	stream.linear.gather [hbm4b:s9+s4], $0x400, $0x38;
	[tilespmem:$0x1C800] =	vst v63  }
0x1bf: {  	_ =	swait.ge [sflag:s14], $0x400  }
0x1c0: {  	[sflag:s14] =	ssyncset.done $0x0  }
0x1c1: {  	[sflag:s14] =	ssyncadd.s32 $0xFFFFFC00  }
0x1c2: {  	[tilespmem:s17], [sflag:$0x1] =	stream.indirect.gather [hbm4b:s2+s16], $0x80, s4, s16, $0xb8;
	[tilespmem:$0x1C800] =	vst v63  }
0x1c3: {  	_ =	swait.ge [sflag:s18], $0x4000  }
0x1c4: {  	[sflag:s18] =	ssyncset.done $0x0  }
0x1c5: {  	[sflag:s18] =	ssyncadd.s32 $0xFFFFC000  }
0x1c6: {  	[tilespmem:s19], [sflag:$0x2] =	stream.indirect.gather [hbm4b:s2+s16], $0x80, s16, s16, $0xb8;
	[tilespmem:$0x1C800] =	vst v63  }
0x1c7: {  	_ = 	snop  }
0x1c8: {  	[spmem:s3] =	stream.indirect.scatter.add.f32 [tilespmem:s17], [sflag:$0x3], $0x80, s15, s16, $0xb8;
	[tilespmem:$0x1C800] =	vst v63  }
0x1c9: {  	_ =	swait.ge [sflag:s14], $0x4000  }
0x1ca: {  	[sflag:s14] =	ssyncset.done $0x0  }
0x1cb: {  	[sflag:s14] =	ssyncadd.s32 $0xFFFFC000  }
0x1cc: {  	_ =	swait.ge [sflag:s20], $0x4000  }
0x1cd: {  	[sflag:s20] =	ssyncset.done $0x0  }
0x1ce: {  	[sflag:s20] =	ssyncadd.s32 $0xFFFFC000  }
0x1cf: {  	[tilespmem:s17], [sflag:$0x1] =	stream.indirect.gather [hbm4b:s2+s16], $0x80, s12, s16, $0xb8;
	[tilespmem:$0x1C800] =	vst v63  }
0x1d0: {  	_ = 	snop  }
0x1d1: {  	[spmem:s3] =	stream.indirect.scatter.add.f32 [tilespmem:s19], [sflag:$0x3], $0x80, s22, s16, $0xb8;
	[tilespmem:$0x1C800] =	vst v63  }
0x1d2: {  	_ =	swait.ge [sflag:s14], $0x4000  }
0x1d3: {  	[sflag:s14] =	ssyncset.done $0x0  }
0x1d4: {  	[sflag:s14] =	ssyncadd.s32 $0xFFFFC000  }
0x1d5: {  	_ =	swait.ge [sflag:s18], $0x4000  }
0x1d6: {  	[sflag:s18] =	ssyncset.done $0x0  }
0x1d7: {  	[sflag:s18] =	ssyncadd.s32 $0xFFFFC000  }
0x1d8: {  	[tilespmem:s19], [sflag:$0x2] =	stream.indirect.gather [hbm4b:s2+s16], $0x80, s23, s16, $0xb8;
	[tilespmem:$0x1C800] =	vst v63  }
0x1d9: {  	_ = 	snop  }
0x1da: {  	[spmem:s3] =	stream.indirect.scatter.add.f32 [tilespmem:s17], [sflag:$0x3], $0x80, s24, s16, $0xb8;
	[tilespmem:$0x1C800] =	vst v63  }
0x1db: {  	_ =	swait.ge [sflag:s14], $0x4000  }
0x1dc: {  	[sflag:s14] =	ssyncset.done $0x0  }
0x1dd: {  	[sflag:s14] =	ssyncadd.s32 $0xFFFFC000  }
0x1de: {  	_ =	swait.ge [sflag:s20], $0x4000  }
0x1df: {  	[sflag:s20] =	ssyncset.done $0x0  }
0x1e0: {  	[sflag:s20] =	ssyncadd.s32 $0xFFFFC000  }
0x1e1: {  	[tilespmem:s17], [sflag:$0x1] =	stream.indirect.gather [hbm4b:s2+s16], $0x80, s25, s16, $0xb8;
	[tilespmem:$0x1C800] =	vst v63  }
0x1e2: {  	_ = 	snop  }
0x1e3: {  	[spmem:s3] =	stream.indirect.scatter.add.f32 [tilespmem:s19], [sflag:$0x3], $0x80, s26, s16, $0xb8;
	[tilespmem:$0x1C800] =	vst v63  }
0x1e4: {  	_ =	swait.ge [sflag:s14], $0x4000  }
0x1e5: {  	[sflag:s14] =	ssyncset.done $0x0  }
0x1e6: {  	[sflag:s14] =	ssyncadd.s32 $0xFFFFC000  }
0x1e7: {  	_ =	swait.ge [sflag:s18], $0x4000  }
0x1e8: {  	[sflag:s18] =	ssyncset.done $0x0  }
0x1e9: {  	[sflag:s18] =	ssyncadd.s32 $0xFFFFC000  }
0x1ea: {  	[tilespmem:s19], [sflag:$0x2] =	stream.indirect.gather [hbm4b:s2+s16], $0x80, s28, s16, $0xb8;
	[tilespmem:$0x1C800] =	vst v63  }
0x1eb: {  	_ = 	snop  }
0x1ec: {  	[spmem:s3] =	stream.indirect.scatter.add.f32 [tilespmem:s17], [sflag:$0x3], $0x80, s29, s16, $0xb8;
	[tilespmem:$0x1C800] =	vst v63  }
0x1ed: {  	_ =	swait.ge [sflag:s14], $0x4000  }
0x1ee: {  	[sflag:s14] =	ssyncset.done $0x0  }
0x1ef: {  	[sflag:s14] =	ssyncadd.s32 $0xFFFFC000  }
0x1f0: {  	_ =	swait.ge [sflag:s20], $0x4000  }
0x1f1: {  	[sflag:s20] =	ssyncset.done $0x0  }
0x1f2: {  	[sflag:s20] =	ssyncadd.s32 $0xFFFFC000  }
0x1f3: {  	[tilespmem:s17], [sflag:$0x1] =	stream.indirect.gather [hbm4b:s2+s16], $0x80, s30, s16, $0xb8;
	[tilespmem:$0x1C800] =	vst v63  }
0x1f4: {  	_ = 	snop  }
0x1f5: {  	[spmem:s3] =	stream.indirect.scatter.add.f32 [tilespmem:s19], [sflag:$0x3], $0x80, s31, s16, $0xb8;
	[tilespmem:$0x1C800] =	vst v63  }
0x1f6: {  	_ =	swait.ge [sflag:s14], $0x4000  }
0x1f7: {  	[sflag:s14] =	ssyncset.done $0x0  }
0x1f8: {  	[sflag:s14] =	ssyncadd.s32 $0xFFFFC000  }
0x1f9: {  	_ =	swait.ge [sflag:s18], $0x4000  }
0x1fa: {  	[sflag:s18] =	ssyncset.done $0x0  }
0x1fb: {  	[sflag:s18] =	ssyncadd.s32 $0xFFFFC000  }
0x1fc: {  	[tilespmem:s19], [sflag:$0x2] =	stream.indirect.gather [hbm4b:s2+s16], $0x80, s0, s16, $0xb8;
	[tilespmem:$0x1C800] =	vst v63  }
0x1fd: {  	_ = 	snop  }
0x1fe: {  	[spmem:s3] =	stream.indirect.scatter.add.f32 [tilespmem:s17], [sflag:$0x3], $0x80, s1, s16, $0xb8;
	[tilespmem:$0x1C800] =	vst v63  }
0x1ff: {  	_ =	swait.ge [sflag:s14], $0x4000  }
0x200: {  	[sflag:s14] =	ssyncset.done $0x0  }
0x201: {  	[sflag:s14] =	ssyncadd.s32 $0xFFFFC000  }
0x202: {  	_ =	swait.ge [sflag:s20], $0x4000  }
0x203: {  	[sflag:s20] =	ssyncset.done $0x0  }
.Ltmp6:
0x204: {  	[sflag:s20] =	ssyncadd.s32 $0xFFFFC000;
	(pc) =	sbr.rel .LBB2_8-.Ltmp6, $4  }
0x205: {  	[spmem:s3] =	stream.indirect.scatter.add.f32 [tilespmem:s19], [sflag:$0x3], $0x80, s5, s16, $0xb8;
	[tilespmem:$0x1C800] =	vst v63  }
0x206: {  	_ =	swait.ge [sflag:s14], $0x4000  }
0x207: {  	[sflag:s14] =	ssyncset.done $0x0  }
0x208: {  	s8 =	simm.s32 $0x100;
	s12 =	rddreg [dreg:$0xa];
	[sflag:s14] =	ssyncadd.s32 $0xFFFFC000  }
.LBB2_9:
0x209: {  	_ =	sfence.sel $0x180000  }
0x20a: {  	[bflag:$0x0] =	sbarrier.arrive $0xFFFF  }
0x20b: {  	_ =	strace $0x90000047  }
0x20c: {  	s0 =	stileid.u32;
	[bflag:$0x2] =	sbarrier.arrive $0xFFFF  }
0x20d: {  	p0 =	sne.s32 s0, $0x0;
	s0 =	rddreg [dreg:$0x3]  }
0x20e: {  	s0 =	sadd.s32 @!p0 $0x100000, s0  }
0x20f: {  	[sflag:s0] =	ssyncadd.tile.s32 @!p0 $0x1;
	_ =	shalt  }
.Lfunc_end2:
_tile_overlayer_lowered:
.L_overlay_start_2:
0x210: {  	(tag) =	ssettag $0x2  }
0x211: {  	s0 =	rddreg [dreg:$0x0];
	s2 =	stileid.u32  }
0x212: {  	s1 =	rddreg [dreg:$0x1];
	p0 =	sne.s32 s2, $0x0  }
0x213: {  	s3 =	rddreg [dreg:$0x2];
	[bflag:$0x3] =	sbarrier.arrive $0xFFFF;
	s2 =	simm.s32 @!p0 $0x1C03  }
0x214: {  	[timem:s3], [sflag:s2] =	dma.local @!p0 [hbm:s0], s1  }
0x215: {  	s0 =	simm.s32 @!p0 $0x3  }
0x216: {  	_ =	swait.ge @!p0 [sflag:s0], s1  }
0x217: {  	s1 =	ssub.s32 @!p0 $0x0, s1;
	[sflag:s0] =	ssyncset.done @!p0 $0x0  }
0x218: {  	[sflag:s0] =	ssyncadd.s32 @!p0 s1  }
0x219: {  	[bflag:$0x3] =	sbarrier.arrive $0xFFFF  }
0x21a: {  	_ =	shalt  }

</sc_bundles>
